<compile_context>
chip_gen: v7x
topology: tpu7x:2x2x1
jax: 0.10.2.dev20260603
libtpu: 0.0.44.dev20260713+nightly
codegen_flags: <defaults>
</compile_context>

<pallas_src>
import functools

import jax
import jax.numpy as jnp
from jax import lax
from jax.experimental import pallas as pl
from jax.experimental.pallas import tpu as pltpu
from jax.experimental.pallas import tpu_sc as plsc

_BATCH = 4096
_HIST = 200
_EMBED = 32
_OUT = 16
_NC = 2
_NS = 16
_NW = _NC * _NS
_RPW = _BATCH // _NW
_HA = 128
_HB = _HIST - _HA


def _make_pool_kernel():
    mesh = plsc.VectorSubcoreMesh(core_axis_name="c", subcore_axis_name="s")

    @functools.partial(
        pl.kernel,
        mesh=mesh,
        compiler_params=pltpu.CompilerParams(use_tc_tiling_on_sc=False,
                                             needs_layout_passes=False),
        out_type=jax.ShapeDtypeStruct((_BATCH * _EMBED,), jnp.float32),
        scratch_types=[
            pltpu.VMEM((_RPW, _HA), jnp.int32),
            pltpu.VMEM((_RPW, _HB), jnp.int32),
            pltpu.VMEM((_HA, _EMBED // 2), jnp.int32),
            pltpu.VMEM((_HA, _EMBED // 2), jnp.int32),
            pltpu.VMEM((_HB, _EMBED // 2), jnp.int32),
            pltpu.VMEM((_HB, _EMBED // 2), jnp.int32),
            pltpu.VMEM((_RPW * _EMBED,), jnp.float32),
            pltpu.SemaphoreType.DMA,
            pltpu.SemaphoreType.DMA,
            pltpu.SemaphoreType.DMA,
            pltpu.SemaphoreType.DMA,
        ],
    )
    def pool(x, table, out, idxa_v, idxb_v, bufA0, bufA1, bufB0,
             bufB1, out_v, semA0, semA1, semB0, semB1):
        wid = lax.axis_index("s") * _NC + lax.axis_index("c")

        rows = pl.ds(wid * _RPW, _RPW)
        pltpu.sync_copy(x.at[rows, pl.ds(0, _HA)], idxa_v)
        pltpu.sync_copy(x.at[rows, pl.ds(_HA, _HB)], idxb_v)

        def fire(r, bufA, bufB, semA, semB):
            pltpu.async_copy(table.at[idxa_v.at[r]], bufA, semA)
            pltpu.async_copy(table.at[idxb_v.at[r]], bufB, semB)

        def drain(bufA, bufB, semA, semB):
            pltpu.make_async_copy(table.at[idxa_v.at[0]], bufA, semA).wait()
            pltpu.make_async_copy(table.at[idxb_v.at[0]], bufB, semB).wait()

        def accum(r, bufA, bufB):
            z = jnp.zeros((2 * 16,), jnp.bfloat16)

            @plsc.parallel_loop(0, _HA, step=8, carry=(z,) * 4)
            def accA(j, c4):
                p = list(c4)
                for t in range(8):
                    v = plsc.bitcast(bufA[j + t, 0:16], jnp.bfloat16)
                    p[t % 4] = p[t % 4] + v
                return tuple(p)

            @plsc.parallel_loop(0, _HB, step=8, carry=accA)
            def accB(j, c4):
                p = list(c4)
                for t in range(8):
                    v = plsc.bitcast(bufB[j + t, 0:16], jnp.bfloat16)
                    p[t % 4] = p[t % 4] + v
                return tuple(p)

            p0, p1, p2, p3 = accB
            stot = (p0 + p1) + (p2 + p3)
            a, b2 = plsc.unpack(stot, format=plsc.PackFormat.INTERLEAVED)
            out_v[pl.ds(r * _EMBED, 16)] = a
            out_v[pl.ds(r * _EMBED + 16, 16)] = b2

        fire(0, bufA0, bufB0, semA0, semB0)

        def body(i, carry):
            r0 = 2 * i
            fire(r0 + 1, bufA1, bufB1, semA1, semB1)
            drain(bufA0, bufB0, semA0, semB0)
            accum(r0, bufA0, bufB0)

            @pl.when(i < _RPW // 2 - 1)
            def _():
                fire(r0 + 2, bufA0, bufB0, semA0, semB0)

            drain(bufA1, bufB1, semA1, semB1)
            accum(r0 + 1, bufA1, bufB1)
            return carry

        lax.fori_loop(0, _RPW // 2, body, 0)
        pltpu.sync_copy(out_v, out.at[pl.ds(wid * _RPW * _EMBED,
                                            _RPW * _EMBED)])

    return pool


_pool_kernel = _make_pool_kernel()


_VOCAB = 1000000
_NCOLS = _VOCAB // 128
_TAILROWS = _VOCAB - _NCOLS * 128
_UL = 512
_NUNITS = _NCOLS * 128 // _UL
_KTOT = 62


def _make_detile_kernel():
    mesh = plsc.VectorSubcoreMesh(core_axis_name="c", subcore_axis_name="s")

    @functools.partial(
        pl.kernel,
        mesh=mesh,
        compiler_params=pltpu.CompilerParams(use_tc_tiling_on_sc=True,
                                             needs_layout_passes=False),
        out_type=jax.ShapeDtypeStruct((_VOCAB * _EMBED // 2,), jnp.int32),
        scratch_types=[
            pltpu.VMEM((_EMBED, _UL), jnp.float32),
            pltpu.VMEM((_EMBED, _UL), jnp.float32),
            pltpu.VMEM((_UL * _EMBED // 2,), jnp.int32),
            pltpu.VMEM((_UL * _EMBED // 2,), jnp.int32),
            pltpu.VMEM((_UL * 33,), jnp.float32),
            pltpu.VMEM((_TAILROWS * _EMBED,), jnp.float32),
            pltpu.VMEM((_TAILROWS * _EMBED // 2,), jnp.int32),
            pltpu.SemaphoreType.DMA,
            pltpu.SemaphoreType.DMA,
            pltpu.SemaphoreType.DMA,
            pltpu.SemaphoreType.DMA,
        ],
    )
    def detile(tT, tail, out, tile0, tile1, stage0, stage1, skew_v, tailb,
               tailI, si0, si1, so0, so1):
        wid = lax.axis_index("s") * _NC + lax.axis_index("c")
        lane33 = lax.iota(jnp.int32, 16) * 33

        def colof(k):
            return jnp.minimum(k * _NW + wid, _NUNITS - 1)

        def fire_in(u, tile_v, sem):
            pltpu.async_copy(tT.at[:, pl.ds(u * _UL, _UL)], tile_v, sem)

        def wait_in(tile_v, sem):
            pltpu.make_async_copy(tT.at[:, pl.ds(0, _UL)], tile_v,
                                  sem).wait()

        def fire_out(u, stage_v, sem):
            off = pl.multiple_of(u * (_UL * _EMBED // 2), 8)
            pltpu.async_copy(stage_v,
                             out.at[pl.ds(off, _UL * _EMBED // 2)], sem)

        def wait_out(stage_v, sem):
            pltpu.make_async_copy(stage_v,
                                  out.at[pl.ds(0, _UL * _EMBED // 2)],
                                  sem).wait()

        def shuffle(tile_v, stage_v):
            @plsc.parallel_loop(0, _EMBED, unroll=4)
            def _(c):
                for g in range(_UL // 16):
                    v = tile_v[c, 16 * g:16 * (g + 1)]
                    plsc.store_scatter(skew_v, [lane33 + (33 * 16 * g) + c],
                                       v)

            @plsc.parallel_loop(0, _UL, unroll=8)
            def _(r):
                a = skew_v[pl.ds(r * 33, 16)]
                b = skew_v[pl.ds(r * 33 + 16, 16)]
                packed = plsc.pack(a, b, format=plsc.PackFormat.INTERLEAVED)
                stage_v[pl.ds(r * 16, 16)] = plsc.bitcast(packed, jnp.int32)

        fire_in(colof(0), tile0, si0)
        fire_in(colof(1), tile1, si1)

        def body(i, carry):
            k0 = 2 * i
            wait_in(tile0, si0)

            @pl.when(i > 0)
            def _():
                wait_out(stage0, so0)

            shuffle(tile0, stage0)
            fire_out(colof(k0), stage0, so0)
            fire_in(colof(k0 + 2), tile0, si0)

            wait_in(tile1, si1)

            @pl.when(i > 0)
            def _():
                wait_out(stage1, so1)

            shuffle(tile1, stage1)
            fire_out(colof(k0 + 1), stage1, so1)
            fire_in(colof(k0 + 3), tile1, si1)
            return carry

        lax.fori_loop(0, _KTOT // 2, body, 0)
        wait_in(tile0, si0)
        wait_in(tile1, si1)
        wait_out(stage0, so0)
        wait_out(stage1, so1)

        @pl.when(wid == 0)
        def _():
            pltpu.sync_copy(tail, tailb)

            @plsc.parallel_loop(0, _TAILROWS, unroll=4)
            def _(r):
                a = tailb[pl.ds(r * 32, 16)]
                bb = tailb[pl.ds(r * 32 + 16, 16)]
                packed = plsc.pack(a, bb,
                                   format=plsc.PackFormat.INTERLEAVED)
                tailI[pl.ds(r * 16, 16)] = plsc.bitcast(packed, jnp.int32)

            pltpu.sync_copy(
                tailI, out.at[pl.ds(_NCOLS * 128 * _EMBED // 2,
                                    _TAILROWS * _EMBED // 2)])

    return detile


_detile_kernel = _make_detile_kernel()


def _mm_body(p_ref, w_ref, b_ref, o_ref):
    o_ref[...] = (
        jnp.dot(p_ref[...], w_ref[...], preferred_element_type=jnp.float32)
        + b_ref[...]
    )


_ILEAVE = [v for i in range(16) for v in (i, 16 + i)]


def kernel(x, table, W, b):
    xi = x.astype(jnp.int32)
    tail = table[_NCOLS * 128:].reshape(_TAILROWS * _EMBED)
    t16 = _detile_kernel(table.T, tail).reshape(_VOCAB, _EMBED // 2)
    pooled = _pool_kernel(xi, t16).reshape(_BATCH, _EMBED)
    wt = (W.T / float(_HIST)).astype(jnp.float32)
    out = pl.pallas_call(
        _mm_body,
        out_shape=jax.ShapeDtypeStruct((_BATCH, _OUT), jnp.float32),
    )(pooled, wt, b.reshape(1, _OUT))
    return out

# --- scband reference (transcript-rebuilt; emitter-appended) ---
"""Pipeline reference for scband-text-classifier-7456063226114 (READ-ONLY COPY).

The authoritative reference and input builder live on the scoring server;
editing this copy changes nothing except your own understanding.
"""

import jax, jax.numpy as jnp
import numpy as np

VOCAB = 1000000
EMBED_DIM = 32
OUT_DIM = 16
BATCH = 4096
HIST = 200

def setup_inputs(seed: int = 0) -> dict:
    key = jax.random.key(seed)
    k1, k2, k3, k4 = jax.random.split(key, 4)
    x = jax.random.randint(k1, (BATCH, HIST), 0, VOCAB, dtype=jnp.int64 if jax.config.jax_enable_x64 else jnp.int32)
    table = jax.random.normal(k2, (VOCAB, EMBED_DIM), dtype=jnp.float32) * 0.02
    W = jax.random.normal(k3, (OUT_DIM, EMBED_DIM), dtype=jnp.float32) * (1.0 / np.sqrt(EMBED_DIM))
    b = jax.random.normal(k4, (OUT_DIM,), dtype=jnp.float32) * 0.01
    return {"x": x, "table": table, "W": W, "b": b}

def reference(x, table, W, b):
    # embedded = self.embedding(x): gather rows of table -> [B, L, D]
    embedded = jnp.take(table, x, axis=0)
    # pooled = embedded.mean(dim=1) -> [B, D]
    pooled = jnp.mean(embedded, axis=1)
    # out = self.fc(pooled): Linear uses x @ W.T + b -> [B, OUT]
    out = pooled @ W.T + b
    return out

if __name__ == "__main__":
    import jax
    _d = setup_inputs()
    print(jax.jit(kernel)(*tuple(_d.values())))

</pallas_src>

<mosaic_0001>
#map = affine_map<(d0, d1) -> (0, 0)>
#map1 = affine_map<(d0, d1) -> (0)>
module attributes {stable_mosaic.version = 14 : i64} {
  func.func @pool(%arg0: i32, %arg1: i32, %arg2: memref<4096x200xi32, #tpu.memory_space<hbm>>, %arg3: memref<1000000x16xi32, #tpu.memory_space<hbm>>, %arg4: memref<131072xf32, #tpu.memory_space<hbm>>, %arg5: memref<128x128xi32, #tpu.memory_space<vmem>>, %arg6: memref<128x72xi32, #tpu.memory_space<vmem>>, %arg7: memref<128x16xi32, #tpu.memory_space<vmem>>, %arg8: memref<128x16xi32, #tpu.memory_space<vmem>>, %arg9: memref<72x16xi32, #tpu.memory_space<vmem>>, %arg10: memref<72x16xi32, #tpu.memory_space<vmem>>, %arg11: memref<4096xf32, #tpu.memory_space<vmem>>, %arg12: memref<!tpu.dma_semaphore, #tpu.memory_space<semaphore_mem>>, %arg13: memref<!tpu.dma_semaphore, #tpu.memory_space<semaphore_mem>>, %arg14: memref<!tpu.dma_semaphore, #tpu.memory_space<semaphore_mem>>, %arg15: memref<!tpu.dma_semaphore, #tpu.memory_space<semaphore_mem>>) attributes {dimension_semantics = [#tpu.dimension_semantics<core_parallel>, #tpu.dimension_semantics<subcore_parallel>], iteration_bounds = array<i64: 2, 16>, scalar_prefetch = 0 : i64, scratch_operands = 11 : i64, tpu.core_type = #tpu.core_type<sc_vector_subcore>, window_params = [{transform_indices = #map}, {transform_indices = #map}, {transform_indices = #map1}]} {
    %mul3A = arith.constant 2 : i32
    %mul3A_0 = arith.muli %arg1, %mul3A : i32
    %add3A = arith.addi %mul3A_0, %arg0 : i32
    %mul3A_1 = arith.constant 128 : i32
    %mul3A_2 = arith.muli %add3A, %mul3A_1 : i32
    "tpu.region"() ({
      %run_scoped3A = tpu.sem_alloc : memref<!tpu.dma_semaphore, #tpu.memory_space<semaphore_mem>>
      %dma_start3A_25 = arith.constant 0 : i32
      %dma_start3A_26 = tpu.memref_slice %arg2[%mul3A_2, %dma_start3A_25] : memref<4096x200xi32, #tpu.memory_space<hbm>> -> memref<128x128xi32, #tpu.memory_space<hbm>>
      %dma_start3A_27 = arith.constant 0 : i32
      %dma_start3A_28 = tpu.memref_slice %arg2[%mul3A_2, %dma_start3A_27] : memref<4096x200xi32, #tpu.memory_space<hbm>> -> memref<128x128xi32, #tpu.memory_space<hbm>>
      tpu.enqueue_dma source(%dma_start3A_28 : memref<128x128xi32, #tpu.memory_space<hbm>>) target(%arg5 : memref<128x128xi32, #tpu.memory_space<vmem>>) target_semaphore(%run_scoped3A : memref<!tpu.dma_semaphore, #tpu.memory_space<semaphore_mem>>)
      %dma_wait3A = arith.constant 0 : i32
      %dma_wait3A_29 = tpu.memref_slice %arg2[%mul3A_2, %dma_wait3A] : memref<4096x200xi32, #tpu.memory_space<hbm>> -> memref<128x128xi32, #tpu.memory_space<hbm>>
      %dma_wait3A_30 = arith.constant 0 : i32
      %dma_wait3A_31 = tpu.memref_slice %arg2[%mul3A_2, %dma_wait3A_30] : memref<4096x200xi32, #tpu.memory_space<hbm>> -> memref<128x128xi32, #tpu.memory_space<hbm>>
      tpu.wait_dma2 semaphore(%run_scoped3A : memref<!tpu.dma_semaphore, #tpu.memory_space<semaphore_mem>>) src(%dma_wait3A_31 : memref<128x128xi32, #tpu.memory_space<hbm>>) dst(%arg5 : memref<128x128xi32, #tpu.memory_space<vmem>>)
      tpu.yield
    }) : () -> ()
    "tpu.region"() ({
      %run_scoped3A = tpu.sem_alloc : memref<!tpu.dma_semaphore, #tpu.memory_space<semaphore_mem>>
      %dma_start3A_25 = arith.constant 128 : i32
      %dma_start3A_26 = tpu.memref_slice %arg2[%mul3A_2, %dma_start3A_25] : memref<4096x200xi32, #tpu.memory_space<hbm>> -> memref<128x72xi32, #tpu.memory_space<hbm>>
      %dma_start3A_27 = arith.constant 128 : i32
      %dma_start3A_28 = tpu.memref_slice %arg2[%mul3A_2, %dma_start3A_27] : memref<4096x200xi32, #tpu.memory_space<hbm>> -> memref<128x72xi32, #tpu.memory_space<hbm>>
      tpu.enqueue_dma source(%dma_start3A_28 : memref<128x72xi32, #tpu.memory_space<hbm>>) target(%arg6 : memref<128x72xi32, #tpu.memory_space<vmem>>) target_semaphore(%run_scoped3A : memref<!tpu.dma_semaphore, #tpu.memory_space<semaphore_mem>>)
      %dma_wait3A = arith.constant 128 : i32
      %dma_wait3A_29 = tpu.memref_slice %arg2[%mul3A_2, %dma_wait3A] : memref<4096x200xi32, #tpu.memory_space<hbm>> -> memref<128x72xi32, #tpu.memory_space<hbm>>
      %dma_wait3A_30 = arith.constant 128 : i32
      %dma_wait3A_31 = tpu.memref_slice %arg2[%mul3A_2, %dma_wait3A_30] : memref<4096x200xi32, #tpu.memory_space<hbm>> -> memref<128x72xi32, #tpu.memory_space<hbm>>
      tpu.wait_dma2 semaphore(%run_scoped3A : memref<!tpu.dma_semaphore, #tpu.memory_space<semaphore_mem>>) src(%dma_wait3A_31 : memref<128x72xi32, #tpu.memory_space<hbm>>) dst(%arg6 : memref<128x72xi32, #tpu.memory_space<vmem>>)
      tpu.yield
    }) : () -> ()
    %dma_start3A = arith.constant 0 : i32
    %dma_start3A_3 = arith.constant 0 : i32
    %dma_start3A_4 = tpu.memref_slice %arg5[%dma_start3A, %dma_start3A_3] : memref<128x128xi32, #tpu.memory_space<vmem>> -> memref<1x128xi32, #tpu.memory_space<vmem>>
    %dma_start3A_5 = tpu.memref_squeeze %dma_start3A_4 : memref<1x128xi32, #tpu.memory_space<vmem>> -> memref<128xi32, #tpu.memory_space<vmem>>
    %dma_start3A_6 = arith.constant 0 : i32
    %dma_start3A_7 = arith.constant 0 : i32
    %dma_start3A_8 = tpu.memref_slice %arg3[%dma_start3A_6, %dma_start3A_7] : memref<1000000x16xi32, #tpu.memory_space<hbm>> -> memref<1000000x16xi32, #tpu.memory_space<hbm>>
    tpu.enqueue_indirect_dma source(%dma_start3A_8 : memref<1000000x16xi32, #tpu.memory_space<hbm>>) target(%arg7 : memref<128x16xi32, #tpu.memory_space<vmem>>) offsets(%dma_start3A_5 : memref<128xi32, #tpu.memory_space<vmem>>) semaphore(%arg12 : memref<!tpu.dma_semaphore, #tpu.memory_space<semaphore_mem>>)
    %dma_start3A_9 = arith.constant 0 : i32
    %dma_start3A_10 = arith.constant 0 : i32
    %dma_start3A_11 = tpu.memref_slice %arg6[%dma_start3A_9, %dma_start3A_10] : memref<128x72xi32, #tpu.memory_space<vmem>> -> memref<1x72xi32, #tpu.memory_space<vmem>>
    %dma_start3A_12 = tpu.memref_squeeze %dma_start3A_11 : memref<1x72xi32, #tpu.memory_space<vmem>> -> memref<72xi32, #tpu.memory_space<vmem>>
    %dma_start3A_13 = arith.constant 0 : i32
    %dma_start3A_14 = arith.constant 0 : i32
    %dma_start3A_15 = tpu.memref_slice %arg3[%dma_start3A_13, %dma_start3A_14] : memref<1000000x16xi32, #tpu.memory_space<hbm>> -> memref<1000000x16xi32, #tpu.memory_space<hbm>>
    tpu.enqueue_indirect_dma source(%dma_start3A_15 : memref<1000000x16xi32, #tpu.memory_space<hbm>>) target(%arg9 : memref<72x16xi32, #tpu.memory_space<vmem>>) offsets(%dma_start3A_12 : memref<72xi32, #tpu.memory_space<vmem>>) semaphore(%arg14 : memref<!tpu.dma_semaphore, #tpu.memory_space<semaphore_mem>>)
    %scan3A = arith.constant 0 : i32
    %scan3A_16 = arith.constant 0 : i32
    %scan3A_17 = arith.constant 64 : i32
    %scan3A_18 = arith.addi %scan3A_16, %scan3A_17 : i32
    %scan3A_19 = arith.constant 1 : i32
    scf.for %scan3A_25 = %scan3A_16 to %scan3A_18 step %scan3A_19  : i32 {
      %mul3A_26 = arith.constant 2 : i32
      %mul3A_27 = arith.muli %mul3A_26, %scan3A_25 : i32
      %add3A_28 = arith.constant 1 : i32
      %add3A_29 = arith.addi %mul3A_27, %add3A_28 : i32
      %dma_start3A_30 = arith.constant 0 : i32
      %dma_start3A_31 = tpu.memref_slice %arg5[%add3A_29, %dma_start3A_30] : memref<128x128xi32, #tpu.memory_space<vmem>> -> memref<1x128xi32, #tpu.memory_space<vmem>>
      %dma_start3A_32 = tpu.memref_squeeze %dma_start3A_31 : memref<1x128xi32, #tpu.memory_space<vmem>> -> memref<128xi32, #tpu.memory_space<vmem>>
      %dma_start3A_33 = arith.constant 0 : i32
      %dma_start3A_34 = arith.constant 0 : i32
      %dma_start3A_35 = tpu.memref_slice %arg3[%dma_start3A_33, %dma_start3A_34] : memref<1000000x16xi32, #tpu.memory_space<hbm>> -> memref<1000000x16xi32, #tpu.memory_space<hbm>>
      tpu.enqueue_indirect_dma source(%dma_start3A_35 : memref<1000000x16xi32, #tpu.memory_space<hbm>>) target(%arg8 : memref<128x16xi32, #tpu.memory_space<vmem>>) offsets(%dma_start3A_32 : memref<128xi32, #tpu.memory_space<vmem>>) semaphore(%arg13 : memref<!tpu.dma_semaphore, #tpu.memory_space<semaphore_mem>>)
      %dma_start3A_36 = arith.constant 0 : i32
      %dma_start3A_37 = tpu.memref_slice %arg6[%add3A_29, %dma_start3A_36] : memref<128x72xi32, #tpu.memory_space<vmem>> -> memref<1x72xi32, #tpu.memory_space<vmem>>
      %dma_start3A_38 = tpu.memref_squeeze %dma_start3A_37 : memref<1x72xi32, #tpu.memory_space<vmem>> -> memref<72xi32, #tpu.memory_space<vmem>>
      %dma_start3A_39 = arith.constant 0 : i32
      %dma_start3A_40 = arith.constant 0 : i32
      %dma_start3A_41 = tpu.memref_slice %arg3[%dma_start3A_39, %dma_start3A_40] : memref<1000000x16xi32, #tpu.memory_space<hbm>> -> memref<1000000x16xi32, #tpu.memory_space<hbm>>
      tpu.enqueue_indirect_dma source(%dma_start3A_41 : memref<1000000x16xi32, #tpu.memory_space<hbm>>) target(%arg10 : memref<72x16xi32, #tpu.memory_space<vmem>>) offsets(%dma_start3A_38 : memref<72xi32, #tpu.memory_space<vmem>>) semaphore(%arg15 : memref<!tpu.dma_semaphore, #tpu.memory_space<semaphore_mem>>)
      %dma_wait3A = arith.constant 0 : i32
      %dma_wait3A_42 = arith.constant 0 : i32
      %dma_wait3A_43 = tpu.memref_slice %arg5[%dma_wait3A, %dma_wait3A_42] : memref<128x128xi32, #tpu.memory_space<vmem>> -> memref<1x128xi32, #tpu.memory_space<vmem>>
      %dma_wait3A_44 = tpu.memref_squeeze %dma_wait3A_43 : memref<1x128xi32, #tpu.memory_space<vmem>> -> memref<128xi32, #tpu.memory_space<vmem>>
      %dma_wait3A_45 = arith.constant 0 : i32
      %dma_wait3A_46 = arith.constant 0 : i32
      %dma_wait3A_47 = tpu.memref_slice %arg3[%dma_wait3A_45, %dma_wait3A_46] : memref<1000000x16xi32, #tpu.memory_space<hbm>> -> memref<1000000x16xi32, #tpu.memory_space<hbm>>
      tpu.wait_indirect_dma semaphore(%arg12 : memref<!tpu.dma_semaphore, #tpu.memory_space<semaphore_mem>>) src(%dma_wait3A_47 : memref<1000000x16xi32, #tpu.memory_space<hbm>>) dst(%arg7 : memref<128x16xi32, #tpu.memory_space<vmem>>)
      %dma_wait3A_48 = arith.constant 0 : i32
      %dma_wait3A_49 = arith.constant 0 : i32
      %dma_wait3A_50 = tpu.memref_slice %arg6[%dma_wait3A_48, %dma_wait3A_49] : memref<128x72xi32, #tpu.memory_space<vmem>> -> memref<1x72xi32, #tpu.memory_space<vmem>>
      %dma_wait3A_51 = tpu.memref_squeeze %dma_wait3A_50 : memref<1x72xi32, #tpu.memory_space<vmem>> -> memref<72xi32, #tpu.memory_space<vmem>>
      %dma_wait3A_52 = arith.constant 0 : i32
      %dma_wait3A_53 = arith.constant 0 : i32
      %dma_wait3A_54 = tpu.memref_slice %arg3[%dma_wait3A_52, %dma_wait3A_53] : memref<1000000x16xi32, #tpu.memory_space<hbm>> -> memref<1000000x16xi32, #tpu.memory_space<hbm>>
      tpu.wait_indirect_dma semaphore(%arg14 : memref<!tpu.dma_semaphore, #tpu.memory_space<semaphore_mem>>) src(%dma_wait3A_54 : memref<1000000x16xi32, #tpu.memory_space<hbm>>) dst(%arg9 : memref<72x16xi32, #tpu.memory_space<vmem>>)
      %broadcast_in_dim3A = arith.constant 0.000000e+00 : bf16
      %broadcast_in_dim3A_55 = vector.broadcast %broadcast_in_dim3A : bf16 to vector<32xbf16>
      %parallel_loop3A = arith.constant 0 : i32
      %parallel_loop3A_56 = arith.constant 128 : i32
      %parallel_loop3A_57 = arith.constant 8 : i32
      %parallel_loop3A_58:4 = scf.for %parallel_loop3A_119 = %parallel_loop3A to %parallel_loop3A_56 step %parallel_loop3A_57 iter_args(%parallel_loop3A_120 = %broadcast_in_dim3A_55, %parallel_loop3A_121 = %broadcast_in_dim3A_55, %parallel_loop3A_122 = %broadcast_in_dim3A_55, %parallel_loop3A_123 = %broadcast_in_dim3A_55) -> (vector<32xbf16>, vector<32xbf16>, vector<32xbf16>, vector<32xbf16>)  : i32 {
        %parallel_loop3A_124 = arith.constant 0 : i32
        %parallel_loop3A_125 = arith.addi %parallel_loop3A_119, %parallel_loop3A_124 : i32
        %parallel_loop3A_126 = arith.index_cast %parallel_loop3A_125 : i32 to index
        %parallel_loop3A_127 = arith.constant 0 : index
        %parallel_loop3A_128 = tpu.vector_load %arg7[%parallel_loop3A_126, %parallel_loop3A_127] {strides = array<i32>} : memref<128x16xi32, #tpu.memory_space<vmem>>, vector<16xi32>,
        %parallel_loop3A_129 = vector.bitcast %parallel_loop3A_128 : vector<16xi32> to vector<32xbf16>
        %parallel_loop3A_130 = arith.addf %parallel_loop3A_120, %parallel_loop3A_129 : vector<32xbf16>
        %parallel_loop3A_131 = arith.constant 1 : i32
        %parallel_loop3A_132 = arith.addi %parallel_loop3A_119, %parallel_loop3A_131 : i32
        %parallel_loop3A_133 = arith.index_cast %parallel_loop3A_132 : i32 to index
        %parallel_loop3A_134 = arith.constant 0 : index
        %parallel_loop3A_135 = tpu.vector_load %arg7[%parallel_loop3A_133, %parallel_loop3A_134] {strides = array<i32>} : memref<128x16xi32, #tpu.memory_space<vmem>>, vector<16xi32>,
        %parallel_loop3A_136 = vector.bitcast %parallel_loop3A_135 : vector<16xi32> to vector<32xbf16>
        %parallel_loop3A_137 = arith.addf %parallel_loop3A_121, %parallel_loop3A_136 : vector<32xbf16>
        %parallel_loop3A_138 = arith.constant 2 : i32
        %parallel_loop3A_139 = arith.addi %parallel_loop3A_119, %parallel_loop3A_138 : i32
        %parallel_loop3A_140 = arith.index_cast %parallel_loop3A_139 : i32 to index
        %parallel_loop3A_141 = arith.constant 0 : index
        %parallel_loop3A_142 = tpu.vector_load %arg7[%parallel_loop3A_140, %parallel_loop3A_141] {strides = array<i32>} : memref<128x16xi32, #tpu.memory_space<vmem>>, vector<16xi32>,
        %parallel_loop3A_143 = vector.bitcast %parallel_loop3A_142 : vector<16xi32> to vector<32xbf16>
        %parallel_loop3A_144 = arith.addf %parallel_loop3A_122, %parallel_loop3A_143 : vector<32xbf16>
        %parallel_loop3A_145 = arith.constant 3 : i32
        %parallel_loop3A_146 = arith.addi %parallel_loop3A_119, %parallel_loop3A_145 : i32
        %parallel_loop3A_147 = arith.index_cast %parallel_loop3A_146 : i32 to index
        %parallel_loop3A_148 = arith.constant 0 : index
        %parallel_loop3A_149 = tpu.vector_load %arg7[%parallel_loop3A_147, %parallel_loop3A_148] {strides = array<i32>} : memref<128x16xi32, #tpu.memory_space<vmem>>, vector<16xi32>,
        %parallel_loop3A_150 = vector.bitcast %parallel_loop3A_149 : vector<16xi32> to vector<32xbf16>
        %parallel_loop3A_151 = arith.addf %parallel_loop3A_123, %parallel_loop3A_150 : vector<32xbf16>
        %parallel_loop3A_152 = arith.constant 4 : i32
        %parallel_loop3A_153 = arith.addi %parallel_loop3A_119, %parallel_loop3A_152 : i32
        %parallel_loop3A_154 = arith.index_cast %parallel_loop3A_153 : i32 to index
        %parallel_loop3A_155 = arith.constant 0 : index
        %parallel_loop3A_156 = tpu.vector_load %arg7[%parallel_loop3A_154, %parallel_loop3A_155] {strides = array<i32>} : memref<128x16xi32, #tpu.memory_space<vmem>>, vector<16xi32>,
        %parallel_loop3A_157 = vector.bitcast %parallel_loop3A_156 : vector<16xi32> to vector<32xbf16>
        %parallel_loop3A_158 = arith.addf %parallel_loop3A_130, %parallel_loop3A_157 : vector<32xbf16>
        %parallel_loop3A_159 = arith.constant 5 : i32
        %parallel_loop3A_160 = arith.addi %parallel_loop3A_119, %parallel_loop3A_159 : i32
        %parallel_loop3A_161 = arith.index_cast %parallel_loop3A_160 : i32 to index
        %parallel_loop3A_162 = arith.constant 0 : index
        %parallel_loop3A_163 = tpu.vector_load %arg7[%parallel_loop3A_161, %parallel_loop3A_162] {strides = array<i32>} : memref<128x16xi32, #tpu.memory_space<vmem>>, vector<16xi32>,
        %parallel_loop3A_164 = vector.bitcast %parallel_loop3A_163 : vector<16xi32> to vector<32xbf16>
        %parallel_loop3A_165 = arith.addf %parallel_loop3A_137, %parallel_loop3A_164 : vector<32xbf16>
        %parallel_loop3A_166 = arith.constant 6 : i32
        %parallel_loop3A_167 = arith.addi %parallel_loop3A_119, %parallel_loop3A_166 : i32
        %parallel_loop3A_168 = arith.index_cast %parallel_loop3A_167 : i32 to index
        %parallel_loop3A_169 = arith.constant 0 : index
        %parallel_loop3A_170 = tpu.vector_load %arg7[%parallel_loop3A_168, %parallel_loop3A_169] {strides = array<i32>} : memref<128x16xi32, #tpu.memory_space<vmem>>, vector<16xi32>,
        %parallel_loop3A_171 = vector.bitcast %parallel_loop3A_170 : vector<16xi32> to vector<32xbf16>
        %parallel_loop3A_172 = arith.addf %parallel_loop3A_144, %parallel_loop3A_171 : vector<32xbf16>
        %parallel_loop3A_173 = arith.constant 7 : i32
        %parallel_loop3A_174 = arith.addi %parallel_loop3A_119, %parallel_loop3A_173 : i32
        %parallel_loop3A_175 = arith.index_cast %parallel_loop3A_174 : i32 to index
        %parallel_loop3A_176 = arith.constant 0 : index
        %parallel_loop3A_177 = tpu.vector_load %arg7[%parallel_loop3A_175, %parallel_loop3A_176] {strides = array<i32>} : memref<128x16xi32, #tpu.memory_space<vmem>>, vector<16xi32>,
        %parallel_loop3A_178 = vector.bitcast %parallel_loop3A_177 : vector<16xi32> to vector<32xbf16>
        %parallel_loop3A_179 = arith.addf %parallel_loop3A_151, %parallel_loop3A_178 : vector<32xbf16>
        scf.yield %parallel_loop3A_158, %parallel_loop3A_165, %parallel_loop3A_172, %parallel_loop3A_179 : vector<32xbf16>, vector<32xbf16>, vector<32xbf16>, vector<32xbf16>
      } {sc.loop_unroll_factor = 1 : i64, sc.parallel_access}
      %parallel_loop3A_59 = arith.constant 0 : i32
      %parallel_loop3A_60 = arith.constant 72 : i32
      %parallel_loop3A_61 = arith.constant 8 : i32
      %parallel_loop3A_62:4 = scf.for %parallel_loop3A_119 = %parallel_loop3A_59 to %parallel_loop3A_60 step %parallel_loop3A_61 iter_args(%parallel_loop3A_120 = %parallel_loop3A_58#0, %parallel_loop3A_121 = %parallel_loop3A_58#1, %parallel_loop3A_122 = %parallel_loop3A_58#2, %parallel_loop3A_123 = %parallel_loop3A_58#3) -> (vector<32xbf16>, vector<32xbf16>, vector<32xbf16>, vector<32xbf16>)  : i32 {
        %parallel_loop3A_124 = arith.constant 0 : i32
        %parallel_loop3A_125 = arith.addi %parallel_loop3A_119, %parallel_loop3A_124 : i32
        %parallel_loop3A_126 = arith.index_cast %parallel_loop3A_125 : i32 to index
        %parallel_loop3A_127 = arith.constant 0 : index
        %parallel_loop3A_128 = tpu.vector_load %arg9[%parallel_loop3A_126, %parallel_loop3A_127] {strides = array<i32>} : memref<72x16xi32, #tpu.memory_space<vmem>>, vector<16xi32>,
        %parallel_loop3A_129 = vector.bitcast %parallel_loop3A_128 : vector<16xi32> to vector<32xbf16>
        %parallel_loop3A_130 = arith.addf %parallel_loop3A_120, %parallel_loop3A_129 : vector<32xbf16>
        %parallel_loop3A_131 = arith.constant 1 : i32
        %parallel_loop3A_132 = arith.addi %parallel_loop3A_119, %parallel_loop3A_131 : i32
        %parallel_loop3A_133 = arith.index_cast %parallel_loop3A_132 : i32 to index
        %parallel_loop3A_134 = arith.constant 0 : index
        %parallel_loop3A_135 = tpu.vector_load %arg9[%parallel_loop3A_133, %parallel_loop3A_134] {strides = array<i32>} : memref<72x16xi32, #tpu.memory_space<vmem>>, vector<16xi32>,
        %parallel_loop3A_136 = vector.bitcast %parallel_loop3A_135 : vector<16xi32> to vector<32xbf16>
        %parallel_loop3A_137 = arith.addf %parallel_loop3A_121, %parallel_loop3A_136 : vector<32xbf16>
        %parallel_loop3A_138 = arith.constant 2 : i32
        %parallel_loop3A_139 = arith.addi %parallel_loop3A_119, %parallel_loop3A_138 : i32
        %parallel_loop3A_140 = arith.index_cast %parallel_loop3A_139 : i32 to index
        %parallel_loop3A_141 = arith.constant 0 : index
        %parallel_loop3A_142 = tpu.vector_load %arg9[%parallel_loop3A_140, %parallel_loop3A_141] {strides = array<i32>} : memref<72x16xi32, #tpu.memory_space<vmem>>, vector<16xi32>,
        %parallel_loop3A_143 = vector.bitcast %parallel_loop3A_142 : vector<16xi32> to vector<32xbf16>
        %parallel_loop3A_144 = arith.addf %parallel_loop3A_122, %parallel_loop3A_143 : vector<32xbf16>
        %parallel_loop3A_145 = arith.constant 3 : i32
        %parallel_loop3A_146 = arith.addi %parallel_loop3A_119, %parallel_loop3A_145 : i32
        %parallel_loop3A_147 = arith.index_cast %parallel_loop3A_146 : i32 to index
        %parallel_loop3A_148 = arith.constant 0 : index
        %parallel_loop3A_149 = tpu.vector_load %arg9[%parallel_loop3A_147, %parallel_loop3A_148] {strides = array<i32>} : memref<72x16xi32, #tpu.memory_space<vmem>>, vector<16xi32>,
        %parallel_loop3A_150 = vector.bitcast %parallel_loop3A_149 : vector<16xi32> to vector<32xbf16>
        %parallel_loop3A_151 = arith.addf %parallel_loop3A_123, %parallel_loop3A_150 : vector<32xbf16>
        %parallel_loop3A_152 = arith.constant 4 : i32
        %parallel_loop3A_153 = arith.addi %parallel_loop3A_119, %parallel_loop3A_152 : i32
        %parallel_loop3A_154 = arith.index_cast %parallel_loop3A_153 : i32 to index
        %parallel_loop3A_155 = arith.constant 0 : index
        %parallel_loop3A_156 = tpu.vector_load %arg9[%parallel_loop3A_154, %parallel_loop3A_155] {strides = array<i32>} : memref<72x16xi32, #tpu.memory_space<vmem>>, vector<16xi32>,
        %parallel_loop3A_157 = vector.bitcast %parallel_loop3A_156 : vector<16xi32> to vector<32xbf16>
        %parallel_loop3A_158 = arith.addf %parallel_loop3A_130, %parallel_loop3A_157 : vector<32xbf16>
        %parallel_loop3A_159 = arith.constant 5 : i32
        %parallel_loop3A_160 = arith.addi %parallel_loop3A_119, %parallel_loop3A_159 : i32
        %parallel_loop3A_161 = arith.index_cast %parallel_loop3A_160 : i32 to index
        %parallel_loop3A_162 = arith.constant 0 : index
        %parallel_loop3A_163 = tpu.vector_load %arg9[%parallel_loop3A_161, %parallel_loop3A_162] {strides = array<i32>} : memref<72x16xi32, #tpu.memory_space<vmem>>, vector<16xi32>,
        %parallel_loop3A_164 = vector.bitcast %parallel_loop3A_163 : vector<16xi32> to vector<32xbf16>
        %parallel_loop3A_165 = arith.addf %parallel_loop3A_137, %parallel_loop3A_164 : vector<32xbf16>
        %parallel_loop3A_166 = arith.constant 6 : i32
        %parallel_loop3A_167 = arith.addi %parallel_loop3A_119, %parallel_loop3A_166 : i32
        %parallel_loop3A_168 = arith.index_cast %parallel_loop3A_167 : i32 to index
        %parallel_loop3A_169 = arith.constant 0 : index
        %parallel_loop3A_170 = tpu.vector_load %arg9[%parallel_loop3A_168, %parallel_loop3A_169] {strides = array<i32>} : memref<72x16xi32, #tpu.memory_space<vmem>>, vector<16xi32>,
        %parallel_loop3A_171 = vector.bitcast %parallel_loop3A_170 : vector<16xi32> to vector<32xbf16>
        %parallel_loop3A_172 = arith.addf %parallel_loop3A_144, %parallel_loop3A_171 : vector<32xbf16>
        %parallel_loop3A_173 = arith.constant 7 : i32
        %parallel_loop3A_174 = arith.addi %parallel_loop3A_119, %parallel_loop3A_173 : i32
        %parallel_loop3A_175 = arith.index_cast %parallel_loop3A_174 : i32 to index
        %parallel_loop3A_176 = arith.constant 0 : index
        %parallel_loop3A_177 = tpu.vector_load %arg9[%parallel_loop3A_175, %parallel_loop3A_176] {strides = array<i32>} : memref<72x16xi32, #tpu.memory_space<vmem>>, vector<16xi32>,
        %parallel_loop3A_178 = vector.bitcast %parallel_loop3A_177 : vector<16xi32> to vector<32xbf16>
        %parallel_loop3A_179 = arith.addf %parallel_loop3A_151, %parallel_loop3A_178 : vector<32xbf16>
        scf.yield %parallel_loop3A_158, %parallel_loop3A_165, %parallel_loop3A_172, %parallel_loop3A_179 : vector<32xbf16>, vector<32xbf16>, vector<32xbf16>, vector<32xbf16>
      } {sc.loop_unroll_factor = 1 : i64, sc.parallel_access}
      %add3A_63 = arith.addf %parallel_loop3A_62#0, %parallel_loop3A_62#1 : vector<32xbf16>
      %add3A_64 = arith.addf %parallel_loop3A_62#2, %parallel_loop3A_62#3 : vector<32xbf16>
      %add3A_65 = arith.addf %add3A_63, %add3A_64 : vector<32xbf16>
      %unpack3A = tpu.unpack_subelements %add3A_65, 0 {pack_format = #tpu.pack_format<interleaved>} : vector<32xbf16> -> vector<16xf32>
      %unpack3A_66 = tpu.unpack_subelements %add3A_65, 1 {pack_format = #tpu.pack_format<interleaved>} : vector<32xbf16> -> vector<16xf32>
      %mul3A_67 = arith.constant 32 : i32
      %mul3A_68 = arith.muli %mul3A_27, %mul3A_67 : i32
      %swap3A = arith.index_cast %mul3A_68 : i32 to index
      %swap3A_69 = tpu.vector_load %arg11[%swap3A] {strides = array<i32>} : memref<4096xf32, #tpu.memory_space<vmem>>, vector<16xf32>,
      tpu.vector_store %arg11[%swap3A], %unpack3A {strides = array<i32>} : memref<4096xf32, #tpu.memory_space<vmem>>, vector<16xf32>,
      %mul3A_70 = arith.constant 32 : i32
      %mul3A_71 = arith.muli %mul3A_27, %mul3A_70 : i32
      %add3A_72 = arith.constant 16 : i32
      %add3A_73 = arith.addi %mul3A_71, %add3A_72 : i32
      %swap3A_74 = arith.index_cast %add3A_73 : i32 to index
      %swap3A_75 = tpu.vector_load %arg11[%swap3A_74] {strides = array<i32>} : memref<4096xf32, #tpu.memory_space<vmem>>, vector<16xf32>,
      tpu.vector_store %arg11[%swap3A_74], %unpack3A_66 {strides = array<i32>} : memref<4096xf32, #tpu.memory_space<vmem>>, vector<16xf32>,
      %lt3A = arith.constant 63 : i32
      %lt3A_76 = arith.cmpi slt, %scan3A_25, %lt3A : i32
      %convert_element_type3A = arith.extui %lt3A_76 : i1 to i32
      %cond3A = arith.constant 0 : i32
      %cond3A_77 = arith.cmpi ne, %convert_element_type3A, %cond3A : i32
      scf.if %cond3A_77 {
        %add3A_119 = arith.constant 2 : i32
        %add3A_120 = arith.addi %mul3A_27, %add3A_119 : i32
        %dma_start3A_121 = arith.constant 0 : i32
        %dma_start3A_122 = tpu.memref_slice %arg5[%add3A_120, %dma_start3A_121] : memref<128x128xi32, #tpu.memory_space<vmem>> -> memref<1x128xi32, #tpu.memory_space<vmem>>
        %dma_start3A_123 = tpu.memref_squeeze %dma_start3A_122 : memref<1x128xi32, #tpu.memory_space<vmem>> -> memref<128xi32, #tpu.memory_space<vmem>>
        %dma_start3A_124 = arith.constant 0 : i32
        %dma_start3A_125 = arith.constant 0 : i32
        %dma_start3A_126 = tpu.memref_slice %arg3[%dma_start3A_124, %dma_start3A_125] : memref<1000000x16xi32, #tpu.memory_space<hbm>> -> memref<1000000x16xi32, #tpu.memory_space<hbm>>
        tpu.enqueue_indirect_dma source(%dma_start3A_126 : memref<1000000x16xi32, #tpu.memory_space<hbm>>) target(%arg7 : memref<128x16xi32, #tpu.memory_space<vmem>>) offsets(%dma_start3A_123 : memref<128xi32, #tpu.memory_space<vmem>>) semaphore(%arg12 : memref<!tpu.dma_semaphore, #tpu.memory_space<semaphore_mem>>)
        %dma_start3A_127 = arith.constant 0 : i32
        %dma_start3A_128 = tpu.memref_slice %arg6[%add3A_120, %dma_start3A_127] : memref<128x72xi32, #tpu.memory_space<vmem>> -> memref<1x72xi32, #tpu.memory_space<vmem>>
        %dma_start3A_129 = tpu.memref_squeeze %dma_start3A_128 : memref<1x72xi32, #tpu.memory_space<vmem>> -> memref<72xi32, #tpu.memory_space<vmem>>
        %dma_start3A_130 = arith.constant 0 : i32
        %dma_start3A_131 = arith.constant 0 : i32
        %dma_start3A_132 = tpu.memref_slice %arg3[%dma_start3A_130, %dma_start3A_131] : memref<1000000x16xi32, #tpu.memory_space<hbm>> -> memref<1000000x16xi32, #tpu.memory_space<hbm>>
        tpu.enqueue_indirect_dma source(%dma_start3A_132 : memref<1000000x16xi32, #tpu.memory_space<hbm>>) target(%arg9 : memref<72x16xi32, #tpu.memory_space<vmem>>) offsets(%dma_start3A_129 : memref<72xi32, #tpu.memory_space<vmem>>) semaphore(%arg14 : memref<!tpu.dma_semaphore, #tpu.memory_space<semaphore_mem>>)
      } else {
      }
      %dma_wait3A_78 = arith.constant 0 : i32
      %dma_wait3A_79 = arith.constant 0 : i32
      %dma_wait3A_80 = tpu.memref_slice %arg5[%dma_wait3A_78, %dma_wait3A_79] : memref<128x128xi32, #tpu.memory_space<vmem>> -> memref<1x128xi32, #tpu.memory_space<vmem>>
      %dma_wait3A_81 = tpu.memref_squeeze %dma_wait3A_80 : memref<1x128xi32, #tpu.memory_space<vmem>> -> memref<128xi32, #tpu.memory_space<vmem>>
      %dma_wait3A_82 = arith.constant 0 : i32
      %dma_wait3A_83 = arith.constant 0 : i32
      %dma_wait3A_84 = tpu.memref_slice %arg3[%dma_wait3A_82, %dma_wait3A_83] : memref<1000000x16xi32, #tpu.memory_space<hbm>> -> memref<1000000x16xi32, #tpu.memory_space<hbm>>
      tpu.wait_indirect_dma semaphore(%arg13 : memref<!tpu.dma_semaphore, #tpu.memory_space<semaphore_mem>>) src(%dma_wait3A_84 : memref<1000000x16xi32, #tpu.memory_space<hbm>>) dst(%arg8 : memref<128x16xi32, #tpu.memory_space<vmem>>)
      %dma_wait3A_85 = arith.constant 0 : i32
      %dma_wait3A_86 = arith.constant 0 : i32
      %dma_wait3A_87 = tpu.memref_slice %arg6[%dma_wait3A_85, %dma_wait3A_86] : memref<128x72xi32, #tpu.memory_space<vmem>> -> memref<1x72xi32, #tpu.memory_space<vmem>>
      %dma_wait3A_88 = tpu.memref_squeeze %dma_wait3A_87 : memref<1x72xi32, #tpu.memory_space<vmem>> -> memref<72xi32, #tpu.memory_space<vmem>>
      %dma_wait3A_89 = arith.constant 0 : i32
      %dma_wait3A_90 = arith.constant 0 : i32
      %dma_wait3A_91 = tpu.memref_slice %arg3[%dma_wait3A_89, %dma_wait3A_90] : memref<1000000x16xi32, #tpu.memory_space<hbm>> -> memref<1000000x16xi32, #tpu.memory_space<hbm>>
      tpu.wait_indirect_dma semaphore(%arg15 : memref<!tpu.dma_semaphore, #tpu.memory_space<semaphore_mem>>) src(%dma_wait3A_91 : memref<1000000x16xi32, #tpu.memory_space<hbm>>) dst(%arg10 : memref<72x16xi32, #tpu.memory_space<vmem>>)
      %add3A_92 = arith.constant 1 : i32
      %add3A_93 = arith.addi %mul3A_27, %add3A_92 : i32
      %broadcast_in_dim3A_94 = arith.constant 0.000000e+00 : bf16
      %broadcast_in_dim3A_95 = vector.broadcast %broadcast_in_dim3A_94 : bf16 to vector<32xbf16>
      %parallel_loop3A_96 = arith.constant 0 : i32
      %parallel_loop3A_97 = arith.constant 128 : i32
      %parallel_loop3A_98 = arith.constant 8 : i32
      %parallel_loop3A_99:4 = scf.for %parallel_loop3A_119 = %parallel_loop3A_96 to %parallel_loop3A_97 step %parallel_loop3A_98 iter_args(%parallel_loop3A_120 = %broadcast_in_dim3A_95, %parallel_loop3A_121 = %broadcast_in_dim3A_95, %parallel_loop3A_122 = %broadcast_in_dim3A_95, %parallel_loop3A_123 = %broadcast_in_dim3A_95) -> (vector<32xbf16>, vector<32xbf16>, vector<32xbf16>, vector<32xbf16>)  : i32 {
        %parallel_loop3A_124 = arith.constant 0 : i32
        %parallel_loop3A_125 = arith.addi %parallel_loop3A_119, %parallel_loop3A_124 : i32
        %parallel_loop3A_126 = arith.index_cast %parallel_loop3A_125 : i32 to index
        %parallel_loop3A_127 = arith.constant 0 : index
        %parallel_loop3A_128 = tpu.vector_load %arg8[%parallel_loop3A_126, %parallel_loop3A_127] {strides = array<i32>} : memref<128x16xi32, #tpu.memory_space<vmem>>, vector<16xi32>,
        %parallel_loop3A_129 = vector.bitcast %parallel_loop3A_128 : vector<16xi32> to vector<32xbf16>
        %parallel_loop3A_130 = arith.addf %parallel_loop3A_120, %parallel_loop3A_129 : vector<32xbf16>
        %parallel_loop3A_131 = arith.constant 1 : i32
        %parallel_loop3A_132 = arith.addi %parallel_loop3A_119, %parallel_loop3A_131 : i32
        %parallel_loop3A_133 = arith.index_cast %parallel_loop3A_132 : i32 to index
        %parallel_loop3A_134 = arith.constant 0 : index
        %parallel_loop3A_135 = tpu.vector_load %arg8[%parallel_loop3A_133, %parallel_loop3A_134] {strides = array<i32>} : memref<128x16xi32, #tpu.memory_space<vmem>>, vector<16xi32>,
        %parallel_loop3A_136 = vector.bitcast %parallel_loop3A_135 : vector<16xi32> to vector<32xbf16>
        %parallel_loop3A_137 = arith.addf %parallel_loop3A_121, %parallel_loop3A_136 : vector<32xbf16>
        %parallel_loop3A_138 = arith.constant 2 : i32
        %parallel_loop3A_139 = arith.addi %parallel_loop3A_119, %parallel_loop3A_138 : i32
        %parallel_loop3A_140 = arith.index_cast %parallel_loop3A_139 : i32 to index
        %parallel_loop3A_141 = arith.constant 0 : index
        %parallel_loop3A_142 = tpu.vector_load %arg8[%parallel_loop3A_140, %parallel_loop3A_141] {strides = array<i32>} : memref<128x16xi32, #tpu.memory_space<vmem>>, vector<16xi32>,
        %parallel_loop3A_143 = vector.bitcast %parallel_loop3A_142 : vector<16xi32> to vector<32xbf16>
        %parallel_loop3A_144 = arith.addf %parallel_loop3A_122, %parallel_loop3A_143 : vector<32xbf16>
        %parallel_loop3A_145 = arith.constant 3 : i32
        %parallel_loop3A_146 = arith.addi %parallel_loop3A_119, %parallel_loop3A_145 : i32
        %parallel_loop3A_147 = arith.index_cast %parallel_loop3A_146 : i32 to index
        %parallel_loop3A_148 = arith.constant 0 : index
        %parallel_loop3A_149 = tpu.vector_load %arg8[%parallel_loop3A_147, %parallel_loop3A_148] {strides = array<i32>} : memref<128x16xi32, #tpu.memory_space<vmem>>, vector<16xi32>,
        %parallel_loop3A_150 = vector.bitcast %parallel_loop3A_149 : vector<16xi32> to vector<32xbf16>
        %parallel_loop3A_151 = arith.addf %parallel_loop3A_123, %parallel_loop3A_150 : vector<32xbf16>
        %parallel_loop3A_152 = arith.constant 4 : i32
        %parallel_loop3A_153 = arith.addi %parallel_loop3A_119, %parallel_loop3A_152 : i32
        %parallel_loop3A_154 = arith.index_cast %parallel_loop3A_153 : i32 to index
        %parallel_loop3A_155 = arith.constant 0 : index
        %parallel_loop3A_156 = tpu.vector_load %arg8[%parallel_loop3A_154, %parallel_loop3A_155] {strides = array<i32>} : memref<128x16xi32, #tpu.memory_space<vmem>>, vector<16xi32>,
        %parallel_loop3A_157 = vector.bitcast %parallel_loop3A_156 : vector<16xi32> to vector<32xbf16>
        %parallel_loop3A_158 = arith.addf %parallel_loop3A_130, %parallel_loop3A_157 : vector<32xbf16>
        %parallel_loop3A_159 = arith.constant 5 : i32
        %parallel_loop3A_160 = arith.addi %parallel_loop3A_119, %parallel_loop3A_159 : i32
        %parallel_loop3A_161 = arith.index_cast %parallel_loop3A_160 : i32 to index
        %parallel_loop3A_162 = arith.constant 0 : index
        %parallel_loop3A_163 = tpu.vector_load %arg8[%parallel_loop3A_161, %parallel_loop3A_162] {strides = array<i32>} : memref<128x16xi32, #tpu.memory_space<vmem>>, vector<16xi32>,
        %parallel_loop3A_164 = vector.bitcast %parallel_loop3A_163 : vector<16xi32> to vector<32xbf16>
        %parallel_loop3A_165 = arith.addf %parallel_loop3A_137, %parallel_loop3A_164 : vector<32xbf16>
        %parallel_loop3A_166 = arith.constant 6 : i32
        %parallel_loop3A_167 = arith.addi %parallel_loop3A_119, %parallel_loop3A_166 : i32
        %parallel_loop3A_168 = arith.index_cast %parallel_loop3A_167 : i32 to index
        %parallel_loop3A_169 = arith.constant 0 : index
        %parallel_loop3A_170 = tpu.vector_load %arg8[%parallel_loop3A_168, %parallel_loop3A_169] {strides = array<i32>} : memref<128x16xi32, #tpu.memory_space<vmem>>, vector<16xi32>,
        %parallel_loop3A_171 = vector.bitcast %parallel_loop3A_170 : vector<16xi32> to vector<32xbf16>
        %parallel_loop3A_172 = arith.addf %parallel_loop3A_144, %parallel_loop3A_171 : vector<32xbf16>
        %parallel_loop3A_173 = arith.constant 7 : i32
        %parallel_loop3A_174 = arith.addi %parallel_loop3A_119, %parallel_loop3A_173 : i32
        %parallel_loop3A_175 = arith.index_cast %parallel_loop3A_174 : i32 to index
        %parallel_loop3A_176 = arith.constant 0 : index
        %parallel_loop3A_177 = tpu.vector_load %arg8[%parallel_loop3A_175, %parallel_loop3A_176] {strides = array<i32>} : memref<128x16xi32, #tpu.memory_space<vmem>>, vector<16xi32>,
        %parallel_loop3A_178 = vector.bitcast %parallel_loop3A_177 : vector<16xi32> to vector<32xbf16>
        %parallel_loop3A_179 = arith.addf %parallel_loop3A_151, %parallel_loop3A_178 : vector<32xbf16>
        scf.yield %parallel_loop3A_158, %parallel_loop3A_165, %parallel_loop3A_172, %parallel_loop3A_179 : vector<32xbf16>, vector<32xbf16>, vector<32xbf16>, vector<32xbf16>
      } {sc.loop_unroll_factor = 1 : i64, sc.parallel_access}
      %parallel_loop3A_100 = arith.constant 0 : i32
      %parallel_loop3A_101 = arith.constant 72 : i32
      %parallel_loop3A_102 = arith.constant 8 : i32
      %parallel_loop3A_103:4 = scf.for %parallel_loop3A_119 = %parallel_loop3A_100 to %parallel_loop3A_101 step %parallel_loop3A_102 iter_args(%parallel_loop3A_120 = %parallel_loop3A_99#0, %parallel_loop3A_121 = %parallel_loop3A_99#1, %parallel_loop3A_122 = %parallel_loop3A_99#2, %parallel_loop3A_123 = %parallel_loop3A_99#3) -> (vector<32xbf16>, vector<32xbf16>, vector<32xbf16>, vector<32xbf16>)  : i32 {
        %parallel_loop3A_124 = arith.constant 0 : i32
        %parallel_loop3A_125 = arith.addi %parallel_loop3A_119, %parallel_loop3A_124 : i32
        %parallel_loop3A_126 = arith.index_cast %parallel_loop3A_125 : i32 to index
        %parallel_loop3A_127 = arith.constant 0 : index
        %parallel_loop3A_128 = tpu.vector_load %arg10[%parallel_loop3A_126, %parallel_loop3A_127] {strides = array<i32>} : memref<72x16xi32, #tpu.memory_space<vmem>>, vector<16xi32>,
        %parallel_loop3A_129 = vector.bitcast %parallel_loop3A_128 : vector<16xi32> to vector<32xbf16>
        %parallel_loop3A_130 = arith.addf %parallel_loop3A_120, %parallel_loop3A_129 : vector<32xbf16>
        %parallel_loop3A_131 = arith.constant 1 : i32
        %parallel_loop3A_132 = arith.addi %parallel_loop3A_119, %parallel_loop3A_131 : i32
        %parallel_loop3A_133 = arith.index_cast %parallel_loop3A_132 : i32 to index
        %parallel_loop3A_134 = arith.constant 0 : index
        %parallel_loop3A_135 = tpu.vector_load %arg10[%parallel_loop3A_133, %parallel_loop3A_134] {strides = array<i32>} : memref<72x16xi32, #tpu.memory_space<vmem>>, vector<16xi32>,
        %parallel_loop3A_136 = vector.bitcast %parallel_loop3A_135 : vector<16xi32> to vector<32xbf16>
        %parallel_loop3A_137 = arith.addf %parallel_loop3A_121, %parallel_loop3A_136 : vector<32xbf16>
        %parallel_loop3A_138 = arith.constant 2 : i32
        %parallel_loop3A_139 = arith.addi %parallel_loop3A_119, %parallel_loop3A_138 : i32
        %parallel_loop3A_140 = arith.index_cast %parallel_loop3A_139 : i32 to index
        %parallel_loop3A_141 = arith.constant 0 : index
        %parallel_loop3A_142 = tpu.vector_load %arg10[%parallel_loop3A_140, %parallel_loop3A_141] {strides = array<i32>} : memref<72x16xi32, #tpu.memory_space<vmem>>, vector<16xi32>,
        %parallel_loop3A_143 = vector.bitcast %parallel_loop3A_142 : vector<16xi32> to vector<32xbf16>
        %parallel_loop3A_144 = arith.addf %parallel_loop3A_122, %parallel_loop3A_143 : vector<32xbf16>
        %parallel_loop3A_145 = arith.constant 3 : i32
        %parallel_loop3A_146 = arith.addi %parallel_loop3A_119, %parallel_loop3A_145 : i32
        %parallel_loop3A_147 = arith.index_cast %parallel_loop3A_146 : i32 to index
        %parallel_loop3A_148 = arith.constant 0 : index
        %parallel_loop3A_149 = tpu.vector_load %arg10[%parallel_loop3A_147, %parallel_loop3A_148] {strides = array<i32>} : memref<72x16xi32, #tpu.memory_space<vmem>>, vector<16xi32>,
        %parallel_loop3A_150 = vector.bitcast %parallel_loop3A_149 : vector<16xi32> to vector<32xbf16>
        %parallel_loop3A_151 = arith.addf %parallel_loop3A_123, %parallel_loop3A_150 : vector<32xbf16>
        %parallel_loop3A_152 = arith.constant 4 : i32
        %parallel_loop3A_153 = arith.addi %parallel_loop3A_119, %parallel_loop3A_152 : i32
        %parallel_loop3A_154 = arith.index_cast %parallel_loop3A_153 : i32 to index
        %parallel_loop3A_155 = arith.constant 0 : index
        %parallel_loop3A_156 = tpu.vector_load %arg10[%parallel_loop3A_154, %parallel_loop3A_155] {strides = array<i32>} : memref<72x16xi32, #tpu.memory_space<vmem>>, vector<16xi32>,
        %parallel_loop3A_157 = vector.bitcast %parallel_loop3A_156 : vector<16xi32> to vector<32xbf16>
        %parallel_loop3A_158 = arith.addf %parallel_loop3A_130, %parallel_loop3A_157 : vector<32xbf16>
        %parallel_loop3A_159 = arith.constant 5 : i32
        %parallel_loop3A_160 = arith.addi %parallel_loop3A_119, %parallel_loop3A_159 : i32
        %parallel_loop3A_161 = arith.index_cast %parallel_loop3A_160 : i32 to index
        %parallel_loop3A_162 = arith.constant 0 : index
        %parallel_loop3A_163 = tpu.vector_load %arg10[%parallel_loop3A_161, %parallel_loop3A_162] {strides = array<i32>} : memref<72x16xi32, #tpu.memory_space<vmem>>, vector<16xi32>,
        %parallel_loop3A_164 = vector.bitcast %parallel_loop3A_163 : vector<16xi32> to vector<32xbf16>
        %parallel_loop3A_165 = arith.addf %parallel_loop3A_137, %parallel_loop3A_164 : vector<32xbf16>
        %parallel_loop3A_166 = arith.constant 6 : i32
        %parallel_loop3A_167 = arith.addi %parallel_loop3A_119, %parallel_loop3A_166 : i32
        %parallel_loop3A_168 = arith.index_cast %parallel_loop3A_167 : i32 to index
        %parallel_loop3A_169 = arith.constant 0 : index
        %parallel_loop3A_170 = tpu.vector_load %arg10[%parallel_loop3A_168, %parallel_loop3A_169] {strides = array<i32>} : memref<72x16xi32, #tpu.memory_space<vmem>>, vector<16xi32>,
        %parallel_loop3A_171 = vector.bitcast %parallel_loop3A_170 : vector<16xi32> to vector<32xbf16>
        %parallel_loop3A_172 = arith.addf %parallel_loop3A_144, %parallel_loop3A_171 : vector<32xbf16>
        %parallel_loop3A_173 = arith.constant 7 : i32
        %parallel_loop3A_174 = arith.addi %parallel_loop3A_119, %parallel_loop3A_173 : i32
        %parallel_loop3A_175 = arith.index_cast %parallel_loop3A_174 : i32 to index
        %parallel_loop3A_176 = arith.constant 0 : index
        %parallel_loop3A_177 = tpu.vector_load %arg10[%parallel_loop3A_175, %parallel_loop3A_176] {strides = array<i32>} : memref<72x16xi32, #tpu.memory_space<vmem>>, vector<16xi32>,
        %parallel_loop3A_178 = vector.bitcast %parallel_loop3A_177 : vector<16xi32> to vector<32xbf16>
        %parallel_loop3A_179 = arith.addf %parallel_loop3A_151, %parallel_loop3A_178 : vector<32xbf16>
        scf.yield %parallel_loop3A_158, %parallel_loop3A_165, %parallel_loop3A_172, %parallel_loop3A_179 : vector<32xbf16>, vector<32xbf16>, vector<32xbf16>, vector<32xbf16>
      } {sc.loop_unroll_factor = 1 : i64, sc.parallel_access}
      %add3A_104 = arith.addf %parallel_loop3A_103#0, %parallel_loop3A_103#1 : vector<32xbf16>
      %add3A_105 = arith.addf %parallel_loop3A_103#2, %parallel_loop3A_103#3 : vector<32xbf16>
      %add3A_106 = arith.addf %add3A_104, %add3A_105 : vector<32xbf16>
      %unpack3A_107 = tpu.unpack_subelements %add3A_106, 0 {pack_format = #tpu.pack_format<interleaved>} : vector<32xbf16> -> vector<16xf32>
      %unpack3A_108 = tpu.unpack_subelements %add3A_106, 1 {pack_format = #tpu.pack_format<interleaved>} : vector<32xbf16> -> vector<16xf32>
      %mul3A_109 = arith.constant 32 : i32
      %mul3A_110 = arith.muli %add3A_93, %mul3A_109 : i32
      %swap3A_111 = arith.index_cast %mul3A_110 : i32 to index
      %swap3A_112 = tpu.vector_load %arg11[%swap3A_111] {strides = array<i32>} : memref<4096xf32, #tpu.memory_space<vmem>>, vector<16xf32>,
      tpu.vector_store %arg11[%swap3A_111], %unpack3A_107 {strides = array<i32>} : memref<4096xf32, #tpu.memory_space<vmem>>, vector<16xf32>,
      %mul3A_113 = arith.constant 32 : i32
      %mul3A_114 = arith.muli %add3A_93, %mul3A_113 : i32
      %add3A_115 = arith.constant 16 : i32
      %add3A_116 = arith.addi %mul3A_114, %add3A_115 : i32
      %swap3A_117 = arith.index_cast %add3A_116 : i32 to index
      %swap3A_118 = tpu.vector_load %arg11[%swap3A_117] {strides = array<i32>} : memref<4096xf32, #tpu.memory_space<vmem>>, vector<16xf32>,
      tpu.vector_store %arg11[%swap3A_117], %unpack3A_108 {strides = array<i32>} : memref<4096xf32, #tpu.memory_space<vmem>>, vector<16xf32>,
    }
    %scan3A_20 = arith.constant 64 : i32
    %mul3A_21 = arith.constant 128 : i32
    %mul3A_22 = arith.muli %add3A, %mul3A_21 : i32
    %mul3A_23 = arith.constant 32 : i32
    %mul3A_24 = arith.muli %mul3A_22, %mul3A_23 : i32
    "tpu.region"() ({
      %run_scoped3A = tpu.sem_alloc : memref<!tpu.dma_semaphore, #tpu.memory_space<semaphore_mem>>
      %dma_start3A_25 = tpu.memref_slice %arg4[%mul3A_24] : memref<131072xf32, #tpu.memory_space<hbm>> -> memref<4096xf32, #tpu.memory_space<hbm>>
      %dma_start3A_26 = tpu.memref_slice %arg4[%mul3A_24] : memref<131072xf32, #tpu.memory_space<hbm>> -> memref<4096xf32, #tpu.memory_space<hbm>>
      tpu.enqueue_dma source(%arg11 : memref<4096xf32, #tpu.memory_space<vmem>>) target(%dma_start3A_26 : memref<4096xf32, #tpu.memory_space<hbm>>) target_semaphore(%run_scoped3A : memref<!tpu.dma_semaphore, #tpu.memory_space<semaphore_mem>>)
      %dma_wait3A = tpu.memref_slice %arg4[%mul3A_24] : memref<131072xf32, #tpu.memory_space<hbm>> -> memref<4096xf32, #tpu.memory_space<hbm>>
      %dma_wait3A_27 = tpu.memref_slice %arg4[%mul3A_24] : memref<131072xf32, #tpu.memory_space<hbm>> -> memref<4096xf32, #tpu.memory_space<hbm>>
      tpu.wait_dma2 semaphore(%run_scoped3A : memref<!tpu.dma_semaphore, #tpu.memory_space<semaphore_mem>>) src(%arg11 : memref<4096xf32, #tpu.memory_space<vmem>>) dst(%dma_wait3A_27 : memref<4096xf32, #tpu.memory_space<hbm>>)
      tpu.yield
    }) : () -> ()
    return
  }
}

#map = affine_map<(d0, d1) -> (0, 0)>
#map1 = affine_map<(d0, d1) -> (0)>
module attributes {stable_mosaic.version = 14 : i64} {
  func.func @detile(%arg0: i32, %arg1: i32, %arg2: memref<32x1000000xf32, #tpu.memory_space<hbm>>, %arg3: memref<2048xf32, #tpu.memory_space<hbm>>, %arg4: memref<16000000xi32, #tpu.memory_space<hbm>>, %arg5: memref<32x512xf32, #tpu.memory_space<vmem>>, %arg6: memref<32x512xf32, #tpu.memory_space<vmem>>, %arg7: memref<8192xi32, #tpu.memory_space<vmem>>, %arg8: memref<8192xi32, #tpu.memory_space<vmem>>, %arg9: memref<16896xf32, #tpu.memory_space<vmem>>, %arg10: memref<2048xf32, #tpu.memory_space<vmem>>, %arg11: memref<1024xi32, #tpu.memory_space<vmem>>, %arg12: memref<!tpu.dma_semaphore, #tpu.memory_space<semaphore_mem>>, %arg13: memref<!tpu.dma_semaphore, #tpu.memory_space<semaphore_mem>>, %arg14: memref<!tpu.dma_semaphore, #tpu.memory_space<semaphore_mem>>, %arg15: memref<!tpu.dma_semaphore, #tpu.memory_space<semaphore_mem>>) attributes {dimension_semantics = [#tpu.dimension_semantics<core_parallel>, #tpu.dimension_semantics<subcore_parallel>], iteration_bounds = array<i64: 2, 16>, scalar_prefetch = 0 : i64, scratch_operands = 11 : i64, tpu.core_type = #tpu.core_type<sc_vector_subcore>, window_params = [{transform_indices = #map}, {transform_indices = #map1}, {transform_indices = #map1}]} {
    %mul3A = arith.constant 2 : i32
    %mul3A_0 = arith.muli %arg1, %mul3A : i32
    %add3A = arith.addi %mul3A_0, %arg0 : i32
    %iota3A = tpu.iota {dimensions = array<i32: 0>} : vector<16xi32>
    %mul3A_1 = arith.constant 33 : i32
    %mul3A_2 = vector.broadcast %mul3A_1 : i32 to vector<16xi32>
    %mul3A_3 = arith.muli %iota3A, %mul3A_2 : vector<16xi32>
    %add3A_4 = arith.constant 0 : i32
    %add3A_5 = arith.addi %add3A_4, %add3A : i32
    %min3A = arith.constant 1952 : i32
    %min3A_6 = arith.minsi %add3A_5, %min3A : i32
    %mul3A_7 = arith.constant 512 : i32
    %mul3A_8 = arith.muli %min3A_6, %mul3A_7 : i32
    %dma_start3A = arith.constant 0 : i32
    %dma_start3A_9 = tpu.memref_slice %arg2[%dma_start3A, %mul3A_8] : memref<32x1000000xf32, #tpu.memory_space<hbm>> -> memref<32x512xf32, #tpu.memory_space<hbm>>
    %dma_start3A_10 = arith.constant 0 : i32
    %dma_start3A_11 = tpu.memref_slice %arg2[%dma_start3A_10, %mul3A_8] : memref<32x1000000xf32, #tpu.memory_space<hbm>> -> memref<32x512xf32, #tpu.memory_space<hbm>>
    tpu.enqueue_dma source(%dma_start3A_11 : memref<32x512xf32, #tpu.memory_space<hbm>>) target(%arg5 : memref<32x512xf32, #tpu.memory_space<vmem>>) target_semaphore(%arg12 : memref<!tpu.dma_semaphore, #tpu.memory_space<semaphore_mem>>)
    %add3A_12 = arith.constant 32 : i32
    %add3A_13 = arith.addi %add3A_12, %add3A : i32
    %min3A_14 = arith.constant 1952 : i32
    %min3A_15 = arith.minsi %add3A_13, %min3A_14 : i32
    %mul3A_16 = arith.constant 512 : i32
    %mul3A_17 = arith.muli %min3A_15, %mul3A_16 : i32
    %dma_start3A_18 = arith.constant 0 : i32
    %dma_start3A_19 = tpu.memref_slice %arg2[%dma_start3A_18, %mul3A_17] : memref<32x1000000xf32, #tpu.memory_space<hbm>> -> memref<32x512xf32, #tpu.memory_space<hbm>>
    %dma_start3A_20 = arith.constant 0 : i32
    %dma_start3A_21 = tpu.memref_slice %arg2[%dma_start3A_20, %mul3A_17] : memref<32x1000000xf32, #tpu.memory_space<hbm>> -> memref<32x512xf32, #tpu.memory_space<hbm>>
    tpu.enqueue_dma source(%dma_start3A_21 : memref<32x512xf32, #tpu.memory_space<hbm>>) target(%arg6 : memref<32x512xf32, #tpu.memory_space<vmem>>) target_semaphore(%arg13 : memref<!tpu.dma_semaphore, #tpu.memory_space<semaphore_mem>>)
    %scan3A = arith.constant 0 : i32
    %scan3A_22 = arith.constant 0 : i32
    %scan3A_23 = arith.constant 31 : i32
    %scan3A_24 = arith.addi %scan3A_22, %scan3A_23 : i32
    %scan3A_25 = arith.constant 1 : i32
    scf.for %scan3A_48 = %scan3A_22 to %scan3A_24 step %scan3A_25  : i32 {
      %mul3A_49 = arith.constant 2 : i32
      %mul3A_50 = arith.muli %mul3A_49, %scan3A_48 : i32
      %dma_wait3A_51 = arith.constant 0 : i32
      %dma_wait3A_52 = arith.constant 0 : i32
      %dma_wait3A_53 = tpu.memref_slice %arg2[%dma_wait3A_51, %dma_wait3A_52] : memref<32x1000000xf32, #tpu.memory_space<hbm>> -> memref<32x512xf32, #tpu.memory_space<hbm>>
      %dma_wait3A_54 = arith.constant 0 : i32
      %dma_wait3A_55 = arith.constant 0 : i32
      %dma_wait3A_56 = tpu.memref_slice %arg2[%dma_wait3A_54, %dma_wait3A_55] : memref<32x1000000xf32, #tpu.memory_space<hbm>> -> memref<32x512xf32, #tpu.memory_space<hbm>>
      tpu.wait_dma2 semaphore(%arg12 : memref<!tpu.dma_semaphore, #tpu.memory_space<semaphore_mem>>) src(%dma_wait3A_56 : memref<32x512xf32, #tpu.memory_space<hbm>>) dst(%arg5 : memref<32x512xf32, #tpu.memory_space<vmem>>)
      %gt3A = arith.constant 0 : i32
      %gt3A_57 = arith.cmpi sgt, %scan3A_48, %gt3A : i32
      %convert_element_type3A_58 = arith.extui %gt3A_57 : i1 to i32
      %cond3A_59 = arith.constant 0 : i32
      %cond3A_60 = arith.cmpi ne, %convert_element_type3A_58, %cond3A_59 : i32
      scf.if %cond3A_60 {
        %dma_wait3A_130 = arith.constant 0 : i32
        %dma_wait3A_131 = tpu.memref_slice %arg4[%dma_wait3A_130] : memref<16000000xi32, #tpu.memory_space<hbm>> -> memref<8192xi32, #tpu.memory_space<hbm>>
        %dma_wait3A_132 = arith.constant 0 : i32
        %dma_wait3A_133 = tpu.memref_slice %arg4[%dma_wait3A_132] : memref<16000000xi32, #tpu.memory_space<hbm>> -> memref<8192xi32, #tpu.memory_space<hbm>>
        tpu.wait_dma2 semaphore(%arg14 : memref<!tpu.dma_semaphore, #tpu.memory_space<semaphore_mem>>) src(%arg7 : memref<8192xi32, #tpu.memory_space<vmem>>) dst(%dma_wait3A_133 : memref<8192xi32, #tpu.memory_space<hbm>>)
      } else {
      }
      %parallel_loop3A = arith.constant 0 : i32
      %parallel_loop3A_61 = arith.constant 32 : i32
      %parallel_loop3A_62 = arith.constant 1 : i32
      scf.for %parallel_loop3A_130 = %parallel_loop3A to %parallel_loop3A_61 step %parallel_loop3A_62  : i32 {
        %parallel_loop3A_131 = arith.index_cast %parallel_loop3A_130 : i32 to index
        %parallel_loop3A_132 = arith.constant 0 : index
        %parallel_loop3A_133 = tpu.vector_load %arg5[%parallel_loop3A_131, %parallel_loop3A_132] {strides = array<i32>} : memref<32x512xf32, #tpu.memory_space<vmem>>, vector<16xf32>,
        %parallel_loop3A_134 = arith.constant 0 : i32
        %parallel_loop3A_135 = vector.broadcast %parallel_loop3A_134 : i32 to vector<16xi32>
        %parallel_loop3A_136 = arith.addi %mul3A_3, %parallel_loop3A_135 : vector<16xi32>
        %parallel_loop3A_137 = vector.broadcast %parallel_loop3A_130 : i32 to vector<16xi32>
        %parallel_loop3A_138 = arith.addi %parallel_loop3A_136, %parallel_loop3A_137 : vector<16xi32>
        tpu.vector_store_idx %arg9[%parallel_loop3A_138], %parallel_loop3A_133 : memref<16896xf32, #tpu.memory_space<vmem>>[vector<16xi32>], vector<16xf32>,
        %parallel_loop3A_139 = arith.index_cast %parallel_loop3A_130 : i32 to index
        %parallel_loop3A_140 = arith.constant 16 : index
        %parallel_loop3A_141 = tpu.vector_load %arg5[%parallel_loop3A_139, %parallel_loop3A_140] {strides = array<i32>} : memref<32x512xf32, #tpu.memory_space<vmem>>, vector<16xf32>,
        %parallel_loop3A_142 = arith.constant 528 : i32
        %parallel_loop3A_143 = vector.broadcast %parallel_loop3A_142 : i32 to vector<16xi32>
        %parallel_loop3A_144 = arith.addi %mul3A_3, %parallel_loop3A_143 : vector<16xi32>
        %parallel_loop3A_145 = vector.broadcast %parallel_loop3A_130 : i32 to vector<16xi32>
        %parallel_loop3A_146 = arith.addi %parallel_loop3A_144, %parallel_loop3A_145 : vector<16xi32>
        tpu.vector_store_idx %arg9[%parallel_loop3A_146], %parallel_loop3A_141 : memref<16896xf32, #tpu.memory_space<vmem>>[vector<16xi32>], vector<16xf32>,
        %parallel_loop3A_147 = arith.index_cast %parallel_loop3A_130 : i32 to index
        %parallel_loop3A_148 = arith.constant 32 : index
        %parallel_loop3A_149 = tpu.vector_load %arg5[%parallel_loop3A_147, %parallel_loop3A_148] {strides = array<i32>} : memref<32x512xf32, #tpu.memory_space<vmem>>, vector<16xf32>,
        %parallel_loop3A_150 = arith.constant 1056 : i32
        %parallel_loop3A_151 = vector.broadcast %parallel_loop3A_150 : i32 to vector<16xi32>
        %parallel_loop3A_152 = arith.addi %mul3A_3, %parallel_loop3A_151 : vector<16xi32>
        %parallel_loop3A_153 = vector.broadcast %parallel_loop3A_130 : i32 to vector<16xi32>
        %parallel_loop3A_154 = arith.addi %parallel_loop3A_152, %parallel_loop3A_153 : vector<16xi32>
        tpu.vector_store_idx %arg9[%parallel_loop3A_154], %parallel_loop3A_149 : memref<16896xf32, #tpu.memory_space<vmem>>[vector<16xi32>], vector<16xf32>,
        %parallel_loop3A_155 = arith.index_cast %parallel_loop3A_130 : i32 to index
        %parallel_loop3A_156 = arith.constant 48 : index
        %parallel_loop3A_157 = tpu.vector_load %arg5[%parallel_loop3A_155, %parallel_loop3A_156] {strides = array<i32>} : memref<32x512xf32, #tpu.memory_space<vmem>>, vector<16xf32>,
        %parallel_loop3A_158 = arith.constant 1584 : i32
        %parallel_loop3A_159 = vector.broadcast %parallel_loop3A_158 : i32 to vector<16xi32>
        %parallel_loop3A_160 = arith.addi %mul3A_3, %parallel_loop3A_159 : vector<16xi32>
        %parallel_loop3A_161 = vector.broadcast %parallel_loop3A_130 : i32 to vector<16xi32>
        %parallel_loop3A_162 = arith.addi %parallel_loop3A_160, %parallel_loop3A_161 : vector<16xi32>
        tpu.vector_store_idx %arg9[%parallel_loop3A_162], %parallel_loop3A_157 : memref<16896xf32, #tpu.memory_space<vmem>>[vector<16xi32>], vector<16xf32>,
        %parallel_loop3A_163 = arith.index_cast %parallel_loop3A_130 : i32 to index
        %parallel_loop3A_164 = arith.constant 64 : index
        %parallel_loop3A_165 = tpu.vector_load %arg5[%parallel_loop3A_163, %parallel_loop3A_164] {strides = array<i32>} : memref<32x512xf32, #tpu.memory_space<vmem>>, vector<16xf32>,
        %parallel_loop3A_166 = arith.constant 2112 : i32
        %parallel_loop3A_167 = vector.broadcast %parallel_loop3A_166 : i32 to vector<16xi32>
        %parallel_loop3A_168 = arith.addi %mul3A_3, %parallel_loop3A_167 : vector<16xi32>
        %parallel_loop3A_169 = vector.broadcast %parallel_loop3A_130 : i32 to vector<16xi32>
        %parallel_loop3A_170 = arith.addi %parallel_loop3A_168, %parallel_loop3A_169 : vector<16xi32>
        tpu.vector_store_idx %arg9[%parallel_loop3A_170], %parallel_loop3A_165 : memref<16896xf32, #tpu.memory_space<vmem>>[vector<16xi32>], vector<16xf32>,
        %parallel_loop3A_171 = arith.index_cast %parallel_loop3A_130 : i32 to index
        %parallel_loop3A_172 = arith.constant 80 : index
        %parallel_loop3A_173 = tpu.vector_load %arg5[%parallel_loop3A_171, %parallel_loop3A_172] {strides = array<i32>} : memref<32x512xf32, #tpu.memory_space<vmem>>, vector<16xf32>,
        %parallel_loop3A_174 = arith.constant 2640 : i32
        %parallel_loop3A_175 = vector.broadcast %parallel_loop3A_174 : i32 to vector<16xi32>
        %parallel_loop3A_176 = arith.addi %mul3A_3, %parallel_loop3A_175 : vector<16xi32>
        %parallel_loop3A_177 = vector.broadcast %parallel_loop3A_130 : i32 to vector<16xi32>
        %parallel_loop3A_178 = arith.addi %parallel_loop3A_176, %parallel_loop3A_177 : vector<16xi32>
        tpu.vector_store_idx %arg9[%parallel_loop3A_178], %parallel_loop3A_173 : memref<16896xf32, #tpu.memory_space<vmem>>[vector<16xi32>], vector<16xf32>,
        %parallel_loop3A_179 = arith.index_cast %parallel_loop3A_130 : i32 to index
        %parallel_loop3A_180 = arith.constant 96 : index
        %parallel_loop3A_181 = tpu.vector_load %arg5[%parallel_loop3A_179, %parallel_loop3A_180] {strides = array<i32>} : memref<32x512xf32, #tpu.memory_space<vmem>>, vector<16xf32>,
        %parallel_loop3A_182 = arith.constant 3168 : i32
        %parallel_loop3A_183 = vector.broadcast %parallel_loop3A_182 : i32 to vector<16xi32>
        %parallel_loop3A_184 = arith.addi %mul3A_3, %parallel_loop3A_183 : vector<16xi32>
        %parallel_loop3A_185 = vector.broadcast %parallel_loop3A_130 : i32 to vector<16xi32>
        %parallel_loop3A_186 = arith.addi %parallel_loop3A_184, %parallel_loop3A_185 : vector<16xi32>
        tpu.vector_store_idx %arg9[%parallel_loop3A_186], %parallel_loop3A_181 : memref<16896xf32, #tpu.memory_space<vmem>>[vector<16xi32>], vector<16xf32>,
        %parallel_loop3A_187 = arith.index_cast %parallel_loop3A_130 : i32 to index
        %parallel_loop3A_188 = arith.constant 112 : index
        %parallel_loop3A_189 = tpu.vector_load %arg5[%parallel_loop3A_187, %parallel_loop3A_188] {strides = array<i32>} : memref<32x512xf32, #tpu.memory_space<vmem>>, vector<16xf32>,
        %parallel_loop3A_190 = arith.constant 3696 : i32
        %parallel_loop3A_191 = vector.broadcast %parallel_loop3A_190 : i32 to vector<16xi32>
        %parallel_loop3A_192 = arith.addi %mul3A_3, %parallel_loop3A_191 : vector<16xi32>
        %parallel_loop3A_193 = vector.broadcast %parallel_loop3A_130 : i32 to vector<16xi32>
        %parallel_loop3A_194 = arith.addi %parallel_loop3A_192, %parallel_loop3A_193 : vector<16xi32>
        tpu.vector_store_idx %arg9[%parallel_loop3A_194], %parallel_loop3A_189 : memref<16896xf32, #tpu.memory_space<vmem>>[vector<16xi32>], vector<16xf32>,
        %parallel_loop3A_195 = arith.index_cast %parallel_loop3A_130 : i32 to index
        %parallel_loop3A_196 = arith.constant 128 : index
        %parallel_loop3A_197 = tpu.vector_load %arg5[%parallel_loop3A_195, %parallel_loop3A_196] {strides = array<i32>} : memref<32x512xf32, #tpu.memory_space<vmem>>, vector<16xf32>,
        %parallel_loop3A_198 = arith.constant 4224 : i32
        %parallel_loop3A_199 = vector.broadcast %parallel_loop3A_198 : i32 to vector<16xi32>
        %parallel_loop3A_200 = arith.addi %mul3A_3, %parallel_loop3A_199 : vector<16xi32>
        %parallel_loop3A_201 = vector.broadcast %parallel_loop3A_130 : i32 to vector<16xi32>
        %parallel_loop3A_202 = arith.addi %parallel_loop3A_200, %parallel_loop3A_201 : vector<16xi32>
        tpu.vector_store_idx %arg9[%parallel_loop3A_202], %parallel_loop3A_197 : memref<16896xf32, #tpu.memory_space<vmem>>[vector<16xi32>], vector<16xf32>,
        %parallel_loop3A_203 = arith.index_cast %parallel_loop3A_130 : i32 to index
        %parallel_loop3A_204 = arith.constant 144 : index
        %parallel_loop3A_205 = tpu.vector_load %arg5[%parallel_loop3A_203, %parallel_loop3A_204] {strides = array<i32>} : memref<32x512xf32, #tpu.memory_space<vmem>>, vector<16xf32>,
        %parallel_loop3A_206 = arith.constant 4752 : i32
        %parallel_loop3A_207 = vector.broadcast %parallel_loop3A_206 : i32 to vector<16xi32>
        %parallel_loop3A_208 = arith.addi %mul3A_3, %parallel_loop3A_207 : vector<16xi32>
        %parallel_loop3A_209 = vector.broadcast %parallel_loop3A_130 : i32 to vector<16xi32>
        %parallel_loop3A_210 = arith.addi %parallel_loop3A_208, %parallel_loop3A_209 : vector<16xi32>
        tpu.vector_store_idx %arg9[%parallel_loop3A_210], %parallel_loop3A_205 : memref<16896xf32, #tpu.memory_space<vmem>>[vector<16xi32>], vector<16xf32>,
        %parallel_loop3A_211 = arith.index_cast %parallel_loop3A_130 : i32 to index
        %parallel_loop3A_212 = arith.constant 160 : index
        %parallel_loop3A_213 = tpu.vector_load %arg5[%parallel_loop3A_211, %parallel_loop3A_212] {strides = array<i32>} : memref<32x512xf32, #tpu.memory_space<vmem>>, vector<16xf32>,
        %parallel_loop3A_214 = arith.constant 5280 : i32
        %parallel_loop3A_215 = vector.broadcast %parallel_loop3A_214 : i32 to vector<16xi32>
        %parallel_loop3A_216 = arith.addi %mul3A_3, %parallel_loop3A_215 : vector<16xi32>
        %parallel_loop3A_217 = vector.broadcast %parallel_loop3A_130 : i32 to vector<16xi32>
        %parallel_loop3A_218 = arith.addi %parallel_loop3A_216, %parallel_loop3A_217 : vector<16xi32>
        tpu.vector_store_idx %arg9[%parallel_loop3A_218], %parallel_loop3A_213 : memref<16896xf32, #tpu.memory_space<vmem>>[vector<16xi32>], vector<16xf32>,
        %parallel_loop3A_219 = arith.index_cast %parallel_loop3A_130 : i32 to index
        %parallel_loop3A_220 = arith.constant 176 : index
        %parallel_loop3A_221 = tpu.vector_load %arg5[%parallel_loop3A_219, %parallel_loop3A_220] {strides = array<i32>} : memref<32x512xf32, #tpu.memory_space<vmem>>, vector<16xf32>,
        %parallel_loop3A_222 = arith.constant 5808 : i32
        %parallel_loop3A_223 = vector.broadcast %parallel_loop3A_222 : i32 to vector<16xi32>
        %parallel_loop3A_224 = arith.addi %mul3A_3, %parallel_loop3A_223 : vector<16xi32>
        %parallel_loop3A_225 = vector.broadcast %parallel_loop3A_130 : i32 to vector<16xi32>
        %parallel_loop3A_226 = arith.addi %parallel_loop3A_224, %parallel_loop3A_225 : vector<16xi32>
        tpu.vector_store_idx %arg9[%parallel_loop3A_226], %parallel_loop3A_221 : memref<16896xf32, #tpu.memory_space<vmem>>[vector<16xi32>], vector<16xf32>,
        %parallel_loop3A_227 = arith.index_cast %parallel_loop3A_130 : i32 to index
        %parallel_loop3A_228 = arith.constant 192 : index
        %parallel_loop3A_229 = tpu.vector_load %arg5[%parallel_loop3A_227, %parallel_loop3A_228] {strides = array<i32>} : memref<32x512xf32, #tpu.memory_space<vmem>>, vector<16xf32>,
        %parallel_loop3A_230 = arith.constant 6336 : i32
        %parallel_loop3A_231 = vector.broadcast %parallel_loop3A_230 : i32 to vector<16xi32>
        %parallel_loop3A_232 = arith.addi %mul3A_3, %parallel_loop3A_231 : vector<16xi32>
        %parallel_loop3A_233 = vector.broadcast %parallel_loop3A_130 : i32 to vector<16xi32>
        %parallel_loop3A_234 = arith.addi %parallel_loop3A_232, %parallel_loop3A_233 : vector<16xi32>
        tpu.vector_store_idx %arg9[%parallel_loop3A_234], %parallel_loop3A_229 : memref<16896xf32, #tpu.memory_space<vmem>>[vector<16xi32>], vector<16xf32>,
        %parallel_loop3A_235 = arith.index_cast %parallel_loop3A_130 : i32 to index
        %parallel_loop3A_236 = arith.constant 208 : index
        %parallel_loop3A_237 = tpu.vector_load %arg5[%parallel_loop3A_235, %parallel_loop3A_236] {strides = array<i32>} : memref<32x512xf32, #tpu.memory_space<vmem>>, vector<16xf32>,
        %parallel_loop3A_238 = arith.constant 6864 : i32
        %parallel_loop3A_239 = vector.broadcast %parallel_loop3A_238 : i32 to vector<16xi32>
        %parallel_loop3A_240 = arith.addi %mul3A_3, %parallel_loop3A_239 : vector<16xi32>
        %parallel_loop3A_241 = vector.broadcast %parallel_loop3A_130 : i32 to vector<16xi32>
        %parallel_loop3A_242 = arith.addi %parallel_loop3A_240, %parallel_loop3A_241 : vector<16xi32>
        tpu.vector_store_idx %arg9[%parallel_loop3A_242], %parallel_loop3A_237 : memref<16896xf32, #tpu.memory_space<vmem>>[vector<16xi32>], vector<16xf32>,
        %parallel_loop3A_243 = arith.index_cast %parallel_loop3A_130 : i32 to index
        %parallel_loop3A_244 = arith.constant 224 : index
        %parallel_loop3A_245 = tpu.vector_load %arg5[%parallel_loop3A_243, %parallel_loop3A_244] {strides = array<i32>} : memref<32x512xf32, #tpu.memory_space<vmem>>, vector<16xf32>,
        %parallel_loop3A_246 = arith.constant 7392 : i32
        %parallel_loop3A_247 = vector.broadcast %parallel_loop3A_246 : i32 to vector<16xi32>
        %parallel_loop3A_248 = arith.addi %mul3A_3, %parallel_loop3A_247 : vector<16xi32>
        %parallel_loop3A_249 = vector.broadcast %parallel_loop3A_130 : i32 to vector<16xi32>
        %parallel_loop3A_250 = arith.addi %parallel_loop3A_248, %parallel_loop3A_249 : vector<16xi32>
        tpu.vector_store_idx %arg9[%parallel_loop3A_250], %parallel_loop3A_245 : memref<16896xf32, #tpu.memory_space<vmem>>[vector<16xi32>], vector<16xf32>,
        %parallel_loop3A_251 = arith.index_cast %parallel_loop3A_130 : i32 to index
        %parallel_loop3A_252 = arith.constant 240 : index
        %parallel_loop3A_253 = tpu.vector_load %arg5[%parallel_loop3A_251, %parallel_loop3A_252] {strides = array<i32>} : memref<32x512xf32, #tpu.memory_space<vmem>>, vector<16xf32>,
        %parallel_loop3A_254 = arith.constant 7920 : i32
        %parallel_loop3A_255 = vector.broadcast %parallel_loop3A_254 : i32 to vector<16xi32>
        %parallel_loop3A_256 = arith.addi %mul3A_3, %parallel_loop3A_255 : vector<16xi32>
        %parallel_loop3A_257 = vector.broadcast %parallel_loop3A_130 : i32 to vector<16xi32>
        %parallel_loop3A_258 = arith.addi %parallel_loop3A_256, %parallel_loop3A_257 : vector<16xi32>
        tpu.vector_store_idx %arg9[%parallel_loop3A_258], %parallel_loop3A_253 : memref<16896xf32, #tpu.memory_space<vmem>>[vector<16xi32>], vector<16xf32>,
        %parallel_loop3A_259 = arith.index_cast %parallel_loop3A_130 : i32 to index
        %parallel_loop3A_260 = arith.constant 256 : index
        %parallel_loop3A_261 = tpu.vector_load %arg5[%parallel_loop3A_259, %parallel_loop3A_260] {strides = array<i32>} : memref<32x512xf32, #tpu.memory_space<vmem>>, vector<16xf32>,
        %parallel_loop3A_262 = arith.constant 8448 : i32
        %parallel_loop3A_263 = vector.broadcast %parallel_loop3A_262 : i32 to vector<16xi32>
        %parallel_loop3A_264 = arith.addi %mul3A_3, %parallel_loop3A_263 : vector<16xi32>
        %parallel_loop3A_265 = vector.broadcast %parallel_loop3A_130 : i32 to vector<16xi32>
        %parallel_loop3A_266 = arith.addi %parallel_loop3A_264, %parallel_loop3A_265 : vector<16xi32>
        tpu.vector_store_idx %arg9[%parallel_loop3A_266], %parallel_loop3A_261 : memref<16896xf32, #tpu.memory_space<vmem>>[vector<16xi32>], vector<16xf32>,
        %parallel_loop3A_267 = arith.index_cast %parallel_loop3A_130 : i32 to index
        %parallel_loop3A_268 = arith.constant 272 : index
        %parallel_loop3A_269 = tpu.vector_load %arg5[%parallel_loop3A_267, %parallel_loop3A_268] {strides = array<i32>} : memref<32x512xf32, #tpu.memory_space<vmem>>, vector<16xf32>,
        %parallel_loop3A_270 = arith.constant 8976 : i32
        %parallel_loop3A_271 = vector.broadcast %parallel_loop3A_270 : i32 to vector<16xi32>
        %parallel_loop3A_272 = arith.addi %mul3A_3, %parallel_loop3A_271 : vector<16xi32>
        %parallel_loop3A_273 = vector.broadcast %parallel_loop3A_130 : i32 to vector<16xi32>
        %parallel_loop3A_274 = arith.addi %parallel_loop3A_272, %parallel_loop3A_273 : vector<16xi32>
        tpu.vector_store_idx %arg9[%parallel_loop3A_274], %parallel_loop3A_269 : memref<16896xf32, #tpu.memory_space<vmem>>[vector<16xi32>], vector<16xf32>,
        %parallel_loop3A_275 = arith.index_cast %parallel_loop3A_130 : i32 to index
        %parallel_loop3A_276 = arith.constant 288 : index
        %parallel_loop3A_277 = tpu.vector_load %arg5[%parallel_loop3A_275, %parallel_loop3A_276] {strides = array<i32>} : memref<32x512xf32, #tpu.memory_space<vmem>>, vector<16xf32>,
        %parallel_loop3A_278 = arith.constant 9504 : i32
        %parallel_loop3A_279 = vector.broadcast %parallel_loop3A_278 : i32 to vector<16xi32>
        %parallel_loop3A_280 = arith.addi %mul3A_3, %parallel_loop3A_279 : vector<16xi32>
        %parallel_loop3A_281 = vector.broadcast %parallel_loop3A_130 : i32 to vector<16xi32>
        %parallel_loop3A_282 = arith.addi %parallel_loop3A_280, %parallel_loop3A_281 : vector<16xi32>
        tpu.vector_store_idx %arg9[%parallel_loop3A_282], %parallel_loop3A_277 : memref<16896xf32, #tpu.memory_space<vmem>>[vector<16xi32>], vector<16xf32>,
        %parallel_loop3A_283 = arith.index_cast %parallel_loop3A_130 : i32 to index
        %parallel_loop3A_284 = arith.constant 304 : index
        %parallel_loop3A_285 = tpu.vector_load %arg5[%parallel_loop3A_283, %parallel_loop3A_284] {strides = array<i32>} : memref<32x512xf32, #tpu.memory_space<vmem>>, vector<16xf32>,
        %parallel_loop3A_286 = arith.constant 10032 : i32
        %parallel_loop3A_287 = vector.broadcast %parallel_loop3A_286 : i32 to vector<16xi32>
        %parallel_loop3A_288 = arith.addi %mul3A_3, %parallel_loop3A_287 : vector<16xi32>
        %parallel_loop3A_289 = vector.broadcast %parallel_loop3A_130 : i32 to vector<16xi32>
        %parallel_loop3A_290 = arith.addi %parallel_loop3A_288, %parallel_loop3A_289 : vector<16xi32>
        tpu.vector_store_idx %arg9[%parallel_loop3A_290], %parallel_loop3A_285 : memref<16896xf32, #tpu.memory_space<vmem>>[vector<16xi32>], vector<16xf32>,
        %parallel_loop3A_291 = arith.index_cast %parallel_loop3A_130 : i32 to index
        %parallel_loop3A_292 = arith.constant 320 : index
        %parallel_loop3A_293 = tpu.vector_load %arg5[%parallel_loop3A_291, %parallel_loop3A_292] {strides = array<i32>} : memref<32x512xf32, #tpu.memory_space<vmem>>, vector<16xf32>,
        %parallel_loop3A_294 = arith.constant 10560 : i32
        %parallel_loop3A_295 = vector.broadcast %parallel_loop3A_294 : i32 to vector<16xi32>
        %parallel_loop3A_296 = arith.addi %mul3A_3, %parallel_loop3A_295 : vector<16xi32>
        %parallel_loop3A_297 = vector.broadcast %parallel_loop3A_130 : i32 to vector<16xi32>
        %parallel_loop3A_298 = arith.addi %parallel_loop3A_296, %parallel_loop3A_297 : vector<16xi32>
        tpu.vector_store_idx %arg9[%parallel_loop3A_298], %parallel_loop3A_293 : memref<16896xf32, #tpu.memory_space<vmem>>[vector<16xi32>], vector<16xf32>,
        %parallel_loop3A_299 = arith.index_cast %parallel_loop3A_130 : i32 to index
        %parallel_loop3A_300 = arith.constant 336 : index
        %parallel_loop3A_301 = tpu.vector_load %arg5[%parallel_loop3A_299, %parallel_loop3A_300] {strides = array<i32>} : memref<32x512xf32, #tpu.memory_space<vmem>>, vector<16xf32>,
        %parallel_loop3A_302 = arith.constant 11088 : i32
        %parallel_loop3A_303 = vector.broadcast %parallel_loop3A_302 : i32 to vector<16xi32>
        %parallel_loop3A_304 = arith.addi %mul3A_3, %parallel_loop3A_303 : vector<16xi32>
        %parallel_loop3A_305 = vector.broadcast %parallel_loop3A_130 : i32 to vector<16xi32>
        %parallel_loop3A_306 = arith.addi %parallel_loop3A_304, %parallel_loop3A_305 : vector<16xi32>
        tpu.vector_store_idx %arg9[%parallel_loop3A_306], %parallel_loop3A_301 : memref<16896xf32, #tpu.memory_space<vmem>>[vector<16xi32>], vector<16xf32>,
        %parallel_loop3A_307 = arith.index_cast %parallel_loop3A_130 : i32 to index
        %parallel_loop3A_308 = arith.constant 352 : index
        %parallel_loop3A_309 = tpu.vector_load %arg5[%parallel_loop3A_307, %parallel_loop3A_308] {strides = array<i32>} : memref<32x512xf32, #tpu.memory_space<vmem>>, vector<16xf32>,
        %parallel_loop3A_310 = arith.constant 11616 : i32
        %parallel_loop3A_311 = vector.broadcast %parallel_loop3A_310 : i32 to vector<16xi32>
        %parallel_loop3A_312 = arith.addi %mul3A_3, %parallel_loop3A_311 : vector<16xi32>
        %parallel_loop3A_313 = vector.broadcast %parallel_loop3A_130 : i32 to vector<16xi32>
        %parallel_loop3A_314 = arith.addi %parallel_loop3A_312, %parallel_loop3A_313 : vector<16xi32>
        tpu.vector_store_idx %arg9[%parallel_loop3A_314], %parallel_loop3A_309 : memref<16896xf32, #tpu.memory_space<vmem>>[vector<16xi32>], vector<16xf32>,
        %parallel_loop3A_315 = arith.index_cast %parallel_loop3A_130 : i32 to index
        %parallel_loop3A_316 = arith.constant 368 : index
        %parallel_loop3A_317 = tpu.vector_load %arg5[%parallel_loop3A_315, %parallel_loop3A_316] {strides = array<i32>} : memref<32x512xf32, #tpu.memory_space<vmem>>, vector<16xf32>,
        %parallel_loop3A_318 = arith.constant 12144 : i32
        %parallel_loop3A_319 = vector.broadcast %parallel_loop3A_318 : i32 to vector<16xi32>
        %parallel_loop3A_320 = arith.addi %mul3A_3, %parallel_loop3A_319 : vector<16xi32>
        %parallel_loop3A_321 = vector.broadcast %parallel_loop3A_130 : i32 to vector<16xi32>
        %parallel_loop3A_322 = arith.addi %parallel_loop3A_320, %parallel_loop3A_321 : vector<16xi32>
        tpu.vector_store_idx %arg9[%parallel_loop3A_322], %parallel_loop3A_317 : memref<16896xf32, #tpu.memory_space<vmem>>[vector<16xi32>], vector<16xf32>,
        %parallel_loop3A_323 = arith.index_cast %parallel_loop3A_130 : i32 to index
        %parallel_loop3A_324 = arith.constant 384 : index
        %parallel_loop3A_325 = tpu.vector_load %arg5[%parallel_loop3A_323, %parallel_loop3A_324] {strides = array<i32>} : memref<32x512xf32, #tpu.memory_space<vmem>>, vector<16xf32>,
        %parallel_loop3A_326 = arith.constant 12672 : i32
        %parallel_loop3A_327 = vector.broadcast %parallel_loop3A_326 : i32 to vector<16xi32>
        %parallel_loop3A_328 = arith.addi %mul3A_3, %parallel_loop3A_327 : vector<16xi32>
        %parallel_loop3A_329 = vector.broadcast %parallel_loop3A_130 : i32 to vector<16xi32>
        %parallel_loop3A_330 = arith.addi %parallel_loop3A_328, %parallel_loop3A_329 : vector<16xi32>
        tpu.vector_store_idx %arg9[%parallel_loop3A_330], %parallel_loop3A_325 : memref<16896xf32, #tpu.memory_space<vmem>>[vector<16xi32>], vector<16xf32>,
        %parallel_loop3A_331 = arith.index_cast %parallel_loop3A_130 : i32 to index
        %parallel_loop3A_332 = arith.constant 400 : index
        %parallel_loop3A_333 = tpu.vector_load %arg5[%parallel_loop3A_331, %parallel_loop3A_332] {strides = array<i32>} : memref<32x512xf32, #tpu.memory_space<vmem>>, vector<16xf32>,
        %parallel_loop3A_334 = arith.constant 13200 : i32
        %parallel_loop3A_335 = vector.broadcast %parallel_loop3A_334 : i32 to vector<16xi32>
        %parallel_loop3A_336 = arith.addi %mul3A_3, %parallel_loop3A_335 : vector<16xi32>
        %parallel_loop3A_337 = vector.broadcast %parallel_loop3A_130 : i32 to vector<16xi32>
        %parallel_loop3A_338 = arith.addi %parallel_loop3A_336, %parallel_loop3A_337 : vector<16xi32>
        tpu.vector_store_idx %arg9[%parallel_loop3A_338], %parallel_loop3A_333 : memref<16896xf32, #tpu.memory_space<vmem>>[vector<16xi32>], vector<16xf32>,
        %parallel_loop3A_339 = arith.index_cast %parallel_loop3A_130 : i32 to index
        %parallel_loop3A_340 = arith.constant 416 : index
        %parallel_loop3A_341 = tpu.vector_load %arg5[%parallel_loop3A_339, %parallel_loop3A_340] {strides = array<i32>} : memref<32x512xf32, #tpu.memory_space<vmem>>, vector<16xf32>,
        %parallel_loop3A_342 = arith.constant 13728 : i32
        %parallel_loop3A_343 = vector.broadcast %parallel_loop3A_342 : i32 to vector<16xi32>
        %parallel_loop3A_344 = arith.addi %mul3A_3, %parallel_loop3A_343 : vector<16xi32>
        %parallel_loop3A_345 = vector.broadcast %parallel_loop3A_130 : i32 to vector<16xi32>
        %parallel_loop3A_346 = arith.addi %parallel_loop3A_344, %parallel_loop3A_345 : vector<16xi32>
        tpu.vector_store_idx %arg9[%parallel_loop3A_346], %parallel_loop3A_341 : memref<16896xf32, #tpu.memory_space<vmem>>[vector<16xi32>], vector<16xf32>,
        %parallel_loop3A_347 = arith.index_cast %parallel_loop3A_130 : i32 to index
        %parallel_loop3A_348 = arith.constant 432 : index
        %parallel_loop3A_349 = tpu.vector_load %arg5[%parallel_loop3A_347, %parallel_loop3A_348] {strides = array<i32>} : memref<32x512xf32, #tpu.memory_space<vmem>>, vector<16xf32>,
        %parallel_loop3A_350 = arith.constant 14256 : i32
        %parallel_loop3A_351 = vector.broadcast %parallel_loop3A_350 : i32 to vector<16xi32>
        %parallel_loop3A_352 = arith.addi %mul3A_3, %parallel_loop3A_351 : vector<16xi32>
        %parallel_loop3A_353 = vector.broadcast %parallel_loop3A_130 : i32 to vector<16xi32>
        %parallel_loop3A_354 = arith.addi %parallel_loop3A_352, %parallel_loop3A_353 : vector<16xi32>
        tpu.vector_store_idx %arg9[%parallel_loop3A_354], %parallel_loop3A_349 : memref<16896xf32, #tpu.memory_space<vmem>>[vector<16xi32>], vector<16xf32>,
        %parallel_loop3A_355 = arith.index_cast %parallel_loop3A_130 : i32 to index
        %parallel_loop3A_356 = arith.constant 448 : index
        %parallel_loop3A_357 = tpu.vector_load %arg5[%parallel_loop3A_355, %parallel_loop3A_356] {strides = array<i32>} : memref<32x512xf32, #tpu.memory_space<vmem>>, vector<16xf32>,
        %parallel_loop3A_358 = arith.constant 14784 : i32
        %parallel_loop3A_359 = vector.broadcast %parallel_loop3A_358 : i32 to vector<16xi32>
        %parallel_loop3A_360 = arith.addi %mul3A_3, %parallel_loop3A_359 : vector<16xi32>
        %parallel_loop3A_361 = vector.broadcast %parallel_loop3A_130 : i32 to vector<16xi32>
        %parallel_loop3A_362 = arith.addi %parallel_loop3A_360, %parallel_loop3A_361 : vector<16xi32>
        tpu.vector_store_idx %arg9[%parallel_loop3A_362], %parallel_loop3A_357 : memref<16896xf32, #tpu.memory_space<vmem>>[vector<16xi32>], vector<16xf32>,
        %parallel_loop3A_363 = arith.index_cast %parallel_loop3A_130 : i32 to index
        %parallel_loop3A_364 = arith.constant 464 : index
        %parallel_loop3A_365 = tpu.vector_load %arg5[%parallel_loop3A_363, %parallel_loop3A_364] {strides = array<i32>} : memref<32x512xf32, #tpu.memory_space<vmem>>, vector<16xf32>,
        %parallel_loop3A_366 = arith.constant 15312 : i32
        %parallel_loop3A_367 = vector.broadcast %parallel_loop3A_366 : i32 to vector<16xi32>
        %parallel_loop3A_368 = arith.addi %mul3A_3, %parallel_loop3A_367 : vector<16xi32>
        %parallel_loop3A_369 = vector.broadcast %parallel_loop3A_130 : i32 to vector<16xi32>
        %parallel_loop3A_370 = arith.addi %parallel_loop3A_368, %parallel_loop3A_369 : vector<16xi32>
        tpu.vector_store_idx %arg9[%parallel_loop3A_370], %parallel_loop3A_365 : memref<16896xf32, #tpu.memory_space<vmem>>[vector<16xi32>], vector<16xf32>,
        %parallel_loop3A_371 = arith.index_cast %parallel_loop3A_130 : i32 to index
        %parallel_loop3A_372 = arith.constant 480 : index
        %parallel_loop3A_373 = tpu.vector_load %arg5[%parallel_loop3A_371, %parallel_loop3A_372] {strides = array<i32>} : memref<32x512xf32, #tpu.memory_space<vmem>>, vector<16xf32>,
        %parallel_loop3A_374 = arith.constant 15840 : i32
        %parallel_loop3A_375 = vector.broadcast %parallel_loop3A_374 : i32 to vector<16xi32>
        %parallel_loop3A_376 = arith.addi %mul3A_3, %parallel_loop3A_375 : vector<16xi32>
        %parallel_loop3A_377 = vector.broadcast %parallel_loop3A_130 : i32 to vector<16xi32>
        %parallel_loop3A_378 = arith.addi %parallel_loop3A_376, %parallel_loop3A_377 : vector<16xi32>
        tpu.vector_store_idx %arg9[%parallel_loop3A_378], %parallel_loop3A_373 : memref<16896xf32, #tpu.memory_space<vmem>>[vector<16xi32>], vector<16xf32>,
        %parallel_loop3A_379 = arith.index_cast %parallel_loop3A_130 : i32 to index
        %parallel_loop3A_380 = arith.constant 496 : index
        %parallel_loop3A_381 = tpu.vector_load %arg5[%parallel_loop3A_379, %parallel_loop3A_380] {strides = array<i32>} : memref<32x512xf32, #tpu.memory_space<vmem>>, vector<16xf32>,
        %parallel_loop3A_382 = arith.constant 16368 : i32
        %parallel_loop3A_383 = vector.broadcast %parallel_loop3A_382 : i32 to vector<16xi32>
        %parallel_loop3A_384 = arith.addi %mul3A_3, %parallel_loop3A_383 : vector<16xi32>
        %parallel_loop3A_385 = vector.broadcast %parallel_loop3A_130 : i32 to vector<16xi32>
        %parallel_loop3A_386 = arith.addi %parallel_loop3A_384, %parallel_loop3A_385 : vector<16xi32>
        tpu.vector_store_idx %arg9[%parallel_loop3A_386], %parallel_loop3A_381 : memref<16896xf32, #tpu.memory_space<vmem>>[vector<16xi32>], vector<16xf32>,
      } {sc.loop_unroll_factor = 4 : i64, sc.parallel_access}
      %parallel_loop3A_63 = arith.constant 0 : i32
      %parallel_loop3A_64 = arith.constant 512 : i32
      %parallel_loop3A_65 = arith.constant 1 : i32
      scf.for %parallel_loop3A_130 = %parallel_loop3A_63 to %parallel_loop3A_64 step %parallel_loop3A_65  : i32 {
        %parallel_loop3A_131 = arith.constant 33 : i32
        %parallel_loop3A_132 = arith.muli %parallel_loop3A_130, %parallel_loop3A_131 : i32
        %parallel_loop3A_133 = arith.index_cast %parallel_loop3A_132 : i32 to index
        %parallel_loop3A_134 = tpu.vector_load %arg9[%parallel_loop3A_133] {strides = array<i32>} : memref<16896xf32, #tpu.memory_space<vmem>>, vector<16xf32>,
        %parallel_loop3A_135 = arith.constant 33 : i32
        %parallel_loop3A_136 = arith.muli %parallel_loop3A_130, %parallel_loop3A_135 : i32
        %parallel_loop3A_137 = arith.constant 16 : i32
        %parallel_loop3A_138 = arith.addi %parallel_loop3A_136, %parallel_loop3A_137 : i32
        %parallel_loop3A_139 = arith.index_cast %parallel_loop3A_138 : i32 to index
        %parallel_loop3A_140 = tpu.vector_load %arg9[%parallel_loop3A_139] {strides = array<i32>} : memref<16896xf32, #tpu.memory_space<vmem>>, vector<16xf32>,
        %parallel_loop3A_141 = tpu.pack_subelements %parallel_loop3A_134, %parallel_loop3A_140 {pack_format = #tpu.pack_format<interleaved>, positions = array<i32: 0, 1>} : vector<16xf32>, vector<16xf32> -> vector<32xbf16>
        %parallel_loop3A_142 = vector.bitcast %parallel_loop3A_141 : vector<32xbf16> to vector<16xi32>
        %parallel_loop3A_143 = arith.constant 16 : i32
        %parallel_loop3A_144 = arith.muli %parallel_loop3A_130, %parallel_loop3A_143 : i32
        %parallel_loop3A_145 = arith.index_cast %parallel_loop3A_144 : i32 to index
        %parallel_loop3A_146 = tpu.vector_load %arg7[%parallel_loop3A_145] {strides = array<i32>} : memref<8192xi32, #tpu.memory_space<vmem>>, vector<16xi32>,
        tpu.vector_store %arg7[%parallel_loop3A_145], %parallel_loop3A_142 {strides = array<i32>} : memref<8192xi32, #tpu.memory_space<vmem>>, vector<16xi32>,
      } {sc.loop_unroll_factor = 8 : i64, sc.parallel_access}
      %mul3A_66 = arith.constant 32 : i32
      %mul3A_67 = arith.muli %mul3A_50, %mul3A_66 : i32
      %add3A_68 = arith.addi %mul3A_67, %add3A : i32
      %min3A_69 = arith.constant 1952 : i32
      %min3A_70 = arith.minsi %add3A_68, %min3A_69 : i32
      %mul3A_71 = arith.constant 8192 : i32
      %mul3A_72 = arith.muli %min3A_70, %mul3A_71 : i32
      %multiple_of3A = tpu.assume_multiple %mul3A_72, 8 : i32
      %dma_start3A_73 = tpu.memref_slice %arg4[%multiple_of3A] : memref<16000000xi32, #tpu.memory_space<hbm>> -> memref<8192xi32, #tpu.memory_space<hbm>>
      %dma_start3A_74 = tpu.memref_slice %arg4[%multiple_of3A] : memref<16000000xi32, #tpu.memory_space<hbm>> -> memref<8192xi32, #tpu.memory_space<hbm>>
      tpu.enqueue_dma source(%arg7 : memref<8192xi32, #tpu.memory_space<vmem>>) target(%dma_start3A_74 : memref<8192xi32, #tpu.memory_space<hbm>>) target_semaphore(%arg14 : memref<!tpu.dma_semaphore, #tpu.memory_space<semaphore_mem>>)
      %add3A_75 = arith.constant 2 : i32
      %add3A_76 = arith.addi %mul3A_50, %add3A_75 : i32
      %mul3A_77 = arith.constant 32 : i32
      %mul3A_78 = arith.muli %add3A_76, %mul3A_77 : i32
      %add3A_79 = arith.addi %mul3A_78, %add3A : i32
      %min3A_80 = arith.constant 1952 : i32
      %min3A_81 = arith.minsi %add3A_79, %min3A_80 : i32
      %mul3A_82 = arith.constant 512 : i32
      %mul3A_83 = arith.muli %min3A_81, %mul3A_82 : i32
      %dma_start3A_84 = arith.constant 0 : i32
      %dma_start3A_85 = tpu.memref_slice %arg2[%dma_start3A_84, %mul3A_83] : memref<32x1000000xf32, #tpu.memory_space<hbm>> -> memref<32x512xf32, #tpu.memory_space<hbm>>
      %dma_start3A_86 = arith.constant 0 : i32
      %dma_start3A_87 = tpu.memref_slice %arg2[%dma_start3A_86, %mul3A_83] : memref<32x1000000xf32, #tpu.memory_space<hbm>> -> memref<32x512xf32, #tpu.memory_space<hbm>>
      tpu.enqueue_dma source(%dma_start3A_87 : memref<32x512xf32, #tpu.memory_space<hbm>>) target(%arg5 : memref<32x512xf32, #tpu.memory_space<vmem>>) target_semaphore(%arg12 : memref<!tpu.dma_semaphore, #tpu.memory_space<semaphore_mem>>)
      %dma_wait3A_88 = arith.constant 0 : i32
      %dma_wait3A_89 = arith.constant 0 : i32
      %dma_wait3A_90 = tpu.memref_slice %arg2[%dma_wait3A_88, %dma_wait3A_89] : memref<32x1000000xf32, #tpu.memory_space<hbm>> -> memref<32x512xf32, #tpu.memory_space<hbm>>
      %dma_wait3A_91 = arith.constant 0 : i32
      %dma_wait3A_92 = arith.constant 0 : i32
      %dma_wait3A_93 = tpu.memref_slice %arg2[%dma_wait3A_91, %dma_wait3A_92] : memref<32x1000000xf32, #tpu.memory_space<hbm>> -> memref<32x512xf32, #tpu.memory_space<hbm>>
      tpu.wait_dma2 semaphore(%arg13 : memref<!tpu.dma_semaphore, #tpu.memory_space<semaphore_mem>>) src(%dma_wait3A_93 : memref<32x512xf32, #tpu.memory_space<hbm>>) dst(%arg6 : memref<32x512xf32, #tpu.memory_space<vmem>>)
      %gt3A_94 = arith.constant 0 : i32
      %gt3A_95 = arith.cmpi sgt, %scan3A_48, %gt3A_94 : i32
      %convert_element_type3A_96 = arith.extui %gt3A_95 : i1 to i32
      %cond3A_97 = arith.constant 0 : i32
      %cond3A_98 = arith.cmpi ne, %convert_element_type3A_96, %cond3A_97 : i32
      scf.if %cond3A_98 {
        %dma_wait3A_130 = arith.constant 0 : i32
        %dma_wait3A_131 = tpu.memref_slice %arg4[%dma_wait3A_130] : memref<16000000xi32, #tpu.memory_space<hbm>> -> memref<8192xi32, #tpu.memory_space<hbm>>
        %dma_wait3A_132 = arith.constant 0 : i32
        %dma_wait3A_133 = tpu.memref_slice %arg4[%dma_wait3A_132] : memref<16000000xi32, #tpu.memory_space<hbm>> -> memref<8192xi32, #tpu.memory_space<hbm>>
        tpu.wait_dma2 semaphore(%arg15 : memref<!tpu.dma_semaphore, #tpu.memory_space<semaphore_mem>>) src(%arg8 : memref<8192xi32, #tpu.memory_space<vmem>>) dst(%dma_wait3A_133 : memref<8192xi32, #tpu.memory_space<hbm>>)
      } else {
      }
      %parallel_loop3A_99 = arith.constant 0 : i32
      %parallel_loop3A_100 = arith.constant 32 : i32
      %parallel_loop3A_101 = arith.constant 1 : i32
      scf.for %parallel_loop3A_130 = %parallel_loop3A_99 to %parallel_loop3A_100 step %parallel_loop3A_101  : i32 {
        %parallel_loop3A_131 = arith.index_cast %parallel_loop3A_130 : i32 to index
        %parallel_loop3A_132 = arith.constant 0 : index
        %parallel_loop3A_133 = tpu.vector_load %arg6[%parallel_loop3A_131, %parallel_loop3A_132] {strides = array<i32>} : memref<32x512xf32, #tpu.memory_space<vmem>>, vector<16xf32>,
        %parallel_loop3A_134 = arith.constant 0 : i32
        %parallel_loop3A_135 = vector.broadcast %parallel_loop3A_134 : i32 to vector<16xi32>
        %parallel_loop3A_136 = arith.addi %mul3A_3, %parallel_loop3A_135 : vector<16xi32>
        %parallel_loop3A_137 = vector.broadcast %parallel_loop3A_130 : i32 to vector<16xi32>
        %parallel_loop3A_138 = arith.addi %parallel_loop3A_136, %parallel_loop3A_137 : vector<16xi32>
        tpu.vector_store_idx %arg9[%parallel_loop3A_138], %parallel_loop3A_133 : memref<16896xf32, #tpu.memory_space<vmem>>[vector<16xi32>], vector<16xf32>,
        %parallel_loop3A_139 = arith.index_cast %parallel_loop3A_130 : i32 to index
        %parallel_loop3A_140 = arith.constant 16 : index
        %parallel_loop3A_141 = tpu.vector_load %arg6[%parallel_loop3A_139, %parallel_loop3A_140] {strides = array<i32>} : memref<32x512xf32, #tpu.memory_space<vmem>>, vector<16xf32>,
        %parallel_loop3A_142 = arith.constant 528 : i32
        %parallel_loop3A_143 = vector.broadcast %parallel_loop3A_142 : i32 to vector<16xi32>
        %parallel_loop3A_144 = arith.addi %mul3A_3, %parallel_loop3A_143 : vector<16xi32>
        %parallel_loop3A_145 = vector.broadcast %parallel_loop3A_130 : i32 to vector<16xi32>
        %parallel_loop3A_146 = arith.addi %parallel_loop3A_144, %parallel_loop3A_145 : vector<16xi32>
        tpu.vector_store_idx %arg9[%parallel_loop3A_146], %parallel_loop3A_141 : memref<16896xf32, #tpu.memory_space<vmem>>[vector<16xi32>], vector<16xf32>,
        %parallel_loop3A_147 = arith.index_cast %parallel_loop3A_130 : i32 to index
        %parallel_loop3A_148 = arith.constant 32 : index
        %parallel_loop3A_149 = tpu.vector_load %arg6[%parallel_loop3A_147, %parallel_loop3A_148] {strides = array<i32>} : memref<32x512xf32, #tpu.memory_space<vmem>>, vector<16xf32>,
        %parallel_loop3A_150 = arith.constant 1056 : i32
        %parallel_loop3A_151 = vector.broadcast %parallel_loop3A_150 : i32 to vector<16xi32>
        %parallel_loop3A_152 = arith.addi %mul3A_3, %parallel_loop3A_151 : vector<16xi32>
        %parallel_loop3A_153 = vector.broadcast %parallel_loop3A_130 : i32 to vector<16xi32>
        %parallel_loop3A_154 = arith.addi %parallel_loop3A_152, %parallel_loop3A_153 : vector<16xi32>
        tpu.vector_store_idx %arg9[%parallel_loop3A_154], %parallel_loop3A_149 : memref<16896xf32, #tpu.memory_space<vmem>>[vector<16xi32>], vector<16xf32>,
        %parallel_loop3A_155 = arith.index_cast %parallel_loop3A_130 : i32 to index
        %parallel_loop3A_156 = arith.constant 48 : index
        %parallel_loop3A_157 = tpu.vector_load %arg6[%parallel_loop3A_155, %parallel_loop3A_156] {strides = array<i32>} : memref<32x512xf32, #tpu.memory_space<vmem>>, vector<16xf32>,
        %parallel_loop3A_158 = arith.constant 1584 : i32
        %parallel_loop3A_159 = vector.broadcast %parallel_loop3A_158 : i32 to vector<16xi32>
        %parallel_loop3A_160 = arith.addi %mul3A_3, %parallel_loop3A_159 : vector<16xi32>
        %parallel_loop3A_161 = vector.broadcast %parallel_loop3A_130 : i32 to vector<16xi32>
        %parallel_loop3A_162 = arith.addi %parallel_loop3A_160, %parallel_loop3A_161 : vector<16xi32>
        tpu.vector_store_idx %arg9[%parallel_loop3A_162], %parallel_loop3A_157 : memref<16896xf32, #tpu.memory_space<vmem>>[vector<16xi32>], vector<16xf32>,
        %parallel_loop3A_163 = arith.index_cast %parallel_loop3A_130 : i32 to index
        %parallel_loop3A_164 = arith.constant 64 : index
        %parallel_loop3A_165 = tpu.vector_load %arg6[%parallel_loop3A_163, %parallel_loop3A_164] {strides = array<i32>} : memref<32x512xf32, #tpu.memory_space<vmem>>, vector<16xf32>,
        %parallel_loop3A_166 = arith.constant 2112 : i32
        %parallel_loop3A_167 = vector.broadcast %parallel_loop3A_166 : i32 to vector<16xi32>
        %parallel_loop3A_168 = arith.addi %mul3A_3, %parallel_loop3A_167 : vector<16xi32>
        %parallel_loop3A_169 = vector.broadcast %parallel_loop3A_130 : i32 to vector<16xi32>
        %parallel_loop3A_170 = arith.addi %parallel_loop3A_168, %parallel_loop3A_169 : vector<16xi32>
        tpu.vector_store_idx %arg9[%parallel_loop3A_170], %parallel_loop3A_165 : memref<16896xf32, #tpu.memory_space<vmem>>[vector<16xi32>], vector<16xf32>,
        %parallel_loop3A_171 = arith.index_cast %parallel_loop3A_130 : i32 to index
        %parallel_loop3A_172 = arith.constant 80 : index
        %parallel_loop3A_173 = tpu.vector_load %arg6[%parallel_loop3A_171, %parallel_loop3A_172] {strides = array<i32>} : memref<32x512xf32, #tpu.memory_space<vmem>>, vector<16xf32>,
        %parallel_loop3A_174 = arith.constant 2640 : i32
        %parallel_loop3A_175 = vector.broadcast %parallel_loop3A_174 : i32 to vector<16xi32>
        %parallel_loop3A_176 = arith.addi %mul3A_3, %parallel_loop3A_175 : vector<16xi32>
        %parallel_loop3A_177 = vector.broadcast %parallel_loop3A_130 : i32 to vector<16xi32>
        %parallel_loop3A_178 = arith.addi %parallel_loop3A_176, %parallel_loop3A_177 : vector<16xi32>
        tpu.vector_store_idx %arg9[%parallel_loop3A_178], %parallel_loop3A_173 : memref<16896xf32, #tpu.memory_space<vmem>>[vector<16xi32>], vector<16xf32>,
        %parallel_loop3A_179 = arith.index_cast %parallel_loop3A_130 : i32 to index
        %parallel_loop3A_180 = arith.constant 96 : index
        %parallel_loop3A_181 = tpu.vector_load %arg6[%parallel_loop3A_179, %parallel_loop3A_180] {strides = array<i32>} : memref<32x512xf32, #tpu.memory_space<vmem>>, vector<16xf32>,
        %parallel_loop3A_182 = arith.constant 3168 : i32
        %parallel_loop3A_183 = vector.broadcast %parallel_loop3A_182 : i32 to vector<16xi32>
        %parallel_loop3A_184 = arith.addi %mul3A_3, %parallel_loop3A_183 : vector<16xi32>
        %parallel_loop3A_185 = vector.broadcast %parallel_loop3A_130 : i32 to vector<16xi32>
        %parallel_loop3A_186 = arith.addi %parallel_loop3A_184, %parallel_loop3A_185 : vector<16xi32>
        tpu.vector_store_idx %arg9[%parallel_loop3A_186], %parallel_loop3A_181 : memref<16896xf32, #tpu.memory_space<vmem>>[vector<16xi32>], vector<16xf32>,
        %parallel_loop3A_187 = arith.index_cast %parallel_loop3A_130 : i32 to index
        %parallel_loop3A_188 = arith.constant 112 : index
        %parallel_loop3A_189 = tpu.vector_load %arg6[%parallel_loop3A_187, %parallel_loop3A_188] {strides = array<i32>} : memref<32x512xf32, #tpu.memory_space<vmem>>, vector<16xf32>,
        %parallel_loop3A_190 = arith.constant 3696 : i32
        %parallel_loop3A_191 = vector.broadcast %parallel_loop3A_190 : i32 to vector<16xi32>
        %parallel_loop3A_192 = arith.addi %mul3A_3, %parallel_loop3A_191 : vector<16xi32>
        %parallel_loop3A_193 = vector.broadcast %parallel_loop3A_130 : i32 to vector<16xi32>
        %parallel_loop3A_194 = arith.addi %parallel_loop3A_192, %parallel_loop3A_193 : vector<16xi32>
        tpu.vector_store_idx %arg9[%parallel_loop3A_194], %parallel_loop3A_189 : memref<16896xf32, #tpu.memory_space<vmem>>[vector<16xi32>], vector<16xf32>,
        %parallel_loop3A_195 = arith.index_cast %parallel_loop3A_130 : i32 to index
        %parallel_loop3A_196 = arith.constant 128 : index
        %parallel_loop3A_197 = tpu.vector_load %arg6[%parallel_loop3A_195, %parallel_loop3A_196] {strides = array<i32>} : memref<32x512xf32, #tpu.memory_space<vmem>>, vector<16xf32>,
        %parallel_loop3A_198 = arith.constant 4224 : i32
        %parallel_loop3A_199 = vector.broadcast %parallel_loop3A_198 : i32 to vector<16xi32>
        %parallel_loop3A_200 = arith.addi %mul3A_3, %parallel_loop3A_199 : vector<16xi32>
        %parallel_loop3A_201 = vector.broadcast %parallel_loop3A_130 : i32 to vector<16xi32>
        %parallel_loop3A_202 = arith.addi %parallel_loop3A_200, %parallel_loop3A_201 : vector<16xi32>
        tpu.vector_store_idx %arg9[%parallel_loop3A_202], %parallel_loop3A_197 : memref<16896xf32, #tpu.memory_space<vmem>>[vector<16xi32>], vector<16xf32>,
        %parallel_loop3A_203 = arith.index_cast %parallel_loop3A_130 : i32 to index
        %parallel_loop3A_204 = arith.constant 144 : index
        %parallel_loop3A_205 = tpu.vector_load %arg6[%parallel_loop3A_203, %parallel_loop3A_204] {strides = array<i32>} : memref<32x512xf32, #tpu.memory_space<vmem>>, vector<16xf32>,
        %parallel_loop3A_206 = arith.constant 4752 : i32
        %parallel_loop3A_207 = vector.broadcast %parallel_loop3A_206 : i32 to vector<16xi32>
        %parallel_loop3A_208 = arith.addi %mul3A_3, %parallel_loop3A_207 : vector<16xi32>
        %parallel_loop3A_209 = vector.broadcast %parallel_loop3A_130 : i32 to vector<16xi32>
        %parallel_loop3A_210 = arith.addi %parallel_loop3A_208, %parallel_loop3A_209 : vector<16xi32>
        tpu.vector_store_idx %arg9[%parallel_loop3A_210], %parallel_loop3A_205 : memref<16896xf32, #tpu.memory_space<vmem>>[vector<16xi32>], vector<16xf32>,
        %parallel_loop3A_211 = arith.index_cast %parallel_loop3A_130 : i32 to index
        %parallel_loop3A_212 = arith.constant 160 : index
        %parallel_loop3A_213 = tpu.vector_load %arg6[%parallel_loop3A_211, %parallel_loop3A_212] {strides = array<i32>} : memref<32x512xf32, #tpu.memory_space<vmem>>, vector<16xf32>,
        %parallel_loop3A_214 = arith.constant 5280 : i32
        %parallel_loop3A_215 = vector.broadcast %parallel_loop3A_214 : i32 to vector<16xi32>
        %parallel_loop3A_216 = arith.addi %mul3A_3, %parallel_loop3A_215 : vector<16xi32>
        %parallel_loop3A_217 = vector.broadcast %parallel_loop3A_130 : i32 to vector<16xi32>
        %parallel_loop3A_218 = arith.addi %parallel_loop3A_216, %parallel_loop3A_217 : vector<16xi32>
        tpu.vector_store_idx %arg9[%parallel_loop3A_218], %parallel_loop3A_213 : memref<16896xf32, #tpu.memory_space<vmem>>[vector<16xi32>], vector<16xf32>,
        %parallel_loop3A_219 = arith.index_cast %parallel_loop3A_130 : i32 to index
        %parallel_loop3A_220 = arith.constant 176 : index
        %parallel_loop3A_221 = tpu.vector_load %arg6[%parallel_loop3A_219, %parallel_loop3A_220] {strides = array<i32>} : memref<32x512xf32, #tpu.memory_space<vmem>>, vector<16xf32>,
        %parallel_loop3A_222 = arith.constant 5808 : i32
        %parallel_loop3A_223 = vector.broadcast %parallel_loop3A_222 : i32 to vector<16xi32>
        %parallel_loop3A_224 = arith.addi %mul3A_3, %parallel_loop3A_223 : vector<16xi32>
        %parallel_loop3A_225 = vector.broadcast %parallel_loop3A_130 : i32 to vector<16xi32>
        %parallel_loop3A_226 = arith.addi %parallel_loop3A_224, %parallel_loop3A_225 : vector<16xi32>
        tpu.vector_store_idx %arg9[%parallel_loop3A_226], %parallel_loop3A_221 : memref<16896xf32, #tpu.memory_space<vmem>>[vector<16xi32>], vector<16xf32>,
        %parallel_loop3A_227 = arith.index_cast %parallel_loop3A_130 : i32 to index
        %parallel_loop3A_228 = arith.constant 192 : index
        %parallel_loop3A_229 = tpu.vector_load %arg6[%parallel_loop3A_227, %parallel_loop3A_228] {strides = array<i32>} : memref<32x512xf32, #tpu.memory_space<vmem>>, vector<16xf32>,
        %parallel_loop3A_230 = arith.constant 6336 : i32
        %parallel_loop3A_231 = vector.broadcast %parallel_loop3A_230 : i32 to vector<16xi32>
        %parallel_loop3A_232 = arith.addi %mul3A_3, %parallel_loop3A_231 : vector<16xi32>
        %parallel_loop3A_233 = vector.broadcast %parallel_loop3A_130 : i32 to vector<16xi32>
        %parallel_loop3A_234 = arith.addi %parallel_loop3A_232, %parallel_loop3A_233 : vector<16xi32>
        tpu.vector_store_idx %arg9[%parallel_loop3A_234], %parallel_loop3A_229 : memref<16896xf32, #tpu.memory_space<vmem>>[vector<16xi32>], vector<16xf32>,
        %parallel_loop3A_235 = arith.index_cast %parallel_loop3A_130 : i32 to index
        %parallel_loop3A_236 = arith.constant 208 : index
        %parallel_loop3A_237 = tpu.vector_load %arg6[%parallel_loop3A_235, %parallel_loop3A_236] {strides = array<i32>} : memref<32x512xf32, #tpu.memory_space<vmem>>, vector<16xf32>,
        %parallel_loop3A_238 = arith.constant 6864 : i32
        %parallel_loop3A_239 = vector.broadcast %parallel_loop3A_238 : i32 to vector<16xi32>
        %parallel_loop3A_240 = arith.addi %mul3A_3, %parallel_loop3A_239 : vector<16xi32>
        %parallel_loop3A_241 = vector.broadcast %parallel_loop3A_130 : i32 to vector<16xi32>
        %parallel_loop3A_242 = arith.addi %parallel_loop3A_240, %parallel_loop3A_241 : vector<16xi32>
        tpu.vector_store_idx %arg9[%parallel_loop3A_242], %parallel_loop3A_237 : memref<16896xf32, #tpu.memory_space<vmem>>[vector<16xi32>], vector<16xf32>,
        %parallel_loop3A_243 = arith.index_cast %parallel_loop3A_130 : i32 to index
        %parallel_loop3A_244 = arith.constant 224 : index
        %parallel_loop3A_245 = tpu.vector_load %arg6[%parallel_loop3A_243, %parallel_loop3A_244] {strides = array<i32>} : memref<32x512xf32, #tpu.memory_space<vmem>>, vector<16xf32>,
        %parallel_loop3A_246 = arith.constant 7392 : i32
        %parallel_loop3A_247 = vector.broadcast %parallel_loop3A_246 : i32 to vector<16xi32>
        %parallel_loop3A_248 = arith.addi %mul3A_3, %parallel_loop3A_247 : vector<16xi32>
        %parallel_loop3A_249 = vector.broadcast %parallel_loop3A_130 : i32 to vector<16xi32>
        %parallel_loop3A_250 = arith.addi %parallel_loop3A_248, %parallel_loop3A_249 : vector<16xi32>
        tpu.vector_store_idx %arg9[%parallel_loop3A_250], %parallel_loop3A_245 : memref<16896xf32, #tpu.memory_space<vmem>>[vector<16xi32>], vector<16xf32>,
        %parallel_loop3A_251 = arith.index_cast %parallel_loop3A_130 : i32 to index
        %parallel_loop3A_252 = arith.constant 240 : index
        %parallel_loop3A_253 = tpu.vector_load %arg6[%parallel_loop3A_251, %parallel_loop3A_252] {strides = array<i32>} : memref<32x512xf32, #tpu.memory_space<vmem>>, vector<16xf32>,
        %parallel_loop3A_254 = arith.constant 7920 : i32
        %parallel_loop3A_255 = vector.broadcast %parallel_loop3A_254 : i32 to vector<16xi32>
        %parallel_loop3A_256 = arith.addi %mul3A_3, %parallel_loop3A_255 : vector<16xi32>
        %parallel_loop3A_257 = vector.broadcast %parallel_loop3A_130 : i32 to vector<16xi32>
        %parallel_loop3A_258 = arith.addi %parallel_loop3A_256, %parallel_loop3A_257 : vector<16xi32>
        tpu.vector_store_idx %arg9[%parallel_loop3A_258], %parallel_loop3A_253 : memref<16896xf32, #tpu.memory_space<vmem>>[vector<16xi32>], vector<16xf32>,
        %parallel_loop3A_259 = arith.index_cast %parallel_loop3A_130 : i32 to index
        %parallel_loop3A_260 = arith.constant 256 : index
        %parallel_loop3A_261 = tpu.vector_load %arg6[%parallel_loop3A_259, %parallel_loop3A_260] {strides = array<i32>} : memref<32x512xf32, #tpu.memory_space<vmem>>, vector<16xf32>,
        %parallel_loop3A_262 = arith.constant 8448 : i32
        %parallel_loop3A_263 = vector.broadcast %parallel_loop3A_262 : i32 to vector<16xi32>
        %parallel_loop3A_264 = arith.addi %mul3A_3, %parallel_loop3A_263 : vector<16xi32>
        %parallel_loop3A_265 = vector.broadcast %parallel_loop3A_130 : i32 to vector<16xi32>
        %parallel_loop3A_266 = arith.addi %parallel_loop3A_264, %parallel_loop3A_265 : vector<16xi32>
        tpu.vector_store_idx %arg9[%parallel_loop3A_266], %parallel_loop3A_261 : memref<16896xf32, #tpu.memory_space<vmem>>[vector<16xi32>], vector<16xf32>,
        %parallel_loop3A_267 = arith.index_cast %parallel_loop3A_130 : i32 to index
        %parallel_loop3A_268 = arith.constant 272 : index
        %parallel_loop3A_269 = tpu.vector_load %arg6[%parallel_loop3A_267, %parallel_loop3A_268] {strides = array<i32>} : memref<32x512xf32, #tpu.memory_space<vmem>>, vector<16xf32>,
        %parallel_loop3A_270 = arith.constant 8976 : i32
        %parallel_loop3A_271 = vector.broadcast %parallel_loop3A_270 : i32 to vector<16xi32>
        %parallel_loop3A_272 = arith.addi %mul3A_3, %parallel_loop3A_271 : vector<16xi32>
        %parallel_loop3A_273 = vector.broadcast %parallel_loop3A_130 : i32 to vector<16xi32>
        %parallel_loop3A_274 = arith.addi %parallel_loop3A_272, %parallel_loop3A_273 : vector<16xi32>
        tpu.vector_store_idx %arg9[%parallel_loop3A_274], %parallel_loop3A_269 : memref<16896xf32, #tpu.memory_space<vmem>>[vector<16xi32>], vector<16xf32>,
        %parallel_loop3A_275 = arith.index_cast %parallel_loop3A_130 : i32 to index
        %parallel_loop3A_276 = arith.constant 288 : index
        %parallel_loop3A_277 = tpu.vector_load %arg6[%parallel_loop3A_275, %parallel_loop3A_276] {strides = array<i32>} : memref<32x512xf32, #tpu.memory_space<vmem>>, vector<16xf32>,
        %parallel_loop3A_278 = arith.constant 9504 : i32
        %parallel_loop3A_279 = vector.broadcast %parallel_loop3A_278 : i32 to vector<16xi32>
        %parallel_loop3A_280 = arith.addi %mul3A_3, %parallel_loop3A_279 : vector<16xi32>
        %parallel_loop3A_281 = vector.broadcast %parallel_loop3A_130 : i32 to vector<16xi32>
        %parallel_loop3A_282 = arith.addi %parallel_loop3A_280, %parallel_loop3A_281 : vector<16xi32>
        tpu.vector_store_idx %arg9[%parallel_loop3A_282], %parallel_loop3A_277 : memref<16896xf32, #tpu.memory_space<vmem>>[vector<16xi32>], vector<16xf32>,
        %parallel_loop3A_283 = arith.index_cast %parallel_loop3A_130 : i32 to index
        %parallel_loop3A_284 = arith.constant 304 : index
        %parallel_loop3A_285 = tpu.vector_load %arg6[%parallel_loop3A_283, %parallel_loop3A_284] {strides = array<i32>} : memref<32x512xf32, #tpu.memory_space<vmem>>, vector<16xf32>,
        %parallel_loop3A_286 = arith.constant 10032 : i32
        %parallel_loop3A_287 = vector.broadcast %parallel_loop3A_286 : i32 to vector<16xi32>
        %parallel_loop3A_288 = arith.addi %mul3A_3, %parallel_loop3A_287 : vector<16xi32>
        %parallel_loop3A_289 = vector.broadcast %parallel_loop3A_130 : i32 to vector<16xi32>
        %parallel_loop3A_290 = arith.addi %parallel_loop3A_288, %parallel_loop3A_289 : vector<16xi32>
        tpu.vector_store_idx %arg9[%parallel_loop3A_290], %parallel_loop3A_285 : memref<16896xf32, #tpu.memory_space<vmem>>[vector<16xi32>], vector<16xf32>,
        %parallel_loop3A_291 = arith.index_cast %parallel_loop3A_130 : i32 to index
        %parallel_loop3A_292 = arith.constant 320 : index
        %parallel_loop3A_293 = tpu.vector_load %arg6[%parallel_loop3A_291, %parallel_loop3A_292] {strides = array<i32>} : memref<32x512xf32, #tpu.memory_space<vmem>>, vector<16xf32>,
        %parallel_loop3A_294 = arith.constant 10560 : i32
        %parallel_loop3A_295 = vector.broadcast %parallel_loop3A_294 : i32 to vector<16xi32>
        %parallel_loop3A_296 = arith.addi %mul3A_3, %parallel_loop3A_295 : vector<16xi32>
        %parallel_loop3A_297 = vector.broadcast %parallel_loop3A_130 : i32 to vector<16xi32>
        %parallel_loop3A_298 = arith.addi %parallel_loop3A_296, %parallel_loop3A_297 : vector<16xi32>
        tpu.vector_store_idx %arg9[%parallel_loop3A_298], %parallel_loop3A_293 : memref<16896xf32, #tpu.memory_space<vmem>>[vector<16xi32>], vector<16xf32>,
        %parallel_loop3A_299 = arith.index_cast %parallel_loop3A_130 : i32 to index
        %parallel_loop3A_300 = arith.constant 336 : index
        %parallel_loop3A_301 = tpu.vector_load %arg6[%parallel_loop3A_299, %parallel_loop3A_300] {strides = array<i32>} : memref<32x512xf32, #tpu.memory_space<vmem>>, vector<16xf32>,
        %parallel_loop3A_302 = arith.constant 11088 : i32
        %parallel_loop3A_303 = vector.broadcast %parallel_loop3A_302 : i32 to vector<16xi32>
        %parallel_loop3A_304 = arith.addi %mul3A_3, %parallel_loop3A_303 : vector<16xi32>
        %parallel_loop3A_305 = vector.broadcast %parallel_loop3A_130 : i32 to vector<16xi32>
        %parallel_loop3A_306 = arith.addi %parallel_loop3A_304, %parallel_loop3A_305 : vector<16xi32>
        tpu.vector_store_idx %arg9[%parallel_loop3A_306], %parallel_loop3A_301 : memref<16896xf32, #tpu.memory_space<vmem>>[vector<16xi32>], vector<16xf32>,
        %parallel_loop3A_307 = arith.index_cast %parallel_loop3A_130 : i32 to index
        %parallel_loop3A_308 = arith.constant 352 : index
        %parallel_loop3A_309 = tpu.vector_load %arg6[%parallel_loop3A_307, %parallel_loop3A_308] {strides = array<i32>} : memref<32x512xf32, #tpu.memory_space<vmem>>, vector<16xf32>,
        %parallel_loop3A_310 = arith.constant 11616 : i32
        %parallel_loop3A_311 = vector.broadcast %parallel_loop3A_310 : i32 to vector<16xi32>
        %parallel_loop3A_312 = arith.addi %mul3A_3, %parallel_loop3A_311 : vector<16xi32>
        %parallel_loop3A_313 = vector.broadcast %parallel_loop3A_130 : i32 to vector<16xi32>
        %parallel_loop3A_314 = arith.addi %parallel_loop3A_312, %parallel_loop3A_313 : vector<16xi32>
        tpu.vector_store_idx %arg9[%parallel_loop3A_314], %parallel_loop3A_309 : memref<16896xf32, #tpu.memory_space<vmem>>[vector<16xi32>], vector<16xf32>,
        %parallel_loop3A_315 = arith.index_cast %parallel_loop3A_130 : i32 to index
        %parallel_loop3A_316 = arith.constant 368 : index
        %parallel_loop3A_317 = tpu.vector_load %arg6[%parallel_loop3A_315, %parallel_loop3A_316] {strides = array<i32>} : memref<32x512xf32, #tpu.memory_space<vmem>>, vector<16xf32>,
        %parallel_loop3A_318 = arith.constant 12144 : i32
        %parallel_loop3A_319 = vector.broadcast %parallel_loop3A_318 : i32 to vector<16xi32>
        %parallel_loop3A_320 = arith.addi %mul3A_3, %parallel_loop3A_319 : vector<16xi32>
        %parallel_loop3A_321 = vector.broadcast %parallel_loop3A_130 : i32 to vector<16xi32>
        %parallel_loop3A_322 = arith.addi %parallel_loop3A_320, %parallel_loop3A_321 : vector<16xi32>
        tpu.vector_store_idx %arg9[%parallel_loop3A_322], %parallel_loop3A_317 : memref<16896xf32, #tpu.memory_space<vmem>>[vector<16xi32>], vector<16xf32>,
        %parallel_loop3A_323 = arith.index_cast %parallel_loop3A_130 : i32 to index
        %parallel_loop3A_324 = arith.constant 384 : index
        %parallel_loop3A_325 = tpu.vector_load %arg6[%parallel_loop3A_323, %parallel_loop3A_324] {strides = array<i32>} : memref<32x512xf32, #tpu.memory_space<vmem>>, vector<16xf32>,
        %parallel_loop3A_326 = arith.constant 12672 : i32
        %parallel_loop3A_327 = vector.broadcast %parallel_loop3A_326 : i32 to vector<16xi32>
        %parallel_loop3A_328 = arith.addi %mul3A_3, %parallel_loop3A_327 : vector<16xi32>
        %parallel_loop3A_329 = vector.broadcast %parallel_loop3A_130 : i32 to vector<16xi32>
        %parallel_loop3A_330 = arith.addi %parallel_loop3A_328, %parallel_loop3A_329 : vector<16xi32>
        tpu.vector_store_idx %arg9[%parallel_loop3A_330], %parallel_loop3A_325 : memref<16896xf32, #tpu.memory_space<vmem>>[vector<16xi32>], vector<16xf32>,
        %parallel_loop3A_331 = arith.index_cast %parallel_loop3A_130 : i32 to index
        %parallel_loop3A_332 = arith.constant 400 : index
        %parallel_loop3A_333 = tpu.vector_load %arg6[%parallel_loop3A_331, %parallel_loop3A_332] {strides = array<i32>} : memref<32x512xf32, #tpu.memory_space<vmem>>, vector<16xf32>,
        %parallel_loop3A_334 = arith.constant 13200 : i32
        %parallel_loop3A_335 = vector.broadcast %parallel_loop3A_334 : i32 to vector<16xi32>
        %parallel_loop3A_336 = arith.addi %mul3A_3, %parallel_loop3A_335 : vector<16xi32>
        %parallel_loop3A_337 = vector.broadcast %parallel_loop3A_130 : i32 to vector<16xi32>
        %parallel_loop3A_338 = arith.addi %parallel_loop3A_336, %parallel_loop3A_337 : vector<16xi32>
        tpu.vector_store_idx %arg9[%parallel_loop3A_338], %parallel_loop3A_333 : memref<16896xf32, #tpu.memory_space<vmem>>[vector<16xi32>], vector<16xf32>,
        %parallel_loop3A_339 = arith.index_cast %parallel_loop3A_130 : i32 to index
        %parallel_loop3A_340 = arith.constant 416 : index
        %parallel_loop3A_341 = tpu.vector_load %arg6[%parallel_loop3A_339, %parallel_loop3A_340] {strides = array<i32>} : memref<32x512xf32, #tpu.memory_space<vmem>>, vector<16xf32>,
        %parallel_loop3A_342 = arith.constant 13728 : i32
        %parallel_loop3A_343 = vector.broadcast %parallel_loop3A_342 : i32 to vector<16xi32>
        %parallel_loop3A_344 = arith.addi %mul3A_3, %parallel_loop3A_343 : vector<16xi32>
        %parallel_loop3A_345 = vector.broadcast %parallel_loop3A_130 : i32 to vector<16xi32>
        %parallel_loop3A_346 = arith.addi %parallel_loop3A_344, %parallel_loop3A_345 : vector<16xi32>
        tpu.vector_store_idx %arg9[%parallel_loop3A_346], %parallel_loop3A_341 : memref<16896xf32, #tpu.memory_space<vmem>>[vector<16xi32>], vector<16xf32>,
        %parallel_loop3A_347 = arith.index_cast %parallel_loop3A_130 : i32 to index
        %parallel_loop3A_348 = arith.constant 432 : index
        %parallel_loop3A_349 = tpu.vector_load %arg6[%parallel_loop3A_347, %parallel_loop3A_348] {strides = array<i32>} : memref<32x512xf32, #tpu.memory_space<vmem>>, vector<16xf32>,
        %parallel_loop3A_350 = arith.constant 14256 : i32
        %parallel_loop3A_351 = vector.broadcast %parallel_loop3A_350 : i32 to vector<16xi32>
        %parallel_loop3A_352 = arith.addi %mul3A_3, %parallel_loop3A_351 : vector<16xi32>
        %parallel_loop3A_353 = vector.broadcast %parallel_loop3A_130 : i32 to vector<16xi32>
        %parallel_loop3A_354 = arith.addi %parallel_loop3A_352, %parallel_loop3A_353 : vector<16xi32>
        tpu.vector_store_idx %arg9[%parallel_loop3A_354], %parallel_loop3A_349 : memref<16896xf32, #tpu.memory_space<vmem>>[vector<16xi32>], vector<16xf32>,
        %parallel_loop3A_355 = arith.index_cast %parallel_loop3A_130 : i32 to index
        %parallel_loop3A_356 = arith.constant 448 : index
        %parallel_loop3A_357 = tpu.vector_load %arg6[%parallel_loop3A_355, %parallel_loop3A_356] {strides = array<i32>} : memref<32x512xf32, #tpu.memory_space<vmem>>, vector<16xf32>,
        %parallel_loop3A_358 = arith.constant 14784 : i32
        %parallel_loop3A_359 = vector.broadcast %parallel_loop3A_358 : i32 to vector<16xi32>
        %parallel_loop3A_360 = arith.addi %mul3A_3, %parallel_loop3A_359 : vector<16xi32>
        %parallel_loop3A_361 = vector.broadcast %parallel_loop3A_130 : i32 to vector<16xi32>
        %parallel_loop3A_362 = arith.addi %parallel_loop3A_360, %parallel_loop3A_361 : vector<16xi32>
        tpu.vector_store_idx %arg9[%parallel_loop3A_362], %parallel_loop3A_357 : memref<16896xf32, #tpu.memory_space<vmem>>[vector<16xi32>], vector<16xf32>,
        %parallel_loop3A_363 = arith.index_cast %parallel_loop3A_130 : i32 to index
        %parallel_loop3A_364 = arith.constant 464 : index
        %parallel_loop3A_365 = tpu.vector_load %arg6[%parallel_loop3A_363, %parallel_loop3A_364] {strides = array<i32>} : memref<32x512xf32, #tpu.memory_space<vmem>>, vector<16xf32>,
        %parallel_loop3A_366 = arith.constant 15312 : i32
        %parallel_loop3A_367 = vector.broadcast %parallel_loop3A_366 : i32 to vector<16xi32>
        %parallel_loop3A_368 = arith.addi %mul3A_3, %parallel_loop3A_367 : vector<16xi32>
        %parallel_loop3A_369 = vector.broadcast %parallel_loop3A_130 : i32 to vector<16xi32>
        %parallel_loop3A_370 = arith.addi %parallel_loop3A_368, %parallel_loop3A_369 : vector<16xi32>
        tpu.vector_store_idx %arg9[%parallel_loop3A_370], %parallel_loop3A_365 : memref<16896xf32, #tpu.memory_space<vmem>>[vector<16xi32>], vector<16xf32>,
        %parallel_loop3A_371 = arith.index_cast %parallel_loop3A_130 : i32 to index
        %parallel_loop3A_372 = arith.constant 480 : index
        %parallel_loop3A_373 = tpu.vector_load %arg6[%parallel_loop3A_371, %parallel_loop3A_372] {strides = array<i32>} : memref<32x512xf32, #tpu.memory_space<vmem>>, vector<16xf32>,
        %parallel_loop3A_374 = arith.constant 15840 : i32
        %parallel_loop3A_375 = vector.broadcast %parallel_loop3A_374 : i32 to vector<16xi32>
        %parallel_loop3A_376 = arith.addi %mul3A_3, %parallel_loop3A_375 : vector<16xi32>
        %parallel_loop3A_377 = vector.broadcast %parallel_loop3A_130 : i32 to vector<16xi32>
        %parallel_loop3A_378 = arith.addi %parallel_loop3A_376, %parallel_loop3A_377 : vector<16xi32>
        tpu.vector_store_idx %arg9[%parallel_loop3A_378], %parallel_loop3A_373 : memref<16896xf32, #tpu.memory_space<vmem>>[vector<16xi32>], vector<16xf32>,
        %parallel_loop3A_379 = arith.index_cast %parallel_loop3A_130 : i32 to index
        %parallel_loop3A_380 = arith.constant 496 : index
        %parallel_loop3A_381 = tpu.vector_load %arg6[%parallel_loop3A_379, %parallel_loop3A_380] {strides = array<i32>} : memref<32x512xf32, #tpu.memory_space<vmem>>, vector<16xf32>,
        %parallel_loop3A_382 = arith.constant 16368 : i32
        %parallel_loop3A_383 = vector.broadcast %parallel_loop3A_382 : i32 to vector<16xi32>
        %parallel_loop3A_384 = arith.addi %mul3A_3, %parallel_loop3A_383 : vector<16xi32>
        %parallel_loop3A_385 = vector.broadcast %parallel_loop3A_130 : i32 to vector<16xi32>
        %parallel_loop3A_386 = arith.addi %parallel_loop3A_384, %parallel_loop3A_385 : vector<16xi32>
        tpu.vector_store_idx %arg9[%parallel_loop3A_386], %parallel_loop3A_381 : memref<16896xf32, #tpu.memory_space<vmem>>[vector<16xi32>], vector<16xf32>,
      } {sc.loop_unroll_factor = 4 : i64, sc.parallel_access}
      %parallel_loop3A_102 = arith.constant 0 : i32
      %parallel_loop3A_103 = arith.constant 512 : i32
      %parallel_loop3A_104 = arith.constant 1 : i32
      scf.for %parallel_loop3A_130 = %parallel_loop3A_102 to %parallel_loop3A_103 step %parallel_loop3A_104  : i32 {
        %parallel_loop3A_131 = arith.constant 33 : i32
        %parallel_loop3A_132 = arith.muli %parallel_loop3A_130, %parallel_loop3A_131 : i32
        %parallel_loop3A_133 = arith.index_cast %parallel_loop3A_132 : i32 to index
        %parallel_loop3A_134 = tpu.vector_load %arg9[%parallel_loop3A_133] {strides = array<i32>} : memref<16896xf32, #tpu.memory_space<vmem>>, vector<16xf32>,
        %parallel_loop3A_135 = arith.constant 33 : i32
        %parallel_loop3A_136 = arith.muli %parallel_loop3A_130, %parallel_loop3A_135 : i32
        %parallel_loop3A_137 = arith.constant 16 : i32
        %parallel_loop3A_138 = arith.addi %parallel_loop3A_136, %parallel_loop3A_137 : i32
        %parallel_loop3A_139 = arith.index_cast %parallel_loop3A_138 : i32 to index
        %parallel_loop3A_140 = tpu.vector_load %arg9[%parallel_loop3A_139] {strides = array<i32>} : memref<16896xf32, #tpu.memory_space<vmem>>, vector<16xf32>,
        %parallel_loop3A_141 = tpu.pack_subelements %parallel_loop3A_134, %parallel_loop3A_140 {pack_format = #tpu.pack_format<interleaved>, positions = array<i32: 0, 1>} : vector<16xf32>, vector<16xf32> -> vector<32xbf16>
        %parallel_loop3A_142 = vector.bitcast %parallel_loop3A_141 : vector<32xbf16> to vector<16xi32>
        %parallel_loop3A_143 = arith.constant 16 : i32
        %parallel_loop3A_144 = arith.muli %parallel_loop3A_130, %parallel_loop3A_143 : i32
        %parallel_loop3A_145 = arith.index_cast %parallel_loop3A_144 : i32 to index
        %parallel_loop3A_146 = tpu.vector_load %arg8[%parallel_loop3A_145] {strides = array<i32>} : memref<8192xi32, #tpu.memory_space<vmem>>, vector<16xi32>,
        tpu.vector_store %arg8[%parallel_loop3A_145], %parallel_loop3A_142 {strides = array<i32>} : memref<8192xi32, #tpu.memory_space<vmem>>, vector<16xi32>,
      } {sc.loop_unroll_factor = 8 : i64, sc.parallel_access}
      %add3A_105 = arith.constant 1 : i32
      %add3A_106 = arith.addi %mul3A_50, %add3A_105 : i32
      %mul3A_107 = arith.constant 32 : i32
      %mul3A_108 = arith.muli %add3A_106, %mul3A_107 : i32
      %add3A_109 = arith.addi %mul3A_108, %add3A : i32
      %min3A_110 = arith.constant 1952 : i32
      %min3A_111 = arith.minsi %add3A_109, %min3A_110 : i32
      %mul3A_112 = arith.constant 8192 : i32
      %mul3A_113 = arith.muli %min3A_111, %mul3A_112 : i32
      %multiple_of3A_114 = tpu.assume_multiple %mul3A_113, 8 : i32
      %dma_start3A_115 = tpu.memref_slice %arg4[%multiple_of3A_114] : memref<16000000xi32, #tpu.memory_space<hbm>> -> memref<8192xi32, #tpu.memory_space<hbm>>
      %dma_start3A_116 = tpu.memref_slice %arg4[%multiple_of3A_114] : memref<16000000xi32, #tpu.memory_space<hbm>> -> memref<8192xi32, #tpu.memory_space<hbm>>
      tpu.enqueue_dma source(%arg8 : memref<8192xi32, #tpu.memory_space<vmem>>) target(%dma_start3A_116 : memref<8192xi32, #tpu.memory_space<hbm>>) target_semaphore(%arg15 : memref<!tpu.dma_semaphore, #tpu.memory_space<semaphore_mem>>)
      %add3A_117 = arith.constant 3 : i32
      %add3A_118 = arith.addi %mul3A_50, %add3A_117 : i32
      %mul3A_119 = arith.constant 32 : i32
      %mul3A_120 = arith.muli %add3A_118, %mul3A_119 : i32
      %add3A_121 = arith.addi %mul3A_120, %add3A : i32
      %min3A_122 = arith.constant 1952 : i32
      %min3A_123 = arith.minsi %add3A_121, %min3A_122 : i32
      %mul3A_124 = arith.constant 512 : i32
      %mul3A_125 = arith.muli %min3A_123, %mul3A_124 : i32
      %dma_start3A_126 = arith.constant 0 : i32
      %dma_start3A_127 = tpu.memref_slice %arg2[%dma_start3A_126, %mul3A_125] : memref<32x1000000xf32, #tpu.memory_space<hbm>> -> memref<32x512xf32, #tpu.memory_space<hbm>>
      %dma_start3A_128 = arith.constant 0 : i32
      %dma_start3A_129 = tpu.memref_slice %arg2[%dma_start3A_128, %mul3A_125] : memref<32x1000000xf32, #tpu.memory_space<hbm>> -> memref<32x512xf32, #tpu.memory_space<hbm>>
      tpu.enqueue_dma source(%dma_start3A_129 : memref<32x512xf32, #tpu.memory_space<hbm>>) target(%arg6 : memref<32x512xf32, #tpu.memory_space<vmem>>) target_semaphore(%arg13 : memref<!tpu.dma_semaphore, #tpu.memory_space<semaphore_mem>>)
    }
    %scan3A_26 = arith.constant 31 : i32
    %dma_wait3A = arith.constant 0 : i32
    %dma_wait3A_27 = arith.constant 0 : i32
    %dma_wait3A_28 = tpu.memref_slice %arg2[%dma_wait3A, %dma_wait3A_27] : memref<32x1000000xf32, #tpu.memory_space<hbm>> -> memref<32x512xf32, #tpu.memory_space<hbm>>
    %dma_wait3A_29 = arith.constant 0 : i32
    %dma_wait3A_30 = arith.constant 0 : i32
    %dma_wait3A_31 = tpu.memref_slice %arg2[%dma_wait3A_29, %dma_wait3A_30] : memref<32x1000000xf32, #tpu.memory_space<hbm>> -> memref<32x512xf32, #tpu.memory_space<hbm>>
    tpu.wait_dma2 semaphore(%arg12 : memref<!tpu.dma_semaphore, #tpu.memory_space<semaphore_mem>>) src(%dma_wait3A_31 : memref<32x512xf32, #tpu.memory_space<hbm>>) dst(%arg5 : memref<32x512xf32, #tpu.memory_space<vmem>>)
    %dma_wait3A_32 = arith.constant 0 : i32
    %dma_wait3A_33 = arith.constant 0 : i32
    %dma_wait3A_34 = tpu.memref_slice %arg2[%dma_wait3A_32, %dma_wait3A_33] : memref<32x1000000xf32, #tpu.memory_space<hbm>> -> memref<32x512xf32, #tpu.memory_space<hbm>>
    %dma_wait3A_35 = arith.constant 0 : i32
    %dma_wait3A_36 = arith.constant 0 : i32
    %dma_wait3A_37 = tpu.memref_slice %arg2[%dma_wait3A_35, %dma_wait3A_36] : memref<32x1000000xf32, #tpu.memory_space<hbm>> -> memref<32x512xf32, #tpu.memory_space<hbm>>
    tpu.wait_dma2 semaphore(%arg13 : memref<!tpu.dma_semaphore, #tpu.memory_space<semaphore_mem>>) src(%dma_wait3A_37 : memref<32x512xf32, #tpu.memory_space<hbm>>) dst(%arg6 : memref<32x512xf32, #tpu.memory_space<vmem>>)
    %dma_wait3A_38 = arith.constant 0 : i32
    %dma_wait3A_39 = tpu.memref_slice %arg4[%dma_wait3A_38] : memref<16000000xi32, #tpu.memory_space<hbm>> -> memref<8192xi32, #tpu.memory_space<hbm>>
    %dma_wait3A_40 = arith.constant 0 : i32
    %dma_wait3A_41 = tpu.memref_slice %arg4[%dma_wait3A_40] : memref<16000000xi32, #tpu.memory_space<hbm>> -> memref<8192xi32, #tpu.memory_space<hbm>>
    tpu.wait_dma2 semaphore(%arg14 : memref<!tpu.dma_semaphore, #tpu.memory_space<semaphore_mem>>) src(%arg7 : memref<8192xi32, #tpu.memory_space<vmem>>) dst(%dma_wait3A_41 : memref<8192xi32, #tpu.memory_space<hbm>>)
    %dma_wait3A_42 = arith.constant 0 : i32
    %dma_wait3A_43 = tpu.memref_slice %arg4[%dma_wait3A_42] : memref<16000000xi32, #tpu.memory_space<hbm>> -> memref<8192xi32, #tpu.memory_space<hbm>>
    %dma_wait3A_44 = arith.constant 0 : i32
    %dma_wait3A_45 = tpu.memref_slice %arg4[%dma_wait3A_44] : memref<16000000xi32, #tpu.memory_space<hbm>> -> memref<8192xi32, #tpu.memory_space<hbm>>
    tpu.wait_dma2 semaphore(%arg15 : memref<!tpu.dma_semaphore, #tpu.memory_space<semaphore_mem>>) src(%arg8 : memref<8192xi32, #tpu.memory_space<vmem>>) dst(%dma_wait3A_45 : memref<8192xi32, #tpu.memory_space<hbm>>)
    %eq3A = arith.constant 0 : i32
    %eq3A_46 = arith.cmpi eq, %add3A, %eq3A : i32
    %convert_element_type3A = arith.extui %eq3A_46 : i1 to i32
    %cond3A = arith.constant 0 : i32
    %cond3A_47 = arith.cmpi ne, %convert_element_type3A, %cond3A : i32
    scf.if %cond3A_47 {
      "tpu.region"() ({
        %run_scoped3A = tpu.sem_alloc : memref<!tpu.dma_semaphore, #tpu.memory_space<semaphore_mem>>
        tpu.enqueue_dma source(%arg3 : memref<2048xf32, #tpu.memory_space<hbm>>) target(%arg10 : memref<2048xf32, #tpu.memory_space<vmem>>) target_semaphore(%run_scoped3A : memref<!tpu.dma_semaphore, #tpu.memory_space<semaphore_mem>>)
        tpu.wait_dma2 semaphore(%run_scoped3A : memref<!tpu.dma_semaphore, #tpu.memory_space<semaphore_mem>>) src(%arg3 : memref<2048xf32, #tpu.memory_space<hbm>>) dst(%arg10 : memref<2048xf32, #tpu.memory_space<vmem>>)
        tpu.yield
      }) : () -> ()
      %parallel_loop3A = arith.constant 0 : i32
      %parallel_loop3A_48 = arith.constant 64 : i32
      %parallel_loop3A_49 = arith.constant 1 : i32
      scf.for %parallel_loop3A_50 = %parallel_loop3A to %parallel_loop3A_48 step %parallel_loop3A_49  : i32 {
        %parallel_loop3A_51 = arith.constant 32 : i32
        %parallel_loop3A_52 = arith.muli %parallel_loop3A_50, %parallel_loop3A_51 : i32
        %parallel_loop3A_53 = arith.index_cast %parallel_loop3A_52 : i32 to index
        %parallel_loop3A_54 = tpu.vector_load %arg10[%parallel_loop3A_53] {strides = array<i32>} : memref<2048xf32, #tpu.memory_space<vmem>>, vector<16xf32>,
        %parallel_loop3A_55 = arith.constant 32 : i32
        %parallel_loop3A_56 = arith.muli %parallel_loop3A_50, %parallel_loop3A_55 : i32
        %parallel_loop3A_57 = arith.constant 16 : i32
        %parallel_loop3A_58 = arith.addi %parallel_loop3A_56, %parallel_loop3A_57 : i32
        %parallel_loop3A_59 = arith.index_cast %parallel_loop3A_58 : i32 to index
        %parallel_loop3A_60 = tpu.vector_load %arg10[%parallel_loop3A_59] {strides = array<i32>} : memref<2048xf32, #tpu.memory_space<vmem>>, vector<16xf32>,
        %parallel_loop3A_61 = tpu.pack_subelements %parallel_loop3A_54, %parallel_loop3A_60 {pack_format = #tpu.pack_format<interleaved>, positions = array<i32: 0, 1>} : vector<16xf32>, vector<16xf32> -> vector<32xbf16>
        %parallel_loop3A_62 = vector.bitcast %parallel_loop3A_61 : vector<32xbf16> to vector<16xi32>
        %parallel_loop3A_63 = arith.constant 16 : i32
        %parallel_loop3A_64 = arith.muli %parallel_loop3A_50, %parallel_loop3A_63 : i32
        %parallel_loop3A_65 = arith.index_cast %parallel_loop3A_64 : i32 to index
        %parallel_loop3A_66 = tpu.vector_load %arg11[%parallel_loop3A_65] {strides = array<i32>} : memref<1024xi32, #tpu.memory_space<vmem>>, vector<16xi32>,
        tpu.vector_store %arg11[%parallel_loop3A_65], %parallel_loop3A_62 {strides = array<i32>} : memref<1024xi32, #tpu.memory_space<vmem>>, vector<16xi32>,
      } {sc.loop_unroll_factor = 4 : i64, sc.parallel_access}
      "tpu.region"() ({
        %run_scoped3A = tpu.sem_alloc : memref<!tpu.dma_semaphore, #tpu.memory_space<semaphore_mem>>
        %dma_start3A_50 = arith.constant 15998976 : i32
        %dma_start3A_51 = tpu.memref_slice %arg4[%dma_start3A_50] : memref<16000000xi32, #tpu.memory_space<hbm>> -> memref<1024xi32, #tpu.memory_space<hbm>>
        %dma_start3A_52 = arith.constant 15998976 : i32
        %dma_start3A_53 = tpu.memref_slice %arg4[%dma_start3A_52] : memref<16000000xi32, #tpu.memory_space<hbm>> -> memref<1024xi32, #tpu.memory_space<hbm>>
        tpu.enqueue_dma source(%arg11 : memref<1024xi32, #tpu.memory_space<vmem>>) target(%dma_start3A_53 : memref<1024xi32, #tpu.memory_space<hbm>>) target_semaphore(%run_scoped3A : memref<!tpu.dma_semaphore, #tpu.memory_space<semaphore_mem>>)
        %dma_wait3A_54 = arith.constant 15998976 : i32
        %dma_wait3A_55 = tpu.memref_slice %arg4[%dma_wait3A_54] : memref<16000000xi32, #tpu.memory_space<hbm>> -> memref<1024xi32, #tpu.memory_space<hbm>>
        %dma_wait3A_56 = arith.constant 15998976 : i32
        %dma_wait3A_57 = tpu.memref_slice %arg4[%dma_wait3A_56] : memref<16000000xi32, #tpu.memory_space<hbm>> -> memref<1024xi32, #tpu.memory_space<hbm>>
        tpu.wait_dma2 semaphore(%run_scoped3A : memref<!tpu.dma_semaphore, #tpu.memory_space<semaphore_mem>>) src(%arg11 : memref<1024xi32, #tpu.memory_space<vmem>>) dst(%dma_wait3A_57 : memref<1024xi32, #tpu.memory_space<hbm>>)
        tpu.yield
      }) : () -> ()
    } else {
    }
    return
  }
}

module attributes {stable_mosaic.version = 14 : i64} {
  func.func @_mm_body(%arg0: memref<4096x32xf32, #tpu.memory_space<vmem>>, %arg1: memref<32x16xf32, #tpu.memory_space<vmem>>, %arg2: memref<1x16xf32, #tpu.memory_space<vmem>>, %arg3: memref<4096x16xf32, #tpu.memory_space<vmem>>) attributes {dimension_semantics = [], scalar_prefetch = 0 : i64, scratch_operands = 0 : i64, tpu.core_type = #tpu.core_type<tc>} {
    %get3A = arith.constant 0 : index
    %get3A_0 = arith.constant 0 : index
    %get3A_1 = vector.load %arg0[%get3A, %get3A_0] : memref<4096x32xf32, #tpu.memory_space<vmem>>, vector<4096x32xf32>
    %get3A_2 = arith.constant 0 : index
    %get3A_3 = arith.constant 0 : index
    %get3A_4 = vector.load %arg1[%get3A_2, %get3A_3] : memref<32x16xf32, #tpu.memory_space<vmem>>, vector<32x16xf32>
    %dot_general3A = arith.constant dense<0.000000e+00> : vector<4096x16xf32>
    %dot_general3A_5 = tpu.matmul %get3A_1, %get3A_4, %dot_general3A {dimension_numbers = #tpu.dot_dimension_numbers<[1], [0], [0], [1], [0, 0, 1, 1], [], []>, transpose_lhs_hint = false} : vector<4096x32xf32>, vector<32x16xf32>, vector<4096x16xf32> -> vector<4096x16xf32>
    %get3A_6 = arith.constant 0 : index
    %get3A_7 = arith.constant 0 : index
    %get3A_8 = vector.load %arg2[%get3A_6, %get3A_7] : memref<1x16xf32, #tpu.memory_space<vmem>>, vector<1x16xf32>
    %add3A = vector.broadcast %get3A_8 : vector<1x16xf32> to vector<4096x16xf32>
    %add3A_9 = arith.addf %dot_general3A_5, %add3A : vector<4096x16xf32>
    %swap3A = arith.constant 0 : index
    %swap3A_10 = arith.constant 0 : index
    %swap3A_11 = vector.load %arg3[%swap3A, %swap3A_10] : memref<4096x16xf32, #tpu.memory_space<vmem>>, vector<4096x16xf32>
    tpu.vector_store %arg3[%swap3A, %swap3A_10], %add3A_9 {strides = array<i32>} : memref<4096x16xf32, #tpu.memory_space<vmem>>, vector<4096x16xf32>,
    return
  }
}

</mosaic_0001>

<sc_bundles>
// kernel: kernel.5.cloned.1.call-start
scs
__scs_entry_jumppad:
0x0: {  	(pc) =	sbr.rel $0x88, $3  }
0x1: {  	(tag) =	ssettag $0x0;
	lr =	simm.s32 $0x1  }
0x2: {  	[smem:$0x3F9D] =	sst lr;
	_ =	strace $0xD0000000  }
0x3: {  	_ = 	snop  }
0x4: {  	_ = 	snop  }
0x5: {  	_ = 	snop  }
0x6: {  	_ = 	snop  }
0x7: {  	_ = 	snop  }
__scs_overlays_trampoline_lowered:
0x8: {  	[smem:$0x3FAC] =	sst s0  }
0x9: {  	[smem:$0x3FAD] =	sst s1  }
0xa: {  	[smem:$0x3FAE] =	sst s2  }
0xb: {  	[smem:$0x3FAF] =	sst s3  }
0xc: {  	[smem:$0x3FB0] =	sst s4  }
0xd: {  	[smem:$0x3FB1] =	sst s5  }
0xe: {  	[smem:$0x3FB2] =	sst s6  }
0xf: {  	[smem:$0x3FB3] =	sst s7  }
0x10: {  	[smem:$0x3FB4] =	sst s8  }
0x11: {  	[smem:$0x3FB5] =	sst s9;
	s0 =	simm.s32 @!p0 $0x0  }
0x12: {  	s1 =	sld [smem:$0x3F9B];
	s0 =	simm.s32 @p0 $0x1  }
0x13: {  	[smem:$0x3FB6] =	sst s0;
	s0 =	simm.s32 @!p1 $0x0  }
0x14: {  	s2 =	sld [smem:$0x3F9A];
	s0 =	simm.s32 @p1 $0x1  }
0x15: {  	[smem:$0x3FB7] =	sst s0;
	s0 =	simm.s32 @!p2 $0x0  }
0x16: {  	s3 =	sld [smem:$0x3FDB];
	s0 =	simm.s32 @p2 $0x1  }
0x17: {  	s4 =	simm.s32 $0x1BF5;
	[smem:$0x3FB9] =	sst s0  }
0x18: {  	s0 =	sld [smem:$0x3F9C];
	_ =	swait.ge [sflag:s4], $0x0  }
0x19: {  	s7 =	sld [smem:$0x3F9D]  }
0x1a: {  	s8 =	sadd.s32 $0xFFFFE003, lr  }
0x1b: {  	s9 =	sadd.s32 $0xFFFFFEF7, lr;
	s5 =	simm.s32 $0xFFFFFFFF;
	p2 =	slt.u32 s8, $0xFFFFF086  }
0x1c: {  	p1 =	slt.u32 s9, $0xF7A;
	s5 =	simm.s32 @!p2 $0x0  }
0x1d: {  	s5 =	simm.s32 @p1 $0x1;
	p0 =	seq.s32 s7, s2  }
0x1e: {  	s7 =	smul.u32 @!p0 $0xF7A, s2;
	p2 =	seq.s32 @!p0 s5, $0x0  }
0x1f: {  	s9 =	smul.u32 $0xF7A, s1;
	s8 =	simm.s32 @!p0 $0x1BF5;
	p2 =	por !p2, p0  }
0x20: {  	[sflag:s8] =	ssyncset.s32 @!p0 $0xFFFFF086;
	s6 =	sadd.s32 @!p0 s3, s7;
	s7 =	simm.s32 @!p0 $0x108  }
0x21: {  	s3 =	sadd.s32 s3, s9;
	s6 =	sadd.s32 @!p0 $0x88, s6;
	s7 =	simm.s32 @p2 $0x1082  }
0x22: {  	[simem:s7], [sflag:s8] =	dma.local @!p0 [hbm:s6], $0xF7A  }
0x23: {  	s9 =	sor.u32 $0xD0000000, s2;
	s6 =	simm.s32 $0x108;
	_ =	swait.ge @!p0 [sflag:s8], $0x0  }
0x24: {  	s3 =	sadd.s32 $0x88, s3;
	s6 =	simm.s32 @!p1 $0x1082;
	[sflag:s4] =	ssyncset.s32 $0xFFFFF086  }
0x25: {  	[simem:s6], [sflag:s4] =	dma.local [hbm:s3], $0xF7A  }
0x26: {  	[smem:$0x3F9D] =	sst s1;
	(tag) =	ssettag s2;
	_ =	strace s9  }
0x27: {  	s1 =	sld [smem:$0x3FAD]  }
0x28: {  	s2 =	sld [smem:$0x3FAE]  }
0x29: {  	s4 =	sld [smem:$0x3FB0]  }
0x2a: {  	p0 =	seq.s32 s5, $0x0;
	s5 =	sld [smem:$0x3FB1]  }
0x2b: {  	s6 =	sld [smem:$0x3FB2]  }
0x2c: {  	s7 =	sld [smem:$0x3FB3]  }
0x2d: {  	s3 =	simm.s32 $0x108;
	s8 =	sld [smem:$0x3FB4]  }
0x2e: {  	s3 =	simm.s32 @!p0 $0x1082;
	s9 =	sld [smem:$0x3FB5]  }
0x2f: {  	lr =	sadd.s32 s0, s3;
	s0 =	sld [smem:$0x3FAC]  }
0x30: {  	s3 =	sld [smem:$0x3FAF]  }
0x31: {  	[smem:$0x3FB8] =	sst s10  }
0x32: {  	s10 =	sld [smem:$0x3FB6];
	_ =	sdelay $0x3  }
0x33: {  	p0 =	seq.s32 s10, $0x1;
	s10 =	sld [smem:$0x3FB8];
	_ =	sdelay $0x3  }
0x34: {  	[smem:$0x3FB8] =	sst s10  }
0x35: {  	s10 =	sld [smem:$0x3FB7];
	_ =	sdelay $0x3  }
0x36: {  	p1 =	seq.s32 s10, $0x1;
	s10 =	sld [smem:$0x3FB8];
	_ =	sdelay $0x3  }
0x37: {  	[smem:$0x3FB8] =	sst s10  }
0x38: {  	s10 =	sld [smem:$0x3FB9]  }
0x39: {  	_ = 	snop;
	(pc) =	sbr.ind lr, $3  }
0x3a: {  	_ = 	snop  }
0x3b: {  	_ = 	snop  }
0x3c: {  	p2 =	seq.s32 s10, $0x1;
	s10 =	sld [smem:$0x3FB8]  }
0x3d: {  	_ =	shalt  }
0x3e: {  	_ =	shalt  }
0x3f: {  	_ =	shalt  }
0x40: {  	_ =	shalt  }
0x41: {  	_ =	shalt  }
0x42: {  	_ =	shalt  }
0x43: {  	_ =	shalt  }
0x44: {  	_ =	shalt  }
0x45: {  	_ =	shalt  }
0x46: {  	_ =	shalt  }
0x47: {  	_ =	shalt  }
0x48: {  	_ =	shalt  }
0x49: {  	_ =	shalt  }
0x4a: {  	_ =	shalt  }
0x4b: {  	_ =	shalt  }
0x4c: {  	_ =	shalt  }
0x4d: {  	_ =	shalt  }
0x4e: {  	_ =	shalt  }
0x4f: {  	_ =	shalt  }
0x50: {  	_ =	shalt  }
0x51: {  	_ =	shalt  }
0x52: {  	_ =	shalt  }
0x53: {  	_ =	shalt  }
0x54: {  	_ =	shalt  }
0x55: {  	_ =	shalt  }
0x56: {  	_ =	shalt  }
0x57: {  	_ =	shalt  }
0x58: {  	_ =	shalt  }
0x59: {  	_ =	shalt  }
0x5a: {  	_ =	shalt  }
0x5b: {  	_ =	shalt  }
0x5c: {  	_ =	shalt  }
0x5d: {  	_ =	shalt  }
0x5e: {  	_ =	shalt  }
0x5f: {  	_ =	shalt  }
0x60: {  	_ =	shalt  }
0x61: {  	_ =	shalt  }
0x62: {  	_ =	shalt  }
0x63: {  	_ =	shalt  }
0x64: {  	_ =	shalt  }
0x65: {  	_ =	shalt  }
0x66: {  	_ =	shalt  }
0x67: {  	_ =	shalt  }
0x68: {  	_ =	shalt  }
0x69: {  	_ =	shalt  }
0x6a: {  	_ =	shalt  }
0x6b: {  	_ =	shalt  }
0x6c: {  	_ =	shalt  }
0x6d: {  	_ =	shalt  }
0x6e: {  	_ =	shalt  }
0x6f: {  	_ =	shalt  }
0x70: {  	_ =	shalt  }
0x71: {  	_ =	shalt  }
0x72: {  	_ =	shalt  }
0x73: {  	_ =	shalt  }
0x74: {  	_ =	shalt  }
0x75: {  	_ =	shalt  }
0x76: {  	_ =	shalt  }
0x77: {  	_ =	shalt  }
0x78: {  	_ =	shalt  }
0x79: {  	_ =	shalt  }
0x7a: {  	_ =	shalt  }
0x7b: {  	_ =	shalt  }
0x7c: {  	_ =	shalt  }
0x7d: {  	_ =	shalt  }
0x7e: {  	_ =	shalt  }
0x7f: {  	_ =	shalt  }
0x80: {  	_ =	shalt  }
0x81: {  	_ =	shalt  }
0x82: {  	_ =	shalt  }
0x83: {  	_ =	shalt  }
0x84: {  	_ =	shalt  }
0x85: {  	_ =	shalt  }
0x86: {  	_ =	shalt  }
0x87: {  	_ =	shalt  }
.Lfunc_end0:
.L_simem_size_0:
called_computation_lowered:
.L_overlay_start_0:
0x88: {  	s2 =	sld [smem:$0x3FD9]  }
0x89: {  	s3 =	sld [smem:$0x3FFE];
	_ =	sdelay $0x1  }
0x8a: {  	s1 =	srdreg.scid  }
0x8b: {  	s0 =	sand.u32 $0x1, s1  }
0x8c: {  	s17 =	sshll.u32 s0, $0xA;
	s2 =	sadd.s32 s3, s2  }
0x8d: {  	s2 =	sadd.s32 s2, s17  }
0x8e: {  	[smem:$0x3FC4] =	sst s2  }
0x8f: {  	_ = 	snop  }
0x90: {  	s2 =	sld [smem:$0x3FC8]  }
0x91: {  	s18 =	sld [smem:$0x3FD0];
	(tm) =	ssettm $0x1  }
0x92: {  	s4 =	sld [smem:$0x3FFB];
	_ =	sdelay $0x3  }
0x93: {  	_ =	strace s4  }
0x94: {  	s4 =	sld [smem:$0x3FFC];
	_ =	sdelay $0x3  }
0x95: {  	_ =	strace s4  }
0x96: {  	s4 =	sld [smem:$0x3FFD];
	_ =	sdelay $0x3  }
0x97: {  	_ =	strace s4  }
0x98: {  	_ =	strace $0x8FFFFFFF  }
0x99: {  	s19 =	sld [smem:$0x3FDB];
	_ =	sdelay $0x1  }
0x9a: {  	s5 =	simm.s32 $_scs_section_size  }
0x9b: {  	s6 =	simm.s32 $_size__tile_overlayer_lowered;
	s7 =	simm.s32 $_tile_overlayer_lowered  }
0x9c: {  	s22 =	simm.s32 $0x1BFF;
	s21 =	sshll.u32 s7, $0x1;
	s4 =	sadd.s32 s5, s19  }
0x9d: {  	s8 =	simm.s32 $0x0;
	s20 =	sshll.u32 s6, $0x1;
	s6 =	sadd.s32 s21, s4  }
0x9e: {  	[timem:s8], [sflag:s22] =	dma.local [hbm:s6], s20  }
0x9f: {  	_ =	swait.ge [sflag:s22], s20  }
0xa0: {  	s5 =	ssub.s32 $0x0, s20;
	[sflag:s22] =	ssyncset.done $0x0  }
0xa1: {  	[sflag:s22] =	ssyncadd.s32 s5;
	_ =	sdelay $0x1  }
0xa2: {  	s23 =	simm.s32 $0x1B8B  }
0xa3: {  	_ =	swait.ge [sflag:s23], $0x1  }
0xa4: {  	[sflag:s23] =	ssyncset.done $0x0  }
0xa5: {  	s25 =	simm.s32 $0x1B8E;
	s24 =	sld [smem:$0x3FFE];
	[sflag:s23] =	ssyncadd.s32 $0xFFFFFFFF  }
0xa6: {  	s26 =	simm.s32 $execute0_lowered;
	[smem:$0x3FD2] =	sst s25  }
0xa7: {  	s6 =	sshll.u32 s26, $0x1;
	_ =	strace $0x80000046;
	[dreg:$0x1] =	wrdreg $0xFFFFFFFF  }
0xa8: {  	s28 =	simm.s32 $_size_execute0_lowered;
	s4 =	sadd.s32 s4, s6;
	[dreg:$0x0] =	wrdreg $0x0  }
0xa9: {  	s6 =	sshll.u32 s28, $0x1;
	[dreg:$0x2] =	wrdreg s4  }
0xaa: {  	[dreg:$0x3] =	wrdreg s6  }
0xab: {  	[dreg:$0x4] =	wrdreg $0xC0  }
0xac: {  	_ =	task [dreg:s8], $0x5FFFF  }
0xad: {  	[dreg:$0x1] =	wrdreg $0xFFFFFFFF  }
0xae: {  	[dreg:$0x0] =	wrdreg $0x60  }
0xaf: {  	[dreg:$0x2] =	wrdreg s2  }
0xb0: {  	[dreg:$0x3] =	wrdreg s18  }
0xb1: {  	[dreg:$0x4] =	wrdreg s24  }
0xb2: {  	[dreg:$0x5] =	wrdreg $0x9  }
0xb3: {  	_ =	task.clear_ibuf [dreg:s8], $0x6FFFF;
	_ =	strace $0x90000046  }
0xb4: {  	s29 =	simm.s32 $0x9;
	_ =	strace $0x80000048  }
0xb5: {  	_ =	swait.ge [sflag:s29], $0x1  }
0xb6: {  	[sflag:s29] =	ssyncadd.s32 $0xFFFFFFFF  }
0xb7: {  	_ =	strace $0x90000048  }
0xb8: {  	_ =	sfence  }
0xb9: {  	s30 =	sld [smem:$0x0];
	_ =	sdelay $0x2  }
0xba: {  	s31 =	sshll.u32 s1, $0xD;
	s1 =	sshrl.u32 s1, $0x2  }
0xbb: {  	s3 =	sand.u32 $0x4000, s31;
	s1 =	sadd.s32 s1, s30  }
0xbc: {  	s0 =	sor.u32 s3, s0;
	s1 =	sshll.u32 s1, $0x11  }
0xbd: {  	s0 =	sor.u32 s1, s0  }
0xbe: {  	s0 =	sadd.s32 $0x8F2B, s0  }
0xbf: {  	[sflag:s0] =	ssyncadd.remote.s32 $0x1  }
0xc0: {  	_ =	sfence.sel $0xFFFF  }
0xc1: {  	[dreg:$0x0] =	wrdreg $0xFFFFFFFF;
	(pc) =	sbr.abs _section_cstart, $3  }
0xc2: {  	[dreg:$0x1] =	wrdreg $0xFFFFFFFF  }
0xc3: {  	_ =	task.clear_ibuf [dreg:s8], $0x2FFFF;
	_ =	strace $0x9FFFFFFF  }
0xc4: {  	(tm) =	ssettm $0x7FFFFFFF  }
0xc5: {  	_ =	shalt  }
tec
execute0_lowered:
.L_overlay_start_1:
0x0: {  	(tag) =	ssettag $0x1  }
0x1: {  	v0 =	vlaneseq.u32  }
0x2: {  	v0 =	vmul.u32 $0x21, v0  }
0x3: {  	s4 =	rddreg [dreg:$0x0]  }
0x4: {  	s0 =	rddreg [dreg:$0x2];
	s1 =	srdreg.scid;
	s3 =	simm.s32 $0x0;
	v1 =	vadd.s32 $0x210, v0  }
0x5: {  	s2 =	stileid.u32;
	[smem:$0x7FF] =	sst s3;
	v2 =	vadd.s32 $0x420, v0;
	v3 =	vadd.s32 $0x630, v0;
	v4 =	vadd.s32 $0x840, v0  }
0x6: {  	s1 =	sand.u32 $0x1, s1;
	s26 =	sadd.s32 $0xE00, s0;
	s0 =	sadd.s32 $0x1E9200, s0;
	v5 =	vadd.s32 $0xA50, v0;
	v6 =	vadd.s32 $0xC60, v0;
	v7 =	vadd.s32 $0xE70, v0  }
0x7: {  	s2 =	sshll.u32 s2, $0x1;
	_ =	strace $0x80000047;
	[smem:$0x7F6] =	sst s26;
	v8 =	vadd.s32 $0x1080, v0;
	v9 =	vadd.s32 $0x1290, v0;
	v10 =	vadd.s32 $0x14A0, v0  }
0x8: {  	s5 =	sor.u32 s1, s2;
	s1 =	ssub.s32 $0x2, s1;
	[smem:$0x7FB] =	sst s0;
	v11 =	vadd.s32 $0x16B0, v0;
	v12 =	vadd.s32 $0x18C0, v0;
	v13 =	vadd.s32 $0x1AD0, v0  }
0x9: {  	s2 =	sshll.u32 s5, $0x9;
	s29 =	sor.u32 $0x40, s5;
	v14 =	vadd.s32 $0x1CE0, v0;
	v15 =	vadd.s32 $0x1EF0, v0;
	v16 =	vadd.s32 $0x2100, v0;
	[smem:$0x7FD] =	sst s5  }
.Ltmp0:
0xa: {  	s30 =	sor.u32 $0x60, s5;
	v17 =	vadd.s32 $0x2310, v0;
	v18 =	vadd.s32 $0x2520, v0;
	v19 =	vadd.s32 $0x2730, v0;
	[smem:$0x7F9] =	sst s29;
	(pc) =	sbr.rel .LBB2_1-.Ltmp0, $4  }
0xb: {  	s28 =	sshrl.u32 s1, $0x1;
	v20 =	vadd.s32 $0x2940, v0;
	v21 =	vadd.s32 $0x2B50, v0;
	v22 =	vadd.s32 $0x2D60, v0;
	s2 =	sadd.s32 s4, s2;
	[smem:$0x7FA] =	sst s30  }
0xc: {  	v23 =	vadd.s32 $0x2F70, v0;
	v24 =	vadd.s32 $0x3180, v0;
	v25 =	vadd.s32 $0x3390, v0;
	s1 =	ssub.s32 s1, s28;
	[smem:$0x7F7] =	sst s2;
	s2 =	sadd.s32 $0x4000, s2  }
0xd: {  	s17 =	simm.s32 $0xC000;
	v26 =	vadd.s32 $0x35A0, v0;
	v27 =	vadd.s32 $0x37B0, v0;
	v28 =	vadd.s32 $0x39C0, v0;
	s31 =	smax.u32 s1, $0x1;
	[smem:$0x7F8] =	sst s2  }
0xe: {  	p0 =	sne.s32 s5, $0x0;
	v29 =	vadd.s32 $0x3BD0, v0;
	v30 =	vadd.s32 $0x3DE0, v0;
	v31 =	vadd.s32 $0x3FF0, v0;
	s1 =	simm.s32 $0x0;
	[smem:$0x7FC] =	sst s31  }
.LBB2_15:
0xf: {  	s0 =	sld [smem:$0x7FC];
	_ =	sdelay $0x1  }
0x10: {  	s1 =	sadd.s32 $0x1, s1  }
0x11: {  	p1 =	sne.s32 s1, s0  }
.Ltmp1:
0x12: {  	_ = 	snop;
	(pc) =	sbr.rel @!p1 .LBB2_16-.Ltmp1, $1  }
0x13: {  	_ =	sdelay $0x3  }
.LBB2_1:
0x14: {  	s29 =	sld [smem:$0x7F7]  }
0x15: {  	s0 =	simm.s32 $0x0  }
0x16: {  	s2 =	simm.s32 $0x1000;
	s3 =	simm.s32 $0x7A1400;
	s30 =	sld [smem:$0x7F8]  }
0x17: {  	[tilespmem:s0], [sflag:$0x1] =	stream.strided.gather [hbm4b:s29+s2], $0x4000, s3, s2, $0x38;
	[tilespmem:$0x10E00] =	vst v63  }
0x18: {  	[smem:$0x7F5] =	sst s1;
	s31 =	simm.s32 $0x4000;
	s19 =	simm.s32 $0x0  }
0x19: {  	[tilespmem:s31], [sflag:$0x2] =	stream.strided.gather [hbm4b:s30+s2], $0x4000, s3, s2, $0x38;
	[tilespmem:$0x10E00] =	vst v63  }
.LBB2_2:
0x1a: {  	s0 =	simm.s32 $0x1  }
0x1b: {  	p1 =	seq.s32 s19, $0x0;
	s22 =	simm.s32 $0x0;
	_ =	swait.ge [sflag:s0], $0x4000  }
0x1c: {  	s1 =	simm.s32 $0x100;
	s13 =	simm.s32 $0x0;
	[sflag:s0] =	ssyncset.done $0x0  }
0x1d: {  	s2 =	simm.s32 $0x80;
	[sflag:s0] =	ssyncadd.s32 $0xFFFFC000;
	s0 =	simm.s32 @!p1 $0x3  }
0x1e: {  	s15 =	simm.s32 $0x180;
	s6 =	sand.u32 $0x3000, s22;
	_ =	swait.ge @!p1 [sflag:s0], $0x2000  }
0x1f: {  	s1 =	sand.u32 $0x300, s1;
	s14 =	sand.u32 $0x280, s2;
	[sflag:s0] =	ssyncset.done @!p1 $0x0  }
0x20: {  	s4 =	sor.u32 s1, s6;
	s1 =	simm.s32 $0x2;
	[sflag:s0] =	ssyncadd.s32 @!p1 $0xFFFFE000  }
0x21: {  	s7 =	simm.s32 $0x1;
	s3 =	sor.u32 s14, s6;
	v33 =	vadd.s32 s1, v0;
	s0 =	sand.u32 $0x200, s13;
	v32 =	vld [tilespmem:s4+$0x0]  }
0x22: {  	s16 =	sand.u32 $0x380, s15;
	v37 =	vadd.s32 s7, v0;
	s5 =	sor.u32 s0, s6;
	v36 =	vld [tilespmem:s3+$0x0]  }
0x23: {  	v35 =	vadd.s32 s22, v0;
	s2 =	simm.s32 $0x3;
	s0 =	sor.u32 s16, s6;
	v34 =	vld [tilespmem:s5+$0x0]  }
0x24: {  	v39 =	vadd.s32 s2, v0;
	v38 =	vld [tilespmem:s0+$0x0];
	_ =	sdelay $0x1  }
0x25: {  	[tilespmem:v33+s17+$0x0] =	vst.idx.msk $0xffff, v32  }
0x26: {  	s18 =	simm.s32 $0x1;
	v47 =	vadd.s32 s1, v1;
	[tilespmem:v37+s17+$0x0] =	vst.idx.msk $0xffff, v36;
	v32 =	vld [tilespmem:s4+$0x10]  }
0x27: {  	v49 =	vadd.s32 s18, v1;
	[tilespmem:v35+s17+$0x0] =	vst.idx.msk $0xffff, v34;
	v36 =	vld [tilespmem:s3+$0x10]  }
0x28: {  	v48 =	vadd.s32 s22, v1;
	[tilespmem:v39+s17+$0x0] =	vst.idx.msk $0xffff, v38;
	v34 =	vld [tilespmem:s5+$0x10]  }
0x29: {  	v51 =	vadd.s32 s2, v1;
	v38 =	vld [tilespmem:s0+$0x10];
	_ =	sdelay $0x1  }
0x2a: {  	[tilespmem:v47+s17+$0x0] =	vst.idx.msk $0xffff, v32  }
0x2b: {  	v50 =	vadd.s32 s1, v2;
	[tilespmem:v49+s17+$0x0] =	vst.idx.msk $0xffff, v36;
	v32 =	vld [tilespmem:s4+$0x20]  }
0x2c: {  	v53 =	vadd.s32 s18, v2;
	[tilespmem:v48+s17+$0x0] =	vst.idx.msk $0xffff, v34;
	v36 =	vld [tilespmem:s3+$0x20]  }
0x2d: {  	v52 =	vadd.s32 s22, v2;
	[tilespmem:v51+s17+$0x0] =	vst.idx.msk $0xffff, v38;
	v34 =	vld [tilespmem:s5+$0x20]  }
0x2e: {  	v55 =	vadd.s32 s2, v2;
	v38 =	vld [tilespmem:s0+$0x20];
	_ =	sdelay $0x1  }
0x2f: {  	[tilespmem:v50+s17+$0x0] =	vst.idx.msk $0xffff, v32  }
0x30: {  	s20 =	simm.s32 $0x1;
	v54 =	vadd.s32 s1, v3;
	[tilespmem:v53+s17+$0x0] =	vst.idx.msk $0xffff, v36;
	v32 =	vld [tilespmem:s4+$0x30]  }
0x31: {  	v57 =	vadd.s32 s20, v3;
	[tilespmem:v52+s17+$0x0] =	vst.idx.msk $0xffff, v34;
	v36 =	vld [tilespmem:s3+$0x30]  }
0x32: {  	v56 =	vadd.s32 s22, v3;
	[tilespmem:v55+s17+$0x0] =	vst.idx.msk $0xffff, v38;
	v34 =	vld [tilespmem:s5+$0x30]  }
0x33: {  	v59 =	vadd.s32 s2, v3;
	v38 =	vld [tilespmem:s0+$0x30];
	_ =	sdelay $0x1  }
0x34: {  	[tilespmem:v54+s17+$0x0] =	vst.idx.msk $0xffff, v32  }
0x35: {  	v58 =	vadd.s32 s1, v4;
	[tilespmem:v57+s17+$0x0] =	vst.idx.msk $0xffff, v36;
	v32 =	vld [tilespmem:s4+$0x40]  }
0x36: {  	v61 =	vadd.s32 s20, v4;
	[tilespmem:v56+s17+$0x0] =	vst.idx.msk $0xffff, v34;
	v36 =	vld [tilespmem:s3+$0x40]  }
0x37: {  	v60 =	vadd.s32 s22, v4;
	[tilespmem:v59+s17+$0x0] =	vst.idx.msk $0xffff, v38;
	v34 =	vld [tilespmem:s5+$0x40]  }
0x38: {  	v63 =	vadd.s32 s2, v4;
	v38 =	vld [tilespmem:s0+$0x40];
	_ =	sdelay $0x1  }
0x39: {  	[tilespmem:v58+s17+$0x0] =	vst.idx.msk $0xffff, v32  }
0x3a: {  	v62 =	vadd.s32 s1, v5;
	[tilespmem:v61+s17+$0x0] =	vst.idx.msk $0xffff, v36;
	v32 =	vld [tilespmem:s4+$0x50]  }
0x3b: {  	v43 =	vadd.s32 s20, v5;
	[tilespmem:v60+s17+$0x0] =	vst.idx.msk $0xffff, v34;
	v36 =	vld [tilespmem:s3+$0x50]  }
0x3c: {  	v42 =	vadd.s32 s22, v5;
	[tilespmem:v63+s17+$0x0] =	vst.idx.msk $0xffff, v38;
	v34 =	vld [tilespmem:s5+$0x50]  }
0x3d: {  	v45 =	vadd.s32 s2, v5;
	v38 =	vld [tilespmem:s0+$0x50];
	_ =	sdelay $0x1  }
0x3e: {  	[tilespmem:v62+s17+$0x0] =	vst.idx.msk $0xffff, v32  }
0x3f: {  	v44 =	vadd.s32 s1, v6;
	[tilespmem:v43+s17+$0x0] =	vst.idx.msk $0xffff, v36;
	v32 =	vld [tilespmem:s4+$0x60]  }
0x40: {  	v47 =	vadd.s32 s20, v6;
	[tilespmem:v42+s17+$0x0] =	vst.idx.msk $0xffff, v34;
	v36 =	vld [tilespmem:s3+$0x60]  }
0x41: {  	v46 =	vadd.s32 s22, v6;
	[tilespmem:v45+s17+$0x0] =	vst.idx.msk $0xffff, v38;
	v34 =	vld [tilespmem:s5+$0x60]  }
0x42: {  	v49 =	vadd.s32 s2, v6;
	v38 =	vld [tilespmem:s0+$0x60];
	_ =	sdelay $0x1  }
0x43: {  	[tilespmem:v44+s17+$0x0] =	vst.idx.msk $0xffff, v32  }
0x44: {  	v48 =	vadd.s32 s1, v7;
	[tilespmem:v47+s17+$0x0] =	vst.idx.msk $0xffff, v36;
	v32 =	vld [tilespmem:s4+$0x70]  }
0x45: {  	v51 =	vadd.s32 s20, v7;
	[tilespmem:v46+s17+$0x0] =	vst.idx.msk $0xffff, v34;
	v36 =	vld [tilespmem:s3+$0x70]  }
0x46: {  	v50 =	vadd.s32 s22, v7;
	[tilespmem:v49+s17+$0x0] =	vst.idx.msk $0xffff, v38;
	v34 =	vld [tilespmem:s5+$0x70]  }
0x47: {  	v53 =	vadd.s32 s2, v7;
	v38 =	vld [tilespmem:s0+$0x70];
	_ =	sdelay $0x1  }
0x48: {  	[tilespmem:v48+s17+$0x0] =	vst.idx.msk $0xffff, v32  }
0x49: {  	v52 =	vadd.s32 s1, v8;
	[tilespmem:v51+s17+$0x0] =	vst.idx.msk $0xffff, v36;
	v32 =	vld [tilespmem:s4+$0x400]  }
0x4a: {  	v55 =	vadd.s32 s20, v8;
	[tilespmem:v50+s17+$0x0] =	vst.idx.msk $0xffff, v34;
	v36 =	vld [tilespmem:s3+$0x400]  }
0x4b: {  	v54 =	vadd.s32 s22, v8;
	[tilespmem:v53+s17+$0x0] =	vst.idx.msk $0xffff, v38;
	v34 =	vld [tilespmem:s5+$0x400]  }
0x4c: {  	v57 =	vadd.s32 s2, v8;
	v38 =	vld [tilespmem:s0+$0x400];
	_ =	sdelay $0x1  }
0x4d: {  	[tilespmem:v52+s17+$0x0] =	vst.idx.msk $0xffff, v32  }
0x4e: {  	v56 =	vadd.s32 s1, v9;
	[tilespmem:v55+s17+$0x0] =	vst.idx.msk $0xffff, v36;
	v32 =	vld [tilespmem:s4+$0x410]  }
0x4f: {  	v59 =	vadd.s32 s20, v9;
	[tilespmem:v54+s17+$0x0] =	vst.idx.msk $0xffff, v34;
	v36 =	vld [tilespmem:s3+$0x410]  }
0x50: {  	v58 =	vadd.s32 s22, v9;
	[tilespmem:v57+s17+$0x0] =	vst.idx.msk $0xffff, v38;
	v34 =	vld [tilespmem:s5+$0x410]  }
0x51: {  	v61 =	vadd.s32 s2, v9;
	v38 =	vld [tilespmem:s0+$0x410];
	_ =	sdelay $0x1  }
0x52: {  	[tilespmem:v56+s17+$0x0] =	vst.idx.msk $0xffff, v32  }
0x53: {  	v60 =	vadd.s32 s1, v10;
	[tilespmem:v59+s17+$0x0] =	vst.idx.msk $0xffff, v36;
	v32 =	vld [tilespmem:s4+$0x420]  }
0x54: {  	v63 =	vadd.s32 s20, v10;
	[tilespmem:v58+s17+$0x0] =	vst.idx.msk $0xffff, v34;
	v36 =	vld [tilespmem:s3+$0x420]  }
0x55: {  	v62 =	vadd.s32 s22, v10;
	[tilespmem:v61+s17+$0x0] =	vst.idx.msk $0xffff, v38;
	v34 =	vld [tilespmem:s5+$0x420]  }
0x56: {  	v43 =	vadd.s32 s2, v10;
	v38 =	vld [tilespmem:s0+$0x420];
	_ =	sdelay $0x1  }
0x57: {  	[tilespmem:v60+s17+$0x0] =	vst.idx.msk $0xffff, v32  }
0x58: {  	v42 =	vadd.s32 s1, v11;
	[tilespmem:v63+s17+$0x0] =	vst.idx.msk $0xffff, v36;
	v32 =	vld [tilespmem:s4+$0x430]  }
0x59: {  	v45 =	vadd.s32 s20, v11;
	[tilespmem:v62+s17+$0x0] =	vst.idx.msk $0xffff, v34;
	v36 =	vld [tilespmem:s3+$0x430]  }
0x5a: {  	v44 =	vadd.s32 s22, v11;
	[tilespmem:v43+s17+$0x0] =	vst.idx.msk $0xffff, v38;
	v34 =	vld [tilespmem:s5+$0x430]  }
0x5b: {  	v47 =	vadd.s32 s2, v11;
	v38 =	vld [tilespmem:s0+$0x430];
	_ =	sdelay $0x1  }
0x5c: {  	[tilespmem:v42+s17+$0x0] =	vst.idx.msk $0xffff, v32  }
0x5d: {  	v46 =	vadd.s32 s1, v12;
	[tilespmem:v45+s17+$0x0] =	vst.idx.msk $0xffff, v36;
	v32 =	vld [tilespmem:s4+$0x440]  }
0x5e: {  	v49 =	vadd.s32 s20, v12;
	[tilespmem:v44+s17+$0x0] =	vst.idx.msk $0xffff, v34;
	v36 =	vld [tilespmem:s3+$0x440]  }
0x5f: {  	v48 =	vadd.s32 s22, v12;
	[tilespmem:v47+s17+$0x0] =	vst.idx.msk $0xffff, v38;
	v34 =	vld [tilespmem:s5+$0x440]  }
0x60: {  	v51 =	vadd.s32 s2, v12;
	v38 =	vld [tilespmem:s0+$0x440];
	_ =	sdelay $0x1  }
0x61: {  	[tilespmem:v46+s17+$0x0] =	vst.idx.msk $0xffff, v32  }
0x62: {  	v50 =	vadd.s32 s1, v13;
	[tilespmem:v49+s17+$0x0] =	vst.idx.msk $0xffff, v36;
	v32 =	vld [tilespmem:s4+$0x450]  }
0x63: {  	v53 =	vadd.s32 s20, v13;
	[tilespmem:v48+s17+$0x0] =	vst.idx.msk $0xffff, v34;
	v36 =	vld [tilespmem:s3+$0x450]  }
0x64: {  	v52 =	vadd.s32 s22, v13;
	[tilespmem:v51+s17+$0x0] =	vst.idx.msk $0xffff, v38;
	v34 =	vld [tilespmem:s5+$0x450]  }
0x65: {  	v55 =	vadd.s32 s2, v13;
	v38 =	vld [tilespmem:s0+$0x450];
	_ =	sdelay $0x1  }
0x66: {  	[tilespmem:v50+s17+$0x0] =	vst.idx.msk $0xffff, v32  }
0x67: {  	v54 =	vadd.s32 s1, v14;
	[tilespmem:v53+s17+$0x0] =	vst.idx.msk $0xffff, v36;
	v32 =	vld [tilespmem:s4+$0x460]  }
0x68: {  	v57 =	vadd.s32 s20, v14;
	[tilespmem:v52+s17+$0x0] =	vst.idx.msk $0xffff, v34;
	v36 =	vld [tilespmem:s3+$0x460]  }
0x69: {  	v56 =	vadd.s32 s22, v14;
	[tilespmem:v55+s17+$0x0] =	vst.idx.msk $0xffff, v38;
	v34 =	vld [tilespmem:s5+$0x460]  }
0x6a: {  	v59 =	vadd.s32 s2, v14;
	v38 =	vld [tilespmem:s0+$0x460];
	_ =	sdelay $0x1  }
0x6b: {  	[tilespmem:v54+s17+$0x0] =	vst.idx.msk $0xffff, v32  }
0x6c: {  	v58 =	vadd.s32 s1, v15;
	[tilespmem:v57+s17+$0x0] =	vst.idx.msk $0xffff, v36;
	v32 =	vld [tilespmem:s4+$0x470]  }
0x6d: {  	s21 =	sand.u32 $0x3, s22;
	v61 =	vadd.s32 s20, v15;
	[tilespmem:v56+s17+$0x0] =	vst.idx.msk $0xffff, v34;
	v36 =	vld [tilespmem:s3+$0x470]  }
0x6e: {  	p2 =	por $0x0, $0x0;
	s24 =	sand.u32 $0x7, s22;
	v60 =	vadd.s32 s22, v15;
	s4 =	sshll.u32 s21, $0x8;
	[tilespmem:v59+s17+$0x0] =	vst.idx.msk $0xffff, v38;
	v34 =	vld [tilespmem:s5+$0x470]  }
0x6f: {  	s25 =	sshll.u32 s24, $0x7;
	v63 =	vadd.s32 s2, v15;
	s4 =	sadd.s32 $0x0, s4;
	s5 =	simm.s32 $0x1;
	v38 =	vld [tilespmem:s0+$0x470]  }
0x70: {  	s26 =	sadd.s32 $0x0, s25;
	s11 =	sadd.s32 $0x100, s4;
	s5 =	simm.s32 @!p2 $0x0  }
0x71: {  	s7 =	sadd.s32 $0x80, s26;
	s23 =	sor.u32 $0x800, s11;
	s5 =	sshll.u32 s5, $0x9;
	[tilespmem:v58+s17+$0x0] =	vst.idx.msk $0xffff, v32  }
0x72: {  	s8 =	simm.s32 $0x1;
	s6 =	sor.u32 $0x800, s7;
	v62 =	vadd.s32 s1, v16;
	s4 =	sadd.s32 $0x0, s5;
	[tilespmem:v61+s17+$0x0] =	vst.idx.msk $0xffff, v36;
	v32 =	vld [tilespmem:s23+$0x0]  }
0x73: {  	s12 =	sadd.s32 $0x180, s26;
	v43 =	vadd.s32 s8, v16;
	s5 =	sor.u32 $0x800, s4;
	[tilespmem:v60+s17+$0x0] =	vst.idx.msk $0xffff, v34;
	v36 =	vld [tilespmem:s6+$0x0]  }
0x74: {  	s10 =	sor.u32 $0x800, s12;
	v42 =	vadd.s32 s22, v16;
	[tilespmem:v63+s17+$0x0] =	vst.idx.msk $0xffff, v38;
	v34 =	vld [tilespmem:s5+$0x0]  }
0x75: {  	v45 =	vadd.s32 s2, v16;
	v38 =	vld [tilespmem:s10+$0x0];
	_ =	sdelay $0x1  }
0x76: {  	s9 =	sor.u32 $0x810, s11;
	[tilespmem:v62+s17+$0x0] =	vst.idx.msk $0xffff, v32  }
0x77: {  	s14 =	sor.u32 $0x810, s7;
	v44 =	vadd.s32 s1, v17;
	[tilespmem:v43+s17+$0x0] =	vst.idx.msk $0xffff, v36;
	v32 =	vld [tilespmem:s9+$0x0]  }
0x78: {  	v47 =	vadd.s32 s8, v17;
	s13 =	sor.u32 $0x810, s4;
	[tilespmem:v42+s17+$0x0] =	vst.idx.msk $0xffff, v34;
	v36 =	vld [tilespmem:s14+$0x0]  }
0x79: {  	s18 =	sor.u32 $0x810, s12;
	v46 =	vadd.s32 s22, v17;
	[tilespmem:v45+s17+$0x0] =	vst.idx.msk $0xffff, v38;
	v34 =	vld [tilespmem:s13+$0x0]  }
0x7a: {  	v49 =	vadd.s32 s2, v17;
	v38 =	vld [tilespmem:s18+$0x0];
	_ =	sdelay $0x1  }
0x7b: {  	s16 =	sor.u32 $0x820, s11;
	[tilespmem:v44+s17+$0x0] =	vst.idx.msk $0xffff, v32  }
0x7c: {  	s15 =	simm.s32 $0x1;
	v48 =	vadd.s32 s1, v18;
	s21 =	sor.u32 $0x820, s7;
	[tilespmem:v47+s17+$0x0] =	vst.idx.msk $0xffff, v36;
	v32 =	vld [tilespmem:s16+$0x0]  }
0x7d: {  	v51 =	vadd.s32 s15, v18;
	s20 =	sor.u32 $0x820, s4;
	[tilespmem:v46+s17+$0x0] =	vst.idx.msk $0xffff, v34;
	v36 =	vld [tilespmem:s21+$0x0]  }
0x7e: {  	s25 =	sor.u32 $0x820, s12;
	v50 =	vadd.s32 s22, v18;
	[tilespmem:v49+s17+$0x0] =	vst.idx.msk $0xffff, v38;
	v34 =	vld [tilespmem:s20+$0x0]  }
0x7f: {  	v53 =	vadd.s32 s2, v18;
	v38 =	vld [tilespmem:s25+$0x0];
	_ =	sdelay $0x1  }
0x80: {  	s24 =	sor.u32 $0x830, s11;
	[tilespmem:v48+s17+$0x0] =	vst.idx.msk $0xffff, v32  }
0x81: {  	v52 =	vadd.s32 s1, v19;
	s3 =	sor.u32 $0x830, s7;
	s23 =	simm.s32 $0x1;
	[tilespmem:v51+s17+$0x0] =	vst.idx.msk $0xffff, v36;
	v32 =	vld [tilespmem:s24+$0x0]  }
0x82: {  	s26 =	sor.u32 $0x830, s4;
	v55 =	vadd.s32 s23, v19;
	[tilespmem:v50+s17+$0x0] =	vst.idx.msk $0xffff, v34;
	v36 =	vld [tilespmem:s3+$0x0]  }
0x83: {  	s8 =	sor.u32 $0x830, s12;
	v54 =	vadd.s32 s22, v19;
	[tilespmem:v53+s17+$0x0] =	vst.idx.msk $0xffff, v38;
	v34 =	vld [tilespmem:s26+$0x0]  }
0x84: {  	v57 =	vadd.s32 s2, v19;
	v38 =	vld [tilespmem:s8+$0x0];
	_ =	sdelay $0x1  }
0x85: {  	s6 =	sor.u32 $0x840, s11;
	[tilespmem:v52+s17+$0x0] =	vst.idx.msk $0xffff, v32  }
0x86: {  	s15 =	simm.s32 $0x300;
	v56 =	vadd.s32 s1, v20;
	s10 =	sor.u32 $0x840, s7;
	s14 =	simm.s32 $0x1;
	[tilespmem:v55+s17+$0x0] =	vst.idx.msk $0xffff, v36;
	v32 =	vld [tilespmem:s6+$0x0]  }
0x87: {  	s9 =	sor.u32 $0x840, s4;
	s13 =	simm.s32 $0x800;
	s18 =	sor.u32 $0x840, s12;
	v60 =	vadd.s32 s14, v20;
	[tilespmem:v54+s17+$0x0] =	vst.idx.msk $0xffff, v34;
	v36 =	vld [tilespmem:s10+$0x0]  }
0x88: {  	v58 =	vadd.s32 s22, v20;
	s21 =	simm.s32 $0x200;
	s20 =	sand.u32 $0x300, s15;
	[tilespmem:v57+s17+$0x0] =	vst.idx.msk $0xffff, v38;
	v34 =	vld [tilespmem:s9+$0x0];
	s9 =	sand.u32 $0x3000, s13  }
0x89: {  	s5 =	sand.u32 $0x200, s21;
	v38 =	vld [tilespmem:s18+$0x0];
	s6 =	sor.u32 s20, s9  }
0x8a: {  	v63 =	vadd.s32 s2, v20;
	s3 =	simm.s32 $0x6;
	s8 =	sor.u32 s5, s9;
	v61 =	vld [tilespmem:s6+$0x0]  }
0x8b: {  	s16 =	sor.u32 $0x850, s11;
	v62 =	vadd.s32 s3, v0;
	s26 =	simm.s32 $0x4;
	v41 =	vld [tilespmem:s8+$0x0];
	[tilespmem:v56+s17+$0x0] =	vst.idx.msk $0xffff, v32  }
0x8c: {  	s15 =	sor.u32 $0x850, s7;
	v42 =	vadd.s32 s26, v0;
	s13 =	simm.s32 $0x280;
	[tilespmem:v60+s17+$0x0] =	vst.idx.msk $0xffff, v36;
	v32 =	vld [tilespmem:s16+$0x0]  }
0x8d: {  	v59 =	vadd.s32 s1, v21;
	s24 =	simm.s32 $0x380;
	s10 =	sor.u32 $0x850, s4;
	s23 =	sand.u32 $0x280, s13;
	[tilespmem:v58+s17+$0x0] =	vst.idx.msk $0xffff, v34;
	v52 =	vld [tilespmem:s15+$0x0]  }
0x8e: {  	s30 =	simm.s32 $0x5;
	s25 =	sand.u32 $0x380, s24;
	v60 =	vadd.s32 s14, v21;
	v40 =	vld [tilespmem:s10+$0x0];
	s10 =	sor.u32 s23, s9  }
0x8f: {  	s31 =	simm.s32 $0x7;
	v45 =	vadd.s32 s30, v0;
	[tilespmem:v63+s17+$0x0] =	vst.idx.msk $0xffff, v38;
	s9 =	sor.u32 s25, s9;
	v43 =	vld [tilespmem:s10+$0x0]  }
0x90: {  	v48 =	vadd.s32 s31, v0;
	[tilespmem:v62+s17+$0x0] =	vst.idx.msk $0xffff, v61;
	v47 =	vld [tilespmem:s9+$0x0]  }
0x91: {  	v50 =	vadd.s32 s3, v1;
	[tilespmem:v42+s17+$0x0] =	vst.idx.msk $0xffff, v41;
	v49 =	vld [tilespmem:s6+$0x10]  }
0x92: {  	v53 =	vadd.s32 s26, v1;
	v42 =	vld [tilespmem:s8+$0x10];
	[tilespmem:v59+s17+$0x0] =	vst.idx.msk $0xffff, v32  }
0x93: {  	s0 =	sor.u32 $0x860, s11;
	v51 =	vadd.s32 s22, v21;
	[tilespmem:v60+s17+$0x0] =	vst.idx.msk $0xffff, v52  }
0x94: {  	v46 =	vadd.s32 s1, v22;
	v33 =	vld [tilespmem:s0+$0x0];
	[tilespmem:v45+s17+$0x0] =	vst.idx.msk $0xffff, v43  }
0x95: {  	v54 =	vadd.s32 s30, v1;
	[tilespmem:v48+s17+$0x0] =	vst.idx.msk $0xffff, v47;
	v43 =	vld [tilespmem:s10+$0x10]  }
0x96: {  	v58 =	vadd.s32 s31, v1;
	[tilespmem:v50+s17+$0x0] =	vst.idx.msk $0xffff, v49;
	v57 =	vld [tilespmem:s9+$0x10]  }
0x97: {  	v59 =	vadd.s32 s3, v2;
	[tilespmem:v53+s17+$0x0] =	vst.idx.msk $0xffff, v42;
	v38 =	vld [tilespmem:s6+$0x20]  }
0x98: {  	s18 =	sor.u32 $0x850, s12;
	v62 =	vadd.s32 s26, v2;
	[tilespmem:v51+s17+$0x0] =	vst.idx.msk $0xffff, v40;
	v42 =	vld [tilespmem:s8+$0x20]  }
0x99: {  	s16 =	sor.u32 $0x870, s11;
	v61 =	vld [tilespmem:s18+$0x0];
	v48 =	vadd.s32 s2, v21;
	[tilespmem:v46+s17+$0x0] =	vst.idx.msk $0xffff, v33  }
0x9a: {  	v56 =	vadd.s32 s1, v23;
	v55 =	vld [tilespmem:s16+$0x0];
	[tilespmem:v54+s17+$0x0] =	vst.idx.msk $0xffff, v43  }
0x9b: {  	v63 =	vadd.s32 s30, v2;
	[tilespmem:v58+s17+$0x0] =	vst.idx.msk $0xffff, v57;
	v43 =	vld [tilespmem:s10+$0x20]  }
0x9c: {  	v46 =	vadd.s32 s31, v2;
	[tilespmem:v59+s17+$0x0] =	vst.idx.msk $0xffff, v38;
	v37 =	vld [tilespmem:s9+$0x20]  }
0x9d: {  	v47 =	vadd.s32 s3, v3;
	[tilespmem:v62+s17+$0x0] =	vst.idx.msk $0xffff, v42;
	v39 =	vld [tilespmem:s6+$0x30]  }
0x9e: {  	s21 =	sor.u32 $0x860, s4;
	v50 =	vadd.s32 s26, v3;
	[tilespmem:v48+s17+$0x0] =	vst.idx.msk $0xffff, v61;
	v42 =	vld [tilespmem:s8+$0x30]  }
0x9f: {  	s20 =	sor.u32 $0xC00, s11;
	v49 =	vld [tilespmem:s21+$0x0];
	[tilespmem:v56+s17+$0x0] =	vst.idx.msk $0xffff, v55;
	v56 =	vadd.s32 s22, v22  }
0xa0: {  	v45 =	vadd.s32 s1, v24;
	v35 =	vld [tilespmem:s20+$0x0];
	[tilespmem:v63+s17+$0x0] =	vst.idx.msk $0xffff, v43  }
0xa1: {  	v51 =	vadd.s32 s30, v3;
	[tilespmem:v46+s17+$0x0] =	vst.idx.msk $0xffff, v37;
	v43 =	vld [tilespmem:s10+$0x30]  }
0xa2: {  	v53 =	vadd.s32 s31, v3;
	[tilespmem:v47+s17+$0x0] =	vst.idx.msk $0xffff, v39;
	v38 =	vld [tilespmem:s9+$0x30]  }
0xa3: {  	v55 =	vadd.s32 s3, v4;
	[tilespmem:v50+s17+$0x0] =	vst.idx.msk $0xffff, v42;
	v54 =	vld [tilespmem:s6+$0x40]  }
0xa4: {  	s24 =	sor.u32 $0x860, s7;
	v58 =	vadd.s32 s26, v4;
	v42 =	vld [tilespmem:s8+$0x40];
	[tilespmem:v56+s17+$0x0] =	vst.idx.msk $0xffff, v49  }
0xa5: {  	s23 =	sor.u32 $0xC10, s11;
	v57 =	vld [tilespmem:s24+$0x0];
	v46 =	vadd.s32 s14, v22;
	[tilespmem:v45+s17+$0x0] =	vst.idx.msk $0xffff, v35  }
0xa6: {  	v52 =	vadd.s32 s1, v25;
	v36 =	vld [tilespmem:s23+$0x0];
	[tilespmem:v51+s17+$0x0] =	vst.idx.msk $0xffff, v43  }
0xa7: {  	v59 =	vadd.s32 s30, v4;
	[tilespmem:v53+s17+$0x0] =	vst.idx.msk $0xffff, v38;
	v43 =	vld [tilespmem:s10+$0x40]  }
0xa8: {  	v62 =	vadd.s32 s31, v4;
	[tilespmem:v55+s17+$0x0] =	vst.idx.msk $0xffff, v54;
	v61 =	vld [tilespmem:s9+$0x40]  }
0xa9: {  	v45 =	vadd.s32 s3, v5;
	[tilespmem:v58+s17+$0x0] =	vst.idx.msk $0xffff, v42;
	v63 =	vld [tilespmem:s6+$0x50]  }
0xaa: {  	s0 =	sor.u32 $0x860, s12;
	v48 =	vadd.s32 s26, v5;
	[tilespmem:v46+s17+$0x0] =	vst.idx.msk $0xffff, v57;
	v42 =	vld [tilespmem:s8+$0x50]  }
0xab: {  	s25 =	sor.u32 $0xC20, s11;
	v47 =	vld [tilespmem:s0+$0x0];
	v56 =	vadd.s32 s2, v22;
	[tilespmem:v52+s17+$0x0] =	vst.idx.msk $0xffff, v36  }
0xac: {  	v60 =	vadd.s32 s1, v26;
	v37 =	vld [tilespmem:s25+$0x0];
	[tilespmem:v59+s17+$0x0] =	vst.idx.msk $0xffff, v43  }
0xad: {  	v49 =	vadd.s32 s30, v5;
	[tilespmem:v62+s17+$0x0] =	vst.idx.msk $0xffff, v61;
	v43 =	vld [tilespmem:s10+$0x50]  }
0xae: {  	v53 =	vadd.s32 s31, v5;
	[tilespmem:v45+s17+$0x0] =	vst.idx.msk $0xffff, v63;
	v52 =	vld [tilespmem:s9+$0x50]  }
0xaf: {  	v55 =	vadd.s32 s3, v6;
	[tilespmem:v48+s17+$0x0] =	vst.idx.msk $0xffff, v42;
	v54 =	vld [tilespmem:s6+$0x60]  }
0xb0: {  	s15 =	sor.u32 $0x870, s4;
	v58 =	vadd.s32 s26, v6;
	[tilespmem:v56+s17+$0x0] =	vst.idx.msk $0xffff, v47;
	v42 =	vld [tilespmem:s8+$0x60]  }
0xb1: {  	s13 =	sor.u32 $0xC30, s11;
	v57 =	vld [tilespmem:s15+$0x0];
	v47 =	vadd.s32 s22, v23;
	[tilespmem:v60+s17+$0x0] =	vst.idx.msk $0xffff, v37  }
0xb2: {  	v51 =	vadd.s32 s1, v27;
	v50 =	vld [tilespmem:s13+$0x0];
	[tilespmem:v49+s17+$0x0] =	vst.idx.msk $0xffff, v43  }
0xb3: {  	v59 =	vadd.s32 s30, v6;
	[tilespmem:v53+s17+$0x0] =	vst.idx.msk $0xffff, v52;
	v43 =	vld [tilespmem:s10+$0x60]  }
0xb4: {  	v63 =	vadd.s32 s31, v6;
	[tilespmem:v55+s17+$0x0] =	vst.idx.msk $0xffff, v54;
	v62 =	vld [tilespmem:s9+$0x60]  }
0xb5: {  	v46 =	vadd.s32 s3, v7;
	[tilespmem:v58+s17+$0x0] =	vst.idx.msk $0xffff, v42;
	v45 =	vld [tilespmem:s6+$0x70]  }
0xb6: {  	s18 =	sor.u32 $0x870, s7;
	[tilespmem:v47+s17+$0x0] =	vst.idx.msk $0xffff, v57;
	v49 =	vadd.s32 s26, v7;
	v42 =	vld [tilespmem:s8+$0x70]  }
0xb7: {  	s16 =	sor.u32 $0xC40, s11;
	v48 =	vld [tilespmem:s18+$0x0];
	v57 =	vadd.s32 s14, v23;
	[tilespmem:v51+s17+$0x0] =	vst.idx.msk $0xffff, v50  }
0xb8: {  	v61 =	vadd.s32 s1, v28;
	v60 =	vld [tilespmem:s16+$0x0];
	[tilespmem:v59+s17+$0x0] =	vst.idx.msk $0xffff, v43  }
0xb9: {  	v50 =	vadd.s32 s30, v7;
	[tilespmem:v63+s17+$0x0] =	vst.idx.msk $0xffff, v62;
	v43 =	vld [tilespmem:s10+$0x70]  }
0xba: {  	v54 =	vadd.s32 s31, v7;
	[tilespmem:v46+s17+$0x0] =	vst.idx.msk $0xffff, v45;
	v53 =	vld [tilespmem:s9+$0x70]  }
0xbb: {  	v56 =	vadd.s32 s3, v8;
	[tilespmem:v49+s17+$0x0] =	vst.idx.msk $0xffff, v42;
	v55 =	vld [tilespmem:s6+$0x400]  }
0xbc: {  	s21 =	sor.u32 $0x870, s12;
	[tilespmem:v57+s17+$0x0] =	vst.idx.msk $0xffff, v48;
	v59 =	vadd.s32 s26, v8;
	v42 =	vld [tilespmem:s8+$0x400]  }
0xbd: {  	s20 =	sor.u32 $0xC50, s11;
	v48 =	vadd.s32 s2, v23;
	v58 =	vld [tilespmem:s21+$0x0];
	[tilespmem:v61+s17+$0x0] =	vst.idx.msk $0xffff, v60  }
0xbe: {  	v52 =	vadd.s32 s1, v29;
	v51 =	vld [tilespmem:s20+$0x0];
	[tilespmem:v50+s17+$0x0] =	vst.idx.msk $0xffff, v43  }
0xbf: {  	v60 =	vadd.s32 s30, v8;
	[tilespmem:v54+s17+$0x0] =	vst.idx.msk $0xffff, v53;
	v43 =	vld [tilespmem:s10+$0x400]  }
0xc0: {  	v45 =	vadd.s32 s31, v8;
	[tilespmem:v56+s17+$0x0] =	vst.idx.msk $0xffff, v55;
	v63 =	vld [tilespmem:s9+$0x400]  }
0xc1: {  	v47 =	vadd.s32 s3, v9;
	[tilespmem:v59+s17+$0x0] =	vst.idx.msk $0xffff, v42;
	v46 =	vld [tilespmem:s6+$0x410]  }
0xc2: {  	s24 =	sor.u32 $0xC00, s4;
	[tilespmem:v48+s17+$0x0] =	vst.idx.msk $0xffff, v58;
	v50 =	vadd.s32 s26, v9;
	v42 =	vld [tilespmem:s8+$0x410]  }
0xc3: {  	s23 =	sor.u32 $0xC60, s11;
	v49 =	vld [tilespmem:s24+$0x0];
	[tilespmem:v52+s17+$0x0] =	vst.idx.msk $0xffff, v51;
	v52 =	vadd.s32 s22, v24  }
0xc4: {  	s0 =	sor.u32 $0xC00, s7;
	s13 =	simm.s32 $0x1;
	v62 =	vadd.s32 s1, v30;
	v61 =	vld [tilespmem:s23+$0x0];
	[tilespmem:v60+s17+$0x0] =	vst.idx.msk $0xffff, v43  }
0xc5: {  	v59 =	vld [tilespmem:s0+$0x0];
	[tilespmem:v45+s17+$0x0] =	vst.idx.msk $0xffff, v63;
	v63 =	vadd.s32 s13, v24  }
0xc6: {  	v51 =	vadd.s32 s30, v9;
	v43 =	vld [tilespmem:s10+$0x410];
	[tilespmem:v47+s17+$0x0] =	vst.idx.msk $0xffff, v46  }
0xc7: {  	v55 =	vadd.s32 s31, v9;
	v54 =	vld [tilespmem:s9+$0x410];
	[tilespmem:v50+s17+$0x0] =	vst.idx.msk $0xffff, v42  }
0xc8: {  	s25 =	sor.u32 $0xC70, s11;
	s11 =	sor.u32 $0xC00, s12;
	v57 =	vadd.s32 s3, v10;
	v56 =	vld [tilespmem:s6+$0x420];
	[tilespmem:v52+s17+$0x0] =	vst.idx.msk $0xffff, v49  }
0xc9: {  	v45 =	vld [tilespmem:s11+$0x0];
	v50 =	vadd.s32 s2, v24;
	[tilespmem:v62+s17+$0x0] =	vst.idx.msk $0xffff, v61  }
0xca: {  	v60 =	vadd.s32 s26, v10;
	v42 =	vld [tilespmem:s8+$0x420];
	[tilespmem:v63+s17+$0x0] =	vst.idx.msk $0xffff, v59  }
0xcb: {  	v58 =	vadd.s32 s1, v31;
	v53 =	vld [tilespmem:s25+$0x0];
	[tilespmem:v51+s17+$0x0] =	vst.idx.msk $0xffff, v43  }
0xcc: {  	v62 =	vadd.s32 s30, v10;
	[tilespmem:v55+s17+$0x0] =	vst.idx.msk $0xffff, v54;
	v61 =	vld [tilespmem:s10+$0x420]  }
0xcd: {  	v47 =	vadd.s32 s31, v10;
	[tilespmem:v57+s17+$0x0] =	vst.idx.msk $0xffff, v56;
	v46 =	vld [tilespmem:s9+$0x420]  }
0xce: {  	s14 =	sor.u32 $0xC10, s4;
	v49 =	vadd.s32 s3, v11;
	[tilespmem:v50+s17+$0x0] =	vst.idx.msk $0xffff, v45;
	v48 =	vld [tilespmem:s6+$0x430]  }
0xcf: {  	v51 =	vld [tilespmem:s14+$0x0];
	v55 =	vadd.s32 s22, v25;
	[tilespmem:v60+s17+$0x0] =	vst.idx.msk $0xffff, v42  }
0xd0: {  	s15 =	sor.u32 $0xC10, s7;
	v52 =	vadd.s32 s26, v11;
	v42 =	vld [tilespmem:s8+$0x430];
	[tilespmem:v58+s17+$0x0] =	vst.idx.msk $0xffff, v53  }
0xd1: {  	v56 =	vld [tilespmem:s15+$0x0];
	[tilespmem:v62+s17+$0x0] =	vst.idx.msk $0xffff, v61;
	v61 =	vadd.s32 s13, v25  }
0xd2: {  	v54 =	vadd.s32 s30, v11;
	[tilespmem:v47+s17+$0x0] =	vst.idx.msk $0xffff, v46;
	v53 =	vld [tilespmem:s10+$0x430]  }
0xd3: {  	v58 =	vadd.s32 s31, v11;
	[tilespmem:v49+s17+$0x0] =	vst.idx.msk $0xffff, v48;
	v57 =	vld [tilespmem:s9+$0x430]  }
0xd4: {  	s16 =	sor.u32 $0xC10, s12;
	v60 =	vadd.s32 s3, v12;
	[tilespmem:v55+s17+$0x0] =	vst.idx.msk $0xffff, v51;
	v59 =	vld [tilespmem:s6+$0x440]  }
0xd5: {  	v62 =	vld [tilespmem:s16+$0x0];
	v47 =	vadd.s32 s2, v25;
	[tilespmem:v52+s17+$0x0] =	vst.idx.msk $0xffff, v42  }
0xd6: {  	s20 =	sor.u32 $0xC20, s4;
	v63 =	vadd.s32 s26, v12;
	v42 =	vld [tilespmem:s8+$0x440];
	[tilespmem:v61+s17+$0x0] =	vst.idx.msk $0xffff, v56  }
0xd7: {  	v48 =	vld [tilespmem:s20+$0x0];
	[tilespmem:v54+s17+$0x0] =	vst.idx.msk $0xffff, v53;
	v53 =	vadd.s32 s22, v26  }
0xd8: {  	v46 =	vadd.s32 s30, v12;
	[tilespmem:v58+s17+$0x0] =	vst.idx.msk $0xffff, v57;
	v45 =	vld [tilespmem:s10+$0x440]  }
0xd9: {  	v50 =	vadd.s32 s31, v12;
	[tilespmem:v60+s17+$0x0] =	vst.idx.msk $0xffff, v59;
	v49 =	vld [tilespmem:s9+$0x440]  }
0xda: {  	s18 =	simm.s32 $0x1;
	s21 =	sor.u32 $0xC20, s7;
	v52 =	vadd.s32 s3, v13;
	[tilespmem:v47+s17+$0x0] =	vst.idx.msk $0xffff, v62;
	v51 =	vld [tilespmem:s6+$0x450]  }
0xdb: {  	v54 =	vld [tilespmem:s21+$0x0];
	v58 =	vadd.s32 s18, v26;
	[tilespmem:v63+s17+$0x0] =	vst.idx.msk $0xffff, v42  }
0xdc: {  	s23 =	sor.u32 $0xC20, s12;
	v55 =	vadd.s32 s26, v13;
	v42 =	vld [tilespmem:s8+$0x450];
	[tilespmem:v53+s17+$0x0] =	vst.idx.msk $0xffff, v48  }
0xdd: {  	v59 =	vld [tilespmem:s23+$0x0];
	[tilespmem:v46+s17+$0x0] =	vst.idx.msk $0xffff, v45;
	v45 =	vadd.s32 s2, v26  }
0xde: {  	v57 =	vadd.s32 s30, v13;
	[tilespmem:v50+s17+$0x0] =	vst.idx.msk $0xffff, v49;
	v56 =	vld [tilespmem:s10+$0x450]  }
0xdf: {  	v61 =	vadd.s32 s31, v13;
	[tilespmem:v52+s17+$0x0] =	vst.idx.msk $0xffff, v51;
	v60 =	vld [tilespmem:s9+$0x450]  }
0xe0: {  	s25 =	sor.u32 $0xC30, s4;
	v63 =	vadd.s32 s3, v14;
	[tilespmem:v58+s17+$0x0] =	vst.idx.msk $0xffff, v54;
	v62 =	vld [tilespmem:s6+$0x460]  }
0xe1: {  	v46 =	vld [tilespmem:s25+$0x0];
	[tilespmem:v55+s17+$0x0] =	vst.idx.msk $0xffff, v42  }
0xe2: {  	s5 =	sor.u32 $0xC30, s7;
	v47 =	vadd.s32 s26, v14;
	v42 =	vld [tilespmem:s8+$0x460];
	[tilespmem:v45+s17+$0x0] =	vst.idx.msk $0xffff, v59  }
0xe3: {  	v50 =	vadd.s32 s22, v27;
	v51 =	vld [tilespmem:s5+$0x0];
	[tilespmem:v57+s17+$0x0] =	vst.idx.msk $0xffff, v56  }
0xe4: {  	s24 =	simm.s32 $0x1;
	v49 =	vadd.s32 s30, v14;
	[tilespmem:v61+s17+$0x0] =	vst.idx.msk $0xffff, v60;
	v48 =	vld [tilespmem:s10+$0x460]  }
0xe5: {  	s14 =	simm.s32 $0x2;
	v56 =	vadd.s32 s24, v27;
	[tilespmem:v63+s17+$0x0] =	vst.idx.msk $0xffff, v62;
	v52 =	vld [tilespmem:s9+$0x460]  }
0xe6: {  	v53 =	vadd.s32 s31, v14;
	v54 =	vld [tilespmem:s6+$0x470];
	[dreg:$0x1a] =	wrdreg s14  }
0xe7: {  	s11 =	sor.u32 $0xC30, s12;
	s13 =	simm.s32 $0x2;
	v55 =	vadd.s32 s3, v15;
	[tilespmem:v47+s17+$0x0] =	vst.idx.msk $0xffff, v42  }
0xe8: {  	s15 =	sand.u32 $0x3, s13;
	v61 =	vadd.s32 s2, v27;
	v57 =	vld [tilespmem:s11+$0x0];
	[tilespmem:v50+s17+$0x0] =	vst.idx.msk $0xffff, v46  }
0xe9: {  	p2 =	por !p2, !p2;
	s0 =	simm.s32 $0x1;
	v58 =	vadd.s32 s26, v15;
	s5 =	sshll.u32 s15, $0x8;
	v42 =	vld [tilespmem:s8+$0x470];
	[tilespmem:v49+s17+$0x0] =	vst.idx.msk $0xffff, v48  }
0xea: {  	s16 =	sor.u32 $0xC40, s4;
	s5 =	sadd.s32 $0x800, s5;
	v60 =	vadd.s32 s30, v15;
	s6 =	simm.s32 $0x1;
	[tilespmem:v56+s17+$0x0] =	vst.idx.msk $0xffff, v51;
	v59 =	vld [tilespmem:s10+$0x470]  }
0xeb: {  	s18 =	sand.u32 $0x7, s26;
	s6 =	simm.s32 @!p2 $0x0;
	s8 =	sadd.s32 $0x100, s5;
	v62 =	vld [tilespmem:s16+$0x0];
	[tilespmem:v53+s17+$0x0] =	vst.idx.msk $0xffff, v52;
	v48 =	vadd.s32 s22, v28  }
0xec: {  	s21 =	sshll.u32 s18, $0x7;
	v45 =	vadd.s32 s31, v15;
	s20 =	sshll.u32 s6, $0x9;
	s23 =	sor.u32 $0x800, s8;
	[tilespmem:v55+s17+$0x0] =	vst.idx.msk $0xffff, v54;
	v63 =	vld [tilespmem:s9+$0x470]  }
0xed: {  	s25 =	sadd.s32 $0x800, s21;
	s24 =	sor.u32 $0xC40, s7;
	v47 =	vadd.s32 s3, v16;
	s5 =	sadd.s32 $0x800, s20;
	v46 =	vld [tilespmem:s23+$0x0];
	[tilespmem:v61+s17+$0x0] =	vst.idx.msk $0xffff, v57  }
0xee: {  	s1 =	sor.u32 $0x800, s5;
	v49 =	vld [tilespmem:s24+$0x0];
	v53 =	vadd.s32 s0, v28;
	s10 =	sadd.s32 $0x80, s25;
	[tilespmem:v58+s17+$0x0] =	vst.idx.msk $0xffff, v42  }
0xef: {  	v50 =	vadd.s32 s26, v16;
	s9 =	sor.u32 $0x800, s10;
	v42 =	vld [tilespmem:s1+$0x0];
	[tilespmem:v60+s17+$0x0] =	vst.idx.msk $0xffff, v59  }
0xf0: {  	s13 =	sor.u32 $0xC40, s12;
	v52 =	vadd.s32 s30, v16;
	s1 =	sadd.s32 $0x180, s25;
	[tilespmem:v48+s17+$0x0] =	vst.idx.msk $0xffff, v62;
	v51 =	vld [tilespmem:s9+$0x0]  }
0xf1: {  	v54 =	vld [tilespmem:s13+$0x0];
	s14 =	sor.u32 $0x800, s1;
	[tilespmem:v45+s17+$0x0] =	vst.idx.msk $0xffff, v63  }
0xf2: {  	s15 =	sor.u32 $0x810, s8;
	v56 =	vadd.s32 s31, v16;
	[tilespmem:v47+s17+$0x0] =	vst.idx.msk $0xffff, v46;
	v55 =	vld [tilespmem:s14+$0x0]  }
0xf3: {  	s16 =	sor.u32 $0xC50, s4;
	v58 =	vadd.s32 s3, v17;
	[tilespmem:v53+s17+$0x0] =	vst.idx.msk $0xffff, v49;
	v57 =	vld [tilespmem:s15+$0x0]  }
0xf4: {  	s20 =	sor.u32 $0x810, s5;
	v60 =	vld [tilespmem:s16+$0x0];
	[tilespmem:v50+s17+$0x0] =	vst.idx.msk $0xffff, v42  }
0xf5: {  	s21 =	sor.u32 $0xC70, s12;
	s16 =	sor.u32 $0x810, s10;
	v42 =	vld [tilespmem:s20+$0x0];
	[tilespmem:v52+s17+$0x0] =	vst.idx.msk $0xffff, v51  }
0xf6: {  	v59 =	vadd.s32 s2, v28;
	v62 =	vld [tilespmem:s16+$0x0];
	[smem:$0x7E8] =	sst s21  }
0xf7: {  	s18 =	sor.u32 $0xC50, s7;
	[tilespmem:v56+s17+$0x0] =	vst.idx.msk $0xffff, v55  }
0xf8: {  	s23 =	sor.u32 $0x810, s1;
	s20 =	sor.u32 $0x850, s10;
	v46 =	vld [tilespmem:s18+$0x0];
	[tilespmem:v58+s17+$0x0] =	vst.idx.msk $0xffff, v57  }
0xf9: {  	v61 =	vadd.s32 s26, v17;
	s25 =	sor.u32 $0x860, s10;
	v47 =	vld [tilespmem:s23+$0x0];
	[smem:$0x7E9] =	sst s20  }
0xfa: {  	[smem:$0x7EA] =	sst s25  }
0xfb: {  	s0 =	sor.u32 $0x870, s10;
	v63 =	vadd.s32 s30, v17;
	s18 =	sor.u32 $0x820, s8;
	[tilespmem:v59+s17+$0x0] =	vst.idx.msk $0xffff, v54  }
0xfc: {  	s14 =	sor.u32 $0xC50, s12;
	s20 =	sor.u32 $0xC00, s10;
	v49 =	vld [tilespmem:s18+$0x0];
	[smem:$0x7EB] =	sst s0  }
0xfd: {  	v41 =	vld [tilespmem:s14+$0x0];
	[dreg:$0x18] =	wrdreg s20  }
0xfe: {  	s21 =	sor.u32 $0xC10, s10;
	[tilespmem:v61+s17+$0x0] =	vst.idx.msk $0xffff, v42  }
0xff: {  	v45 =	vadd.s32 s22, v29;
	[dreg:$0x12] =	wrdreg s21  }
0x100: {  	s24 =	sor.u32 $0x820, s5;
	v48 =	vadd.s32 s31, v17;
	s23 =	sor.u32 $0xC20, s10;
	[tilespmem:v63+s17+$0x0] =	vst.idx.msk $0xffff, v62  }
0x101: {  	v50 =	vadd.s32 s3, v18;
	s0 =	simm.s32 $0x1;
	v42 =	vld [tilespmem:s24+$0x0];
	s24 =	sor.u32 $0xC30, s10;
	[dreg:$0xd] =	wrdreg s23  }
0x102: {  	s13 =	sor.u32 $0x820, s10;
	s25 =	sor.u32 $0xC60, s10;
	v51 =	vadd.s32 s0, v29;
	[dreg:$0x6] =	wrdreg s24  }
0x103: {  	v38 =	vld [tilespmem:s13+$0x0];
	[smem:$0x7EC] =	sst s25  }
0x104: {  	[tilespmem:v45+s17+$0x0] =	vst.idx.msk $0xffff, v60  }
0x105: {  	s15 =	sor.u32 $0xC60, s4;
	[tilespmem:v48+s17+$0x0] =	vst.idx.msk $0xffff, v47  }
0x106: {  	v52 =	vadd.s32 s26, v18;
	s13 =	sor.u32 $0x820, s1;
	[tilespmem:v50+s17+$0x0] =	vst.idx.msk $0xffff, v49;
	v43 =	vld [tilespmem:s15+$0x0]  }
0x107: {  	s18 =	sor.u32 $0x870, s5;
	s14 =	sor.u32 $0x830, s8;
	[tilespmem:v51+s17+$0x0] =	vst.idx.msk $0xffff, v46;
	v39 =	vld [tilespmem:s13+$0x0]  }
0x108: {  	s23 =	sor.u32 $0xC00, s5;
	v40 =	vld [tilespmem:s14+$0x0];
	[smem:$0x7EE] =	sst s18  }
0x109: {  	s15 =	sor.u32 $0x860, s5;
	[smem:$0x7EF] =	sst s23  }
0x10a: {  	v53 =	vadd.s32 s30, v18;
	[smem:$0x7ED] =	sst s15  }
0x10b: {  	s11 =	sor.u32 $0xC60, s7;
	s25 =	sor.u32 $0xC10, s5;
	[tilespmem:v52+s17+$0x0] =	vst.idx.msk $0xffff, v42  }
0x10c: {  	v54 =	vadd.s32 s2, v29;
	s13 =	sor.u32 $0xC20, s5;
	v44 =	vld [tilespmem:s11+$0x0];
	[dreg:$0x19] =	wrdreg s25  }
0x10d: {  	v55 =	vadd.s32 s31, v18;
	s14 =	sor.u32 $0xC30, s5;
	[dreg:$0x14] =	wrdreg s13  }
0x10e: {  	v56 =	vadd.s32 s3, v19;
	[dreg:$0xf] =	wrdreg s14  }
0x10f: {  	s9 =	sor.u32 $0xC60, s12;
	s12 =	sor.u32 $0x830, s5;
	s15 =	sor.u32 $0xC40, s5;
	[tilespmem:v53+s17+$0x0] =	vst.idx.msk $0xffff, v38  }
0x110: {  	v42 =	vld [tilespmem:s12+$0x0];
	[dreg:$0x9] =	wrdreg s15  }
0x111: {  	s16 =	sor.u32 $0x830, s10;
	v57 =	vadd.s32 s22, v30;
	[tilespmem:v54+s17+$0x0] =	vst.idx.msk $0xffff, v41  }
0x112: {  	v38 =	vld [tilespmem:s16+$0x0];
	[tilespmem:v55+s17+$0x0] =	vst.idx.msk $0xffff, v39  }
0x113: {  	s25 =	sor.u32 $0x850, s1;
	s16 =	sor.u32 $0x830, s1;
	[tilespmem:v56+s17+$0x0] =	vst.idx.msk $0xffff, v40;
	v41 =	vld [tilespmem:s9+$0x0]  }
0x114: {  	s6 =	sor.u32 $0xC70, s7;
	v60 =	vadd.s32 s0, v30;
	s0 =	sor.u32 $0x860, s1;
	v45 =	vld [tilespmem:s16+$0x0];
	[smem:$0x7F0] =	sst s25  }
0x115: {  	s29 =	sor.u32 $0xC50, s5;
	s7 =	sor.u32 $0x840, s10;
	v58 =	vadd.s32 s26, v19;
	[smem:$0x7F1] =	sst s0  }
0x116: {  	s28 =	sor.u32 $0xC40, s10;
	s13 =	sor.u32 $0x840, s8;
	s14 =	sor.u32 $0x870, s1;
	[tilespmem:v57+s17+$0x0] =	vst.idx.msk $0xffff, v43  }
0x117: {  	s4 =	sor.u32 $0xC70, s4;
	s16 =	sor.u32 $0xC00, s1;
	v46 =	vld [tilespmem:s13+$0x0];
	[smem:$0x7F2] =	sst s14  }
0x118: {  	s20 =	sor.u32 $0x850, s5;
	s25 =	sor.u32 $0xC10, s1;
	[dreg:$0x1f] =	wrdreg s16  }
0x119: {  	v59 =	vadd.s32 s30, v19;
	s21 =	sor.u32 $0xC50, s10;
	s24 =	sor.u32 $0xC70, s10;
	[dreg:$0x1c] =	wrdreg s25  }
0x11a: {  	s10 =	sor.u32 $0x840, s5;
	s23 =	sor.u32 $0xC60, s5;
	s0 =	sor.u32 $0xC20, s1;
	[tilespmem:v58+s17+$0x0] =	vst.idx.msk $0xffff, v42  }
0x11b: {  	s15 =	sor.u32 $0xC70, s5;
	s5 =	sor.u32 $0xC30, s1;
	v34 =	vld [tilespmem:s4+$0x0];
	[dreg:$0x16] =	wrdreg s0  }
0x11c: {  	v61 =	vadd.s32 s31, v19;
	s13 =	sor.u32 $0xC40, s1;
	[dreg:$0x13] =	wrdreg s5  }
0x11d: {  	[dreg:$0xa] =	wrdreg s13  }
0x11e: {  	p2 =	por !p2, !p2;
	s11 =	simm.s32 $0x1;
	s14 =	sor.u32 $0xC50, s1;
	[tilespmem:v59+s17+$0x0] =	vst.idx.msk $0xffff, v38  }
0x11f: {  	v62 =	vadd.s32 s2, v30;
	s18 =	simm.s32 $0x8;
	s11 =	simm.s32 @!p2 $0x0;
	v37 =	vld [tilespmem:s10+$0x0];
	[dreg:$0x7] =	wrdreg s14  }
0x120: {  	v63 =	vadd.s32 s3, v20;
	s12 =	simm.s32 $0x1;
	v40 =	vadd.s32 s22, v31;
	s22 =	simm.s32 $0x1000;
	s16 =	sand.u32 $0x7, s18;
	[tilespmem:v60+s17+$0x0] =	vst.idx.msk $0xffff, v44  }
0x121: {  	s9 =	sor.u32 $0x840, s1;
	s25 =	sor.u32 $0xC70, s1;
	s4 =	sshll.u32 s16, $0x7;
	v33 =	vld [tilespmem:s7+$0x0];
	[tilespmem:v61+s17+$0x0] =	vst.idx.msk $0xffff, v45  }
0x122: {  	s0 =	sor.u32 $0xC60, s1;
	v35 =	vld [tilespmem:s6+$0x0];
	[smem:$0x7F3] =	sst s19;
	s19 =	sshll.u32 s19, $0x6  }
0x123: {  	s1 =	sshll.u32 s11, $0x9;
	s13 =	simm.s32 $0x9;
	[smem:$0x7F4] =	sst s19  }
0x124: {  	v36 =	vadd.s32 s31, v20;
	s5 =	sor.u32 $0x850, s8;
	v38 =	vadd.s32 s12, v31;
	s10 =	simm.s32 $0x580;
	s12 =	simm.s32 $0xC;
	[tilespmem:v62+s17+$0x0] =	vst.idx.msk $0xffff, v41  }
0x125: {  	v39 =	vadd.s32 s30, v20;
	s7 =	simm.s32 $0x8;
	s6 =	simm.s32 $0x500;
	s19 =	simm.s32 $0xB;
	v32 =	vld [tilespmem:s9+$0x0];
	v41 =	vadd.s32 s26, v20;
	[tilespmem:v63+s17+$0x0] =	vst.idx.msk $0xffff, v46  }
.LBB2_3:
0x126: {  	[smem:$0x7C9] =	sst s28  }
0x127: {  	[smem:$0x7D3] =	sst s21  }
0x128: {  	[smem:$0x7CF] =	sst s29  }
0x129: {  	[smem:$0x7E2] =	sst s15  }
0x12a: {  	[smem:$0x7D9] =	sst s23  }
0x12b: {  	[smem:$0x7DF] =	sst s0  }
0x12c: {  	[smem:$0x7C8] =	sst s7  }
0x12d: {  	s9 =	sand.u32 $0x3000, s22;
	s6 =	sand.u32 $0x300, s6;
	s15 =	sadd.s32 $0xFFFFFE80, s10  }
0x12e: {  	s14 =	smov.u32 s19;
	s16 =	sld [smem:$0x7E8];
	s23 =	sadd.s32 $0xFFFFFF00, s10  }
0x12f: {  	v61 =	vadd.s32 s2, v31;
	s4 =	sadd.s32 s22, s4;
	s2 =	sadd.s32 s1, s22;
	s21 =	sand.u32 $0x200, s15  }
0x130: {  	v42 =	vld [tilespmem:s5+$0x0];
	s5 =	sand.u32 $0x280, s23;
	s15 =	sor.u32 $0x800, s2;
	s1 =	sor.u32 $0x830, s2  }
0x131: {  	s23 =	sor.u32 s5, s9;
	s5 =	smov.u32 s25;
	[smem:$0x7CB] =	sst s15  }
0x132: {  	s25 =	sadd.s32 $0x80, s4;
	s15 =	sor.u32 $0x820, s2;
	[smem:$0x7DD] =	sst s1  }
0x133: {  	v60 =	vld [tilespmem:s16+$0x0];
	s16 =	sadd.s32 $0x180, s4;
	s4 =	sor.u32 $0x810, s2;
	[smem:$0x7D7] =	sst s15  }
0x134: {  	s19 =	sor.u32 s6, s9;
	s6 =	sor.u32 $0x810, s25;
	[smem:$0x7D1] =	sst s4  }
0x135: {  	s15 =	sor.u32 $0x840, s2;
	[smem:$0x7D2] =	sst s6  }
0x136: {  	s7 =	sor.u32 s21, s9;
	s21 =	sor.u32 $0x800, s16;
	[smem:$0x7E4] =	sst s15  }
0x137: {  	v43 =	vadd.s32 s3, v21;
	s4 =	sor.u32 $0x830, s25;
	[smem:$0x7CE] =	sst s21  }
0x138: {  	s6 =	sor.u32 $0x830, s16;
	[smem:$0x7DE] =	sst s4  }
0x139: {  	s21 =	sor.u32 $0x820, s16;
	[smem:$0x7E1] =	sst s6  }
0x13a: {  	s0 =	sand.u32 $0x380, s10;
	[tilespmem:v40+s17+$0x0] =	vst.idx.msk $0xffff, v34;
	s6 =	sor.u32 $0x870, s16;
	[smem:$0x7DB] =	sst s21  }
0x13b: {  	s11 =	sor.u32 s0, s9;
	v62 =	vld [tilespmem:s19+$0x0];
	[tilespmem:v41+s17+$0x0] =	vst.idx.msk $0xffff, v37;
	[smem:$0x7BB] =	sst s6  }
0x13c: {  	s9 =	sor.u32 $0x860, s8;
	[tilespmem:v43+s17+$0x0] =	vst.idx.msk $0xffff, v42;
	v45 =	vld [tilespmem:s20+$0x0];
	s20 =	sor.u32 $0x800, s25;
	s6 =	sld [smem:$0x7F0]  }
0x13d: {  	v42 =	vld [tilespmem:s9+$0x0];
	s9 =	sor.u32 $0x810, s16;
	[smem:$0x7CC] =	sst s20  }
0x13e: {  	[smem:$0x7D5] =	sst s9  }
0x13f: {  	s21 =	sor.u32 $0x840, s16;
	s9 =	sld [smem:$0x7E9]  }
0x140: {  	s0 =	sor.u32 $0x850, s25;
	[smem:$0x7E7] =	sst s21  }
0x141: {  	s29 =	sadd.s32 $0x2, s18;
	s20 =	sor.u32 $0x820, s25;
	[smem:$0x7E9] =	sst s0  }
0x142: {  	v63 =	vadd.s32 s29, v0;
	[tilespmem:v36+s17+$0x0] =	vst.idx.msk $0xffff, v32;
	[smem:$0x7D8] =	sst s20;
	s20 =	sor.u32 $0x840, s25  }
0x143: {  	v51 =	vadd.s32 s3, v22;
	[tilespmem:v61+s17+$0x0] =	vst.idx.msk $0xffff, v60;
	[smem:$0x7E5] =	sst s20;
	s20 =	sor.u32 $0xC00, s25  }
0x144: {  	v52 =	vadd.s32 s14, v0;
	v34 =	vld [tilespmem:s11+$0x0];
	[smem:$0x7BD] =	sst s20;
	s20 =	sor.u32 $0xC00, s16  }
0x145: {  	[smem:$0x7BE] =	sst s20;
	s20 =	sor.u32 $0xC00, s2  }
0x146: {  	v46 =	vadd.s32 s26, v21;
	[tilespmem:v39+s17+$0x0] =	vst.idx.msk $0xffff, v33;
	[smem:$0x7BC] =	sst s20;
	s20 =	sor.u32 $0xC10, s25  }
0x147: {  	v48 =	vadd.s32 s18, v0;
	v47 =	vld [tilespmem:s7+$0x0];
	[tilespmem:v63+s17+$0x0] =	vst.idx.msk $0xffff, v62;
	[smem:$0x7C0] =	sst s20;
	s20 =	sor.u32 $0xC10, s16  }
0x148: {  	v53 =	vadd.s32 s29, v1;
	s4 =	sor.u32 $0x870, s8;
	v40 =	vld [tilespmem:s19+$0x10];
	[tilespmem:v51+s17+$0x0] =	vst.idx.msk $0xffff, v42;
	[smem:$0x7C1] =	sst s20;
	s20 =	sor.u32 $0xC10, s2  }
0x149: {  	v58 =	vld [tilespmem:s4+$0x0];
	[tilespmem:v52+s17+$0x0] =	vst.idx.msk $0xffff, v34;
	[smem:$0x7BF] =	sst s20;
	s20 =	sor.u32 $0xC20, s25  }
0x14a: {  	v59 =	vadd.s32 s3, v23;
	[tilespmem:v38+s17+$0x0] =	vst.idx.msk $0xffff, v35;
	v63 =	vld [tilespmem:s6+$0x0];
	s6 =	sor.u32 $0xC30, s2;
	[smem:$0x7C3] =	sst s20  }
0x14b: {  	v49 =	vld [tilespmem:s23+$0x0];
	[tilespmem:v46+s17+$0x0] =	vst.idx.msk $0xffff, v45;
	s20 =	sor.u32 $0xC20, s16;
	[smem:$0x7C5] =	sst s6  }
0x14c: {  	v50 =	vadd.s32 s13, v0;
	v54 =	vld [tilespmem:s9+$0x0];
	[tilespmem:v48+s17+$0x0] =	vst.idx.msk $0xffff, v47;
	s6 =	sor.u32 $0xC40, s25;
	[smem:$0x7C4] =	sst s20  }
0x14d: {  	s1 =	sor.u32 $0x870, s2;
	v38 =	vld [tilespmem:s7+$0x10];
	[tilespmem:v53+s17+$0x0] =	vst.idx.msk $0xffff, v40;
	s20 =	sor.u32 $0xC20, s2;
	[smem:$0x7CA] =	sst s6  }
0x14e: {  	v55 =	vadd.s32 s30, v21;
	s28 =	sor.u32 $0x860, s16;
	v42 =	vld [tilespmem:s19+$0x20];
	[smem:$0x7C2] =	sst s20;
	s20 =	sor.u32 $0xC30, s25  }
0x14f: {  	v61 =	vadd.s32 s14, v1;
	v60 =	vld [tilespmem:s11+$0x10];
	[tilespmem:v59+s17+$0x0] =	vst.idx.msk $0xffff, v58;
	s6 =	sor.u32 $0xC30, s16;
	[smem:$0x7C6] =	sst s20;
	s20 =	sor.u32 $0xC00, s8  }
0x150: {  	v56 =	vadd.s32 s18, v1;
	s15 =	sor.u32 $0x860, s2;
	[smem:$0x7C7] =	sst s6;
	v34 =	vld [tilespmem:s20+$0x0];
	s20 =	sor.u32 $0xC50, s25  }
0x151: {  	s0 =	smov.u32 s30;
	v62 =	vadd.s32 s29, v2;
	[tilespmem:v50+s17+$0x0] =	vst.idx.msk $0xffff, v49;
	[smem:$0x7D4] =	sst s20;
	s20 =	sor.u32 $0xC40, s16  }
0x152: {  	v57 =	vadd.s32 s13, v1;
	s30 =	smov.u32 s22;
	v32 =	vld [tilespmem:s23+$0x10];
	[smem:$0x7CD] =	sst s20;
	s20 =	sor.u32 $0xC50, s2  }
0x153: {  	s22 =	sor.u32 $0x850, s2;
	v45 =	vadd.s32 s31, v21;
	[tilespmem:v55+s17+$0x0] =	vst.idx.msk $0xffff, v54;
	[smem:$0x7D0] =	sst s20;
	s20 =	sor.u32 $0xC60, s25  }
0x154: {  	s9 =	sor.u32 $0x860, s25;
	v48 =	vadd.s32 s3, v24;
	[tilespmem:v61+s17+$0x0] =	vst.idx.msk $0xffff, v60;
	[smem:$0x7DC] =	sst s20;
	s20 =	sor.u32 $0xC50, s16  }
0x155: {  	v49 =	vadd.s32 s14, v2;
	s4 =	sor.u32 $0x870, s25;
	[tilespmem:v56+s17+$0x0] =	vst.idx.msk $0xffff, v38;
	v40 =	vld [tilespmem:s11+$0x20];
	[smem:$0x7D6] =	sst s20;
	s20 =	sor.u32 $0xC60, s2  }
0x156: {  	v46 =	vadd.s32 s18, v2;
	s6 =	sor.u32 $0xC40, s2;
	v38 =	vld [tilespmem:s7+$0x20];
	[tilespmem:v62+s17+$0x0] =	vst.idx.msk $0xffff, v42;
	s2 =	sor.u32 $0xC70, s2;
	[smem:$0x7DA] =	sst s20  }
0x157: {  	v50 =	vadd.s32 s29, v3;
	[tilespmem:v57+s17+$0x0] =	vst.idx.msk $0xffff, v32;
	v42 =	vld [tilespmem:s19+$0x30];
	s20 =	sor.u32 $0xC70, s25;
	s25 =	sor.u32 $0xC60, s16;
	[smem:$0x7E3] =	sst s2  }
0x158: {  	s21 =	smov.u32 s24;
	s24 =	sor.u32 $0x850, s16;
	[tilespmem:v45+s17+$0x0] =	vst.idx.msk $0xffff, v63;
	[smem:$0x7E0] =	sst s25  }
0x159: {  	v47 =	vadd.s32 s13, v2;
	v32 =	vld [tilespmem:s23+$0x20];
	[tilespmem:v48+s17+$0x0] =	vst.idx.msk $0xffff, v34;
	s2 =	sor.u32 $0xC70, s16;
	s16 =	sor.u32 $0xC10, s8;
	s25 =	sld [smem:$0x7ED]  }
0x15a: {  	[tilespmem:v49+s17+$0x0] =	vst.idx.msk $0xffff, v40;
	v34 =	vld [tilespmem:s16+$0x0]  }
0x15b: {  	v55 =	vadd.s32 s3, v25;
	[tilespmem:v46+s17+$0x0] =	vst.idx.msk $0xffff, v38;
	v40 =	vld [tilespmem:s11+$0x30]  }
0x15c: {  	v56 =	vadd.s32 s14, v3;
	[tilespmem:v50+s17+$0x0] =	vst.idx.msk $0xffff, v42;
	v51 =	vld [tilespmem:s25+$0x0];
	s25 =	smov.u32 s24  }
0x15d: {  	v57 =	vadd.s32 s29, v4;
	v42 =	vld [tilespmem:s19+$0x40];
	[smem:$0x7F0] =	sst s25;
	s25 =	smov.u32 s15  }
0x15e: {  	v52 =	vadd.s32 s26, v22;
	[tilespmem:v47+s17+$0x0] =	vst.idx.msk $0xffff, v32;
	[smem:$0x7ED] =	sst s25  }
0x15f: {  	v54 =	vadd.s32 s13, v3;
	v32 =	vld [tilespmem:s23+$0x30];
	s25 =	smov.u32 s21;
	s21 =	sld [smem:$0x7EA]  }
0x160: {  	v53 =	vadd.s32 s18, v3;
	v38 =	vld [tilespmem:s7+$0x30];
	s16 =	smov.u32 s5;
	s5 =	sor.u32 $0xC20, s8;
	[tilespmem:v55+s17+$0x0] =	vst.idx.msk $0xffff, v34;
	[smem:$0x7E6] =	sst s25  }
0x161: {  	v62 =	vadd.s32 s3, v26;
	[tilespmem:v56+s17+$0x0] =	vst.idx.msk $0xffff, v40;
	s25 =	smov.u32 s2;
	s2 =	smov.u32 s31;
	s31 =	smov.u32 s14;
	v34 =	vld [tilespmem:s5+$0x0]  }
0x162: {  	[smem:$0x7E8] =	sst s16;
	[tilespmem:v57+s17+$0x0] =	vst.idx.msk $0xffff, v42;
	v40 =	vld [tilespmem:s11+$0x40];
	v63 =	vadd.s32 s31, v4  }
0x163: {  	v45 =	vadd.s32 s29, v5;
	s16 =	smov.u32 s0;
	s24 =	smov.u32 s20;
	s20 =	smov.u32 s22;
	v42 =	vld [tilespmem:s19+$0x50];
	[tilespmem:v52+s17+$0x0] =	vst.idx.msk $0xffff, v51  }
0x164: {  	v59 =	vadd.s32 s16, v22;
	s22 =	smov.u32 s30;
	s30 =	smov.u32 s13;
	s13 =	sld [smem:$0x7F1];
	v58 =	vld [tilespmem:s21+$0x0];
	[tilespmem:v54+s17+$0x0] =	vst.idx.msk $0xffff, v32  }
0x165: {  	s15 =	smov.u32 s26;
	s26 =	smov.u32 s18;
	v61 =	vadd.s32 s30, v4;
	[tilespmem:v53+s17+$0x0] =	vst.idx.msk $0xffff, v38;
	v32 =	vld [tilespmem:s23+$0x40]  }
0x166: {  	v60 =	vadd.s32 s26, v4;
	v38 =	vld [tilespmem:s7+$0x40];
	[tilespmem:v62+s17+$0x0] =	vst.idx.msk $0xffff, v34  }
0x167: {  	v46 =	vld [tilespmem:s13+$0x0];
	v47 =	vadd.s32 s2, v22;
	s21 =	sor.u32 $0xC30, s8;
	[tilespmem:v63+s17+$0x0] =	vst.idx.msk $0xffff, v40  }
0x168: {  	v50 =	vadd.s32 s3, v27;
	v34 =	vld [tilespmem:s21+$0x0];
	[tilespmem:v45+s17+$0x0] =	vst.idx.msk $0xffff, v42  }
0x169: {  	v51 =	vadd.s32 s31, v5;
	[tilespmem:v59+s17+$0x0] =	vst.idx.msk $0xffff, v58;
	v40 =	vld [tilespmem:s11+$0x50]  }
0x16a: {  	v52 =	vadd.s32 s29, v6;
	v42 =	vld [tilespmem:s19+$0x60];
	[tilespmem:v61+s17+$0x0] =	vst.idx.msk $0xffff, v32  }
0x16b: {  	v49 =	vadd.s32 s30, v5;
	[tilespmem:v60+s17+$0x0] =	vst.idx.msk $0xffff, v38;
	v32 =	vld [tilespmem:s23+$0x50]  }
0x16c: {  	v48 =	vadd.s32 s26, v5;
	[tilespmem:v47+s17+$0x0] =	vst.idx.msk $0xffff, v46;
	v38 =	vld [tilespmem:s7+$0x50]  }
0x16d: {  	s0 =	smov.u32 s9;
	s9 =	sor.u32 $0xC40, s8;
	[tilespmem:v50+s17+$0x0] =	vst.idx.msk $0xffff, v34  }
0x16e: {  	[smem:$0x7EA] =	sst s0;
	v57 =	vadd.s32 s3, v28;
	[tilespmem:v51+s17+$0x0] =	vst.idx.msk $0xffff, v40;
	v34 =	vld [tilespmem:s9+$0x0]  }
0x16f: {  	s0 =	sld [smem:$0x7EE];
	v58 =	vadd.s32 s31, v6;
	[tilespmem:v52+s17+$0x0] =	vst.idx.msk $0xffff, v42;
	v40 =	vld [tilespmem:s11+$0x60]  }
0x170: {  	s13 =	sld [smem:$0x7EB];
	v59 =	vadd.s32 s29, v7;
	v42 =	vld [tilespmem:s19+$0x70];
	[tilespmem:v49+s17+$0x0] =	vst.idx.msk $0xffff, v32  }
0x171: {  	v56 =	vadd.s32 s30, v6;
	[tilespmem:v48+s17+$0x0] =	vst.idx.msk $0xffff, v38;
	v32 =	vld [tilespmem:s23+$0x60]  }
0x172: {  	v54 =	vadd.s32 s15, v23;
	v53 =	vld [tilespmem:s0+$0x0]  }
0x173: {  	v61 =	vadd.s32 s16, v23;
	v60 =	vld [tilespmem:s13+$0x0];
	[tilespmem:v57+s17+$0x0] =	vst.idx.msk $0xffff, v34  }
0x174: {  	v55 =	vadd.s32 s26, v6;
	s21 =	sor.u32 $0xC50, s8;
	v38 =	vld [tilespmem:s7+$0x60];
	[tilespmem:v58+s17+$0x0] =	vst.idx.msk $0xffff, v40  }
0x175: {  	v45 =	vadd.s32 s3, v29;
	v34 =	vld [tilespmem:s21+$0x0];
	[tilespmem:v59+s17+$0x0] =	vst.idx.msk $0xffff, v42  }
0x176: {  	v46 =	vadd.s32 s31, v7;
	s0 =	sld [smem:$0x7F2];
	v40 =	vld [tilespmem:s11+$0x70];
	[tilespmem:v56+s17+$0x0] =	vst.idx.msk $0xffff, v32  }
0x177: {  	v47 =	vadd.s32 s29, v8;
	v42 =	vld [tilespmem:s19+$0x400];
	[tilespmem:v54+s17+$0x0] =	vst.idx.msk $0xffff, v53  }
0x178: {  	v63 =	vadd.s32 s30, v7;
	v32 =	vld [tilespmem:s23+$0x70];
	[tilespmem:v61+s17+$0x0] =	vst.idx.msk $0xffff, v60  }
0x179: {  	s14 =	smov.u32 s28;
	v49 =	vadd.s32 s2, v23;
	v48 =	vld [tilespmem:s0+$0x0];
	[tilespmem:v55+s17+$0x0] =	vst.idx.msk $0xffff, v38  }
0x17a: {  	s5 =	smov.u32 s1;
	s1 =	sld [smem:$0x7BB];
	v62 =	vadd.s32 s26, v7;
	s9 =	sor.u32 $0xC60, s8;
	v38 =	vld [tilespmem:s7+$0x70];
	[tilespmem:v45+s17+$0x0] =	vst.idx.msk $0xffff, v34  }
0x17b: {  	[smem:$0x7F1] =	sst s14;
	v52 =	vadd.s32 s3, v30;
	[tilespmem:v46+s17+$0x0] =	vst.idx.msk $0xffff, v40;
	v34 =	vld [tilespmem:s9+$0x0]  }
0x17c: {  	[smem:$0x7EE] =	sst s5;
	v53 =	vadd.s32 s31, v8;
	[tilespmem:v47+s17+$0x0] =	vst.idx.msk $0xffff, v42;
	v40 =	vld [tilespmem:s11+$0x400]  }
0x17d: {  	s14 =	smov.u32 s4;
	s5 =	rddreg [dreg:$0x18];
	v54 =	vadd.s32 s29, v9;
	v42 =	vld [tilespmem:s19+$0x410];
	[tilespmem:v63+s17+$0x0] =	vst.idx.msk $0xffff, v32  }
0x17e: {  	[smem:$0x7EB] =	sst s14;
	v51 =	vadd.s32 s30, v8;
	[tilespmem:v49+s17+$0x0] =	vst.idx.msk $0xffff, v48;
	v32 =	vld [tilespmem:s23+$0x400]  }
0x17f: {  	s14 =	sld [smem:$0x7BC];
	s4 =	smov.u32 s1;
	[tilespmem:v62+s17+$0x0] =	vst.idx.msk $0xffff, v38  }
0x180: {  	v50 =	vadd.s32 s26, v8;
	[smem:$0x7F2] =	sst s4;
	s4 =	sor.u32 $0xC70, s8;
	v38 =	vld [tilespmem:s7+$0x400];
	[tilespmem:v52+s17+$0x0] =	vst.idx.msk $0xffff, v34  }
0x181: {  	s1 =	sld [smem:$0x7BF];
	v59 =	vadd.s32 s3, v31;
	[tilespmem:v53+s17+$0x0] =	vst.idx.msk $0xffff, v40;
	v34 =	vld [tilespmem:s4+$0x0]  }
0x182: {  	s13 =	sld [smem:$0x7EF];
	s3 =	smov.u32 s29;
	v60 =	vadd.s32 s31, v9;
	[tilespmem:v54+s17+$0x0] =	vst.idx.msk $0xffff, v42;
	v40 =	vld [tilespmem:s11+$0x410]  }
0x183: {  	s8 =	sld [smem:$0x7BD];
	v61 =	vadd.s32 s3, v10;
	v42 =	vld [tilespmem:s19+$0x420];
	[tilespmem:v51+s17+$0x0] =	vst.idx.msk $0xffff, v32  }
0x184: {  	s21 =	smov.u32 s14;
	s14 =	sld [smem:$0x7BE];
	v32 =	vld [tilespmem:s23+$0x410]  }
0x185: {  	v58 =	vadd.s32 s30, v9;
	[smem:$0x7EF] =	sst s21;
	v62 =	vld [tilespmem:s5+$0x0];
	[tilespmem:v50+s17+$0x0] =	vst.idx.msk $0xffff, v38  }
0x186: {  	s0 =	rddreg [dreg:$0x19];
	v56 =	vadd.s32 s15, v24;
	v55 =	vld [tilespmem:s13+$0x0];
	[tilespmem:v59+s17+$0x0] =	vst.idx.msk $0xffff, v34  }
0x187: {  	v57 =	vadd.s32 s26, v9;
	v38 =	vld [tilespmem:s7+$0x410];
	s13 =	rddreg [dreg:$0x1f];
	[tilespmem:v60+s17+$0x0] =	vst.idx.msk $0xffff, v40  }
0x188: {  	s9 =	smov.u32 s8;
	s8 =	sld [smem:$0x7C0];
	v48 =	vadd.s32 s2, v24;
	[tilespmem:v61+s17+$0x0] =	vst.idx.msk $0xffff, v42;
	v47 =	vld [tilespmem:s13+$0x0]  }
0x189: {  	s21 =	smov.u32 s14;
	s14 =	sld [smem:$0x7C1];
	v50 =	vadd.s32 s3, v11;
	v42 =	vld [tilespmem:s19+$0x430]  }
0x18a: {  	[dreg:$0x18] =	wrdreg s9;
	v49 =	vadd.s32 s31, v10;
	v40 =	vld [tilespmem:s11+$0x420];
	[tilespmem:v58+s17+$0x0] =	vst.idx.msk $0xffff, v32  }
0x18b: {  	v63 =	vadd.s32 s16, v24;
	s9 =	smov.u32 s8;
	s8 =	sld [smem:$0x7C3];
	[tilespmem:v56+s17+$0x0] =	vst.idx.msk $0xffff, v55  }
0x18c: {  	v46 =	vadd.s32 s30, v10;
	s4 =	smov.u32 s1;
	s1 =	sld [smem:$0x7C2];
	v32 =	vld [tilespmem:s23+$0x420];
	[tilespmem:v57+s17+$0x0] =	vst.idx.msk $0xffff, v38  }
0x18d: {  	[dreg:$0x19] =	wrdreg s4;
	[tilespmem:v48+s17+$0x0] =	vst.idx.msk $0xffff, v47  }
0x18e: {  	v45 =	vadd.s32 s26, v10;
	s5 =	rddreg [dreg:$0x12];
	v38 =	vld [tilespmem:s7+$0x420];
	[tilespmem:v50+s17+$0x0] =	vst.idx.msk $0xffff, v42  }
0x18f: {  	[dreg:$0x12] =	wrdreg s9;
	[tilespmem:v49+s17+$0x0] =	vst.idx.msk $0xffff, v40;
	v42 =	vld [tilespmem:s19+$0x440]  }
0x190: {  	s13 =	rddreg [dreg:$0x1c];
	v58 =	vadd.s32 s3, v12;
	[tilespmem:v63+s17+$0x0] =	vst.idx.msk $0xffff, v62;
	v40 =	vld [tilespmem:s11+$0x430]  }
0x191: {  	s4 =	smov.u32 s1;
	s1 =	sld [smem:$0x7C5];
	v57 =	vadd.s32 s31, v11;
	[tilespmem:v46+s17+$0x0] =	vst.idx.msk $0xffff, v32;
	v59 =	vld [tilespmem:s13+$0x0]  }
0x192: {  	v54 =	vadd.s32 s30, v11;
	[dreg:$0x1f] =	wrdreg s21;
	v32 =	vld [tilespmem:s23+$0x430]  }
0x193: {  	s21 =	smov.u32 s14;
	s14 =	sld [smem:$0x7C4];
	v56 =	vadd.s32 s16, v25;
	v55 =	vld [tilespmem:s5+$0x0];
	[tilespmem:v45+s17+$0x0] =	vst.idx.msk $0xffff, v38  }
0x194: {  	v52 =	vadd.s32 s15, v25;
	s9 =	smov.u32 s8;
	s8 =	sld [smem:$0x7C6];
	v51 =	vld [tilespmem:s0+$0x0]  }
0x195: {  	v53 =	vadd.s32 s26, v11;
	[dreg:$0x1c] =	wrdreg s21;
	v38 =	vld [tilespmem:s7+$0x430];
	[tilespmem:v58+s17+$0x0] =	vst.idx.msk $0xffff, v42  }
0x196: {  	s21 =	smov.u32 s14;
	s14 =	rddreg [dreg:$0x13];
	v47 =	vadd.s32 s3, v13;
	[tilespmem:v57+s17+$0x0] =	vst.idx.msk $0xffff, v40;
	v42 =	vld [tilespmem:s19+$0x450]  }
0x197: {  	v60 =	vadd.s32 s2, v25;
	s13 =	rddreg [dreg:$0x16];
	[tilespmem:v54+s17+$0x0] =	vst.idx.msk $0xffff, v32;
	v40 =	vld [tilespmem:s11+$0x440]  }
0x198: {  	v46 =	vadd.s32 s31, v12;
	[dreg:$0x16] =	wrdreg s21;
	v32 =	vld [tilespmem:s23+$0x440];
	[tilespmem:v56+s17+$0x0] =	vst.idx.msk $0xffff, v55  }
0x199: {  	v62 =	vadd.s32 s30, v12;
	s5 =	rddreg [dreg:$0xd];
	[tilespmem:v52+s17+$0x0] =	vst.idx.msk $0xffff, v51  }
0x19a: {  	v49 =	vadd.s32 s16, v26;
	[dreg:$0xd] =	wrdreg s9;
	v48 =	vld [tilespmem:s5+$0x0];
	[tilespmem:v53+s17+$0x0] =	vst.idx.msk $0xffff, v38  }
0x19b: {  	v61 =	vadd.s32 s26, v12;
	s0 =	rddreg [dreg:$0x14];
	[tilespmem:v47+s17+$0x0] =	vst.idx.msk $0xffff, v42;
	v38 =	vld [tilespmem:s7+$0x440]  }
0x19c: {  	[dreg:$0x14] =	wrdreg s4;
	[tilespmem:v60+s17+$0x0] =	vst.idx.msk $0xffff, v59;
	v55 =	vadd.s32 s3, v14;
	v42 =	vld [tilespmem:s19+$0x460]  }
0x19d: {  	s9 =	smov.u32 s8;
	v45 =	vadd.s32 s15, v26;
	s5 =	rddreg [dreg:$0x6];
	v63 =	vld [tilespmem:s0+$0x0];
	[tilespmem:v46+s17+$0x0] =	vst.idx.msk $0xffff, v40  }
0x19e: {  	[dreg:$0x6] =	wrdreg s9;
	v53 =	vadd.s32 s2, v26;
	[tilespmem:v62+s17+$0x0] =	vst.idx.msk $0xffff, v32;
	v52 =	vld [tilespmem:s13+$0x0]  }
0x19f: {  	s9 =	sld [smem:$0x7CA];
	v51 =	vadd.s32 s30, v13;
	v32 =	vld [tilespmem:s23+$0x450];
	[tilespmem:v49+s17+$0x0] =	vst.idx.msk $0xffff, v48  }
0x1a0: {  	s4 =	smov.u32 s1;
	v54 =	vadd.s32 s31, v13;
	s0 =	rddreg [dreg:$0xf];
	v40 =	vld [tilespmem:s11+$0x450];
	[tilespmem:v61+s17+$0x0] =	vst.idx.msk $0xffff, v38  }
0x1a1: {  	v50 =	vadd.s32 s26, v13;
	[dreg:$0xf] =	wrdreg s4;
	[tilespmem:v55+s17+$0x0] =	vst.idx.msk $0xffff, v42;
	v38 =	vld [tilespmem:s7+$0x450]  }
0x1a2: {  	s4 =	smov.u32 s6;
	s6 =	sld [smem:$0x7C9];
	[tilespmem:v45+s17+$0x0] =	vst.idx.msk $0xffff, v63  }
0x1a3: {  	s13 =	rddreg [dreg:$0x1a];
	[tilespmem:v53+s17+$0x0] =	vst.idx.msk $0xffff, v52  }
0x1a4: {  	s28 =	smov.u32 s9;
	s9 =	sld [smem:$0x7D1];
	s1 =	sadd.s32 $0x2, s13;
	v42 =	vld [tilespmem:s19+$0x470];
	[tilespmem:v51+s17+$0x0] =	vst.idx.msk $0xffff, v32  }
0x1a5: {  	[dreg:$0x1a] =	wrdreg s1;
	v63 =	vadd.s32 s3, v15;
	[tilespmem:v54+s17+$0x0] =	vst.idx.msk $0xffff, v40;
	v32 =	vld [tilespmem:s23+$0x460]  }
0x1a6: {  	v59 =	vadd.s32 s30, v14;
	s1 =	sand.u32 $0x3, s1;
	s19 =	sld [smem:$0x7C7];
	v45 =	vld [tilespmem:s14+$0x0];
	[tilespmem:v50+s17+$0x0] =	vst.idx.msk $0xffff, v38  }
0x1a7: {  	v57 =	vadd.s32 s15, v27;
	s13 =	sld [smem:$0x7CC];
	s1 =	sshll.u32 s1, $0x8;
	v56 =	vld [tilespmem:s0+$0x0]  }
0x1a8: {  	v58 =	vadd.s32 s26, v14;
	s1 =	sadd.s32 s22, s1;
	s14 =	rddreg [dreg:$0xa];
	v38 =	vld [tilespmem:s7+$0x460]  }
0x1a9: {  	v62 =	vadd.s32 s31, v14;
	s8 =	sadd.s32 $0x100, s1;
	v40 =	vld [tilespmem:s11+$0x460];
	s21 =	smov.u32 s19;
	s19 =	sld [smem:$0x7CD]  }
0x1aa: {  	v61 =	vadd.s32 s16, v27;
	v60 =	vld [tilespmem:s5+$0x0];
	s5 =	sor.u32 $0x800, s8;
	[dreg:$0x13] =	wrdreg s21;
	[tilespmem:v63+s17+$0x0] =	vst.idx.msk $0xffff, v42  }
0x1ab: {  	v52 =	vadd.s32 s3, v16;
	s0 =	rddreg [dreg:$0x9];
	v42 =	vld [tilespmem:s5+$0x0];
	[tilespmem:v59+s17+$0x0] =	vst.idx.msk $0xffff, v32  }
0x1ac: {  	v48 =	vadd.s32 s30, v15;
	[dreg:$0x9] =	wrdreg s4;
	v32 =	vld [tilespmem:s23+$0x470];
	[tilespmem:v57+s17+$0x0] =	vst.idx.msk $0xffff, v56  }
0x1ad: {  	v46 =	vadd.s32 s2, v27;
	s4 =	sld [smem:$0x7CE];
	[tilespmem:v58+s17+$0x0] =	vst.idx.msk $0xffff, v38  }
0x1ae: {  	v47 =	vadd.s32 s26, v15;
	s21 =	smov.u32 s19;
	s5 =	sld [smem:$0x7CF];
	[tilespmem:v62+s17+$0x0] =	vst.idx.msk $0xffff, v40;
	v38 =	vld [tilespmem:s7+$0x470]  }
0x1af: {  	v51 =	vadd.s32 s31, v15;
	[dreg:$0xa] =	wrdreg s21;
	[tilespmem:v61+s17+$0x0] =	vst.idx.msk $0xffff, v60;
	v40 =	vld [tilespmem:s11+$0x470]  }
0x1b0: {  	v54 =	vadd.s32 s16, v28;
	s23 =	sor.u32 $0x810, s8;
	v53 =	vld [tilespmem:s6+$0x0];
	s6 =	sld [smem:$0x7D0];
	[tilespmem:v52+s17+$0x0] =	vst.idx.msk $0xffff, v42  }
0x1b1: {  	s11 =	sld [smem:$0x7CB];
	v60 =	vadd.s32 s3, v17;
	v42 =	vld [tilespmem:s23+$0x0];
	[tilespmem:v48+s17+$0x0] =	vst.idx.msk $0xffff, v32  }
0x1b2: {  	[tilespmem:v46+s17+$0x0] =	vst.idx.msk $0xffff, v45;
	v56 =	vadd.s32 s30, v16;
	s23 =	sld [smem:$0x7D5];
	v32 =	vld [tilespmem:s13+$0x0]  }
0x1b3: {  	v50 =	vadd.s32 s15, v28;
	s29 =	smov.u32 s6;
	s6 =	sld [smem:$0x7D7];
	v49 =	vld [tilespmem:s0+$0x0];
	[tilespmem:v47+s17+$0x0] =	vst.idx.msk $0xffff, v38  }
0x1b4: {  	v55 =	vadd.s32 s26, v16;
	s7 =	sld [smem:$0x7C8];
	[tilespmem:v51+s17+$0x0] =	vst.idx.msk $0xffff, v40;
	v38 =	vld [tilespmem:s11+$0x0]  }
0x1b5: {  	v58 =	vadd.s32 s2, v28;
	v57 =	vld [tilespmem:s14+$0x0];
	[tilespmem:v54+s17+$0x0] =	vst.idx.msk $0xffff, v53;
	s13 =	sld [smem:$0x7D3]  }
0x1b6: {  	s19 =	sor.u32 $0x820, s8;
	v59 =	vadd.s32 s31, v16;
	v40 =	vld [tilespmem:s4+$0x0];
	[tilespmem:v60+s17+$0x0] =	vst.idx.msk $0xffff, v42;
	s11 =	sld [smem:$0x7D2]  }
0x1b7: {  	s0 =	rddreg [dreg:$0x7];
	v42 =	vld [tilespmem:s19+$0x0];
	[tilespmem:v56+s17+$0x0] =	vst.idx.msk $0xffff, v32  }
0x1b8: {  	s14 =	sld [smem:$0x7D4];
	[tilespmem:v50+s17+$0x0] =	vst.idx.msk $0xffff, v49;
	v49 =	vadd.s32 s3, v18;
	v46 =	vld [tilespmem:s13+$0x0]  }
0x1b9: {  	v45 =	vadd.s32 s30, v17;
	s4 =	sld [smem:$0x7D6];
	v32 =	vld [tilespmem:s11+$0x0];
	[tilespmem:v55+s17+$0x0] =	vst.idx.msk $0xffff, v38  }
0x1ba: {  	v62 =	vadd.s32 s15, v29;
	s19 =	sld [smem:$0x7DB];
	[tilespmem:v58+s17+$0x0] =	vst.idx.msk $0xffff, v57;
	v61 =	vld [tilespmem:s5+$0x0]  }
0x1bb: {  	v63 =	vadd.s32 s26, v17;
	[tilespmem:v59+s17+$0x0] =	vst.idx.msk $0xffff, v40;
	s13 =	sld [smem:$0x7DA];
	v38 =	vld [tilespmem:s9+$0x0]  }
0x1bc: {  	v48 =	vadd.s32 s31, v17;
	v40 =	vld [tilespmem:s23+$0x0];
	s9 =	sld [smem:$0x7D8]  }
0x1bd: {  	v47 =	vadd.s32 s16, v29;
	v50 =	vld [tilespmem:s0+$0x0];
	s0 =	sld [smem:$0x7EC];
	[tilespmem:v49+s17+$0x0] =	vst.idx.msk $0xffff, v42  }
0x1be: {  	v51 =	vadd.s32 s2, v29;
	s21 =	smov.u32 s14;
	s11 =	sld [smem:$0x7D9];
	[tilespmem:v45+s17+$0x0] =	vst.idx.msk $0xffff, v32  }
0x1bf: {  	v53 =	vadd.s32 s30, v18;
	s14 =	sor.u32 $0x830, s8;
	s23 =	smov.u32 s13;
	s13 =	sld [smem:$0x7E0];
	v32 =	vld [tilespmem:s9+$0x0];
	[tilespmem:v62+s17+$0x0] =	vst.idx.msk $0xffff, v61  }
0x1c0: {  	v57 =	vadd.s32 s3, v19;
	s5 =	smov.u32 s4;
	v42 =	vld [tilespmem:s14+$0x0];
	s4 =	sld [smem:$0x7DC];
	[tilespmem:v63+s17+$0x0] =	vst.idx.msk $0xffff, v38  }
0x1c1: {  	v52 =	vadd.s32 s26, v18;
	[dreg:$0x7] =	wrdreg s5;
	[tilespmem:v48+s17+$0x0] =	vst.idx.msk $0xffff, v40;
	v38 =	vld [tilespmem:s6+$0x0]  }
0x1c2: {  	v56 =	vadd.s32 s31, v18;
	v40 =	vld [tilespmem:s19+$0x0];
	[tilespmem:v47+s17+$0x0] =	vst.idx.msk $0xffff, v46;
	s9 =	sld [smem:$0x7DE]  }
0x1c3: {  	[tilespmem:v51+s17+$0x0] =	vst.idx.msk $0xffff, v50;
	s19 =	sld [smem:$0x7E1];
	v58 =	vld [tilespmem:s0+$0x0]  }
0x1c4: {  	v59 =	vadd.s32 s16, v30;
	v54 =	vld [tilespmem:s11+$0x0];
	s6 =	sld [smem:$0x7DD];
	[tilespmem:v53+s17+$0x0] =	vst.idx.msk $0xffff, v32  }
0x1c5: {  	s14 =	sor.u32 $0x840, s8;
	v61 =	vadd.s32 s30, v19;
	[tilespmem:v57+s17+$0x0] =	vst.idx.msk $0xffff, v42;
	s11 =	sld [smem:$0x7DF];
	v32 =	vld [tilespmem:s9+$0x0]  }
0x1c6: {  	v55 =	vadd.s32 s15, v30;
	s5 =	smov.u32 s4;
	s4 =	sld [smem:$0x7E2];
	v46 =	vld [tilespmem:s14+$0x0];
	[tilespmem:v52+s17+$0x0] =	vst.idx.msk $0xffff, v38  }
0x1c7: {  	v60 =	vadd.s32 s26, v19;
	[smem:$0x7EC] =	sst s5;
	[tilespmem:v56+s17+$0x0] =	vst.idx.msk $0xffff, v40;
	v38 =	vld [tilespmem:s6+$0x0]  }
0x1c8: {  	p3 =	slt.u32 s12, $0x1C;
	p2 =	por !p2, !p2;
	v45 =	vadd.s32 s2, v30;
	v44 =	vld [tilespmem:s11+$0x0];
	s11 =	sld [smem:$0x7E5]  }
0x1c9: {  	s10 =	sadd.s32 $0x200, s10;
	s18 =	smov.u32 s12;
	v63 =	vadd.s32 s31, v19;
	s14 =	sld [smem:$0x7E6];
	v62 =	vld [tilespmem:s19+$0x0];
	[tilespmem:v59+s17+$0x0] =	vst.idx.msk $0xffff, v58  }
0x1ca: {  	s22 =	sadd.s32 $0x800, s22;
	s1 =	simm.s32 $0x1;
	v47 =	vadd.s32 s3, v20;
	s5 =	sld [smem:$0x7E3];
	[tilespmem:v61+s17+$0x0] =	vst.idx.msk $0xffff, v32  }
.Ltmp2:
0x1cb: {  	s1 =	simm.s32 @!p2 $0x0;
	[tilespmem:v55+s17+$0x0] =	vst.idx.msk $0xffff, v54;
	s6 =	sld [smem:$0x7E4];
	v33 =	vld [tilespmem:s11+$0x0];
	(pc) =	sbr.rel @p3 .LBB2_3-.Ltmp2, $4  }
0x1cc: {  	s1 =	sshll.u32 s1, $0x9;
	s7 =	sadd.s32 $0x4, s7;
	v35 =	vld [tilespmem:s14+$0x0];
	[tilespmem:v60+s17+$0x0] =	vst.idx.msk $0xffff, v38;
	v38 =	vadd.s32 s16, v31;
	s16 =	sld [smem:$0x7E7]  }
0x1cd: {  	s0 =	smov.u32 s13;
	s13 =	sadd.s32 $0x1, s12;
	v40 =	vadd.s32 s15, v31;
	s15 =	smov.u32 s5;
	[tilespmem:v45+s17+$0x0] =	vst.idx.msk $0xffff, v44;
	v34 =	vld [tilespmem:s4+$0x0]  }
0x1ce: {  	v39 =	vadd.s32 s30, v20;
	s5 =	sor.u32 $0x850, s8;
	s19 =	sadd.s32 $0x3, s12;
	s9 =	sand.u32 $0x7, s7;
	[tilespmem:v63+s17+$0x0] =	vst.idx.msk $0xffff, v62;
	v37 =	vld [tilespmem:s6+$0x0]  }
0x1cf: {  	v41 =	vadd.s32 s26, v20;
	v36 =	vadd.s32 s31, v20;
	s12 =	sadd.s32 $0x4, s12;
	[tilespmem:v47+s17+$0x0] =	vst.idx.msk $0xffff, v46;
	s4 =	sshll.u32 s9, $0x7;
	s6 =	sadd.s32 $0xFFFFFF80, s10;
	v32 =	vld [tilespmem:s16+$0x0]  }
0x1d0: {  	s6 =	sand.u32 $0x300, s6  }
0x1d1: {  	s9 =	sand.u32 $0x3000, s22;
	s14 =	sadd.s32 $0xFFFFFE80, s10;
	s12 =	sadd.s32 $0x2, s18  }
0x1d2: {  	s16 =	sadd.s32 $0xFFFFFF00, s10;
	s11 =	sor.u32 s6, s9;
	s6 =	sand.u32 $0x200, s14  }
0x1d3: {  	s14 =	smov.u32 s13;
	v43 =	vadd.s32 s12, v0;
	s13 =	sand.u32 $0x280, s16;
	v42 =	vld [tilespmem:s11+$0x0];
	s7 =	sor.u32 s6, s9  }
0x1d4: {  	v45 =	vadd.s32 s18, v0;
	s16 =	sand.u32 $0x380, s10;
	s10 =	sor.u32 s13, s9;
	v44 =	vld [tilespmem:s7+$0x0]  }
0x1d5: {  	s6 =	sor.u32 s16, s9;
	v47 =	vadd.s32 s14, v0;
	v46 =	vld [tilespmem:s10+$0x0]  }
0x1d6: {  	v49 =	vadd.s32 s19, v0;
	v48 =	vld [tilespmem:s6+$0x0];
	_ =	sdelay $0x1  }
0x1d7: {  	[tilespmem:v43+s17+$0x0] =	vst.idx.msk $0xffff, v42  }
0x1d8: {  	v60 =	vadd.s32 s12, v1;
	v42 =	vld [tilespmem:s11+$0x10];
	[tilespmem:v45+s17+$0x0] =	vst.idx.msk $0xffff, v44  }
0x1d9: {  	v61 =	vadd.s32 s18, v1;
	[tilespmem:v47+s17+$0x0] =	vst.idx.msk $0xffff, v46;
	v44 =	vld [tilespmem:s7+$0x10]  }
0x1da: {  	v62 =	vadd.s32 s14, v1;
	[tilespmem:v49+s17+$0x0] =	vst.idx.msk $0xffff, v48;
	v46 =	vld [tilespmem:s10+$0x10]  }
0x1db: {  	v63 =	vadd.s32 s19, v1;
	v48 =	vld [tilespmem:s6+$0x10];
	_ =	sdelay $0x1  }
0x1dc: {  	[tilespmem:v60+s17+$0x0] =	vst.idx.msk $0xffff, v42  }
0x1dd: {  	v52 =	vadd.s32 s12, v2;
	v42 =	vld [tilespmem:s11+$0x20];
	[tilespmem:v61+s17+$0x0] =	vst.idx.msk $0xffff, v44  }
0x1de: {  	v53 =	vadd.s32 s18, v2;
	[tilespmem:v62+s17+$0x0] =	vst.idx.msk $0xffff, v46;
	v44 =	vld [tilespmem:s7+$0x20]  }
0x1df: {  	v54 =	vadd.s32 s14, v2;
	[tilespmem:v63+s17+$0x0] =	vst.idx.msk $0xffff, v48;
	v46 =	vld [tilespmem:s10+$0x20]  }
0x1e0: {  	v55 =	vadd.s32 s19, v2;
	v48 =	vld [tilespmem:s6+$0x20];
	_ =	sdelay $0x1  }
0x1e1: {  	[tilespmem:v52+s17+$0x0] =	vst.idx.msk $0xffff, v42  }
0x1e2: {  	v56 =	vadd.s32 s12, v3;
	v42 =	vld [tilespmem:s11+$0x30];
	[tilespmem:v53+s17+$0x0] =	vst.idx.msk $0xffff, v44  }
0x1e3: {  	v57 =	vadd.s32 s18, v3;
	[tilespmem:v54+s17+$0x0] =	vst.idx.msk $0xffff, v46;
	v44 =	vld [tilespmem:s7+$0x30]  }
0x1e4: {  	v58 =	vadd.s32 s14, v3;
	[tilespmem:v55+s17+$0x0] =	vst.idx.msk $0xffff, v48;
	v46 =	vld [tilespmem:s10+$0x30]  }
0x1e5: {  	v59 =	vadd.s32 s19, v3;
	v48 =	vld [tilespmem:s6+$0x30];
	_ =	sdelay $0x1  }
0x1e6: {  	[tilespmem:v56+s17+$0x0] =	vst.idx.msk $0xffff, v42  }
0x1e7: {  	v60 =	vadd.s32 s12, v4;
	v42 =	vld [tilespmem:s11+$0x40];
	[tilespmem:v57+s17+$0x0] =	vst.idx.msk $0xffff, v44  }
0x1e8: {  	v61 =	vadd.s32 s18, v4;
	[tilespmem:v58+s17+$0x0] =	vst.idx.msk $0xffff, v46;
	v44 =	vld [tilespmem:s7+$0x40]  }
0x1e9: {  	v62 =	vadd.s32 s14, v4;
	[tilespmem:v59+s17+$0x0] =	vst.idx.msk $0xffff, v48;
	v46 =	vld [tilespmem:s10+$0x40]  }
0x1ea: {  	v63 =	vadd.s32 s19, v4;
	v48 =	vld [tilespmem:s6+$0x40];
	_ =	sdelay $0x1  }
0x1eb: {  	[tilespmem:v60+s17+$0x0] =	vst.idx.msk $0xffff, v42  }
0x1ec: {  	v52 =	vadd.s32 s12, v5;
	v42 =	vld [tilespmem:s11+$0x50];
	[tilespmem:v61+s17+$0x0] =	vst.idx.msk $0xffff, v44  }
0x1ed: {  	v53 =	vadd.s32 s18, v5;
	[tilespmem:v62+s17+$0x0] =	vst.idx.msk $0xffff, v46;
	v44 =	vld [tilespmem:s7+$0x50]  }
0x1ee: {  	v54 =	vadd.s32 s14, v5;
	[tilespmem:v63+s17+$0x0] =	vst.idx.msk $0xffff, v48;
	v46 =	vld [tilespmem:s10+$0x50]  }
0x1ef: {  	v55 =	vadd.s32 s19, v5;
	v48 =	vld [tilespmem:s6+$0x50];
	_ =	sdelay $0x1  }
0x1f0: {  	[tilespmem:v52+s17+$0x0] =	vst.idx.msk $0xffff, v42  }
0x1f1: {  	v56 =	vadd.s32 s12, v6;
	v42 =	vld [tilespmem:s11+$0x60];
	[tilespmem:v53+s17+$0x0] =	vst.idx.msk $0xffff, v44  }
0x1f2: {  	v57 =	vadd.s32 s18, v6;
	[tilespmem:v54+s17+$0x0] =	vst.idx.msk $0xffff, v46;
	v44 =	vld [tilespmem:s7+$0x60]  }
0x1f3: {  	v58 =	vadd.s32 s14, v6;
	[tilespmem:v55+s17+$0x0] =	vst.idx.msk $0xffff, v48;
	v46 =	vld [tilespmem:s10+$0x60]  }
0x1f4: {  	v59 =	vadd.s32 s19, v6;
	v48 =	vld [tilespmem:s6+$0x60]  }
0x1f5: {  	[tilespmem:v39+s17+$0x0] =	vst.idx.msk $0xffff, v33  }
0x1f6: {  	[tilespmem:v56+s17+$0x0] =	vst.idx.msk $0xffff, v42  }
0x1f7: {  	v60 =	vadd.s32 s12, v7;
	[tilespmem:v57+s17+$0x0] =	vst.idx.msk $0xffff, v44;
	v42 =	vld [tilespmem:s11+$0x70]  }
0x1f8: {  	v61 =	vadd.s32 s18, v7;
	[tilespmem:v58+s17+$0x0] =	vst.idx.msk $0xffff, v46;
	v44 =	vld [tilespmem:s7+$0x70]  }
0x1f9: {  	v62 =	vadd.s32 s14, v7;
	[tilespmem:v59+s17+$0x0] =	vst.idx.msk $0xffff, v48;
	v46 =	vld [tilespmem:s10+$0x70]  }
0x1fa: {  	[tilespmem:v38+s17+$0x0] =	vst.idx.msk $0xffff, v35;
	v48 =	vadd.s32 s19, v7;
	v63 =	vld [tilespmem:s6+$0x70]  }
0x1fb: {  	[tilespmem:v40+s17+$0x0] =	vst.idx.msk $0xffff, v34  }
0x1fc: {  	[tilespmem:v60+s17+$0x0] =	vst.idx.msk $0xffff, v42  }
0x1fd: {  	v50 =	vadd.s32 s12, v8;
	[tilespmem:v61+s17+$0x0] =	vst.idx.msk $0xffff, v44;
	v49 =	vld [tilespmem:s11+$0x400]  }
0x1fe: {  	v52 =	vadd.s32 s18, v8;
	[tilespmem:v62+s17+$0x0] =	vst.idx.msk $0xffff, v46;
	v51 =	vld [tilespmem:s7+$0x400]  }
0x1ff: {  	v54 =	vadd.s32 s14, v8;
	[tilespmem:v48+s17+$0x0] =	vst.idx.msk $0xffff, v63;
	v53 =	vld [tilespmem:s10+$0x400]  }
0x200: {  	[tilespmem:v41+s17+$0x0] =	vst.idx.msk $0xffff, v37;
	v56 =	vadd.s32 s19, v8;
	v55 =	vld [tilespmem:s6+$0x400]  }
0x201: {  	[tilespmem:v36+s17+$0x0] =	vst.idx.msk $0xffff, v32  }
0x202: {  	[tilespmem:v50+s17+$0x0] =	vst.idx.msk $0xffff, v49  }
0x203: {  	v57 =	vld [tilespmem:s5+$0x0];
	v58 =	vadd.s32 s3, v21;
	[tilespmem:v52+s17+$0x0] =	vst.idx.msk $0xffff, v51  }
0x204: {  	v47 =	vld [tilespmem:s20+$0x0];
	v48 =	vadd.s32 s26, v21;
	[tilespmem:v54+s17+$0x0] =	vst.idx.msk $0xffff, v53  }
0x205: {  	v59 =	vadd.s32 s12, v9;
	v37 =	vld [tilespmem:s11+$0x410];
	[tilespmem:v56+s17+$0x0] =	vst.idx.msk $0xffff, v55  }
0x206: {  	v60 =	vadd.s32 s18, v9;
	v42 =	vld [tilespmem:s7+$0x410];
	s16 =	sld [smem:$0x7E8]  }
0x207: {  	v61 =	vadd.s32 s14, v9;
	v34 =	vld [tilespmem:s10+$0x410]  }
0x208: {  	v63 =	vadd.s32 s19, v9;
	v62 =	vld [tilespmem:s6+$0x410];
	[tilespmem:v58+s17+$0x0] =	vst.idx.msk $0xffff, v57  }
0x209: {  	v46 =	vadd.s32 s2, v31;
	[tilespmem:v48+s17+$0x0] =	vst.idx.msk $0xffff, v47;
	v45 =	vld [tilespmem:s16+$0x0]  }
0x20a: {  	[tilespmem:v59+s17+$0x0] =	vst.idx.msk $0xffff, v37  }
0x20b: {  	[tilespmem:v60+s17+$0x0] =	vst.idx.msk $0xffff, v42  }
0x20c: {  	s5 =	sor.u32 $0x860, s8;
	[tilespmem:v61+s17+$0x0] =	vst.idx.msk $0xffff, v34  }
0x20d: {  	v54 =	vadd.s32 s3, v22;
	v53 =	vld [tilespmem:s5+$0x0];
	[tilespmem:v63+s17+$0x0] =	vst.idx.msk $0xffff, v62  }
0x20e: {  	v49 =	vadd.s32 s12, v10;
	v37 =	vld [tilespmem:s11+$0x420];
	[tilespmem:v46+s17+$0x0] =	vst.idx.msk $0xffff, v45  }
0x20f: {  	v50 =	vadd.s32 s18, v10;
	v42 =	vld [tilespmem:s7+$0x420];
	s9 =	sld [smem:$0x7E9]  }
0x210: {  	v51 =	vadd.s32 s14, v10;
	v34 =	vld [tilespmem:s10+$0x420]  }
0x211: {  	v52 =	vadd.s32 s19, v10;
	v32 =	vld [tilespmem:s6+$0x420]  }
0x212: {  	v56 =	vadd.s32 s30, v21;
	[tilespmem:v54+s17+$0x0] =	vst.idx.msk $0xffff, v53;
	v55 =	vld [tilespmem:s9+$0x0]  }
0x213: {  	[tilespmem:v49+s17+$0x0] =	vst.idx.msk $0xffff, v37  }
0x214: {  	[tilespmem:v50+s17+$0x0] =	vst.idx.msk $0xffff, v42  }
0x215: {  	[tilespmem:v51+s17+$0x0] =	vst.idx.msk $0xffff, v34  }
0x216: {  	v57 =	vadd.s32 s12, v11;
	v37 =	vld [tilespmem:s11+$0x430];
	[tilespmem:v52+s17+$0x0] =	vst.idx.msk $0xffff, v32  }
0x217: {  	v58 =	vadd.s32 s18, v11;
	v42 =	vld [tilespmem:s7+$0x430];
	[tilespmem:v56+s17+$0x0] =	vst.idx.msk $0xffff, v55  }
0x218: {  	v59 =	vadd.s32 s14, v11;
	v34 =	vld [tilespmem:s10+$0x430];
	s16 =	sld [smem:$0x7F0]  }
0x219: {  	s13 =	sor.u32 $0x870, s8;
	v60 =	vadd.s32 s19, v11;
	v32 =	vld [tilespmem:s6+$0x430]  }
0x21a: {  	v61 =	vadd.s32 s3, v23;
	v36 =	vld [tilespmem:s13+$0x0]  }
0x21b: {  	v63 =	vadd.s32 s31, v21;
	[tilespmem:v57+s17+$0x0] =	vst.idx.msk $0xffff, v37;
	v62 =	vld [tilespmem:s16+$0x0]  }
0x21c: {  	[tilespmem:v58+s17+$0x0] =	vst.idx.msk $0xffff, v42  }
0x21d: {  	[tilespmem:v59+s17+$0x0] =	vst.idx.msk $0xffff, v34  }
0x21e: {  	[tilespmem:v60+s17+$0x0] =	vst.idx.msk $0xffff, v32  }
0x21f: {  	v45 =	vadd.s32 s12, v12;
	[tilespmem:v61+s17+$0x0] =	vst.idx.msk $0xffff, v36;
	v37 =	vld [tilespmem:s11+$0x440]  }
0x220: {  	v46 =	vadd.s32 s18, v12;
	v42 =	vld [tilespmem:s7+$0x440];
	[tilespmem:v63+s17+$0x0] =	vst.idx.msk $0xffff, v62  }
0x221: {  	v47 =	vadd.s32 s14, v12;
	v34 =	vld [tilespmem:s10+$0x440];
	s5 =	sld [smem:$0x7ED]  }
0x222: {  	s20 =	sor.u32 $0xC00, s8;
	v48 =	vadd.s32 s19, v12;
	v32 =	vld [tilespmem:s6+$0x440]  }
0x223: {  	v49 =	vadd.s32 s3, v24;
	v36 =	vld [tilespmem:s20+$0x0]  }
0x224: {  	v51 =	vadd.s32 s26, v22;
	[tilespmem:v45+s17+$0x0] =	vst.idx.msk $0xffff, v37;
	v50 =	vld [tilespmem:s5+$0x0]  }
0x225: {  	[tilespmem:v46+s17+$0x0] =	vst.idx.msk $0xffff, v42  }
0x226: {  	[tilespmem:v47+s17+$0x0] =	vst.idx.msk $0xffff, v34  }
0x227: {  	[tilespmem:v48+s17+$0x0] =	vst.idx.msk $0xffff, v32  }
0x228: {  	v52 =	vadd.s32 s12, v13;
	[tilespmem:v49+s17+$0x0] =	vst.idx.msk $0xffff, v36;
	v37 =	vld [tilespmem:s11+$0x450]  }
0x229: {  	v53 =	vadd.s32 s18, v13;
	v42 =	vld [tilespmem:s7+$0x450];
	[tilespmem:v51+s17+$0x0] =	vst.idx.msk $0xffff, v50  }
0x22a: {  	v54 =	vadd.s32 s14, v13;
	v34 =	vld [tilespmem:s10+$0x450];
	s13 =	sld [smem:$0x7EA]  }
0x22b: {  	s9 =	sor.u32 $0xC10, s8;
	v55 =	vadd.s32 s19, v13;
	v32 =	vld [tilespmem:s6+$0x450]  }
0x22c: {  	v56 =	vadd.s32 s3, v25;
	v36 =	vld [tilespmem:s9+$0x0]  }
0x22d: {  	v58 =	vadd.s32 s30, v22;
	[tilespmem:v52+s17+$0x0] =	vst.idx.msk $0xffff, v37;
	v57 =	vld [tilespmem:s13+$0x0]  }
0x22e: {  	[tilespmem:v53+s17+$0x0] =	vst.idx.msk $0xffff, v42  }
0x22f: {  	[tilespmem:v54+s17+$0x0] =	vst.idx.msk $0xffff, v34  }
0x230: {  	[tilespmem:v55+s17+$0x0] =	vst.idx.msk $0xffff, v32  }
0x231: {  	v59 =	vadd.s32 s12, v14;
	[tilespmem:v56+s17+$0x0] =	vst.idx.msk $0xffff, v36;
	v37 =	vld [tilespmem:s11+$0x460]  }
0x232: {  	v60 =	vadd.s32 s18, v14;
	v42 =	vld [tilespmem:s7+$0x460];
	[tilespmem:v58+s17+$0x0] =	vst.idx.msk $0xffff, v57  }
0x233: {  	v61 =	vadd.s32 s14, v14;
	v34 =	vld [tilespmem:s10+$0x460];
	s20 =	sld [smem:$0x7F1]  }
0x234: {  	s16 =	sor.u32 $0xC20, s8;
	v62 =	vadd.s32 s19, v14;
	v32 =	vld [tilespmem:s6+$0x460]  }
0x235: {  	v63 =	vadd.s32 s3, v26;
	v36 =	vld [tilespmem:s16+$0x0]  }
0x236: {  	v46 =	vadd.s32 s31, v22;
	[tilespmem:v59+s17+$0x0] =	vst.idx.msk $0xffff, v37;
	v45 =	vld [tilespmem:s20+$0x0]  }
0x237: {  	s5 =	rddreg [dreg:$0x1a];
	[tilespmem:v60+s17+$0x0] =	vst.idx.msk $0xffff, v42  }
0x238: {  	[tilespmem:v61+s17+$0x0] =	vst.idx.msk $0xffff, v34  }
0x239: {  	[tilespmem:v62+s17+$0x0] =	vst.idx.msk $0xffff, v32  }
0x23a: {  	v47 =	vadd.s32 s12, v15;
	v37 =	vld [tilespmem:s11+$0x470];
	[tilespmem:v63+s17+$0x0] =	vst.idx.msk $0xffff, v36  }
0x23b: {  	v48 =	vadd.s32 s18, v15;
	v42 =	vld [tilespmem:s7+$0x470];
	[tilespmem:v46+s17+$0x0] =	vst.idx.msk $0xffff, v45  }
0x23c: {  	v49 =	vadd.s32 s14, v15;
	v34 =	vld [tilespmem:s10+$0x470];
	s11 =	sld [smem:$0x7EE]  }
0x23d: {  	s9 =	sor.u32 $0xC30, s8;
	v50 =	vadd.s32 s19, v15;
	s2 =	sadd.s32 $0x2, s5;
	v32 =	vld [tilespmem:s6+$0x470]  }
0x23e: {  	v51 =	vadd.s32 s3, v27;
	v36 =	vld [tilespmem:s9+$0x0];
	s2 =	sand.u32 $0x3, s2  }
0x23f: {  	v53 =	vadd.s32 s26, v23;
	s2 =	sshll.u32 s2, $0x8;
	[tilespmem:v47+s17+$0x0] =	vst.idx.msk $0xffff, v37;
	v52 =	vld [tilespmem:s11+$0x0]  }
0x240: {  	s2 =	sadd.s32 s22, s2;
	[tilespmem:v48+s17+$0x0] =	vst.idx.msk $0xffff, v42  }
0x241: {  	s2 =	sadd.s32 $0x100, s2;
	[tilespmem:v49+s17+$0x0] =	vst.idx.msk $0xffff, v34  }
0x242: {  	s1 =	sadd.s32 s1, s22;
	s10 =	sadd.s32 s22, s4;
	s13 =	sor.u32 $0x800, s2;
	[tilespmem:v50+s17+$0x0] =	vst.idx.msk $0xffff, v32  }
0x243: {  	v54 =	vadd.s32 s12, v16;
	s16 =	sor.u32 $0x800, s1;
	s4 =	sadd.s32 $0x80, s10;
	[tilespmem:v51+s17+$0x0] =	vst.idx.msk $0xffff, v36;
	v37 =	vld [tilespmem:s13+$0x0]  }
0x244: {  	v55 =	vadd.s32 s18, v16;
	s5 =	sadd.s32 $0x180, s10;
	s20 =	sor.u32 $0x800, s4;
	v42 =	vld [tilespmem:s16+$0x0];
	[tilespmem:v53+s17+$0x0] =	vst.idx.msk $0xffff, v52  }
0x245: {  	v56 =	vadd.s32 s14, v16;
	s22 =	sor.u32 $0x800, s5;
	v34 =	vld [tilespmem:s20+$0x0];
	s9 =	sld [smem:$0x7EB]  }
0x246: {  	v57 =	vadd.s32 s19, v16;
	s7 =	sor.u32 $0xC40, s8;
	v32 =	vld [tilespmem:s22+$0x0]  }
0x247: {  	v58 =	vadd.s32 s3, v28;
	v36 =	vld [tilespmem:s7+$0x0]  }
0x248: {  	v60 =	vadd.s32 s30, v23;
	[tilespmem:v54+s17+$0x0] =	vst.idx.msk $0xffff, v37;
	v59 =	vld [tilespmem:s9+$0x0]  }
0x249: {  	[tilespmem:v55+s17+$0x0] =	vst.idx.msk $0xffff, v42  }
0x24a: {  	[tilespmem:v56+s17+$0x0] =	vst.idx.msk $0xffff, v34  }
0x24b: {  	s10 =	sor.u32 $0x810, s2;
	[tilespmem:v57+s17+$0x0] =	vst.idx.msk $0xffff, v32  }
0x24c: {  	v61 =	vadd.s32 s12, v17;
	s11 =	sor.u32 $0x810, s1;
	[tilespmem:v58+s17+$0x0] =	vst.idx.msk $0xffff, v36;
	v37 =	vld [tilespmem:s10+$0x0]  }
0x24d: {  	v62 =	vadd.s32 s18, v17;
	s13 =	sor.u32 $0x810, s4;
	v42 =	vld [tilespmem:s11+$0x0];
	[tilespmem:v60+s17+$0x0] =	vst.idx.msk $0xffff, v59  }
0x24e: {  	v63 =	vadd.s32 s14, v17;
	s16 =	sor.u32 $0x810, s5;
	v34 =	vld [tilespmem:s13+$0x0];
	s22 =	sld [smem:$0x7F2]  }
0x24f: {  	v45 =	vadd.s32 s19, v17;
	s20 =	sor.u32 $0xC50, s8;
	v32 =	vld [tilespmem:s16+$0x0]  }
0x250: {  	v46 =	vadd.s32 s3, v29;
	v36 =	vld [tilespmem:s20+$0x0]  }
0x251: {  	v48 =	vadd.s32 s31, v23;
	[tilespmem:v61+s17+$0x0] =	vst.idx.msk $0xffff, v37;
	v47 =	vld [tilespmem:s22+$0x0]  }
0x252: {  	[tilespmem:v62+s17+$0x0] =	vst.idx.msk $0xffff, v42  }
0x253: {  	[tilespmem:v63+s17+$0x0] =	vst.idx.msk $0xffff, v34  }
0x254: {  	s7 =	sor.u32 $0x820, s2;
	[tilespmem:v45+s17+$0x0] =	vst.idx.msk $0xffff, v32  }
0x255: {  	v49 =	vadd.s32 s12, v18;
	s9 =	sor.u32 $0x820, s1;
	[tilespmem:v46+s17+$0x0] =	vst.idx.msk $0xffff, v36;
	v37 =	vld [tilespmem:s7+$0x0]  }
0x256: {  	v50 =	vadd.s32 s18, v18;
	s10 =	sor.u32 $0x820, s4;
	v42 =	vld [tilespmem:s9+$0x0];
	[tilespmem:v48+s17+$0x0] =	vst.idx.msk $0xffff, v47  }
0x257: {  	v51 =	vadd.s32 s14, v18;
	s11 =	sor.u32 $0x820, s5;
	v34 =	vld [tilespmem:s10+$0x0];
	s16 =	sld [smem:$0x7EF]  }
0x258: {  	v52 =	vadd.s32 s19, v18;
	s13 =	sor.u32 $0xC60, s8;
	v32 =	vld [tilespmem:s11+$0x0]  }
0x259: {  	v53 =	vadd.s32 s3, v30;
	v36 =	vld [tilespmem:s13+$0x0]  }
0x25a: {  	v55 =	vadd.s32 s26, v24;
	s20 =	sor.u32 $0x830, s2;
	[tilespmem:v49+s17+$0x0] =	vst.idx.msk $0xffff, v37;
	v54 =	vld [tilespmem:s16+$0x0]  }
0x25b: {  	v56 =	vadd.s32 s12, v19;
	s22 =	sor.u32 $0x830, s1;
	[tilespmem:v50+s17+$0x0] =	vst.idx.msk $0xffff, v42;
	v37 =	vld [tilespmem:s20+$0x0]  }
0x25c: {  	v57 =	vadd.s32 s18, v19;
	s7 =	sor.u32 $0x830, s4;
	[tilespmem:v51+s17+$0x0] =	vst.idx.msk $0xffff, v34;
	v42 =	vld [tilespmem:s22+$0x0]  }
0x25d: {  	v58 =	vadd.s32 s14, v19;
	s9 =	sor.u32 $0x830, s5;
	[tilespmem:v52+s17+$0x0] =	vst.idx.msk $0xffff, v32;
	v34 =	vld [tilespmem:s7+$0x0]  }
0x25e: {  	v59 =	vadd.s32 s19, v19;
	s10 =	sor.u32 $0xC70, s8;
	[tilespmem:v53+s17+$0x0] =	vst.idx.msk $0xffff, v36;
	v32 =	vld [tilespmem:s9+$0x0]  }
0x25f: {  	v60 =	vadd.s32 s3, v31;
	v36 =	vld [tilespmem:s10+$0x0];
	[tilespmem:v55+s17+$0x0] =	vst.idx.msk $0xffff, v54  }
0x260: {  	s11 =	rddreg [dreg:$0x18];
	[tilespmem:v56+s17+$0x0] =	vst.idx.msk $0xffff, v37  }
0x261: {  	v62 =	vadd.s32 s30, v24;
	s13 =	sor.u32 $0x840, s2;
	[tilespmem:v57+s17+$0x0] =	vst.idx.msk $0xffff, v42;
	v61 =	vld [tilespmem:s11+$0x0]  }
0x262: {  	v63 =	vadd.s32 s12, v20;
	s16 =	sor.u32 $0x840, s1;
	[tilespmem:v58+s17+$0x0] =	vst.idx.msk $0xffff, v34;
	v37 =	vld [tilespmem:s13+$0x0]  }
0x263: {  	v45 =	vadd.s32 s18, v20;
	s20 =	sor.u32 $0x840, s4;
	[tilespmem:v59+s17+$0x0] =	vst.idx.msk $0xffff, v32;
	v42 =	vld [tilespmem:s16+$0x0]  }
0x264: {  	v46 =	vadd.s32 s14, v20;
	s22 =	sor.u32 $0x840, s5;
	[tilespmem:v60+s17+$0x0] =	vst.idx.msk $0xffff, v36;
	v34 =	vld [tilespmem:s20+$0x0]  }
0x265: {  	v47 =	vadd.s32 s19, v20;
	v32 =	vld [tilespmem:s22+$0x0];
	s6 =	rddreg [dreg:$0x1f]  }
0x266: {  	v49 =	vadd.s32 s31, v24;
	v48 =	vld [tilespmem:s6+$0x0];
	[tilespmem:v62+s17+$0x0] =	vst.idx.msk $0xffff, v61  }
0x267: {  	s7 =	rddreg [dreg:$0x19];
	[tilespmem:v63+s17+$0x0] =	vst.idx.msk $0xffff, v37  }
0x268: {  	s8 =	sor.u32 $0x850, s2;
	v51 =	vadd.s32 s26, v25;
	[tilespmem:v45+s17+$0x0] =	vst.idx.msk $0xffff, v42;
	v50 =	vld [tilespmem:s7+$0x0]  }
0x269: {  	v52 =	vadd.s32 s12, v21;
	s9 =	sor.u32 $0x850, s1;
	[tilespmem:v46+s17+$0x0] =	vst.idx.msk $0xffff, v34;
	v37 =	vld [tilespmem:s8+$0x0]  }
0x26a: {  	v53 =	vadd.s32 s18, v21;
	s10 =	sor.u32 $0x850, s4;
	[tilespmem:v47+s17+$0x0] =	vst.idx.msk $0xffff, v32;
	v42 =	vld [tilespmem:s9+$0x0]  }
0x26b: {  	v54 =	vadd.s32 s14, v21;
	s11 =	sor.u32 $0x850, s5;
	[tilespmem:v49+s17+$0x0] =	vst.idx.msk $0xffff, v48;
	v40 =	vld [tilespmem:s10+$0x0]  }
0x26c: {  	v55 =	vadd.s32 s19, v21;
	v33 =	vld [tilespmem:s11+$0x0];
	s13 =	rddreg [dreg:$0x12]  }
0x26d: {  	v57 =	vadd.s32 s30, v25;
	v56 =	vld [tilespmem:s13+$0x0];
	[tilespmem:v51+s17+$0x0] =	vst.idx.msk $0xffff, v50  }
0x26e: {  	s16 =	rddreg [dreg:$0x1c];
	[tilespmem:v52+s17+$0x0] =	vst.idx.msk $0xffff, v37  }
0x26f: {  	v59 =	vadd.s32 s31, v25;
	s20 =	sor.u32 $0x860, s2;
	[tilespmem:v53+s17+$0x0] =	vst.idx.msk $0xffff, v42;
	v58 =	vld [tilespmem:s16+$0x0]  }
0x270: {  	v60 =	vadd.s32 s12, v22;
	s22 =	sor.u32 $0x860, s1;
	[tilespmem:v54+s17+$0x0] =	vst.idx.msk $0xffff, v40;
	v37 =	vld [tilespmem:s20+$0x0]  }
0x271: {  	s6 =	sor.u32 $0x860, s4;
	v61 =	vadd.s32 s18, v22;
	[tilespmem:v55+s17+$0x0] =	vst.idx.msk $0xffff, v33;
	v34 =	vld [tilespmem:s22+$0x0]  }
0x272: {  	v62 =	vadd.s32 s14, v22;
	s7 =	sor.u32 $0x860, s5;
	[tilespmem:v57+s17+$0x0] =	vst.idx.msk $0xffff, v56;
	v40 =	vld [tilespmem:s6+$0x0]  }
0x273: {  	v63 =	vadd.s32 s19, v22;
	v36 =	vld [tilespmem:s7+$0x0];
	s8 =	rddreg [dreg:$0x14]  }
0x274: {  	v46 =	vadd.s32 s26, v26;
	v45 =	vld [tilespmem:s8+$0x0];
	[tilespmem:v59+s17+$0x0] =	vst.idx.msk $0xffff, v58  }
0x275: {  	s9 =	rddreg [dreg:$0xd];
	[tilespmem:v60+s17+$0x0] =	vst.idx.msk $0xffff, v37  }
0x276: {  	v48 =	vadd.s32 s30, v26;
	s10 =	sor.u32 $0x870, s2;
	[tilespmem:v61+s17+$0x0] =	vst.idx.msk $0xffff, v34;
	v47 =	vld [tilespmem:s9+$0x0]  }
0x277: {  	v49 =	vadd.s32 s12, v23;
	s11 =	sor.u32 $0x870, s1;
	[tilespmem:v62+s17+$0x0] =	vst.idx.msk $0xffff, v40;
	v37 =	vld [tilespmem:s10+$0x0]  }
0x278: {  	s13 =	sor.u32 $0x870, s4;
	v50 =	vadd.s32 s18, v23;
	[tilespmem:v63+s17+$0x0] =	vst.idx.msk $0xffff, v36;
	v32 =	vld [tilespmem:s11+$0x0]  }
0x279: {  	v52 =	vadd.s32 s14, v23;
	s16 =	sor.u32 $0x870, s5;
	[tilespmem:v46+s17+$0x0] =	vst.idx.msk $0xffff, v45;
	v51 =	vld [tilespmem:s13+$0x0]  }
0x27a: {  	v53 =	vadd.s32 s19, v23;
	v39 =	vld [tilespmem:s16+$0x0];
	s20 =	rddreg [dreg:$0x16]  }
0x27b: {  	v55 =	vadd.s32 s31, v26;
	v54 =	vld [tilespmem:s20+$0x0];
	[tilespmem:v48+s17+$0x0] =	vst.idx.msk $0xffff, v47  }
0x27c: {  	s22 =	rddreg [dreg:$0xf];
	[tilespmem:v49+s17+$0x0] =	vst.idx.msk $0xffff, v37  }
0x27d: {  	v57 =	vadd.s32 s26, v27;
	s6 =	sor.u32 $0xC00, s2;
	[tilespmem:v50+s17+$0x0] =	vst.idx.msk $0xffff, v32;
	v56 =	vld [tilespmem:s22+$0x0]  }
0x27e: {  	s7 =	sor.u32 $0xC00, s1;
	v58 =	vadd.s32 s12, v24;
	[tilespmem:v52+s17+$0x0] =	vst.idx.msk $0xffff, v51;
	v37 =	vld [tilespmem:s6+$0x0]  }
0x27f: {  	s8 =	sor.u32 $0xC00, s4;
	v59 =	vadd.s32 s18, v24;
	[tilespmem:v53+s17+$0x0] =	vst.idx.msk $0xffff, v39;
	v32 =	vld [tilespmem:s7+$0x0]  }
0x280: {  	v60 =	vadd.s32 s14, v24;
	s9 =	sor.u32 $0xC00, s5;
	[tilespmem:v55+s17+$0x0] =	vst.idx.msk $0xffff, v54;
	v34 =	vld [tilespmem:s8+$0x0]  }
0x281: {  	v61 =	vadd.s32 s19, v24;
	v39 =	vld [tilespmem:s9+$0x0];
	s10 =	rddreg [dreg:$0x6]  }
0x282: {  	v63 =	vadd.s32 s30, v27;
	v62 =	vld [tilespmem:s10+$0x0];
	[tilespmem:v57+s17+$0x0] =	vst.idx.msk $0xffff, v56  }
0x283: {  	s11 =	rddreg [dreg:$0x13];
	[tilespmem:v58+s17+$0x0] =	vst.idx.msk $0xffff, v37  }
0x284: {  	v46 =	vadd.s32 s31, v27;
	s13 =	sor.u32 $0xC10, s2;
	[tilespmem:v59+s17+$0x0] =	vst.idx.msk $0xffff, v32;
	v45 =	vld [tilespmem:s11+$0x0]  }
0x285: {  	s16 =	sor.u32 $0xC10, s1;
	v47 =	vadd.s32 s12, v25;
	[tilespmem:v60+s17+$0x0] =	vst.idx.msk $0xffff, v34;
	v37 =	vld [tilespmem:s13+$0x0]  }
0x286: {  	s20 =	sor.u32 $0xC10, s4;
	v48 =	vadd.s32 s18, v25;
	[tilespmem:v61+s17+$0x0] =	vst.idx.msk $0xffff, v39;
	v32 =	vld [tilespmem:s16+$0x0]  }
0x287: {  	v49 =	vadd.s32 s14, v25;
	s22 =	sor.u32 $0xC10, s5;
	[tilespmem:v63+s17+$0x0] =	vst.idx.msk $0xffff, v62;
	v34 =	vld [tilespmem:s20+$0x0]  }
0x288: {  	v50 =	vadd.s32 s19, v25;
	v39 =	vld [tilespmem:s22+$0x0];
	s6 =	rddreg [dreg:$0x9]  }
0x289: {  	v52 =	vadd.s32 s26, v28;
	v51 =	vld [tilespmem:s6+$0x0];
	[tilespmem:v46+s17+$0x0] =	vst.idx.msk $0xffff, v45  }
0x28a: {  	v54 =	vadd.s32 s30, v28;
	s7 =	sor.u32 $0xC20, s2;
	v53 =	vld [tilespmem:s28+$0x0];
	[tilespmem:v47+s17+$0x0] =	vst.idx.msk $0xffff, v37  }
0x28b: {  	v55 =	vadd.s32 s12, v26;
	s8 =	sor.u32 $0xC20, s1;
	[tilespmem:v48+s17+$0x0] =	vst.idx.msk $0xffff, v32;
	v37 =	vld [tilespmem:s7+$0x0]  }
0x28c: {  	s9 =	sor.u32 $0xC20, s4;
	v56 =	vadd.s32 s18, v26;
	[tilespmem:v49+s17+$0x0] =	vst.idx.msk $0xffff, v34;
	v32 =	vld [tilespmem:s8+$0x0]  }
0x28d: {  	s10 =	sor.u32 $0xC20, s5;
	v57 =	vadd.s32 s14, v26;
	[tilespmem:v50+s17+$0x0] =	vst.idx.msk $0xffff, v39;
	v34 =	vld [tilespmem:s9+$0x0]  }
0x28e: {  	v58 =	vadd.s32 s19, v26;
	v39 =	vld [tilespmem:s10+$0x0];
	[tilespmem:v52+s17+$0x0] =	vst.idx.msk $0xffff, v51  }
0x28f: {  	v62 =	vadd.s32 s26, v29;
	s11 =	rddreg [dreg:$0xa];
	[tilespmem:v54+s17+$0x0] =	vst.idx.msk $0xffff, v53;
	v61 =	vld [tilespmem:s29+$0x0]  }
0x290: {  	v60 =	vadd.s32 s31, v28;
	v59 =	vld [tilespmem:s11+$0x0];
	[tilespmem:v55+s17+$0x0] =	vst.idx.msk $0xffff, v37  }
0x291: {  	s13 =	sor.u32 $0xC30, s2;
	[tilespmem:v56+s17+$0x0] =	vst.idx.msk $0xffff, v32  }
0x292: {  	v63 =	vadd.s32 s12, v27;
	s16 =	sor.u32 $0xC30, s1;
	[tilespmem:v57+s17+$0x0] =	vst.idx.msk $0xffff, v34;
	v37 =	vld [tilespmem:s13+$0x0]  }
0x293: {  	s20 =	sor.u32 $0xC30, s4;
	v45 =	vadd.s32 s18, v27;
	[tilespmem:v58+s17+$0x0] =	vst.idx.msk $0xffff, v39;
	v32 =	vld [tilespmem:s16+$0x0]  }
0x294: {  	s22 =	sor.u32 $0xC30, s5;
	v46 =	vadd.s32 s14, v27;
	v34 =	vld [tilespmem:s20+$0x0];
	[tilespmem:v62+s17+$0x0] =	vst.idx.msk $0xffff, v61  }
0x295: {  	v47 =	vadd.s32 s19, v27;
	v39 =	vld [tilespmem:s22+$0x0];
	[tilespmem:v60+s17+$0x0] =	vst.idx.msk $0xffff, v59  }
0x296: {  	v49 =	vadd.s32 s30, v29;
	v48 =	vld [tilespmem:s21+$0x0];
	s28 =	rddreg [dreg:$0x7]  }
0x297: {  	v51 =	vadd.s32 s31, v29;
	s29 =	sor.u32 $0xC40, s2;
	v50 =	vld [tilespmem:s28+$0x0];
	[tilespmem:v63+s17+$0x0] =	vst.idx.msk $0xffff, v37  }
0x298: {  	s6 =	sor.u32 $0xC40, s1;
	v52 =	vadd.s32 s12, v28;
	[tilespmem:v45+s17+$0x0] =	vst.idx.msk $0xffff, v32;
	v37 =	vld [tilespmem:s29+$0x0]  }
0x299: {  	s7 =	sor.u32 $0xC40, s4;
	v53 =	vadd.s32 s18, v28;
	[tilespmem:v46+s17+$0x0] =	vst.idx.msk $0xffff, v34;
	v32 =	vld [tilespmem:s6+$0x0]  }
0x29a: {  	s8 =	sor.u32 $0xC40, s5;
	v54 =	vadd.s32 s14, v28;
	[tilespmem:v47+s17+$0x0] =	vst.idx.msk $0xffff, v39;
	v34 =	vld [tilespmem:s7+$0x0]  }
0x29b: {  	v55 =	vadd.s32 s19, v28;
	[tilespmem:v49+s17+$0x0] =	vst.idx.msk $0xffff, v48;
	v39 =	vld [tilespmem:s8+$0x0]  }
0x29c: {  	v57 =	vadd.s32 s26, v30;
	v56 =	vld [tilespmem:s23+$0x0];
	[tilespmem:v51+s17+$0x0] =	vst.idx.msk $0xffff, v50  }
0x29d: {  	s10 =	sor.u32 $0xC50, s2;
	v46 =	vadd.s32 s31, v30;
	s9 =	sld [smem:$0x7EC];
	v45 =	vld [tilespmem:s0+$0x0];
	[tilespmem:v52+s17+$0x0] =	vst.idx.msk $0xffff, v37  }
0x29e: {  	s11 =	sor.u32 $0xC50, s1;
	v60 =	vadd.s32 s12, v29;
	[tilespmem:v53+s17+$0x0] =	vst.idx.msk $0xffff, v32;
	v37 =	vld [tilespmem:s10+$0x0]  }
0x29f: {  	s13 =	sor.u32 $0xC50, s4;
	v61 =	vadd.s32 s18, v29;
	[tilespmem:v54+s17+$0x0] =	vst.idx.msk $0xffff, v34;
	v32 =	vld [tilespmem:s11+$0x0]  }
0x2a0: {  	s16 =	sor.u32 $0xC50, s5;
	v62 =	vadd.s32 s14, v29;
	[tilespmem:v55+s17+$0x0] =	vst.idx.msk $0xffff, v39;
	v34 =	vld [tilespmem:s13+$0x0]  }
0x2a1: {  	v63 =	vadd.s32 s19, v29;
	[tilespmem:v57+s17+$0x0] =	vst.idx.msk $0xffff, v56;
	v39 =	vld [tilespmem:s16+$0x0]  }
0x2a2: {  	v48 =	vadd.s32 s26, v31;
	v47 =	vld [tilespmem:s15+$0x0];
	[tilespmem:v46+s17+$0x0] =	vst.idx.msk $0xffff, v45  }
0x2a3: {  	s20 =	sor.u32 $0xC60, s2;
	v59 =	vadd.s32 s30, v30;
	v58 =	vld [tilespmem:s9+$0x0];
	[tilespmem:v60+s17+$0x0] =	vst.idx.msk $0xffff, v37  }
0x2a4: {  	s21 =	sor.u32 $0xC60, s1;
	v49 =	vadd.s32 s12, v30;
	[tilespmem:v61+s17+$0x0] =	vst.idx.msk $0xffff, v32;
	v37 =	vld [tilespmem:s20+$0x0]  }
0x2a5: {  	s22 =	sor.u32 $0xC60, s4;
	v50 =	vadd.s32 s18, v30;
	[tilespmem:v62+s17+$0x0] =	vst.idx.msk $0xffff, v34;
	v32 =	vld [tilespmem:s21+$0x0]  }
0x2a6: {  	s23 =	sor.u32 $0xC60, s5;
	v51 =	vadd.s32 s14, v30;
	[tilespmem:v63+s17+$0x0] =	vst.idx.msk $0xffff, v39;
	v34 =	vld [tilespmem:s22+$0x0]  }
0x2a7: {  	v52 =	vadd.s32 s19, v30;
	[tilespmem:v48+s17+$0x0] =	vst.idx.msk $0xffff, v47;
	v39 =	vld [tilespmem:s23+$0x0]  }
0x2a8: {  	v56 =	vadd.s32 s31, v31;
	v55 =	vld [tilespmem:s25+$0x0];
	[tilespmem:v59+s17+$0x0] =	vst.idx.msk $0xffff, v58  }
0x2a9: {  	s26 =	sor.u32 $0xC70, s2;
	v54 =	vadd.s32 s30, v31;
	v53 =	vld [tilespmem:s24+$0x0];
	[tilespmem:v49+s17+$0x0] =	vst.idx.msk $0xffff, v37  }
0x2aa: {  	s28 =	sor.u32 $0xC70, s1;
	v57 =	vadd.s32 s12, v31;
	[tilespmem:v50+s17+$0x0] =	vst.idx.msk $0xffff, v32;
	v37 =	vld [tilespmem:s26+$0x0]  }
0x2ab: {  	s29 =	sor.u32 $0xC70, s4;
	v58 =	vadd.s32 s18, v31;
	[tilespmem:v51+s17+$0x0] =	vst.idx.msk $0xffff, v34;
	v32 =	vld [tilespmem:s28+$0x0]  }
0x2ac: {  	s30 =	sor.u32 $0xC70, s5;
	v59 =	vadd.s32 s14, v31;
	[tilespmem:v52+s17+$0x0] =	vst.idx.msk $0xffff, v39;
	v34 =	vld [tilespmem:s29+$0x0]  }
0x2ad: {  	v60 =	vadd.s32 s19, v31;
	[tilespmem:v56+s17+$0x0] =	vst.idx.msk $0xffff, v55;
	v39 =	vld [tilespmem:s30+$0x0]  }
0x2ae: {  	[tilespmem:v54+s17+$0x0] =	vst.idx.msk $0xffff, v53  }
0x2af: {  	[tilespmem:v57+s17+$0x0] =	vst.idx.msk $0xffff, v37  }
0x2b0: {  	[tilespmem:v58+s17+$0x0] =	vst.idx.msk $0xffff, v32  }
0x2b1: {  	[tilespmem:v59+s17+$0x0] =	vst.idx.msk $0xffff, v34  }
0x2b2: {  	s31 =	simm.s32 $0xC084;
	[tilespmem:v60+s17+$0x0] =	vst.idx.msk $0xffff, v39  }
0x2b3: {  	v33 =	vld [tilespmem:s31+$0x63]  }
0x2b4: {  	v34 =	vld [tilespmem:s31+$0x73]  }
0x2b5: {  	v32 =	vld [tilespmem:s31+$0xFFFFFF8C]  }
0x2b6: {  	v35 =	vld [tilespmem:s31+$0xFFFFFF9D]  }
0x2b7: {  	v36 =	vld [tilespmem:s31+$0xFFFFFFAD]  }
0x2b8: {  	v37 =	vld [tilespmem:s31+$0xFFFFFFBE]  }
0x2b9: {  	v38 =	vld [tilespmem:s31+$0xFFFFFFCE]  }
0x2ba: {  	v39 =	vld [tilespmem:s31+$0xFFFFFFDF]  }
0x2bb: {  	v40 =	vld [tilespmem:s31+$0xFFFFFFEF]  }
0x2bc: {  	v41 =	vld [tilespmem:s31+$0x0]  }
0x2bd: {  	p2 =	por $0x1, $0x1;
	v42 =	vld [tilespmem:s31+$0x10]  }
.Ltmp3:
0x2be: {  	s0 =	simm.s32 $0x8040;
	v34 =	vpack.i.f32.bf16 v34, v33;
	v33 =	vld [tilespmem:s31+$0x21];
	(pc) =	sbr.rel @!p2 .LBB2_6-.Ltmp3, $4  }
0x2bf: {  	v61 =	vpack.i.f32.bf16 v36, v35;
	v35 =	vld [tilespmem:s31+$0x31];
	[tilespmem:s0+$0x30] =	vst v34  }
0x2c0: {  	v62 =	vpack.i.f32.bf16 v38, v37;
	v36 =	vld [tilespmem:s31+$0x52];
	[tilespmem:s0+$0xFFFFFFD0] =	vst v61  }
0x2c1: {  	v63 =	vpack.i.f32.bf16 v40, v39;
	v34 =	vld [tilespmem:s31+$0x42];
	[tilespmem:s0+$0xFFFFFFE0] =	vst v62  }
0x2c2: {  	s2 =	simm.s32 $0xC18C;
	s1 =	simm.s32 $0x0;
	v37 =	vld [tilespmem:s31+$0xFFFFFF7C];
	v38 =	vpack.i.f32.bf16 v42, v41;
	[tilespmem:s0+$0xFFFFFFF0] =	vst v63  }
.LBB2_5:
0x2c3: {  	v39 =	vld [tilespmem:s2+$0x63];
	[tilespmem:s0+$0x0] =	vst v38  }
0x2c4: {  	s1 =	sadd.s32 $0x8, s1;
	v38 =	vld [tilespmem:s2+$0x73];
	v33 =	vpack.i.f32.bf16 v35, v33  }
0x2c5: {  	p2 =	slt.u32 s1, $0x1F8;
	v35 =	vld [tilespmem:s2+$0xFFFFFF8C];
	[tilespmem:s0+$0x10] =	vst v33  }
0x2c6: {  	v33 =	vld [tilespmem:s2+$0xFFFFFF9D];
	v34 =	vpack.i.f32.bf16 v36, v34  }
0x2c7: {  	v36 =	vld [tilespmem:s2+$0xFFFFFFAD];
	v32 =	vpack.i.f32.bf16 v32, v37;
	[tilespmem:s0+$0x20] =	vst v34  }
0x2c8: {  	v34 =	vld [tilespmem:s2+$0xFFFFFFBE];
	[tilespmem:s0+$0xFFFFFFC0] =	vst v32  }
0x2c9: {  	s0 =	sadd.s32 $0x80, s0;
	v37 =	vld [tilespmem:s2+$0xFFFFFFCE];
	v39 =	vpack.i.f32.bf16 v38, v39  }
0x2ca: {  	v38 =	vld [tilespmem:s2+$0xFFFFFFDF];
	[tilespmem:s0+$0x30] =	vst v39;
	v32 =	vmov v35  }
0x2cb: {  	v39 =	vld [tilespmem:s2+$0xFFFFFFEF]  }
0x2cc: {  	v33 =	vpack.i.f32.bf16 v36, v33;
	v40 =	vld [tilespmem:s2+$0x0]  }
0x2cd: {  	[tilespmem:s0+$0xFFFFFFD0] =	vst v33;
	v41 =	vld [tilespmem:s2+$0x10]  }
.Ltmp4:
0x2ce: {  	v34 =	vpack.i.f32.bf16 v37, v34;
	v33 =	vld [tilespmem:s2+$0x21];
	(pc) =	sbr.rel @p2 .LBB2_5-.Ltmp4, $4  }
0x2cf: {  	[tilespmem:s0+$0xFFFFFFE0] =	vst v34;
	v35 =	vld [tilespmem:s2+$0x31]  }
0x2d0: {  	v36 =	vpack.i.f32.bf16 v39, v38;
	v34 =	vld [tilespmem:s2+$0x42]  }
0x2d1: {  	[tilespmem:s0+$0xFFFFFFF0] =	vst v36;
	v36 =	vld [tilespmem:s2+$0x52]  }
0x2d2: {  	v37 =	vld [tilespmem:s2+$0xFFFFFF7C];
	v38 =	vpack.i.f32.bf16 v41, v40;
	s2 =	sadd.s32 $0x108, s2  }
.LBB2_6:
0x2d3: {  	_ = 	snop  }
0x2d4: {  	[tilespmem:s0+$0x0] =	vst v38;
	v33 =	vpack.i.f32.bf16 v35, v33  }
0x2d5: {  	[tilespmem:s0+$0x10] =	vst v33  }
0x2d6: {  	s1 =	sld [smem:$0x7FD]  }
0x2d7: {  	s3 =	sld [smem:$0x7F4];
	_ =	sdelay $0x1  }
0x2d8: {  	v57 =	vpack.i.f32.bf16 v36, v34  }
0x2d9: {  	[tilespmem:s0+$0x20] =	vst v57;
	s1 =	sor.u32 s1, s3  }
0x2da: {  	v32 =	vpack.i.f32.bf16 v32, v37;
	[smem:$0x7AD] =	sst s1  }
0x2db: {  	[tilespmem:s0+$0xFFFFFFC0] =	vst v32  }
0x2dc: {  	s0 =	sld [smem:$0x7F6];
	_ =	sdelay $0x1  }
0x2dd: {  	s1 =	sshll.u32 s1, $0xA;
	s10 =	sld [smem:$0x7F9]  }
0x2de: {  	s2 =	simm.s32 $0x0;
	s9 =	simm.s32 $0x8000;
	s0 =	sadd.s32 s0, s1  }
0x2df: {  	[hbm4b:s0+s2] =	stream.linear.scatter [tilespmem:s9], [sflag:$0x3], $0x2000, $0x38;
	[tilespmem:$0x10E00] =	vst v63  }
0x2e0: {  	s0 =	sadd.s32 s10, s3  }
0x2e1: {  	s0 =	smin.u32 s0, $0x7A0  }
0x2e2: {  	s11 =	rddreg [dreg:$0x0];
	s12 =	simm.s32 $0x1000;
	s0 =	sshll.u32 s0, $0x9  }
0x2e3: {  	s13 =	simm.s32 $0x7A1400;
	s14 =	simm.s32 $0x2;
	s0 =	sadd.s32 s11, s0  }
0x2e4: {  	[tilespmem:s2], [sflag:$0x1] =	stream.strided.gather [hbm4b:s0+s12], $0x4000, s13, s12, $0x38;
	[tilespmem:$0x10E00] =	vst v63  }
0x2e5: {  	_ =	swait.ge [sflag:s14], $0x4000  }
0x2e6: {  	s24 =	simm.s32 $0x0;
	[sflag:s14] =	ssyncset.done $0x0  }
0x2e7: {  	s15 =	simm.s32 $0x180;
	s0 =	simm.s32 @!p1 $0x4;
	[sflag:s14] =	ssyncadd.s32 $0xFFFFC000  }
0x2e8: {  	s19 =	simm.s32 $0x0;
	s16 =	sand.u32 $0x3000, s24;
	_ =	swait.ge @!p1 [sflag:s0], $0x2000  }
0x2e9: {  	s5 =	sor.u32 $0x4000, s16;
	s1 =	sand.u32 $0x380, s15;
	[sflag:s0] =	ssyncset.done @!p1 $0x0  }
0x2ea: {  	s18 =	sor.u32 s1, s5;
	s1 =	simm.s32 $0x3;
	[sflag:s0] =	ssyncadd.s32 @!p1 $0xFFFFE000  }
0x2eb: {  	s20 =	simm.s32 $0x80;
	v59 =	vadd.s32 s1, v0;
	s0 =	sand.u32 $0x200, s19;
	v58 =	vld [tilespmem:s18+$0x0]  }
0x2ec: {  	s6 =	simm.s32 $0x100;
	s21 =	sand.u32 $0x280, s20;
	s4 =	sor.u32 s0, s5  }
0x2ed: {  	v61 =	vadd.s32 s24, v0;
	s22 =	sand.u32 $0x300, s6;
	s2 =	sor.u32 s21, s5;
	s19 =	simm.s32 $0x1;
	v60 =	vld [tilespmem:s4+$0x0]  }
0x2ee: {  	s23 =	simm.s32 $0x2;
	v62 =	vld [tilespmem:s2+$0x0];
	v63 =	vadd.s32 s19, v0;
	s0 =	sor.u32 s22, s5  }
0x2ef: {  	v39 =	vadd.s32 s23, v0;
	v43 =	vld [tilespmem:s0+$0x0]  }
0x2f0: {  	[tilespmem:v59+s17+$0x0] =	vst.idx.msk $0xffff, v58  }
0x2f1: {  	v42 =	vadd.s32 s1, v1;
	v32 =	vld [tilespmem:s18+$0x10]  }
0x2f2: {  	[tilespmem:v61+s17+$0x0] =	vst.idx.msk $0xffff, v60  }
0x2f3: {  	v44 =	vadd.s32 s24, v1;
	[tilespmem:v63+s17+$0x0] =	vst.idx.msk $0xffff, v62;
	v34 =	vld [tilespmem:s4+$0x10]  }
0x2f4: {  	v45 =	vadd.s32 s19, v1;
	v36 =	vld [tilespmem:s2+$0x10];
	[tilespmem:v39+s17+$0x0] =	vst.idx.msk $0xffff, v43  }
0x2f5: {  	v47 =	vadd.s32 s23, v1;
	v38 =	vld [tilespmem:s0+$0x10]  }
0x2f6: {  	[tilespmem:v42+s17+$0x0] =	vst.idx.msk $0xffff, v32  }
0x2f7: {  	v46 =	vadd.s32 s1, v2;
	v32 =	vld [tilespmem:s18+$0x20]  }
0x2f8: {  	[tilespmem:v44+s17+$0x0] =	vst.idx.msk $0xffff, v34  }
0x2f9: {  	v48 =	vadd.s32 s24, v2;
	[tilespmem:v45+s17+$0x0] =	vst.idx.msk $0xffff, v36;
	v34 =	vld [tilespmem:s4+$0x20]  }
0x2fa: {  	v49 =	vadd.s32 s19, v2;
	v36 =	vld [tilespmem:s2+$0x20];
	[tilespmem:v47+s17+$0x0] =	vst.idx.msk $0xffff, v38  }
0x2fb: {  	v51 =	vadd.s32 s23, v2;
	v38 =	vld [tilespmem:s0+$0x20]  }
0x2fc: {  	[tilespmem:v46+s17+$0x0] =	vst.idx.msk $0xffff, v32  }
0x2fd: {  	v50 =	vadd.s32 s1, v3;
	v32 =	vld [tilespmem:s18+$0x30]  }
0x2fe: {  	[tilespmem:v48+s17+$0x0] =	vst.idx.msk $0xffff, v34  }
0x2ff: {  	v52 =	vadd.s32 s24, v3;
	[tilespmem:v49+s17+$0x0] =	vst.idx.msk $0xffff, v36;
	v34 =	vld [tilespmem:s4+$0x30]  }
0x300: {  	v53 =	vadd.s32 s19, v3;
	v36 =	vld [tilespmem:s2+$0x30];
	[tilespmem:v51+s17+$0x0] =	vst.idx.msk $0xffff, v38  }
0x301: {  	v55 =	vadd.s32 s23, v3;
	v38 =	vld [tilespmem:s0+$0x30]  }
0x302: {  	[tilespmem:v50+s17+$0x0] =	vst.idx.msk $0xffff, v32  }
0x303: {  	v54 =	vadd.s32 s1, v4;
	v32 =	vld [tilespmem:s18+$0x40]  }
0x304: {  	[tilespmem:v52+s17+$0x0] =	vst.idx.msk $0xffff, v34  }
0x305: {  	v56 =	vadd.s32 s24, v4;
	[tilespmem:v53+s17+$0x0] =	vst.idx.msk $0xffff, v36;
	v34 =	vld [tilespmem:s4+$0x40]  }
0x306: {  	v57 =	vadd.s32 s19, v4;
	v36 =	vld [tilespmem:s2+$0x40];
	[tilespmem:v55+s17+$0x0] =	vst.idx.msk $0xffff, v38  }
0x307: {  	v59 =	vadd.s32 s23, v4;
	v38 =	vld [tilespmem:s0+$0x40]  }
0x308: {  	[tilespmem:v54+s17+$0x0] =	vst.idx.msk $0xffff, v32  }
0x309: {  	v58 =	vadd.s32 s1, v5;
	v32 =	vld [tilespmem:s18+$0x50]  }
0x30a: {  	[tilespmem:v56+s17+$0x0] =	vst.idx.msk $0xffff, v34  }
0x30b: {  	v60 =	vadd.s32 s24, v5;
	[tilespmem:v57+s17+$0x0] =	vst.idx.msk $0xffff, v36;
	v34 =	vld [tilespmem:s4+$0x50]  }
0x30c: {  	v61 =	vadd.s32 s19, v5;
	v36 =	vld [tilespmem:s2+$0x50];
	[tilespmem:v59+s17+$0x0] =	vst.idx.msk $0xffff, v38  }
0x30d: {  	v63 =	vadd.s32 s23, v5;
	v38 =	vld [tilespmem:s0+$0x50]  }
0x30e: {  	[tilespmem:v58+s17+$0x0] =	vst.idx.msk $0xffff, v32  }
0x30f: {  	v62 =	vadd.s32 s1, v6;
	v32 =	vld [tilespmem:s18+$0x60]  }
0x310: {  	[tilespmem:v60+s17+$0x0] =	vst.idx.msk $0xffff, v34  }
0x311: {  	v42 =	vadd.s32 s24, v6;
	[tilespmem:v61+s17+$0x0] =	vst.idx.msk $0xffff, v36;
	v34 =	vld [tilespmem:s4+$0x60]  }
0x312: {  	v43 =	vadd.s32 s19, v6;
	v36 =	vld [tilespmem:s2+$0x60];
	[tilespmem:v63+s17+$0x0] =	vst.idx.msk $0xffff, v38  }
0x313: {  	v45 =	vadd.s32 s23, v6;
	v38 =	vld [tilespmem:s0+$0x60]  }
0x314: {  	[tilespmem:v62+s17+$0x0] =	vst.idx.msk $0xffff, v32  }
0x315: {  	v44 =	vadd.s32 s1, v7;
	v32 =	vld [tilespmem:s18+$0x70]  }
0x316: {  	[tilespmem:v42+s17+$0x0] =	vst.idx.msk $0xffff, v34  }
0x317: {  	v46 =	vadd.s32 s24, v7;
	[tilespmem:v43+s17+$0x0] =	vst.idx.msk $0xffff, v36;
	v34 =	vld [tilespmem:s4+$0x70]  }
0x318: {  	v47 =	vadd.s32 s19, v7;
	v36 =	vld [tilespmem:s2+$0x70];
	[tilespmem:v45+s17+$0x0] =	vst.idx.msk $0xffff, v38  }
0x319: {  	v49 =	vadd.s32 s23, v7;
	v38 =	vld [tilespmem:s0+$0x70]  }
0x31a: {  	[tilespmem:v44+s17+$0x0] =	vst.idx.msk $0xffff, v32  }
0x31b: {  	v48 =	vadd.s32 s1, v8;
	v32 =	vld [tilespmem:s18+$0x400]  }
0x31c: {  	[tilespmem:v46+s17+$0x0] =	vst.idx.msk $0xffff, v34  }
0x31d: {  	v50 =	vadd.s32 s24, v8;
	[tilespmem:v47+s17+$0x0] =	vst.idx.msk $0xffff, v36;
	v34 =	vld [tilespmem:s4+$0x400]  }
0x31e: {  	v51 =	vadd.s32 s19, v8;
	v36 =	vld [tilespmem:s2+$0x400];
	[tilespmem:v49+s17+$0x0] =	vst.idx.msk $0xffff, v38  }
0x31f: {  	v53 =	vadd.s32 s23, v8;
	v38 =	vld [tilespmem:s0+$0x400]  }
0x320: {  	[tilespmem:v48+s17+$0x0] =	vst.idx.msk $0xffff, v32  }
0x321: {  	v52 =	vadd.s32 s1, v9;
	v32 =	vld [tilespmem:s18+$0x410]  }
0x322: {  	[tilespmem:v50+s17+$0x0] =	vst.idx.msk $0xffff, v34  }
0x323: {  	v54 =	vadd.s32 s24, v9;
	[tilespmem:v51+s17+$0x0] =	vst.idx.msk $0xffff, v36;
	v34 =	vld [tilespmem:s4+$0x410]  }
0x324: {  	v55 =	vadd.s32 s19, v9;
	v36 =	vld [tilespmem:s2+$0x410];
	[tilespmem:v53+s17+$0x0] =	vst.idx.msk $0xffff, v38  }
0x325: {  	v57 =	vadd.s32 s23, v9;
	v38 =	vld [tilespmem:s0+$0x410]  }
0x326: {  	[tilespmem:v52+s17+$0x0] =	vst.idx.msk $0xffff, v32  }
0x327: {  	v56 =	vadd.s32 s1, v10;
	v32 =	vld [tilespmem:s18+$0x420]  }
0x328: {  	[tilespmem:v54+s17+$0x0] =	vst.idx.msk $0xffff, v34  }
0x329: {  	v58 =	vadd.s32 s24, v10;
	[tilespmem:v55+s17+$0x0] =	vst.idx.msk $0xffff, v36;
	v34 =	vld [tilespmem:s4+$0x420]  }
0x32a: {  	v59 =	vadd.s32 s19, v10;
	v36 =	vld [tilespmem:s2+$0x420];
	[tilespmem:v57+s17+$0x0] =	vst.idx.msk $0xffff, v38  }
0x32b: {  	v61 =	vadd.s32 s23, v10;
	v38 =	vld [tilespmem:s0+$0x420]  }
0x32c: {  	[tilespmem:v56+s17+$0x0] =	vst.idx.msk $0xffff, v32  }
0x32d: {  	v60 =	vadd.s32 s1, v11;
	v32 =	vld [tilespmem:s18+$0x430]  }
0x32e: {  	[tilespmem:v58+s17+$0x0] =	vst.idx.msk $0xffff, v34  }
0x32f: {  	v62 =	vadd.s32 s24, v11;
	[tilespmem:v59+s17+$0x0] =	vst.idx.msk $0xffff, v36;
	v34 =	vld [tilespmem:s4+$0x430]  }
0x330: {  	v63 =	vadd.s32 s19, v11;
	v36 =	vld [tilespmem:s2+$0x430];
	[tilespmem:v61+s17+$0x0] =	vst.idx.msk $0xffff, v38  }
0x331: {  	v43 =	vadd.s32 s23, v11;
	v38 =	vld [tilespmem:s0+$0x430]  }
0x332: {  	[tilespmem:v60+s17+$0x0] =	vst.idx.msk $0xffff, v32  }
0x333: {  	v42 =	vadd.s32 s1, v12;
	v32 =	vld [tilespmem:s18+$0x440]  }
0x334: {  	[tilespmem:v62+s17+$0x0] =	vst.idx.msk $0xffff, v34  }
0x335: {  	v44 =	vadd.s32 s24, v12;
	[tilespmem:v63+s17+$0x0] =	vst.idx.msk $0xffff, v36;
	v34 =	vld [tilespmem:s4+$0x440]  }
0x336: {  	v45 =	vadd.s32 s19, v12;
	v36 =	vld [tilespmem:s2+$0x440];
	[tilespmem:v43+s17+$0x0] =	vst.idx.msk $0xffff, v38  }
0x337: {  	v47 =	vadd.s32 s23, v12;
	v38 =	vld [tilespmem:s0+$0x440]  }
0x338: {  	[tilespmem:v42+s17+$0x0] =	vst.idx.msk $0xffff, v32  }
0x339: {  	v46 =	vadd.s32 s1, v13;
	v32 =	vld [tilespmem:s18+$0x450]  }
0x33a: {  	[tilespmem:v44+s17+$0x0] =	vst.idx.msk $0xffff, v34  }
0x33b: {  	v48 =	vadd.s32 s24, v13;
	[tilespmem:v45+s17+$0x0] =	vst.idx.msk $0xffff, v36;
	v34 =	vld [tilespmem:s4+$0x450]  }
0x33c: {  	v49 =	vadd.s32 s19, v13;
	v36 =	vld [tilespmem:s2+$0x450];
	[tilespmem:v47+s17+$0x0] =	vst.idx.msk $0xffff, v38  }
0x33d: {  	v51 =	vadd.s32 s23, v13;
	v38 =	vld [tilespmem:s0+$0x450]  }
0x33e: {  	[tilespmem:v46+s17+$0x0] =	vst.idx.msk $0xffff, v32  }
0x33f: {  	v50 =	vadd.s32 s1, v14;
	v32 =	vld [tilespmem:s18+$0x460]  }
0x340: {  	[tilespmem:v48+s17+$0x0] =	vst.idx.msk $0xffff, v34  }
0x341: {  	v52 =	vadd.s32 s24, v14;
	[tilespmem:v49+s17+$0x0] =	vst.idx.msk $0xffff, v36;
	v34 =	vld [tilespmem:s4+$0x460]  }
0x342: {  	v53 =	vadd.s32 s19, v14;
	v36 =	vld [tilespmem:s2+$0x460];
	[tilespmem:v51+s17+$0x0] =	vst.idx.msk $0xffff, v38  }
0x343: {  	v55 =	vadd.s32 s23, v14;
	v38 =	vld [tilespmem:s0+$0x460]  }
0x344: {  	[tilespmem:v50+s17+$0x0] =	vst.idx.msk $0xffff, v32  }
0x345: {  	v54 =	vadd.s32 s1, v15;
	v32 =	vld [tilespmem:s18+$0x470]  }
0x346: {  	s25 =	sand.u32 $0x7, s24;
	[tilespmem:v52+s17+$0x0] =	vst.idx.msk $0xffff, v34  }
0x347: {  	s3 =	sshll.u32 s25, $0x7;
	p1 =	por $0x0, $0x0;
	v56 =	vadd.s32 s24, v15;
	[tilespmem:v53+s17+$0x0] =	vst.idx.msk $0xffff, v36;
	v34 =	vld [tilespmem:s4+$0x470];
	s4 =	simm.s32 $0x1  }
0x348: {  	s3 =	sadd.s32 $0x0, s3;
	v57 =	vadd.s32 s19, v15;
	v36 =	vld [tilespmem:s2+$0x470];
	[tilespmem:v55+s17+$0x0] =	vst.idx.msk $0xffff, v38;
	s4 =	simm.s32 @!p1 $0x0  }
0x349: {  	s11 =	sadd.s32 $0x180, s3;
	v59 =	vadd.s32 s23, v15;
	v38 =	vld [tilespmem:s0+$0x470];
	s4 =	sshll.u32 s4, $0x9  }
0x34a: {  	s26 =	sor.u32 $0x800, s11;
	s5 =	sadd.s32 $0x0, s4;
	s4 =	sand.u32 $0x3, s24;
	[tilespmem:v54+s17+$0x0] =	vst.idx.msk $0xffff, v32  }
0x34b: {  	v58 =	vadd.s32 s1, v16;
	s0 =	sshll.u32 s4, $0x8;
	v32 =	vld [tilespmem:s26+$0x4000]  }
0x34c: {  	s6 =	sor.u32 $0x800, s5;
	s4 =	sadd.s32 $0x80, s3;
	[tilespmem:v56+s17+$0x0] =	vst.idx.msk $0xffff, v34;
	s0 =	sadd.s32 $0x0, s0  }
0x34d: {  	v60 =	vadd.s32 s24, v16;
	[tilespmem:v57+s17+$0x0] =	vst.idx.msk $0xffff, v36;
	s7 =	sor.u32 $0x800, s4;
	v34 =	vld [tilespmem:s6+$0x4000];
	s6 =	sadd.s32 $0x100, s0  }
0x34e: {  	v61 =	vadd.s32 s19, v16;
	[tilespmem:v59+s17+$0x0] =	vst.idx.msk $0xffff, v38;
	v36 =	vld [tilespmem:s7+$0x4000];
	s9 =	sor.u32 $0x800, s6  }
0x34f: {  	v63 =	vadd.s32 s23, v16;
	v38 =	vld [tilespmem:s9+$0x4000]  }
0x350: {  	s8 =	sor.u32 $0x810, s11;
	[tilespmem:v58+s17+$0x0] =	vst.idx.msk $0xffff, v32  }
0x351: {  	v62 =	vadd.s32 s1, v17;
	v32 =	vld [tilespmem:s8+$0x4000]  }
0x352: {  	s10 =	sor.u32 $0x810, s5;
	[tilespmem:v60+s17+$0x0] =	vst.idx.msk $0xffff, v34  }
0x353: {  	v42 =	vadd.s32 s24, v17;
	s12 =	sor.u32 $0x810, s4;
	[tilespmem:v61+s17+$0x0] =	vst.idx.msk $0xffff, v36;
	v34 =	vld [tilespmem:s10+$0x4000]  }
0x354: {  	v43 =	vadd.s32 s19, v17;
	s14 =	sor.u32 $0x810, s6;
	v36 =	vld [tilespmem:s12+$0x4000];
	[tilespmem:v63+s17+$0x0] =	vst.idx.msk $0xffff, v38  }
0x355: {  	v45 =	vadd.s32 s23, v17;
	v38 =	vld [tilespmem:s14+$0x4000]  }
0x356: {  	s13 =	sor.u32 $0x820, s11;
	[tilespmem:v62+s17+$0x0] =	vst.idx.msk $0xffff, v32  }
0x357: {  	v44 =	vadd.s32 s1, v18;
	v32 =	vld [tilespmem:s13+$0x4000]  }
0x358: {  	s15 =	sor.u32 $0x820, s5;
	[tilespmem:v42+s17+$0x0] =	vst.idx.msk $0xffff, v34  }
0x359: {  	v46 =	vadd.s32 s24, v18;
	s16 =	sor.u32 $0x820, s4;
	[tilespmem:v43+s17+$0x0] =	vst.idx.msk $0xffff, v36;
	v34 =	vld [tilespmem:s15+$0x4000]  }
0x35a: {  	v47 =	vadd.s32 s19, v18;
	s20 =	sor.u32 $0x820, s6;
	v36 =	vld [tilespmem:s16+$0x4000];
	[tilespmem:v45+s17+$0x0] =	vst.idx.msk $0xffff, v38  }
0x35b: {  	v49 =	vadd.s32 s23, v18;
	v38 =	vld [tilespmem:s20+$0x4000]  }
0x35c: {  	s18 =	sor.u32 $0x830, s11;
	[tilespmem:v44+s17+$0x0] =	vst.idx.msk $0xffff, v32  }
0x35d: {  	v48 =	vadd.s32 s1, v19;
	v32 =	vld [tilespmem:s18+$0x4000]  }
0x35e: {  	s21 =	sor.u32 $0x830, s5;
	[tilespmem:v46+s17+$0x0] =	vst.idx.msk $0xffff, v34  }
0x35f: {  	v50 =	vadd.s32 s24, v19;
	s22 =	sor.u32 $0x830, s4;
	[tilespmem:v47+s17+$0x0] =	vst.idx.msk $0xffff, v36;
	v34 =	vld [tilespmem:s21+$0x4000]  }
0x360: {  	v51 =	vadd.s32 s19, v19;
	s26 =	sor.u32 $0x830, s6;
	v36 =	vld [tilespmem:s22+$0x4000];
	[tilespmem:v49+s17+$0x0] =	vst.idx.msk $0xffff, v38  }
0x361: {  	v53 =	vadd.s32 s23, v19;
	v38 =	vld [tilespmem:s26+$0x4000]  }
0x362: {  	s25 =	sor.u32 $0x840, s11;
	[tilespmem:v48+s17+$0x0] =	vst.idx.msk $0xffff, v32  }
0x363: {  	v52 =	vadd.s32 s1, v20;
	v32 =	vld [tilespmem:s25+$0x4000]  }
0x364: {  	s2 =	sor.u32 $0x840, s5;
	s7 =	simm.s32 $0x800;
	[tilespmem:v50+s17+$0x0] =	vst.idx.msk $0xffff, v34  }
0x365: {  	s3 =	sor.u32 $0x840, s4;
	s8 =	simm.s32 $0x380;
	[tilespmem:v51+s17+$0x0] =	vst.idx.msk $0xffff, v36;
	v34 =	vld [tilespmem:s2+$0x4000];
	s2 =	sand.u32 $0x3000, s7  }
0x366: {  	v54 =	vadd.s32 s24, v20;
	s0 =	sand.u32 $0x380, s8;
	v36 =	vld [tilespmem:s3+$0x4000];
	s7 =	sor.u32 $0x840, s6;
	[tilespmem:v53+s17+$0x0] =	vst.idx.msk $0xffff, v38;
	s10 =	sor.u32 $0x4000, s2  }
0x367: {  	v56 =	vadd.s32 s19, v20;
	s12 =	simm.s32 $0x200;
	v38 =	vld [tilespmem:s7+$0x4000];
	s7 =	sor.u32 s0, s10  }
0x368: {  	v59 =	vadd.s32 s23, v20;
	s9 =	sor.u32 $0x850, s11;
	s8 =	sand.u32 $0x200, s12;
	s2 =	simm.s32 $0x7;
	v57 =	vld [tilespmem:s7+$0x0];
	[tilespmem:v52+s17+$0x0] =	vst.idx.msk $0xffff, v32  }
0x369: {  	s3 =	simm.s32 $0x4;
	v58 =	vadd.s32 s2, v0;
	s8 =	sor.u32 s8, s10;
	v32 =	vld [tilespmem:s9+$0x4000];
	s9 =	simm.s32 $0x280  }
0x36a: {  	v42 =	vadd.s32 s3, v0;
	v41 =	vld [tilespmem:s8+$0x0];
	s9 =	sand.u32 $0x280, s9  }
0x36b: {  	s31 =	simm.s32 $0x5;
	v55 =	vadd.s32 s1, v21;
	s14 =	simm.s32 $0x300;
	[tilespmem:v54+s17+$0x0] =	vst.idx.msk $0xffff, v34;
	s9 =	sor.u32 s9, s10  }
0x36c: {  	v60 =	vadd.s32 s31, v0;
	s12 =	sand.u32 $0x300, s14;
	s13 =	sor.u32 $0x850, s5;
	[tilespmem:v56+s17+$0x0] =	vst.idx.msk $0xffff, v36;
	v43 =	vld [tilespmem:s9+$0x0]  }
0x36d: {  	v46 =	vadd.s32 s24, v21;
	s0 =	simm.s32 $0x6;
	v40 =	vld [tilespmem:s13+$0x4000];
	s10 =	sor.u32 s12, s10;
	[tilespmem:v59+s17+$0x0] =	vst.idx.msk $0xffff, v38  }
0x36e: {  	v63 =	vadd.s32 s0, v0;
	v62 =	vld [tilespmem:s10+$0x0];
	[tilespmem:v58+s17+$0x0] =	vst.idx.msk $0xffff, v57  }
0x36f: {  	v45 =	vadd.s32 s2, v1;
	[tilespmem:v42+s17+$0x0] =	vst.idx.msk $0xffff, v41;
	v35 =	vld [tilespmem:s7+$0x10]  }
0x370: {  	v48 =	vadd.s32 s3, v1;
	s13 =	sor.u32 $0x860, s11;
	v42 =	vld [tilespmem:s8+$0x10];
	[tilespmem:v55+s17+$0x0] =	vst.idx.msk $0xffff, v32  }
0x371: {  	v61 =	vadd.s32 s1, v22;
	v33 =	vld [tilespmem:s13+$0x4000];
	[tilespmem:v60+s17+$0x0] =	vst.idx.msk $0xffff, v43  }
0x372: {  	s15 =	sor.u32 $0x850, s4;
	v49 =	vadd.s32 s31, v1;
	[tilespmem:v46+s17+$0x0] =	vst.idx.msk $0xffff, v40;
	v43 =	vld [tilespmem:s9+$0x10]  }
0x373: {  	v54 =	vadd.s32 s19, v21;
	v47 =	vld [tilespmem:s15+$0x4000];
	[tilespmem:v63+s17+$0x0] =	vst.idx.msk $0xffff, v62  }
0x374: {  	v52 =	vadd.s32 s0, v1;
	v37 =	vld [tilespmem:s10+$0x10];
	[tilespmem:v45+s17+$0x0] =	vst.idx.msk $0xffff, v35  }
0x375: {  	v53 =	vadd.s32 s2, v2;
	[tilespmem:v48+s17+$0x0] =	vst.idx.msk $0xffff, v42;
	v38 =	vld [tilespmem:s7+$0x20]  }
0x376: {  	s16 =	sor.u32 $0x870, s11;
	v56 =	vadd.s32 s3, v2;
	v42 =	vld [tilespmem:s8+$0x20];
	[tilespmem:v61+s17+$0x0] =	vst.idx.msk $0xffff, v33  }
0x377: {  	v51 =	vadd.s32 s1, v23;
	v50 =	vld [tilespmem:s16+$0x4000];
	[tilespmem:v49+s17+$0x0] =	vst.idx.msk $0xffff, v43  }
0x378: {  	s18 =	sor.u32 $0x850, s6;
	v57 =	vadd.s32 s31, v2;
	[tilespmem:v54+s17+$0x0] =	vst.idx.msk $0xffff, v47;
	v43 =	vld [tilespmem:s9+$0x20]  }
0x379: {  	v55 =	vld [tilespmem:s18+$0x4000];
	v62 =	vadd.s32 s23, v21;
	[tilespmem:v52+s17+$0x0] =	vst.idx.msk $0xffff, v37  }
0x37a: {  	v60 =	vadd.s32 s0, v2;
	v37 =	vld [tilespmem:s10+$0x20];
	[tilespmem:v53+s17+$0x0] =	vst.idx.msk $0xffff, v38  }
0x37b: {  	v61 =	vadd.s32 s2, v3;
	[tilespmem:v56+s17+$0x0] =	vst.idx.msk $0xffff, v42;
	v39 =	vld [tilespmem:s7+$0x30]  }
0x37c: {  	s20 =	sor.u32 $0xC00, s11;
	v45 =	vadd.s32 s3, v3;
	v42 =	vld [tilespmem:s8+$0x30];
	[tilespmem:v51+s17+$0x0] =	vst.idx.msk $0xffff, v50  }
0x37d: {  	v59 =	vadd.s32 s1, v24;
	v58 =	vld [tilespmem:s20+$0x4000];
	[tilespmem:v57+s17+$0x0] =	vst.idx.msk $0xffff, v43  }
0x37e: {  	s21 =	sor.u32 $0x860, s5;
	v46 =	vadd.s32 s31, v3;
	[tilespmem:v62+s17+$0x0] =	vst.idx.msk $0xffff, v55;
	v43 =	vld [tilespmem:s9+$0x30]  }
0x37f: {  	v63 =	vld [tilespmem:s21+$0x4000];
	v51 =	vadd.s32 s24, v22;
	[tilespmem:v60+s17+$0x0] =	vst.idx.msk $0xffff, v37  }
0x380: {  	v48 =	vadd.s32 s0, v3;
	v38 =	vld [tilespmem:s10+$0x30];
	[tilespmem:v61+s17+$0x0] =	vst.idx.msk $0xffff, v39  }
0x381: {  	v50 =	vadd.s32 s2, v4;
	[tilespmem:v45+s17+$0x0] =	vst.idx.msk $0xffff, v42;
	v49 =	vld [tilespmem:s7+$0x40]  }
0x382: {  	s22 =	sor.u32 $0xC10, s11;
	v53 =	vadd.s32 s3, v4;
	v42 =	vld [tilespmem:s8+$0x40];
	[tilespmem:v59+s17+$0x0] =	vst.idx.msk $0xffff, v58  }
0x383: {  	v47 =	vadd.s32 s1, v25;
	v36 =	vld [tilespmem:s22+$0x4000];
	[tilespmem:v46+s17+$0x0] =	vst.idx.msk $0xffff, v43  }
0x384: {  	s25 =	sor.u32 $0x860, s4;
	v54 =	vadd.s32 s31, v4;
	[tilespmem:v51+s17+$0x0] =	vst.idx.msk $0xffff, v63;
	v43 =	vld [tilespmem:s9+$0x40]  }
0x385: {  	v52 =	vld [tilespmem:s25+$0x4000];
	v59 =	vadd.s32 s19, v22;
	[tilespmem:v48+s17+$0x0] =	vst.idx.msk $0xffff, v38  }
0x386: {  	v56 =	vadd.s32 s0, v4;
	v39 =	vld [tilespmem:s10+$0x40];
	[tilespmem:v50+s17+$0x0] =	vst.idx.msk $0xffff, v49  }
0x387: {  	v58 =	vadd.s32 s2, v5;
	[tilespmem:v53+s17+$0x0] =	vst.idx.msk $0xffff, v42;
	v57 =	vld [tilespmem:s7+$0x50]  }
0x388: {  	s26 =	sor.u32 $0xC20, s11;
	v61 =	vadd.s32 s3, v5;
	v42 =	vld [tilespmem:s8+$0x50];
	[tilespmem:v47+s17+$0x0] =	vst.idx.msk $0xffff, v36  }
0x389: {  	v55 =	vadd.s32 s1, v26;
	v37 =	vld [tilespmem:s26+$0x4000];
	[tilespmem:v54+s17+$0x0] =	vst.idx.msk $0xffff, v43  }
0x38a: {  	s13 =	sor.u32 $0x860, s6;
	v62 =	vadd.s32 s31, v5;
	[tilespmem:v59+s17+$0x0] =	vst.idx.msk $0xffff, v52;
	v43 =	vld [tilespmem:s9+$0x50]  }
0x38b: {  	v60 =	vld [tilespmem:s13+$0x4000];
	v49 =	vadd.s32 s23, v22;
	[tilespmem:v56+s17+$0x0] =	vst.idx.msk $0xffff, v39  }
0x38c: {  	v46 =	vadd.s32 s0, v5;
	v39 =	vld [tilespmem:s10+$0x50];
	[tilespmem:v58+s17+$0x0] =	vst.idx.msk $0xffff, v57  }
0x38d: {  	v48 =	vadd.s32 s2, v6;
	[tilespmem:v61+s17+$0x0] =	vst.idx.msk $0xffff, v42;
	v47 =	vld [tilespmem:s7+$0x60]  }
0x38e: {  	s14 =	sor.u32 $0xC30, s11;
	v51 =	vadd.s32 s3, v6;
	v42 =	vld [tilespmem:s8+$0x60];
	[tilespmem:v55+s17+$0x0] =	vst.idx.msk $0xffff, v37  }
0x38f: {  	v45 =	vadd.s32 s1, v27;
	v63 =	vld [tilespmem:s14+$0x4000];
	[tilespmem:v62+s17+$0x0] =	vst.idx.msk $0xffff, v43  }
0x390: {  	s15 =	sor.u32 $0x870, s5;
	v52 =	vadd.s32 s31, v6;
	[tilespmem:v49+s17+$0x0] =	vst.idx.msk $0xffff, v60;
	v43 =	vld [tilespmem:s9+$0x60]  }
0x391: {  	v50 =	vld [tilespmem:s15+$0x4000];
	v58 =	vadd.s32 s24, v23;
	[tilespmem:v46+s17+$0x0] =	vst.idx.msk $0xffff, v39  }
0x392: {  	v55 =	vadd.s32 s0, v6;
	v39 =	vld [tilespmem:s10+$0x60];
	[tilespmem:v48+s17+$0x0] =	vst.idx.msk $0xffff, v47  }
0x393: {  	v57 =	vadd.s32 s2, v7;
	[tilespmem:v51+s17+$0x0] =	vst.idx.msk $0xffff, v42;
	v56 =	vld [tilespmem:s7+$0x70]  }
0x394: {  	s16 =	sor.u32 $0xC40, s11;
	v60 =	vadd.s32 s3, v7;
	v42 =	vld [tilespmem:s8+$0x70];
	[tilespmem:v45+s17+$0x0] =	vst.idx.msk $0xffff, v63  }
0x395: {  	v54 =	vadd.s32 s1, v28;
	v53 =	vld [tilespmem:s16+$0x4000];
	[tilespmem:v52+s17+$0x0] =	vst.idx.msk $0xffff, v43  }
0x396: {  	s18 =	sor.u32 $0x870, s4;
	v61 =	vadd.s32 s31, v7;
	[tilespmem:v58+s17+$0x0] =	vst.idx.msk $0xffff, v50;
	v43 =	vld [tilespmem:s9+$0x70]  }
0x397: {  	v59 =	vld [tilespmem:s18+$0x4000];
	v48 =	vadd.s32 s19, v23;
	[tilespmem:v55+s17+$0x0] =	vst.idx.msk $0xffff, v39  }
0x398: {  	v45 =	vadd.s32 s0, v7;
	v39 =	vld [tilespmem:s10+$0x70];
	[tilespmem:v57+s17+$0x0] =	vst.idx.msk $0xffff, v56  }
0x399: {  	v47 =	vadd.s32 s2, v8;
	[tilespmem:v60+s17+$0x0] =	vst.idx.msk $0xffff, v42;
	v46 =	vld [tilespmem:s7+$0x400]  }
0x39a: {  	s20 =	sor.u32 $0xC50, s11;
	v50 =	vadd.s32 s3, v8;
	v42 =	vld [tilespmem:s8+$0x400];
	[tilespmem:v54+s17+$0x0] =	vst.idx.msk $0xffff, v53  }
0x39b: {  	v63 =	vadd.s32 s1, v29;
	v62 =	vld [tilespmem:s20+$0x4000];
	[tilespmem:v61+s17+$0x0] =	vst.idx.msk $0xffff, v43  }
0x39c: {  	s21 =	sor.u32 $0x870, s6;
	v51 =	vadd.s32 s31, v8;
	[tilespmem:v48+s17+$0x0] =	vst.idx.msk $0xffff, v59;
	v43 =	vld [tilespmem:s9+$0x400]  }
0x39d: {  	v49 =	vld [tilespmem:s21+$0x4000];
	v57 =	vadd.s32 s23, v23;
	[tilespmem:v45+s17+$0x0] =	vst.idx.msk $0xffff, v39  }
0x39e: {  	v54 =	vadd.s32 s0, v8;
	v39 =	vld [tilespmem:s10+$0x400];
	[tilespmem:v47+s17+$0x0] =	vst.idx.msk $0xffff, v46  }
0x39f: {  	v56 =	vadd.s32 s2, v9;
	[tilespmem:v50+s17+$0x0] =	vst.idx.msk $0xffff, v42;
	v55 =	vld [tilespmem:s7+$0x410]  }
0x3a0: {  	s22 =	sor.u32 $0xC60, s11;
	v59 =	vadd.s32 s3, v9;
	v42 =	vld [tilespmem:s8+$0x410];
	[tilespmem:v63+s17+$0x0] =	vst.idx.msk $0xffff, v62  }
0x3a1: {  	v53 =	vadd.s32 s1, v30;
	v52 =	vld [tilespmem:s22+$0x4000];
	[tilespmem:v51+s17+$0x0] =	vst.idx.msk $0xffff, v43  }
0x3a2: {  	s25 =	sor.u32 $0xC00, s5;
	v60 =	vadd.s32 s31, v9;
	[tilespmem:v57+s17+$0x0] =	vst.idx.msk $0xffff, v49;
	v43 =	vld [tilespmem:s9+$0x410]  }
0x3a3: {  	v58 =	vld [tilespmem:s25+$0x4000];
	v61 =	vadd.s32 s24, v24;
	[tilespmem:v54+s17+$0x0] =	vst.idx.msk $0xffff, v39  }
0x3a4: {  	v63 =	vadd.s32 s0, v9;
	v39 =	vld [tilespmem:s10+$0x410];
	[tilespmem:v56+s17+$0x0] =	vst.idx.msk $0xffff, v55  }
0x3a5: {  	v46 =	vadd.s32 s2, v10;
	[tilespmem:v59+s17+$0x0] =	vst.idx.msk $0xffff, v42;
	v45 =	vld [tilespmem:s7+$0x420]  }
0x3a6: {  	s26 =	sor.u32 $0xC00, s4;
	v49 =	vadd.s32 s3, v10;
	v42 =	vld [tilespmem:s8+$0x420];
	[tilespmem:v53+s17+$0x0] =	vst.idx.msk $0xffff, v52  }
0x3a7: {  	v48 =	vld [tilespmem:s26+$0x4000];
	v52 =	vadd.s32 s19, v24;
	[tilespmem:v60+s17+$0x0] =	vst.idx.msk $0xffff, v43  }
0x3a8: {  	s11 =	sor.u32 $0xC70, s11;
	[tilespmem:v61+s17+$0x0] =	vst.idx.msk $0xffff, v58;
	v51 =	vadd.s32 s31, v10;
	v50 =	vld [tilespmem:s9+$0x420]  }
0x3a9: {  	v47 =	vadd.s32 s1, v31;
	v62 =	vld [tilespmem:s11+$0x4000];
	s11 =	sor.u32 $0xC00, s6;
	[tilespmem:v63+s17+$0x0] =	vst.idx.msk $0xffff, v39  }
0x3aa: {  	v57 =	vadd.s32 s23, v24;
	v53 =	vld [tilespmem:s11+$0x4000];
	[tilespmem:v46+s17+$0x0] =	vst.idx.msk $0xffff, v45  }
0x3ab: {  	v54 =	vadd.s32 s0, v10;
	v39 =	vld [tilespmem:s10+$0x420];
	[tilespmem:v49+s17+$0x0] =	vst.idx.msk $0xffff, v42  }
0x3ac: {  	v56 =	vadd.s32 s2, v11;
	v55 =	vld [tilespmem:s7+$0x430];
	[tilespmem:v52+s17+$0x0] =	vst.idx.msk $0xffff, v48  }
0x3ad: {  	v59 =	vadd.s32 s3, v11;
	v42 =	vld [tilespmem:s8+$0x430];
	[tilespmem:v51+s17+$0x0] =	vst.idx.msk $0xffff, v50  }
0x3ae: {  	s12 =	sor.u32 $0xC10, s5;
	v61 =	vadd.s32 s31, v11;
	[tilespmem:v47+s17+$0x0] =	vst.idx.msk $0xffff, v62;
	v60 =	vld [tilespmem:s9+$0x430]  }
0x3af: {  	s13 =	sor.u32 $0xC10, s4;
	v58 =	vld [tilespmem:s12+$0x4000];
	v62 =	vadd.s32 s24, v25;
	[tilespmem:v57+s17+$0x0] =	vst.idx.msk $0xffff, v53  }
0x3b0: {  	v48 =	vadd.s32 s19, v25;
	v63 =	vld [tilespmem:s13+$0x4000];
	[tilespmem:v54+s17+$0x0] =	vst.idx.msk $0xffff, v39  }
0x3b1: {  	v45 =	vadd.s32 s0, v11;
	v39 =	vld [tilespmem:s10+$0x430];
	[tilespmem:v56+s17+$0x0] =	vst.idx.msk $0xffff, v55  }
0x3b2: {  	v47 =	vadd.s32 s2, v12;
	[tilespmem:v59+s17+$0x0] =	vst.idx.msk $0xffff, v42;
	v46 =	vld [tilespmem:s7+$0x440]  }
0x3b3: {  	v50 =	vadd.s32 s3, v12;
	v42 =	vld [tilespmem:s8+$0x440];
	[tilespmem:v61+s17+$0x0] =	vst.idx.msk $0xffff, v60  }
0x3b4: {  	s14 =	sor.u32 $0xC10, s6;
	v52 =	vadd.s32 s31, v12;
	[tilespmem:v62+s17+$0x0] =	vst.idx.msk $0xffff, v58;
	v51 =	vld [tilespmem:s9+$0x440]  }
0x3b5: {  	s15 =	sor.u32 $0xC20, s5;
	v53 =	vadd.s32 s23, v25;
	v49 =	vld [tilespmem:s14+$0x4000];
	[tilespmem:v48+s17+$0x0] =	vst.idx.msk $0xffff, v63  }
0x3b6: {  	v58 =	vadd.s32 s24, v26;
	v54 =	vld [tilespmem:s15+$0x4000];
	[tilespmem:v45+s17+$0x0] =	vst.idx.msk $0xffff, v39  }
0x3b7: {  	v55 =	vadd.s32 s0, v12;
	v39 =	vld [tilespmem:s10+$0x440];
	[tilespmem:v47+s17+$0x0] =	vst.idx.msk $0xffff, v46  }
0x3b8: {  	v57 =	vadd.s32 s2, v13;
	[tilespmem:v50+s17+$0x0] =	vst.idx.msk $0xffff, v42;
	v56 =	vld [tilespmem:s7+$0x450]  }
0x3b9: {  	v60 =	vadd.s32 s3, v13;
	v42 =	vld [tilespmem:s8+$0x450];
	[tilespmem:v52+s17+$0x0] =	vst.idx.msk $0xffff, v51  }
0x3ba: {  	s16 =	sor.u32 $0xC20, s4;
	v62 =	vadd.s32 s31, v13;
	[tilespmem:v53+s17+$0x0] =	vst.idx.msk $0xffff, v49;
	v61 =	vld [tilespmem:s9+$0x450]  }
0x3bb: {  	s18 =	sor.u32 $0xC20, s6;
	v63 =	vadd.s32 s19, v26;
	v59 =	vld [tilespmem:s16+$0x4000];
	[tilespmem:v58+s17+$0x0] =	vst.idx.msk $0xffff, v54  }
0x3bc: {  	v49 =	vadd.s32 s23, v26;
	v45 =	vld [tilespmem:s18+$0x4000];
	[tilespmem:v55+s17+$0x0] =	vst.idx.msk $0xffff, v39  }
0x3bd: {  	v46 =	vadd.s32 s0, v13;
	v39 =	vld [tilespmem:s10+$0x450];
	[tilespmem:v57+s17+$0x0] =	vst.idx.msk $0xffff, v56  }
0x3be: {  	v48 =	vadd.s32 s2, v14;
	[tilespmem:v60+s17+$0x0] =	vst.idx.msk $0xffff, v42;
	v47 =	vld [tilespmem:s7+$0x460]  }
0x3bf: {  	v51 =	vadd.s32 s3, v14;
	v42 =	vld [tilespmem:s8+$0x460];
	[tilespmem:v62+s17+$0x0] =	vst.idx.msk $0xffff, v61  }
0x3c0: {  	s20 =	sor.u32 $0xC30, s5;
	v53 =	vadd.s32 s31, v14;
	[tilespmem:v63+s17+$0x0] =	vst.idx.msk $0xffff, v59;
	v52 =	vld [tilespmem:s9+$0x460]  }
0x3c1: {  	s21 =	sor.u32 $0xC30, s4;
	v54 =	vadd.s32 s24, v27;
	v50 =	vld [tilespmem:s20+$0x4000];
	[tilespmem:v49+s17+$0x0] =	vst.idx.msk $0xffff, v45  }
0x3c2: {  	v59 =	vadd.s32 s19, v27;
	v55 =	vld [tilespmem:s21+$0x4000];
	[tilespmem:v46+s17+$0x0] =	vst.idx.msk $0xffff, v39  }
0x3c3: {  	v56 =	vadd.s32 s0, v14;
	v39 =	vld [tilespmem:s10+$0x460];
	[tilespmem:v48+s17+$0x0] =	vst.idx.msk $0xffff, v47  }
0x3c4: {  	v58 =	vadd.s32 s2, v15;
	[tilespmem:v51+s17+$0x0] =	vst.idx.msk $0xffff, v42;
	v57 =	vld [tilespmem:s7+$0x470]  }
0x3c5: {  	p1 =	por !p1, !p1;
	s25 =	sand.u32 $0x7, s3;
	v61 =	vadd.s32 s3, v15;
	v42 =	vld [tilespmem:s8+$0x470];
	[tilespmem:v53+s17+$0x0] =	vst.idx.msk $0xffff, v52  }
0x3c6: {  	s22 =	sor.u32 $0xC30, s6;
	v63 =	vadd.s32 s31, v15;
	[tilespmem:v54+s17+$0x0] =	vst.idx.msk $0xffff, v50;
	s7 =	sshll.u32 s25, $0x7;
	s8 =	simm.s32 $0x1;
	v62 =	vld [tilespmem:s9+$0x470]  }
0x3c7: {  	s26 =	sor.u32 $0xC40, s5;
	v45 =	vadd.s32 s23, v27;
	v60 =	vld [tilespmem:s22+$0x4000];
	[tilespmem:v59+s17+$0x0] =	vst.idx.msk $0xffff, v55;
	s7 =	sadd.s32 $0x800, s7;
	s8 =	simm.s32 @!p1 $0x0  }
0x3c8: {  	v50 =	vadd.s32 s24, v28;
	v46 =	vld [tilespmem:s26+$0x4000];
	s28 =	sadd.s32 $0x180, s7;
	[tilespmem:v56+s17+$0x0] =	vst.idx.msk $0xffff, v39;
	s9 =	sshll.u32 s8, $0x9  }
0x3c9: {  	v47 =	vadd.s32 s0, v15;
	s11 =	sor.u32 $0x800, s28;
	v39 =	vld [tilespmem:s10+$0x470];
	[tilespmem:v58+s17+$0x0] =	vst.idx.msk $0xffff, v57;
	s10 =	sadd.s32 $0x800, s9  }
0x3ca: {  	s13 =	sand.u32 $0x3, s23;
	v49 =	vadd.s32 s2, v16;
	s1 =	sadd.s32 $0x80, s7;
	[tilespmem:v61+s17+$0x0] =	vst.idx.msk $0xffff, v42;
	v48 =	vld [tilespmem:s11+$0x4000];
	s15 =	sor.u32 $0x800, s10  }
0x3cb: {  	s14 =	sshll.u32 s13, $0x8;
	s18 =	sor.u32 $0x800, s1;
	v52 =	vadd.s32 s3, v16;
	v42 =	vld [tilespmem:s15+$0x4000];
	[tilespmem:v63+s17+$0x0] =	vst.idx.msk $0xffff, v62  }
0x3cc: {  	s12 =	sor.u32 $0xC40, s4;
	s16 =	sadd.s32 $0x800, s14;
	v54 =	vadd.s32 s31, v16;
	[tilespmem:v45+s17+$0x0] =	vst.idx.msk $0xffff, v60;
	v53 =	vld [tilespmem:s18+$0x4000]  }
0x3cd: {  	s20 =	sor.u32 $0xC40, s6;
	v51 =	vld [tilespmem:s12+$0x4000];
	[tilespmem:v50+s17+$0x0] =	vst.idx.msk $0xffff, v46;
	s8 =	sadd.s32 $0x100, s16  }
0x3ce: {  	v55 =	vadd.s32 s19, v28;
	v56 =	vld [tilespmem:s20+$0x4000];
	s7 =	sor.u32 $0x800, s8;
	[tilespmem:v47+s17+$0x0] =	vst.idx.msk $0xffff, v39  }
0x3cf: {  	s21 =	sor.u32 $0x810, s28;
	v57 =	vadd.s32 s0, v16;
	v39 =	vld [tilespmem:s7+$0x4000];
	[tilespmem:v49+s17+$0x0] =	vst.idx.msk $0xffff, v48  }
0x3d0: {  	s22 =	sor.u32 $0xC50, s5;
	v59 =	vadd.s32 s2, v17;
	s25 =	sor.u32 $0xC50, s6;
	v58 =	vld [tilespmem:s21+$0x4000];
	[tilespmem:v52+s17+$0x0] =	vst.idx.msk $0xffff, v42  }
0x3d1: {  	v61 =	vld [tilespmem:s22+$0x4000];
	s9 =	sor.u32 $0xC60, s6;
	s6 =	sor.u32 $0xC70, s6;
	s26 =	sor.u32 $0x810, s10;
	[tilespmem:v54+s17+$0x0] =	vst.idx.msk $0xffff, v53  }
0x3d2: {  	v42 =	vld [tilespmem:s26+$0x4000];
	[smem:$0x7AE] =	sst s6  }
0x3d3: {  	s14 =	sor.u32 $0x810, s1;
	[tilespmem:v55+s17+$0x0] =	vst.idx.msk $0xffff, v51  }
0x3d4: {  	v60 =	vadd.s32 s23, v28;
	s15 =	sor.u32 $0xC50, s4;
	v63 =	vld [tilespmem:s14+$0x4000];
	[tilespmem:v57+s17+$0x0] =	vst.idx.msk $0xffff, v39  }
0x3d5: {  	s16 =	sor.u32 $0x810, s8;
	s20 =	sor.u32 $0x860, s10;
	[tilespmem:v59+s17+$0x0] =	vst.idx.msk $0xffff, v58;
	v47 =	vld [tilespmem:s15+$0x4000]  }
0x3d6: {  	s21 =	sor.u32 $0x870, s10;
	v39 =	vld [tilespmem:s16+$0x4000];
	[smem:$0x7B0] =	sst s20  }
0x3d7: {  	s16 =	sor.u32 $0x850, s10;
	[smem:$0x7B1] =	sst s21  }
0x3d8: {  	v62 =	vadd.s32 s3, v17;
	[smem:$0x7AF] =	sst s16  }
0x3d9: {  	s22 =	sor.u32 $0xC00, s10;
	s18 =	sor.u32 $0x820, s28;
	[tilespmem:v60+s17+$0x0] =	vst.idx.msk $0xffff, v56  }
0x3da: {  	v45 =	vadd.s32 s31, v17;
	v49 =	vld [tilespmem:s18+$0x4000];
	[dreg:$0x1d] =	wrdreg s22  }
0x3db: {  	v41 =	vld [tilespmem:s25+$0x4000];
	s25 =	sor.u32 $0xC10, s10  }
0x3dc: {  	v46 =	vadd.s32 s24, v29;
	[dreg:$0x15] =	wrdreg s25  }
0x3dd: {  	v48 =	vadd.s32 s0, v17;
	s26 =	sor.u32 $0xC20, s10;
	[tilespmem:v62+s17+$0x0] =	vst.idx.msk $0xffff, v42  }
0x3de: {  	v50 =	vadd.s32 s2, v18;
	[dreg:$0xe] =	wrdreg s26  }
0x3df: {  	s12 =	sor.u32 $0xC30, s10;
	s14 =	sor.u32 $0x820, s10;
	[tilespmem:v45+s17+$0x0] =	vst.idx.msk $0xffff, v63  }
0x3e0: {  	v42 =	vld [tilespmem:s14+$0x4000];
	[dreg:$0xb] =	wrdreg s12  }
0x3e1: {  	v51 =	vadd.s32 s19, v29;
	s14 =	sor.u32 $0x820, s1;
	[tilespmem:v46+s17+$0x0] =	vst.idx.msk $0xffff, v61  }
0x3e2: {  	s11 =	sor.u32 $0xC60, s5;
	v38 =	vld [tilespmem:s14+$0x4000];
	[tilespmem:v48+s17+$0x0] =	vst.idx.msk $0xffff, v39  }
0x3e3: {  	s21 =	sor.u32 $0x850, s8;
	s16 =	sor.u32 $0x820, s8;
	[tilespmem:v50+s17+$0x0] =	vst.idx.msk $0xffff, v49;
	v43 =	vld [tilespmem:s11+$0x4000]  }
0x3e4: {  	s22 =	sor.u32 $0x860, s8;
	v39 =	vld [tilespmem:s16+$0x4000];
	[smem:$0x7B2] =	sst s21  }
0x3e5: {  	v52 =	vadd.s32 s3, v18;
	[smem:$0x7B3] =	sst s22  }
0x3e6: {  	s26 =	sor.u32 $0x830, s28;
	s12 =	sor.u32 $0x870, s8;
	[tilespmem:v51+s17+$0x0] =	vst.idx.msk $0xffff, v47  }
0x3e7: {  	s14 =	sor.u32 $0xC00, s8;
	v40 =	vld [tilespmem:s26+$0x4000];
	[smem:$0x7B4] =	sst s12  }
0x3e8: {  	s16 =	sor.u32 $0xC10, s8;
	[dreg:$0x1b] =	wrdreg s14  }
0x3e9: {  	v53 =	vadd.s32 s31, v18;
	[dreg:$0x17] =	wrdreg s16  }
0x3ea: {  	s13 =	sor.u32 $0xC60, s4;
	s21 =	sor.u32 $0xC20, s8;
	[tilespmem:v52+s17+$0x0] =	vst.idx.msk $0xffff, v42  }
0x3eb: {  	v54 =	vadd.s32 s23, v29;
	s22 =	sor.u32 $0xC30, s8;
	v44 =	vld [tilespmem:s13+$0x4000];
	[dreg:$0x10] =	wrdreg s21  }
0x3ec: {  	v55 =	vadd.s32 s0, v18;
	s26 =	sor.u32 $0xC40, s8;
	[dreg:$0xc] =	wrdreg s22  }
0x3ed: {  	s15 =	sor.u32 $0x830, s10;
	v56 =	vadd.s32 s2, v19;
	[dreg:$0x5] =	wrdreg s26  }
0x3ee: {  	s12 =	sor.u32 $0x830, s1;
	s13 =	sor.u32 $0xC70, s8;
	v42 =	vld [tilespmem:s15+$0x4000];
	[tilespmem:v53+s17+$0x0] =	vst.idx.msk $0xffff, v38  }
0x3ef: {  	v38 =	vld [tilespmem:s12+$0x4000];
	[dreg:$0x4] =	wrdreg s13  }
0x3f0: {  	v57 =	vadd.s32 s24, v30;
	[tilespmem:v54+s17+$0x0] =	vst.idx.msk $0xffff, v41  }
0x3f1: {  	[tilespmem:v55+s17+$0x0] =	vst.idx.msk $0xffff, v39  }
0x3f2: {  	s11 =	sor.u32 $0x830, s8;
	s14 =	sor.u32 $0x860, s1;
	[tilespmem:v56+s17+$0x0] =	vst.idx.msk $0xffff, v40;
	v41 =	vld [tilespmem:s9+$0x4000]  }
0x3f3: {  	s15 =	sor.u32 $0x870, s1;
	v45 =	vld [tilespmem:s11+$0x4000];
	[smem:$0x7B5] =	sst s14  }
0x3f4: {  	p1 =	por !p1, !p1;
	s30 =	sor.u32 $0xC60, s1;
	v58 =	vadd.s32 s3, v19;
	[smem:$0x7B6] =	sst s15  }
0x3f5: {  	s29 =	sor.u32 $0xC40, s10;
	s16 =	sor.u32 $0x840, s28;
	s21 =	sor.u32 $0xC00, s1;
	[tilespmem:v57+s17+$0x0] =	vst.idx.msk $0xffff, v43  }
0x3f6: {  	s7 =	sor.u32 $0xC70, s5;
	s9 =	sor.u32 $0xC10, s1;
	v46 =	vld [tilespmem:s16+$0x4000];
	[smem:$0x7B7] =	sst s21  }
0x3f7: {  	s5 =	sor.u32 $0xC70, s4;
	v59 =	vadd.s32 s31, v19;
	s11 =	sor.u32 $0xC20, s1;
	[smem:$0x7B8] =	sst s9  }
0x3f8: {  	s6 =	sor.u32 $0x840, s10;
	s20 =	sor.u32 $0xC60, s10;
	[smem:$0x7B9] =	sst s11  }
0x3f9: {  	s18 =	sor.u32 $0xC70, s10;
	s25 =	sor.u32 $0xC50, s10;
	s14 =	sor.u32 $0xC30, s1;
	[tilespmem:v58+s17+$0x0] =	vst.idx.msk $0xffff, v42  }
0x3fa: {  	v60 =	vadd.s32 s19, v30;
	s10 =	sor.u32 $0x840, s8;
	s15 =	sor.u32 $0xC40, s1;
	v34 =	vld [tilespmem:s7+$0x4000];
	[dreg:$0x1e] =	wrdreg s14  }
0x3fb: {  	v61 =	vadd.s32 s0, v19;
	s26 =	sor.u32 $0xC50, s8;
	s22 =	sor.u32 $0xC60, s8;
	[dreg:$0x11] =	wrdreg s15  }
0x3fc: {  	v62 =	vadd.s32 s23, v30;
	s8 =	sor.u32 $0x850, s1;
	s12 =	simm.s32 $0x1;
	s16 =	sor.u32 $0xC50, s1;
	[tilespmem:v59+s17+$0x0] =	vst.idx.msk $0xffff, v38  }
0x3fd: {  	v63 =	vadd.s32 s2, v20;
	s13 =	sor.u32 $0x840, s1;
	s1 =	sor.u32 $0xC70, s1;
	v37 =	vld [tilespmem:s6+$0x4000];
	[dreg:$0x8] =	wrdreg s16  }
0x3fe: {  	s12 =	simm.s32 @!p1 $0x0;
	s9 =	simm.s32 $0x4;
	v33 =	vld [tilespmem:s13+$0x4000];
	[smem:$0x7BA] =	sst s1  }
0x3ff: {  	v40 =	vadd.s32 s24, v31;
	s24 =	simm.s32 $0x4;
	s21 =	sand.u32 $0x3, s9;
	s7 =	sor.u32 $0x850, s28;
	[tilespmem:v60+s17+$0x0] =	vst.idx.msk $0xffff, v44  }
0x400: {  	s11 =	sshll.u32 s21, $0x8;
	s21 =	simm.s32 $0x8;
	s15 =	simm.s32 $0xA;
	[tilespmem:v61+s17+$0x0] =	vst.idx.msk $0xffff, v45  }
0x401: {  	v36 =	vadd.s32 s0, v20;
	v39 =	vadd.s32 s31, v20;
	s16 =	sshll.u32 s12, $0x9;
	s12 =	simm.s32 $0xC;
	s13 =	simm.s32 $0x1000;
	[tilespmem:v62+s17+$0x0] =	vst.idx.msk $0xffff, v41;
	v35 =	vld [tilespmem:s5+$0x4000]  }
0x402: {  	v38 =	vadd.s32 s19, v31;
	s1 =	simm.s32 $0x9;
	v41 =	vadd.s32 s3, v20;
	[tilespmem:v63+s17+$0x0] =	vst.idx.msk $0xffff, v46;
	v32 =	vld [tilespmem:s10+$0x4000];
	s10 =	simm.s32 $0x580;
	s5 =	sand.u32 $0x3000, s13  }
.LBB2_7:
0x403: {  	[smem:$0x794] =	sst s29  }
0x404: {  	[smem:$0x799] =	sst s25  }
0x405: {  	[smem:$0x7A3] =	sst s30  }
0x406: {  	[smem:$0x7A5] =	sst s22  }
0x407: {  	[smem:$0x7A0] =	sst s20  }
0x408: {  	[smem:$0x79D] =	sst s26  }
0x409: {  	[smem:$0x7A8] =	sst s18;
	s5 =	sor.u32 $0x4000, s5  }
0x40a: {  	s6 =	sand.u32 $0x380, s10;
	v42 =	vld [tilespmem:s7+$0x4000];
	v43 =	vadd.s32 s2, v21;
	s19 =	sadd.s32 $0xFFFFFE80, s10;
	s26 =	sadd.s32 $0x3, s21  }
0x40b: {  	s4 =	sld [smem:$0x7AE];
	v62 =	vadd.s32 s23, v31;
	s22 =	sadd.s32 $0xFFFFFF00, s10;
	s23 =	sadd.s32 $0xFFFFFF80, s10  }
0x40c: {  	s25 =	sld [smem:$0x7AF];
	s14 =	sor.u32 s6, s5;
	s20 =	sand.u32 $0x200, s19  }
0x40d: {  	s18 =	sand.u32 $0x300, s23;
	s19 =	sadd.s32 s16, s13;
	v63 =	vld [tilespmem:s14+$0x0];
	s6 =	sor.u32 s20, s5;
	[tilespmem:v40+s17+$0x0] =	vst.idx.msk $0xffff, v34  }
0x40e: {  	s20 =	sor.u32 $0x800, s19;
	s16 =	sor.u32 $0x810, s19;
	v61 =	vld [tilespmem:s4+$0x4000];
	s4 =	sadd.s32 s13, s11;
	[tilespmem:v41+s17+$0x0] =	vst.idx.msk $0xffff, v37  }
0x40f: {  	v45 =	vadd.s32 s26, v0;
	[smem:$0x796] =	sst s20;
	[tilespmem:v43+s17+$0x0] =	vst.idx.msk $0xffff, v42;
	v46 =	vld [tilespmem:s25+$0x4000];
	s25 =	sor.u32 s18, s5;
	s18 =	sor.u32 $0x860, s28  }
0x410: {  	v52 =	vadd.s32 s2, v22;
	[smem:$0x79B] =	sst s16;
	s16 =	sor.u32 $0x840, s19;
	s23 =	sadd.s32 $0x100, s4;
	v42 =	vld [tilespmem:s18+$0x4000]  }
0x411: {  	s7 =	sand.u32 $0x280, s22;
	[smem:$0x7AA] =	sst s16;
	s22 =	sor.u32 $0x800, s23  }
0x412: {  	s11 =	sor.u32 s7, s5;
	s7 =	sor.u32 $0x810, s23;
	[smem:$0x798] =	sst s22  }
0x413: {  	s20 =	sor.u32 $0x820, s23;
	[smem:$0x79C] =	sst s7  }
0x414: {  	[smem:$0x7A2] =	sst s20;
	s22 =	sor.u32 $0x830, s19;
	[tilespmem:v45+s17+$0x0] =	vst.idx.msk $0xffff, v63  }
0x415: {  	s16 =	sor.u32 $0x870, s28;
	s5 =	sor.u32 $0x830, s23;
	[smem:$0x7A4] =	sst s22;
	v40 =	vld [tilespmem:s14+$0x10];
	[tilespmem:v52+s17+$0x0] =	vst.idx.msk $0xffff, v42  }
0x416: {  	[smem:$0x7A7] =	sst s5;
	v59 =	vld [tilespmem:s16+$0x4000];
	s16 =	sor.u32 $0xC20, s19  }
0x417: {  	[smem:$0x790] =	sst s16;
	s16 =	sor.u32 $0xC20, s23  }
0x418: {  	[smem:$0x791] =	sst s16;
	s16 =	sor.u32 $0xC30, s23  }
0x419: {  	[tilespmem:v39+s17+$0x0] =	vst.idx.msk $0xffff, v33;
	[smem:$0x793] =	sst s16;
	s16 =	sor.u32 $0xC30, s19  }
0x41a: {  	v47 =	vadd.s32 s3, v21;
	[tilespmem:v38+s17+$0x0] =	vst.idx.msk $0xffff, v35;
	[smem:$0x792] =	sst s16;
	s16 =	sor.u32 $0xC40, s19  }
0x41b: {  	v51 =	vadd.s32 s1, v0;
	[tilespmem:v36+s17+$0x0] =	vst.idx.msk $0xffff, v32;
	v50 =	vld [tilespmem:s11+$0x0];
	[smem:$0x795] =	sst s16;
	s16 =	sor.u32 $0xC40, s23  }
0x41c: {  	v49 =	vadd.s32 s21, v0;
	v48 =	vld [tilespmem:s6+$0x0];
	[tilespmem:v62+s17+$0x0] =	vst.idx.msk $0xffff, v61;
	[smem:$0x797] =	sst s16;
	s16 =	sor.u32 $0xC50, s19  }
0x41d: {  	v53 =	vadd.s32 s15, v0;
	v34 =	vld [tilespmem:s25+$0x0];
	[smem:$0x79A] =	sst s16;
	s16 =	sor.u32 $0xC50, s23  }
0x41e: {  	[smem:$0x79E] =	sst s16;
	s16 =	sor.u32 $0xC60, s23  }
0x41f: {  	[tilespmem:v47+s17+$0x0] =	vst.idx.msk $0xffff, v46;
	[smem:$0x7A6] =	sst s16  }
0x420: {  	v56 =	vadd.s32 s31, v21;
	s7 =	sor.u32 $0x840, s23;
	v55 =	vld [tilespmem:s8+$0x4000];
	[tilespmem:v51+s17+$0x0] =	vst.idx.msk $0xffff, v50;
	s16 =	sld [smem:$0x7B2]  }
0x421: {  	v54 =	vadd.s32 s26, v1;
	s29 =	sor.u32 $0x870, s19;
	s18 =	sor.u32 $0x820, s19;
	[smem:$0x7AC] =	sst s7;
	[tilespmem:v49+s17+$0x0] =	vst.idx.msk $0xffff, v48;
	v32 =	vld [tilespmem:s11+$0x10]  }
0x422: {  	v57 =	vadd.s32 s21, v1;
	s30 =	sor.u32 $0xC00, s19;
	[smem:$0x79F] =	sst s18;
	s18 =	sor.u32 $0x850, s19;
	v38 =	vld [tilespmem:s6+$0x10];
	[tilespmem:v53+s17+$0x0] =	vst.idx.msk $0xffff, v34  }
0x423: {  	v58 =	vadd.s32 s1, v1;
	s20 =	sor.u32 $0xC10, s19;
	[smem:$0x7AF] =	sst s18;
	v45 =	vld [tilespmem:s16+$0x4000];
	s16 =	sor.u32 $0xC60, s19  }
0x424: {  	s18 =	sor.u32 $0x860, s19;
	s19 =	sor.u32 $0xC70, s19;
	[smem:$0x7A1] =	sst s16  }
0x425: {  	v60 =	vadd.s32 s2, v23;
	s4 =	sor.u32 $0x850, s23;
	[tilespmem:v56+s17+$0x0] =	vst.idx.msk $0xffff, v55;
	[smem:$0x7A9] =	sst s19  }
0x426: {  	v62 =	vadd.s32 s15, v1;
	[tilespmem:v54+s17+$0x0] =	vst.idx.msk $0xffff, v40;
	v61 =	vld [tilespmem:s25+$0x10];
	s16 =	smov.u32 s4;
	s4 =	rddreg [dreg:$0x4]  }
0x427: {  	s8 =	sor.u32 $0xC10, s23;
	v63 =	vadd.s32 s26, v2;
	v40 =	vld [tilespmem:s14+$0x20];
	[tilespmem:v57+s17+$0x0] =	vst.idx.msk $0xffff, v38;
	[smem:$0x7B2] =	sst s16;
	s16 =	smov.u32 s4  }
0x428: {  	s22 =	sor.u32 $0x860, s23;
	v47 =	vadd.s32 s21, v2;
	[tilespmem:v58+s17+$0x0] =	vst.idx.msk $0xffff, v32;
	v38 =	vld [tilespmem:s6+$0x20];
	s19 =	sor.u32 $0xC70, s23;
	[smem:$0x7AE] =	sst s16  }
0x429: {  	s7 =	sor.u32 $0x870, s23;
	v48 =	vadd.s32 s1, v2;
	v32 =	vld [tilespmem:s11+$0x20];
	s16 =	smov.u32 s19;
	s19 =	sld [smem:$0x7BA]  }
0x42a: {  	s5 =	sor.u32 $0xC00, s23;
	v46 =	vadd.s32 s0, v21;
	[tilespmem:v60+s17+$0x0] =	vst.idx.msk $0xffff, v59;
	s23 =	sor.u32 $0xC00, s28;
	[dreg:$0x4] =	wrdreg s16  }
0x42b: {  	v49 =	vadd.s32 s2, v24;
	[tilespmem:v62+s17+$0x0] =	vst.idx.msk $0xffff, v61;
	v34 =	vld [tilespmem:s23+$0x4000];
	s16 =	sld [smem:$0x7B0]  }
0x42c: {  	v50 =	vadd.s32 s15, v2;
	v42 =	vld [tilespmem:s25+$0x20];
	[tilespmem:v63+s17+$0x0] =	vst.idx.msk $0xffff, v40;
	s23 =	smov.u32 s19  }
0x42d: {  	v51 =	vadd.s32 s26, v3;
	[tilespmem:v47+s17+$0x0] =	vst.idx.msk $0xffff, v38;
	v40 =	vld [tilespmem:s14+$0x30];
	s19 =	smov.u32 s31;
	s31 =	smov.u32 s1;
	s1 =	smov.u32 s3  }
0x42e: {  	[tilespmem:v48+s17+$0x0] =	vst.idx.msk $0xffff, v32;
	v52 =	vld [tilespmem:s16+$0x4000];
	v53 =	vadd.s32 s1, v22  }
0x42f: {  	v32 =	vld [tilespmem:s11+$0x30];
	[tilespmem:v46+s17+$0x0] =	vst.idx.msk $0xffff, v45;
	s3 =	smov.u32 s21;
	v55 =	vadd.s32 s31, v3  }
0x430: {  	v38 =	vld [tilespmem:s6+$0x30];
	[smem:$0x7AB] =	sst s23;
	s23 =	smov.u32 s0;
	v54 =	vadd.s32 s3, v3;
	[tilespmem:v49+s17+$0x0] =	vst.idx.msk $0xffff, v34;
	s16 =	sor.u32 $0xC10, s28  }
0x431: {  	v56 =	vadd.s32 s2, v25;
	[tilespmem:v50+s17+$0x0] =	vst.idx.msk $0xffff, v42;
	s0 =	smov.u32 s15;
	s15 =	smov.u32 s18;
	s18 =	sld [smem:$0x7B5];
	v34 =	vld [tilespmem:s16+$0x4000]  }
0x432: {  	v42 =	vld [tilespmem:s25+$0x30];
	v57 =	vadd.s32 s0, v3;
	[tilespmem:v51+s17+$0x0] =	vst.idx.msk $0xffff, v40  }
0x433: {  	v58 =	vadd.s32 s26, v4;
	v40 =	vld [tilespmem:s14+$0x40];
	[tilespmem:v53+s17+$0x0] =	vst.idx.msk $0xffff, v52  }
0x434: {  	v60 =	vadd.s32 s19, v22;
	v59 =	vld [tilespmem:s18+$0x4000];
	[tilespmem:v55+s17+$0x0] =	vst.idx.msk $0xffff, v32  }
0x435: {  	v62 =	vadd.s32 s31, v4;
	[tilespmem:v54+s17+$0x0] =	vst.idx.msk $0xffff, v38;
	v32 =	vld [tilespmem:s11+$0x40]  }
0x436: {  	[tilespmem:v56+s17+$0x0] =	vst.idx.msk $0xffff, v34  }
0x437: {  	v61 =	vadd.s32 s3, v4;
	[smem:$0x7B0] =	sst s15;
	s15 =	sor.u32 $0xC20, s28;
	[tilespmem:v57+s17+$0x0] =	vst.idx.msk $0xffff, v42;
	v38 =	vld [tilespmem:s6+$0x40]  }
0x438: {  	v63 =	vadd.s32 s2, v26;
	v34 =	vld [tilespmem:s15+$0x4000];
	[tilespmem:v58+s17+$0x0] =	vst.idx.msk $0xffff, v40  }
0x439: {  	v45 =	vadd.s32 s0, v4;
	s16 =	sld [smem:$0x7B3];
	v42 =	vld [tilespmem:s25+$0x40];
	[tilespmem:v60+s17+$0x0] =	vst.idx.msk $0xffff, v59  }
0x43a: {  	v46 =	vadd.s32 s26, v5;
	v40 =	vld [tilespmem:s14+$0x50];
	[tilespmem:v62+s17+$0x0] =	vst.idx.msk $0xffff, v32  }
0x43b: {  	v50 =	vadd.s32 s31, v5;
	v32 =	vld [tilespmem:s11+$0x50]  }
0x43c: {  	v48 =	vadd.s32 s23, v22;
	v47 =	vld [tilespmem:s16+$0x4000];
	[tilespmem:v61+s17+$0x0] =	vst.idx.msk $0xffff, v38  }
0x43d: {  	v49 =	vadd.s32 s3, v5;
	s15 =	sor.u32 $0xC30, s28;
	[tilespmem:v63+s17+$0x0] =	vst.idx.msk $0xffff, v34;
	v38 =	vld [tilespmem:s6+$0x50]  }
0x43e: {  	v51 =	vadd.s32 s2, v27;
	[tilespmem:v45+s17+$0x0] =	vst.idx.msk $0xffff, v42;
	v34 =	vld [tilespmem:s15+$0x4000]  }
0x43f: {  	v52 =	vadd.s32 s0, v5;
	v42 =	vld [tilespmem:s25+$0x50];
	[tilespmem:v46+s17+$0x0] =	vst.idx.msk $0xffff, v40;
	s15 =	sld [smem:$0x7B6]  }
0x440: {  	v53 =	vadd.s32 s26, v6;
	s16 =	sld [smem:$0x7B1];
	v40 =	vld [tilespmem:s14+$0x60];
	[tilespmem:v50+s17+$0x0] =	vst.idx.msk $0xffff, v32  }
0x441: {  	[tilespmem:v48+s17+$0x0] =	vst.idx.msk $0xffff, v47;
	v32 =	vld [tilespmem:s11+$0x60]  }
0x442: {  	v57 =	vadd.s32 s31, v6;
	[tilespmem:v49+s17+$0x0] =	vst.idx.msk $0xffff, v38;
	v61 =	vld [tilespmem:s15+$0x4000]  }
0x443: {  	s18 =	smov.u32 s22;
	s22 =	sor.u32 $0xC40, s28;
	v55 =	vadd.s32 s1, v23;
	[tilespmem:v51+s17+$0x0] =	vst.idx.msk $0xffff, v34;
	v54 =	vld [tilespmem:s16+$0x4000]  }
0x444: {  	v58 =	vadd.s32 s2, v28;
	[tilespmem:v52+s17+$0x0] =	vst.idx.msk $0xffff, v42;
	v34 =	vld [tilespmem:s22+$0x4000]  }
0x445: {  	v59 =	vadd.s32 s0, v6;
	v42 =	vld [tilespmem:s25+$0x60];
	[tilespmem:v53+s17+$0x0] =	vst.idx.msk $0xffff, v40  }
0x446: {  	v60 =	vadd.s32 s26, v7;
	v40 =	vld [tilespmem:s14+$0x70]  }
0x447: {  	v56 =	vadd.s32 s3, v6;
	v38 =	vld [tilespmem:s6+$0x60];
	[tilespmem:v57+s17+$0x0] =	vst.idx.msk $0xffff, v32  }
0x448: {  	v62 =	vadd.s32 s19, v23;
	[tilespmem:v55+s17+$0x0] =	vst.idx.msk $0xffff, v54  }
0x449: {  	v45 =	vadd.s32 s31, v7;
	v32 =	vld [tilespmem:s11+$0x70];
	[tilespmem:v58+s17+$0x0] =	vst.idx.msk $0xffff, v34  }
0x44a: {  	s16 =	sor.u32 $0xC50, s28;
	[tilespmem:v59+s17+$0x0] =	vst.idx.msk $0xffff, v42  }
0x44b: {  	[smem:$0x7B3] =	sst s18;
	s18 =	smov.u32 s29;
	v46 =	vadd.s32 s2, v29;
	v34 =	vld [tilespmem:s16+$0x4000];
	[tilespmem:v60+s17+$0x0] =	vst.idx.msk $0xffff, v40  }
0x44c: {  	[smem:$0x7B1] =	sst s18;
	v48 =	vadd.s32 s26, v8;
	[tilespmem:v56+s17+$0x0] =	vst.idx.msk $0xffff, v38;
	v40 =	vld [tilespmem:s14+$0x400]  }
0x44d: {  	s18 =	sld [smem:$0x7B4];
	v63 =	vadd.s32 s3, v7;
	[tilespmem:v62+s17+$0x0] =	vst.idx.msk $0xffff, v61;
	v38 =	vld [tilespmem:s6+$0x70]  }
0x44e: {  	v47 =	vadd.s32 s0, v7;
	v42 =	vld [tilespmem:s25+$0x70];
	[tilespmem:v45+s17+$0x0] =	vst.idx.msk $0xffff, v32  }
0x44f: {  	v52 =	vadd.s32 s31, v8;
	v32 =	vld [tilespmem:s11+$0x400]  }
0x450: {  	s15 =	sor.u32 $0xC60, s28;
	v49 =	vld [tilespmem:s18+$0x4000];
	[tilespmem:v46+s17+$0x0] =	vst.idx.msk $0xffff, v34  }
0x451: {  	v53 =	vadd.s32 s2, v30;
	v34 =	vld [tilespmem:s15+$0x4000];
	[tilespmem:v48+s17+$0x0] =	vst.idx.msk $0xffff, v40  }
0x452: {  	v55 =	vadd.s32 s26, v9;
	[tilespmem:v63+s17+$0x0] =	vst.idx.msk $0xffff, v38;
	v40 =	vld [tilespmem:s14+$0x410]  }
0x453: {  	v51 =	vadd.s32 s3, v8;
	v60 =	vadd.s32 s2, v31;
	s2 =	smov.u32 s26;
	s26 =	sld [smem:$0x7B7];
	[tilespmem:v47+s17+$0x0] =	vst.idx.msk $0xffff, v42;
	v38 =	vld [tilespmem:s6+$0x400]  }
0x454: {  	v50 =	vadd.s32 s23, v23;
	v42 =	vld [tilespmem:s25+$0x400];
	[tilespmem:v52+s17+$0x0] =	vst.idx.msk $0xffff, v32  }
0x455: {  	s22 =	smov.u32 s7;
	v54 =	vadd.s32 s0, v8;
	v32 =	vld [tilespmem:s11+$0x410]  }
0x456: {  	[smem:$0x7B4] =	sst s22;
	s22 =	sor.u32 $0xC70, s28;
	v59 =	vadd.s32 s31, v9;
	[tilespmem:v53+s17+$0x0] =	vst.idx.msk $0xffff, v34;
	v63 =	vld [tilespmem:s26+$0x4000]  }
0x457: {  	v34 =	vld [tilespmem:s22+$0x4000];
	[tilespmem:v55+s17+$0x0] =	vst.idx.msk $0xffff, v40  }
0x458: {  	s16 =	rddreg [dreg:$0x1d];
	v62 =	vadd.s32 s2, v10;
	[tilespmem:v51+s17+$0x0] =	vst.idx.msk $0xffff, v38;
	v40 =	vld [tilespmem:s14+$0x420]  }
0x459: {  	v57 =	vadd.s32 s1, v24;
	[tilespmem:v50+s17+$0x0] =	vst.idx.msk $0xffff, v49;
	v56 =	vld [tilespmem:s16+$0x4000]  }
0x45a: {  	v58 =	vadd.s32 s3, v9;
	[tilespmem:v54+s17+$0x0] =	vst.idx.msk $0xffff, v42;
	v38 =	vld [tilespmem:s6+$0x410]  }
0x45b: {  	v61 =	vadd.s32 s0, v9;
	v42 =	vld [tilespmem:s25+$0x410];
	[tilespmem:v59+s17+$0x0] =	vst.idx.msk $0xffff, v32  }
0x45c: {  	[tilespmem:v60+s17+$0x0] =	vst.idx.msk $0xffff, v34  }
0x45d: {  	v45 =	vadd.s32 s19, v24;
	[tilespmem:v62+s17+$0x0] =	vst.idx.msk $0xffff, v40  }
0x45e: {  	v51 =	vadd.s32 s2, v11;
	[tilespmem:v57+s17+$0x0] =	vst.idx.msk $0xffff, v56;
	v40 =	vld [tilespmem:s14+$0x430]  }
0x45f: {  	v47 =	vadd.s32 s31, v10;
	v32 =	vld [tilespmem:s11+$0x420];
	[tilespmem:v58+s17+$0x0] =	vst.idx.msk $0xffff, v38  }
0x460: {  	s7 =	rddreg [dreg:$0x1b];
	v46 =	vadd.s32 s3, v10;
	[tilespmem:v61+s17+$0x0] =	vst.idx.msk $0xffff, v42;
	v38 =	vld [tilespmem:s6+$0x420]  }
0x461: {  	v49 =	vadd.s32 s23, v24;
	v48 =	vld [tilespmem:s7+$0x4000]  }
0x462: {  	v50 =	vadd.s32 s0, v10;
	[tilespmem:v45+s17+$0x0] =	vst.idx.msk $0xffff, v63;
	v42 =	vld [tilespmem:s25+$0x420]  }
0x463: {  	s4 =	sld [smem:$0x792];
	s18 =	smov.u32 s30;
	[tilespmem:v51+s17+$0x0] =	vst.idx.msk $0xffff, v40  }
0x464: {  	[dreg:$0x1d] =	wrdreg s18;
	v59 =	vadd.s32 s2, v12;
	[tilespmem:v47+s17+$0x0] =	vst.idx.msk $0xffff, v32;
	v40 =	vld [tilespmem:s14+$0x440]  }
0x465: {  	v55 =	vadd.s32 s31, v11;
	s16 =	rddreg [dreg:$0x15];
	v32 =	vld [tilespmem:s11+$0x430];
	[tilespmem:v46+s17+$0x0] =	vst.idx.msk $0xffff, v38  }
0x466: {  	v53 =	vadd.s32 s1, v25;
	s22 =	sld [smem:$0x7B8];
	[tilespmem:v49+s17+$0x0] =	vst.idx.msk $0xffff, v48;
	v52 =	vld [tilespmem:s16+$0x4000]  }
0x467: {  	s15 =	smov.u32 s5;
	s5 =	smov.u32 s8;
	s8 =	sld [smem:$0x790];
	v54 =	vadd.s32 s3, v11;
	[tilespmem:v50+s17+$0x0] =	vst.idx.msk $0xffff, v42;
	v38 =	vld [tilespmem:s6+$0x430]  }
0x468: {  	s18 =	smov.u32 s20;
	s20 =	sld [smem:$0x791];
	v58 =	vadd.s32 s0, v11;
	v42 =	vld [tilespmem:s25+$0x430]  }
0x469: {  	[dreg:$0x1b] =	wrdreg s15;
	v57 =	vadd.s32 s19, v25;
	v56 =	vld [tilespmem:s22+$0x4000];
	[tilespmem:v59+s17+$0x0] =	vst.idx.msk $0xffff, v40  }
0x46a: {  	s15 =	smov.u32 s8;
	s8 =	rddreg [dreg:$0x1e];
	v48 =	vadd.s32 s2, v13;
	[tilespmem:v55+s17+$0x0] =	vst.idx.msk $0xffff, v32;
	v40 =	vld [tilespmem:s14+$0x450]  }
0x46b: {  	s26 =	rddreg [dreg:$0x17];
	v63 =	vadd.s32 s31, v12;
	v32 =	vld [tilespmem:s11+$0x440];
	[tilespmem:v53+s17+$0x0] =	vst.idx.msk $0xffff, v52  }
0x46c: {  	v61 =	vadd.s32 s23, v25;
	v60 =	vld [tilespmem:s26+$0x4000];
	s16 =	sld [smem:$0x7B9];
	[tilespmem:v54+s17+$0x0] =	vst.idx.msk $0xffff, v38  }
0x46d: {  	[dreg:$0x17] =	wrdreg s5;
	v62 =	vadd.s32 s3, v12;
	[tilespmem:v58+s17+$0x0] =	vst.idx.msk $0xffff, v42;
	v38 =	vld [tilespmem:s6+$0x440]  }
0x46e: {  	[dreg:$0x15] =	wrdreg s18;
	v47 =	vadd.s32 s0, v12;
	[tilespmem:v57+s17+$0x0] =	vst.idx.msk $0xffff, v56;
	v42 =	vld [tilespmem:s25+$0x440]  }
0x46f: {  	s18 =	rddreg [dreg:$0x10];
	v50 =	vadd.s32 s19, v26;
	v49 =	vld [tilespmem:s16+$0x4000];
	[tilespmem:v48+s17+$0x0] =	vst.idx.msk $0xffff, v40  }
0x470: {  	s7 =	rddreg [dreg:$0xe];
	v56 =	vadd.s32 s2, v14;
	[tilespmem:v63+s17+$0x0] =	vst.idx.msk $0xffff, v32;
	v40 =	vld [tilespmem:s14+$0x460]  }
0x471: {  	[dreg:$0xe] =	wrdreg s15;
	[tilespmem:v61+s17+$0x0] =	vst.idx.msk $0xffff, v60;
	v52 =	vadd.s32 s31, v13;
	v32 =	vld [tilespmem:s11+$0x450]  }
0x472: {  	s15 =	rddreg [dreg:$0xc];
	v46 =	vadd.s32 s1, v26;
	v45 =	vld [tilespmem:s7+$0x4000];
	[tilespmem:v62+s17+$0x0] =	vst.idx.msk $0xffff, v38  }
0x473: {  	s22 =	smov.u32 s20;
	s20 =	sld [smem:$0x794];
	v51 =	vadd.s32 s3, v13;
	[tilespmem:v47+s17+$0x0] =	vst.idx.msk $0xffff, v42;
	v38 =	vld [tilespmem:s6+$0x450]  }
0x474: {  	[dreg:$0x10] =	wrdreg s22;
	v54 =	vadd.s32 s23, v26;
	[tilespmem:v50+s17+$0x0] =	vst.idx.msk $0xffff, v49;
	v53 =	vld [tilespmem:s18+$0x4000]  }
0x475: {  	s24 =	sadd.s32 $0x4, s24;
	v55 =	vadd.s32 s0, v13;
	s16 =	sld [smem:$0x793];
	v42 =	vld [tilespmem:s25+$0x450];
	[tilespmem:v56+s17+$0x0] =	vst.idx.msk $0xffff, v40  }
0x476: {  	s22 =	sld [smem:$0x795];
	[tilespmem:v52+s17+$0x0] =	vst.idx.msk $0xffff, v32;
	v40 =	vld [tilespmem:s14+$0x470];
	s14 =	sand.u32 $0x7, s24  }
0x477: {  	s26 =	rddreg [dreg:$0xb];
	v60 =	vadd.s32 s31, v14;
	s7 =	smov.u32 s4;
	[tilespmem:v46+s17+$0x0] =	vst.idx.msk $0xffff, v45;
	v32 =	vld [tilespmem:s11+$0x460];
	s4 =	sshll.u32 s14, $0x7  }
0x478: {  	[dreg:$0xb] =	wrdreg s7;
	s18 =	smov.u32 s16;
	v62 =	vadd.s32 s19, v27;
	v61 =	vld [tilespmem:s8+$0x4000];
	[tilespmem:v51+s17+$0x0] =	vst.idx.msk $0xffff, v38;
	s4 =	sadd.s32 s13, s4  }
0x479: {  	v58 =	vadd.s32 s1, v27;
	[dreg:$0xc] =	wrdreg s18;
	[tilespmem:v54+s17+$0x0] =	vst.idx.msk $0xffff, v53;
	v57 =	vld [tilespmem:s26+$0x4000];
	s14 =	sadd.s32 $0x80, s4  }
0x47a: {  	v59 =	vadd.s32 s3, v14;
	s18 =	rddreg [dreg:$0x11];
	[tilespmem:v55+s17+$0x0] =	vst.idx.msk $0xffff, v42;
	v38 =	vld [tilespmem:s6+$0x460];
	s26 =	sor.u32 $0x860, s14  }
0x47b: {  	v63 =	vadd.s32 s0, v14;
	v42 =	vld [tilespmem:s25+$0x460];
	s16 =	sor.u32 $0x870, s14;
	[smem:$0x7B5] =	sst s26  }
0x47c: {  	s29 =	smov.u32 s22;
	v45 =	vadd.s32 s2, v15;
	[tilespmem:v60+s17+$0x0] =	vst.idx.msk $0xffff, v32;
	s22 =	sor.u32 $0xC00, s14;
	[smem:$0x7B6] =	sst s16  }
0x47d: {  	v32 =	vld [tilespmem:s11+$0x470];
	[tilespmem:v62+s17+$0x0] =	vst.idx.msk $0xffff, v61;
	s11 =	sor.u32 $0xC30, s14;
	[smem:$0x7B7] =	sst s22  }
0x47e: {  	v47 =	vadd.s32 s23, v27;
	v46 =	vld [tilespmem:s15+$0x4000];
	[dreg:$0x1e] =	wrdreg s11;
	[tilespmem:v58+s17+$0x0] =	vst.idx.msk $0xffff, v57  }
0x47f: {  	v49 =	vadd.s32 s31, v15;
	v54 =	vld [tilespmem:s18+$0x4000];
	s26 =	sor.u32 $0xC20, s14;
	s18 =	rddreg [dreg:$0x5];
	[tilespmem:v59+s17+$0x0] =	vst.idx.msk $0xffff, v38  }
0x480: {  	v48 =	vadd.s32 s3, v15;
	s28 =	sadd.s32 $0x180, s4;
	s16 =	sor.u32 $0xC40, s14;
	[tilespmem:v63+s17+$0x0] =	vst.idx.msk $0xffff, v42;
	[smem:$0x7B9] =	sst s26;
	v38 =	vld [tilespmem:s6+$0x470]  }
0x481: {  	v52 =	vadd.s32 s0, v15;
	[tilespmem:v45+s17+$0x0] =	vst.idx.msk $0xffff, v40;
	[dreg:$0x11] =	wrdreg s16;
	v42 =	vld [tilespmem:s25+$0x470];
	s25 =	sor.u32 $0x800, s28  }
0x482: {  	v55 =	vadd.s32 s19, v28;
	s4 =	sor.u32 $0x800, s14;
	s16 =	sld [smem:$0x799];
	v40 =	vld [tilespmem:s25+$0x4000]  }
0x483: {  	v53 =	vadd.s32 s2, v16;
	s15 =	sor.u32 $0x810, s14;
	[tilespmem:v47+s17+$0x0] =	vst.idx.msk $0xffff, v46;
	s25 =	sor.u32 $0xC10, s14;
	v50 =	vld [tilespmem:s20+$0x4000];
	s20 =	sld [smem:$0x796]  }
0x484: {  	v51 =	vadd.s32 s1, v28;
	s7 =	sor.u32 $0x820, s14;
	s5 =	sor.u32 $0x840, s14;
	[tilespmem:v49+s17+$0x0] =	vst.idx.msk $0xffff, v32;
	[smem:$0x7B8] =	sst s25  }
0x485: {  	s8 =	sor.u32 $0x850, s14;
	s11 =	sor.u32 $0xC60, s14;
	v57 =	vadd.s32 s31, v16;
	s25 =	sld [smem:$0x798];
	v32 =	vld [tilespmem:s4+$0x4000];
	[tilespmem:v48+s17+$0x0] =	vst.idx.msk $0xffff, v38  }
0x486: {  	v56 =	vadd.s32 s3, v16;
	s30 =	smov.u32 s11;
	s11 =	sld [smem:$0x7A5];
	s6 =	sor.u32 $0x830, s14;
	[tilespmem:v52+s17+$0x0] =	vst.idx.msk $0xffff, v42;
	v38 =	vld [tilespmem:s20+$0x4000]  }
0x487: {  	v59 =	vadd.s32 s23, v28;
	s4 =	sor.u32 $0xC50, s14;
	s14 =	sor.u32 $0xC70, s14;
	[tilespmem:v55+s17+$0x0] =	vst.idx.msk $0xffff, v54;
	v58 =	vld [tilespmem:s18+$0x4000];
	s20 =	sld [smem:$0x797]  }
0x488: {  	v60 =	vadd.s32 s0, v16;
	s26 =	sor.u32 $0x810, s28;
	[smem:$0x7BA] =	sst s14;
	v42 =	vld [tilespmem:s25+$0x4000];
	[tilespmem:v53+s17+$0x0] =	vst.idx.msk $0xffff, v40  }
0x489: {  	v61 =	vadd.s32 s2, v17;
	s18 =	sld [smem:$0x79A];
	v40 =	vld [tilespmem:s26+$0x4000];
	[tilespmem:v51+s17+$0x0] =	vst.idx.msk $0xffff, v50  }
0x48a: {  	[tilespmem:v57+s17+$0x0] =	vst.idx.msk $0xffff, v32;
	s22 =	smov.u32 s20;
	s20 =	sld [smem:$0x79B]  }
0x48b: {  	v46 =	vadd.s32 s31, v17;
	v32 =	vld [tilespmem:s15+$0x4000];
	s15 =	sld [smem:$0x79C];
	[tilespmem:v56+s17+$0x0] =	vst.idx.msk $0xffff, v38  }
0x48c: {  	v63 =	vadd.s32 s1, v29;
	s14 =	sld [smem:$0x7A0];
	[tilespmem:v59+s17+$0x0] =	vst.idx.msk $0xffff, v58;
	v62 =	vld [tilespmem:s16+$0x4000]  }
0x48d: {  	v45 =	vadd.s32 s3, v17;
	s25 =	smov.u32 s18;
	s18 =	sld [smem:$0x79D];
	[tilespmem:v60+s17+$0x0] =	vst.idx.msk $0xffff, v42;
	v38 =	vld [tilespmem:s20+$0x4000]  }
0x48e: {  	v49 =	vadd.s32 s0, v17;
	[dreg:$0x5] =	wrdreg s22;
	[tilespmem:v61+s17+$0x0] =	vst.idx.msk $0xffff, v40;
	v42 =	vld [tilespmem:s15+$0x4000];
	s16 =	sor.u32 $0x820, s28  }
0x48f: {  	v50 =	vadd.s32 s2, v18;
	s22 =	rddreg [dreg:$0x8];
	v40 =	vld [tilespmem:s16+$0x4000]  }
0x490: {  	v48 =	vadd.s32 s19, v29;
	v47 =	vld [tilespmem:s22+$0x4000];
	s22 =	sld [smem:$0x79F];
	[tilespmem:v46+s17+$0x0] =	vst.idx.msk $0xffff, v32  }
0x491: {  	v54 =	vadd.s32 s31, v18;
	v32 =	vld [tilespmem:s7+$0x4000];
	s16 =	sld [smem:$0x7A2];
	[tilespmem:v63+s17+$0x0] =	vst.idx.msk $0xffff, v62  }
0x492: {  	v52 =	vadd.s32 s23, v29;
	v51 =	vld [tilespmem:s18+$0x4000];
	s15 =	sld [smem:$0x7A1];
	[tilespmem:v45+s17+$0x0] =	vst.idx.msk $0xffff, v38  }
0x493: {  	v53 =	vadd.s32 s3, v18;
	[tilespmem:v49+s17+$0x0] =	vst.idx.msk $0xffff, v42;
	v38 =	vld [tilespmem:s22+$0x4000];
	s22 =	sld [smem:$0x7A3]  }
0x494: {  	s26 =	smov.u32 s4;
	v57 =	vadd.s32 s0, v18;
	s18 =	sor.u32 $0x830, s28;
	s20 =	sld [smem:$0x79E];
	v42 =	vld [tilespmem:s16+$0x4000];
	[tilespmem:v50+s17+$0x0] =	vst.idx.msk $0xffff, v40  }
0x495: {  	v58 =	vadd.s32 s2, v19;
	[dreg:$0x8] =	wrdreg s26;
	[tilespmem:v48+s17+$0x0] =	vst.idx.msk $0xffff, v47;
	v40 =	vld [tilespmem:s18+$0x4000]  }
0x496: {  	v60 =	vadd.s32 s19, v30;
	s7 =	sld [smem:$0x7A4];
	v59 =	vld [tilespmem:s22+$0x4000];
	[tilespmem:v54+s17+$0x0] =	vst.idx.msk $0xffff, v32  }
0x497: {  	s26 =	smov.u32 s20;
	s20 =	smov.u32 s15;
	s15 =	sld [smem:$0x7A7];
	[tilespmem:v52+s17+$0x0] =	vst.idx.msk $0xffff, v51;
	v62 =	vadd.s32 s31, v19;
	v32 =	vld [tilespmem:s6+$0x4000]  }
0x498: {  	v56 =	vadd.s32 s1, v30;
	v55 =	vld [tilespmem:s14+$0x4000];
	s14 =	sld [smem:$0x7A6];
	[tilespmem:v53+s17+$0x0] =	vst.idx.msk $0xffff, v38  }
0x499: {  	p2 =	slt.u32 s12, $0x1C;
	v61 =	vadd.s32 s3, v19;
	[tilespmem:v57+s17+$0x0] =	vst.idx.msk $0xffff, v42;
	v38 =	vld [tilespmem:s7+$0x4000]  }
0x49a: {  	p1 =	por !p1, !p1;
	s9 =	sadd.s32 $0x2, s9;
	v63 =	vadd.s32 s23, v30;
	s18 =	sld [smem:$0x7A8];
	v42 =	vld [tilespmem:s11+$0x4000];
	[tilespmem:v58+s17+$0x0] =	vst.idx.msk $0xffff, v40  }
0x49b: {  	s16 =	sor.u32 $0x840, s28;
	v45 =	vadd.s32 s0, v19;
	s22 =	smov.u32 s14;
	s14 =	sld [smem:$0x7AB];
	v44 =	vld [tilespmem:s15+$0x4000];
	[tilespmem:v60+s17+$0x0] =	vst.idx.msk $0xffff, v59  }
0x49c: {  	s10 =	sadd.s32 $0x200, s10;
	s21 =	smov.u32 s12;
	v47 =	vadd.s32 s2, v20;
	s6 =	sld [smem:$0x7A9];
	v46 =	vld [tilespmem:s16+$0x4000];
	[tilespmem:v62+s17+$0x0] =	vst.idx.msk $0xffff, v32  }
.Ltmp5:
0x49d: {  	s4 =	simm.s32 $0x1;
	[tilespmem:v56+s17+$0x0] =	vst.idx.msk $0xffff, v55;
	s7 =	sld [smem:$0x7AA];
	v33 =	vld [tilespmem:s5+$0x4000];
	(pc) =	sbr.rel @p2 .LBB2_7-.Ltmp5, $4  }
0x49e: {  	s13 =	sadd.s32 $0x800, s13;
	s4 =	simm.s32 @!p1 $0x0;
	v35 =	vld [tilespmem:s14+$0x4000];
	[tilespmem:v61+s17+$0x0] =	vst.idx.msk $0xffff, v38;
	v38 =	vadd.s32 s19, v31;
	s19 =	sld [smem:$0x7AC]  }
0x49f: {  	s11 =	sand.u32 $0x3, s9;
	s15 =	sadd.s32 $0x2, s12;
	v40 =	vadd.s32 s1, v31;
	s1 =	sadd.s32 $0x1, s12;
	[tilespmem:v63+s17+$0x0] =	vst.idx.msk $0xffff, v42;
	v34 =	vld [tilespmem:s18+$0x4000]  }
0x4a0: {  	v41 =	vadd.s32 s3, v20;
	s11 =	sshll.u32 s11, $0x8;
	s12 =	sadd.s32 $0x4, s12;
	s16 =	sshll.u32 s4, $0x9;
	[tilespmem:v45+s17+$0x0] =	vst.idx.msk $0xffff, v44;
	v37 =	vld [tilespmem:s7+$0x4000]  }
0x4a1: {  	v39 =	vadd.s32 s31, v20;
	v36 =	vadd.s32 s0, v20;
	s5 =	sand.u32 $0x3000, s13;
	[tilespmem:v47+s17+$0x0] =	vst.idx.msk $0xffff, v46;
	s18 =	smov.u32 s6;
	s7 =	sor.u32 $0x850, s28;
	v32 =	vld [tilespmem:s19+$0x4000]  }
0x4a2: {  	s4 =	sor.u32 $0x4000, s5  }
0x4a3: {  	s9 =	sand.u32 $0x380, s10;
	s6 =	sadd.s32 $0xFFFFFE80, s10;
	s14 =	sadd.s32 $0xFFFFFF80, s10  }
0x4a4: {  	s5 =	sor.u32 s9, s4;
	s6 =	sand.u32 $0x200, s6;
	s9 =	sadd.s32 $0x3, s21  }
0x4a5: {  	s12 =	sadd.s32 $0xFFFFFF00, s10;
	s14 =	sand.u32 $0x300, s14;
	v42 =	vld [tilespmem:s5+$0x0];
	v43 =	vadd.s32 s9, v0;
	s10 =	sor.u32 s6, s4  }
0x4a6: {  	v45 =	vadd.s32 s21, v0;
	s12 =	sand.u32 $0x280, s12;
	s6 =	sor.u32 s14, s4;
	v44 =	vld [tilespmem:s10+$0x0]  }
0x4a7: {  	v49 =	vadd.s32 s15, v0;
	s12 =	sor.u32 s12, s4;
	v48 =	vld [tilespmem:s6+$0x0]  }
0x4a8: {  	v47 =	vadd.s32 s1, v0;
	v46 =	vld [tilespmem:s12+$0x0];
	_ =	sdelay $0x1  }
0x4a9: {  	[tilespmem:v43+s17+$0x0] =	vst.idx.msk $0xffff, v42  }
0x4aa: {  	v60 =	vadd.s32 s9, v1;
	v42 =	vld [tilespmem:s5+$0x10];
	[tilespmem:v45+s17+$0x0] =	vst.idx.msk $0xffff, v44  }
0x4ab: {  	v61 =	vadd.s32 s21, v1;
	[tilespmem:v49+s17+$0x0] =	vst.idx.msk $0xffff, v48;
	v44 =	vld [tilespmem:s10+$0x10]  }
0x4ac: {  	v63 =	vadd.s32 s15, v1;
	[tilespmem:v47+s17+$0x0] =	vst.idx.msk $0xffff, v46;
	v48 =	vld [tilespmem:s6+$0x10]  }
0x4ad: {  	v62 =	vadd.s32 s1, v1;
	v46 =	vld [tilespmem:s12+$0x10];
	_ =	sdelay $0x1  }
0x4ae: {  	[tilespmem:v60+s17+$0x0] =	vst.idx.msk $0xffff, v42  }
0x4af: {  	v52 =	vadd.s32 s9, v2;
	v42 =	vld [tilespmem:s5+$0x20];
	[tilespmem:v61+s17+$0x0] =	vst.idx.msk $0xffff, v44  }
0x4b0: {  	v53 =	vadd.s32 s21, v2;
	[tilespmem:v63+s17+$0x0] =	vst.idx.msk $0xffff, v48;
	v44 =	vld [tilespmem:s10+$0x20]  }
0x4b1: {  	v55 =	vadd.s32 s15, v2;
	[tilespmem:v62+s17+$0x0] =	vst.idx.msk $0xffff, v46;
	v48 =	vld [tilespmem:s6+$0x20]  }
0x4b2: {  	v54 =	vadd.s32 s1, v2;
	v46 =	vld [tilespmem:s12+$0x20];
	_ =	sdelay $0x1  }
0x4b3: {  	[tilespmem:v52+s17+$0x0] =	vst.idx.msk $0xffff, v42  }
0x4b4: {  	v56 =	vadd.s32 s9, v3;
	v42 =	vld [tilespmem:s5+$0x30];
	[tilespmem:v53+s17+$0x0] =	vst.idx.msk $0xffff, v44  }
0x4b5: {  	v57 =	vadd.s32 s21, v3;
	[tilespmem:v55+s17+$0x0] =	vst.idx.msk $0xffff, v48;
	v44 =	vld [tilespmem:s10+$0x30]  }
0x4b6: {  	v59 =	vadd.s32 s15, v3;
	[tilespmem:v54+s17+$0x0] =	vst.idx.msk $0xffff, v46;
	v48 =	vld [tilespmem:s6+$0x30]  }
0x4b7: {  	v58 =	vadd.s32 s1, v3;
	v46 =	vld [tilespmem:s12+$0x30];
	_ =	sdelay $0x1  }
0x4b8: {  	[tilespmem:v56+s17+$0x0] =	vst.idx.msk $0xffff, v42  }
0x4b9: {  	v60 =	vadd.s32 s9, v4;
	v42 =	vld [tilespmem:s5+$0x40];
	[tilespmem:v57+s17+$0x0] =	vst.idx.msk $0xffff, v44  }
0x4ba: {  	v61 =	vadd.s32 s21, v4;
	[tilespmem:v59+s17+$0x0] =	vst.idx.msk $0xffff, v48;
	v44 =	vld [tilespmem:s10+$0x40]  }
0x4bb: {  	v63 =	vadd.s32 s15, v4;
	[tilespmem:v58+s17+$0x0] =	vst.idx.msk $0xffff, v46;
	v48 =	vld [tilespmem:s6+$0x40]  }
0x4bc: {  	v62 =	vadd.s32 s1, v4;
	v46 =	vld [tilespmem:s12+$0x40];
	_ =	sdelay $0x1  }
0x4bd: {  	[tilespmem:v60+s17+$0x0] =	vst.idx.msk $0xffff, v42  }
0x4be: {  	v52 =	vadd.s32 s9, v5;
	v42 =	vld [tilespmem:s5+$0x50];
	[tilespmem:v61+s17+$0x0] =	vst.idx.msk $0xffff, v44  }
0x4bf: {  	v53 =	vadd.s32 s21, v5;
	[tilespmem:v63+s17+$0x0] =	vst.idx.msk $0xffff, v48;
	v44 =	vld [tilespmem:s10+$0x50]  }
0x4c0: {  	v55 =	vadd.s32 s15, v5;
	[tilespmem:v62+s17+$0x0] =	vst.idx.msk $0xffff, v46;
	v48 =	vld [tilespmem:s6+$0x50]  }
0x4c1: {  	v54 =	vadd.s32 s1, v5;
	v46 =	vld [tilespmem:s12+$0x50];
	_ =	sdelay $0x1  }
0x4c2: {  	[tilespmem:v52+s17+$0x0] =	vst.idx.msk $0xffff, v42  }
0x4c3: {  	v56 =	vadd.s32 s9, v6;
	v42 =	vld [tilespmem:s5+$0x60];
	[tilespmem:v53+s17+$0x0] =	vst.idx.msk $0xffff, v44  }
0x4c4: {  	v57 =	vadd.s32 s21, v6;
	[tilespmem:v55+s17+$0x0] =	vst.idx.msk $0xffff, v48;
	v44 =	vld [tilespmem:s10+$0x60]  }
0x4c5: {  	v59 =	vadd.s32 s15, v6;
	[tilespmem:v54+s17+$0x0] =	vst.idx.msk $0xffff, v46;
	v48 =	vld [tilespmem:s6+$0x60]  }
0x4c6: {  	v58 =	vadd.s32 s1, v6;
	v46 =	vld [tilespmem:s12+$0x60]  }
0x4c7: {  	[tilespmem:v39+s17+$0x0] =	vst.idx.msk $0xffff, v33  }
0x4c8: {  	[tilespmem:v56+s17+$0x0] =	vst.idx.msk $0xffff, v42  }
0x4c9: {  	v60 =	vadd.s32 s9, v7;
	[tilespmem:v57+s17+$0x0] =	vst.idx.msk $0xffff, v44;
	v42 =	vld [tilespmem:s5+$0x70]  }
0x4ca: {  	v61 =	vadd.s32 s21, v7;
	[tilespmem:v59+s17+$0x0] =	vst.idx.msk $0xffff, v48;
	v44 =	vld [tilespmem:s10+$0x70]  }
0x4cb: {  	[tilespmem:v58+s17+$0x0] =	vst.idx.msk $0xffff, v46;
	v48 =	vadd.s32 s15, v7;
	v63 =	vld [tilespmem:s6+$0x70]  }
0x4cc: {  	[tilespmem:v38+s17+$0x0] =	vst.idx.msk $0xffff, v35;
	v62 =	vadd.s32 s1, v7;
	v46 =	vld [tilespmem:s12+$0x70]  }
0x4cd: {  	[tilespmem:v40+s17+$0x0] =	vst.idx.msk $0xffff, v34  }
0x4ce: {  	[tilespmem:v60+s17+$0x0] =	vst.idx.msk $0xffff, v42  }
0x4cf: {  	v50 =	vadd.s32 s9, v8;
	[tilespmem:v61+s17+$0x0] =	vst.idx.msk $0xffff, v44;
	v49 =	vld [tilespmem:s5+$0x400]  }
0x4d0: {  	v52 =	vadd.s32 s21, v8;
	[tilespmem:v48+s17+$0x0] =	vst.idx.msk $0xffff, v63;
	v51 =	vld [tilespmem:s10+$0x400]  }
0x4d1: {  	v56 =	vadd.s32 s15, v8;
	[tilespmem:v62+s17+$0x0] =	vst.idx.msk $0xffff, v46;
	v55 =	vld [tilespmem:s6+$0x400]  }
0x4d2: {  	[tilespmem:v41+s17+$0x0] =	vst.idx.msk $0xffff, v37;
	v54 =	vadd.s32 s1, v8;
	v53 =	vld [tilespmem:s12+$0x400]  }
0x4d3: {  	[tilespmem:v36+s17+$0x0] =	vst.idx.msk $0xffff, v32;
	v57 =	vld [tilespmem:s7+$0x4000];
	v58 =	vadd.s32 s2, v21  }
0x4d4: {  	[tilespmem:v50+s17+$0x0] =	vst.idx.msk $0xffff, v49  }
0x4d5: {  	v59 =	vadd.s32 s9, v9;
	v37 =	vld [tilespmem:s5+$0x410];
	[tilespmem:v52+s17+$0x0] =	vst.idx.msk $0xffff, v51  }
0x4d6: {  	[tilespmem:v56+s17+$0x0] =	vst.idx.msk $0xffff, v55;
	v55 =	vld [tilespmem:s8+$0x4000];
	v56 =	vadd.s32 s31, v21  }
0x4d7: {  	v60 =	vadd.s32 s21, v9;
	[tilespmem:v54+s17+$0x0] =	vst.idx.msk $0xffff, v53;
	v42 =	vld [tilespmem:s10+$0x410]  }
0x4d8: {  	v61 =	vadd.s32 s1, v9;
	v34 =	vld [tilespmem:s12+$0x410];
	s19 =	sld [smem:$0x7AE];
	[tilespmem:v58+s17+$0x0] =	vst.idx.msk $0xffff, v57  }
0x4d9: {  	s7 =	sor.u32 $0x860, s28;
	v63 =	vadd.s32 s15, v9;
	v46 =	vadd.s32 s23, v31;
	v62 =	vld [tilespmem:s6+$0x410];
	s23 =	sld [smem:$0x7AF]  }
0x4da: {  	v54 =	vadd.s32 s2, v22;
	v53 =	vld [tilespmem:s7+$0x4000];
	[tilespmem:v59+s17+$0x0] =	vst.idx.msk $0xffff, v37  }
0x4db: {  	v45 =	vld [tilespmem:s19+$0x4000];
	[tilespmem:v56+s17+$0x0] =	vst.idx.msk $0xffff, v55  }
0x4dc: {  	v48 =	vadd.s32 s3, v21;
	v47 =	vld [tilespmem:s23+$0x4000];
	[tilespmem:v60+s17+$0x0] =	vst.idx.msk $0xffff, v42  }
0x4dd: {  	v49 =	vadd.s32 s9, v10;
	v37 =	vld [tilespmem:s5+$0x420];
	[tilespmem:v61+s17+$0x0] =	vst.idx.msk $0xffff, v34  }
0x4de: {  	v50 =	vadd.s32 s21, v10;
	[tilespmem:v63+s17+$0x0] =	vst.idx.msk $0xffff, v62;
	v42 =	vld [tilespmem:s10+$0x420]  }
0x4df: {  	v51 =	vadd.s32 s1, v10;
	v34 =	vld [tilespmem:s12+$0x420];
	[tilespmem:v54+s17+$0x0] =	vst.idx.msk $0xffff, v53  }
0x4e0: {  	v52 =	vadd.s32 s15, v10;
	v32 =	vld [tilespmem:s6+$0x420];
	[tilespmem:v46+s17+$0x0] =	vst.idx.msk $0xffff, v45  }
0x4e1: {  	[tilespmem:v48+s17+$0x0] =	vst.idx.msk $0xffff, v47  }
0x4e2: {  	[tilespmem:v49+s17+$0x0] =	vst.idx.msk $0xffff, v37  }
0x4e3: {  	s8 =	sor.u32 $0x870, s28;
	[tilespmem:v50+s17+$0x0] =	vst.idx.msk $0xffff, v42  }
0x4e4: {  	v61 =	vadd.s32 s2, v23;
	v36 =	vld [tilespmem:s8+$0x4000];
	[tilespmem:v51+s17+$0x0] =	vst.idx.msk $0xffff, v34  }
0x4e5: {  	v57 =	vadd.s32 s9, v11;
	v37 =	vld [tilespmem:s5+$0x430];
	[tilespmem:v52+s17+$0x0] =	vst.idx.msk $0xffff, v32  }
0x4e6: {  	v58 =	vadd.s32 s21, v11;
	v42 =	vld [tilespmem:s10+$0x430];
	s14 =	sld [smem:$0x7B2]  }
0x4e7: {  	v59 =	vadd.s32 s1, v11;
	v34 =	vld [tilespmem:s12+$0x430]  }
0x4e8: {  	v60 =	vadd.s32 s15, v11;
	v32 =	vld [tilespmem:s6+$0x430]  }
0x4e9: {  	v63 =	vadd.s32 s0, v21;
	[tilespmem:v61+s17+$0x0] =	vst.idx.msk $0xffff, v36;
	v62 =	vld [tilespmem:s14+$0x4000]  }
0x4ea: {  	[tilespmem:v57+s17+$0x0] =	vst.idx.msk $0xffff, v37  }
0x4eb: {  	[tilespmem:v58+s17+$0x0] =	vst.idx.msk $0xffff, v42  }
0x4ec: {  	s19 =	sor.u32 $0xC00, s28;
	[tilespmem:v59+s17+$0x0] =	vst.idx.msk $0xffff, v34  }
0x4ed: {  	v49 =	vadd.s32 s2, v24;
	v36 =	vld [tilespmem:s19+$0x4000];
	[tilespmem:v60+s17+$0x0] =	vst.idx.msk $0xffff, v32  }
0x4ee: {  	v45 =	vadd.s32 s9, v12;
	v37 =	vld [tilespmem:s5+$0x440];
	[tilespmem:v63+s17+$0x0] =	vst.idx.msk $0xffff, v62  }
0x4ef: {  	v46 =	vadd.s32 s21, v12;
	v42 =	vld [tilespmem:s10+$0x440];
	s23 =	sld [smem:$0x7B0]  }
0x4f0: {  	v47 =	vadd.s32 s1, v12;
	v34 =	vld [tilespmem:s12+$0x440]  }
0x4f1: {  	v48 =	vadd.s32 s15, v12;
	v32 =	vld [tilespmem:s6+$0x440]  }
0x4f2: {  	v51 =	vadd.s32 s3, v22;
	[tilespmem:v49+s17+$0x0] =	vst.idx.msk $0xffff, v36;
	v50 =	vld [tilespmem:s23+$0x4000]  }
0x4f3: {  	[tilespmem:v45+s17+$0x0] =	vst.idx.msk $0xffff, v37  }
0x4f4: {  	[tilespmem:v46+s17+$0x0] =	vst.idx.msk $0xffff, v42  }
0x4f5: {  	[tilespmem:v47+s17+$0x0] =	vst.idx.msk $0xffff, v34  }
0x4f6: {  	v52 =	vadd.s32 s9, v13;
	v37 =	vld [tilespmem:s5+$0x450];
	[tilespmem:v48+s17+$0x0] =	vst.idx.msk $0xffff, v32  }
0x4f7: {  	v53 =	vadd.s32 s21, v13;
	v42 =	vld [tilespmem:s10+$0x450];
	[tilespmem:v51+s17+$0x0] =	vst.idx.msk $0xffff, v50  }
0x4f8: {  	v54 =	vadd.s32 s1, v13;
	v34 =	vld [tilespmem:s12+$0x450];
	s8 =	sld [smem:$0x7B5]  }
0x4f9: {  	s7 =	sor.u32 $0xC10, s28;
	v55 =	vadd.s32 s15, v13;
	v32 =	vld [tilespmem:s6+$0x450]  }
0x4fa: {  	v56 =	vadd.s32 s2, v25;
	v36 =	vld [tilespmem:s7+$0x4000]  }
0x4fb: {  	v58 =	vadd.s32 s31, v22;
	[tilespmem:v52+s17+$0x0] =	vst.idx.msk $0xffff, v37;
	v57 =	vld [tilespmem:s8+$0x4000]  }
0x4fc: {  	[tilespmem:v53+s17+$0x0] =	vst.idx.msk $0xffff, v42  }
0x4fd: {  	[tilespmem:v54+s17+$0x0] =	vst.idx.msk $0xffff, v34  }
0x4fe: {  	[tilespmem:v55+s17+$0x0] =	vst.idx.msk $0xffff, v32  }
0x4ff: {  	v59 =	vadd.s32 s9, v14;
	[tilespmem:v56+s17+$0x0] =	vst.idx.msk $0xffff, v36;
	v37 =	vld [tilespmem:s5+$0x460]  }
0x500: {  	v60 =	vadd.s32 s21, v14;
	v42 =	vld [tilespmem:s10+$0x460];
	[tilespmem:v58+s17+$0x0] =	vst.idx.msk $0xffff, v57  }
0x501: {  	v61 =	vadd.s32 s1, v14;
	v34 =	vld [tilespmem:s12+$0x460];
	s19 =	sld [smem:$0x7B3]  }
0x502: {  	s14 =	sor.u32 $0xC20, s28;
	v62 =	vadd.s32 s15, v14;
	v32 =	vld [tilespmem:s6+$0x460]  }
0x503: {  	v63 =	vadd.s32 s2, v26;
	v36 =	vld [tilespmem:s14+$0x4000]  }
0x504: {  	v46 =	vadd.s32 s0, v22;
	[tilespmem:v59+s17+$0x0] =	vst.idx.msk $0xffff, v37;
	v45 =	vld [tilespmem:s19+$0x4000]  }
0x505: {  	[tilespmem:v60+s17+$0x0] =	vst.idx.msk $0xffff, v42  }
0x506: {  	[tilespmem:v61+s17+$0x0] =	vst.idx.msk $0xffff, v34  }
0x507: {  	[tilespmem:v62+s17+$0x0] =	vst.idx.msk $0xffff, v32  }
0x508: {  	v47 =	vadd.s32 s9, v15;
	[tilespmem:v63+s17+$0x0] =	vst.idx.msk $0xffff, v36;
	v37 =	vld [tilespmem:s5+$0x470]  }
0x509: {  	v48 =	vadd.s32 s21, v15;
	v42 =	vld [tilespmem:s10+$0x470];
	[tilespmem:v46+s17+$0x0] =	vst.idx.msk $0xffff, v45  }
0x50a: {  	v49 =	vadd.s32 s1, v15;
	v34 =	vld [tilespmem:s12+$0x470];
	s10 =	sld [smem:$0x7B1]  }
0x50b: {  	s23 =	sadd.s32 $0x4, s24;
	v50 =	vadd.s32 s15, v15;
	s8 =	sor.u32 $0xC30, s28;
	v32 =	vld [tilespmem:s6+$0x470]  }
0x50c: {  	s4 =	sand.u32 $0x7, s23;
	v51 =	vadd.s32 s2, v27;
	v36 =	vld [tilespmem:s8+$0x4000]  }
0x50d: {  	s4 =	sshll.u32 s4, $0x7;
	v53 =	vadd.s32 s3, v23;
	[tilespmem:v47+s17+$0x0] =	vst.idx.msk $0xffff, v37;
	v52 =	vld [tilespmem:s10+$0x4000]  }
0x50e: {  	s24 =	sadd.s32 s13, s4;
	[tilespmem:v48+s17+$0x0] =	vst.idx.msk $0xffff, v42  }
0x50f: {  	s6 =	sadd.s32 $0x180, s24;
	[tilespmem:v49+s17+$0x0] =	vst.idx.msk $0xffff, v34  }
0x510: {  	s4 =	sadd.s32 s16, s13;
	s12 =	sor.u32 $0x800, s6;
	[tilespmem:v50+s17+$0x0] =	vst.idx.msk $0xffff, v32  }
0x511: {  	s16 =	sor.u32 $0x800, s4;
	v54 =	vadd.s32 s9, v16;
	s8 =	sadd.s32 $0x80, s24;
	[tilespmem:v51+s17+$0x0] =	vst.idx.msk $0xffff, v36;
	v37 =	vld [tilespmem:s12+$0x4000]  }
0x512: {  	v55 =	vadd.s32 s21, v16;
	s14 =	sadd.s32 s13, s11;
	s19 =	sor.u32 $0x800, s8;
	v42 =	vld [tilespmem:s16+$0x4000];
	[tilespmem:v53+s17+$0x0] =	vst.idx.msk $0xffff, v52  }
0x513: {  	v56 =	vadd.s32 s1, v16;
	s24 =	sor.u32 $0xC40, s28;
	v34 =	vld [tilespmem:s19+$0x4000];
	s10 =	sadd.s32 $0x100, s14;
	s7 =	sld [smem:$0x7B6]  }
0x514: {  	v58 =	vadd.s32 s2, v28;
	v36 =	vld [tilespmem:s24+$0x4000];
	s23 =	sor.u32 $0x800, s10  }
0x515: {  	v57 =	vadd.s32 s15, v16;
	v32 =	vld [tilespmem:s23+$0x4000]  }
0x516: {  	v60 =	vadd.s32 s31, v23;
	[tilespmem:v54+s17+$0x0] =	vst.idx.msk $0xffff, v37;
	v59 =	vld [tilespmem:s7+$0x4000]  }
0x517: {  	[tilespmem:v55+s17+$0x0] =	vst.idx.msk $0xffff, v42  }
0x518: {  	[tilespmem:v56+s17+$0x0] =	vst.idx.msk $0xffff, v34  }
0x519: {  	s11 =	sor.u32 $0x810, s6;
	[tilespmem:v58+s17+$0x0] =	vst.idx.msk $0xffff, v36  }
0x51a: {  	v61 =	vadd.s32 s9, v17;
	s12 =	sor.u32 $0x810, s4;
	v37 =	vld [tilespmem:s11+$0x4000];
	[tilespmem:v57+s17+$0x0] =	vst.idx.msk $0xffff, v32  }
0x51b: {  	v62 =	vadd.s32 s21, v17;
	s13 =	sor.u32 $0x810, s8;
	v42 =	vld [tilespmem:s12+$0x4000];
	[tilespmem:v60+s17+$0x0] =	vst.idx.msk $0xffff, v59  }
0x51c: {  	v63 =	vadd.s32 s1, v17;
	s14 =	sor.u32 $0x810, s10;
	v34 =	vld [tilespmem:s13+$0x4000];
	s19 =	sld [smem:$0x7B4]  }
0x51d: {  	v45 =	vadd.s32 s15, v17;
	s16 =	sor.u32 $0xC50, s28;
	v32 =	vld [tilespmem:s14+$0x4000]  }
0x51e: {  	v46 =	vadd.s32 s2, v29;
	v36 =	vld [tilespmem:s16+$0x4000]  }
0x51f: {  	v48 =	vadd.s32 s0, v23;
	[tilespmem:v61+s17+$0x0] =	vst.idx.msk $0xffff, v37;
	v47 =	vld [tilespmem:s19+$0x4000]  }
0x520: {  	s23 =	sor.u32 $0x820, s6;
	[tilespmem:v62+s17+$0x0] =	vst.idx.msk $0xffff, v42  }
0x521: {  	v49 =	vadd.s32 s9, v18;
	s24 =	sor.u32 $0x820, s4;
	[tilespmem:v63+s17+$0x0] =	vst.idx.msk $0xffff, v34;
	v37 =	vld [tilespmem:s23+$0x4000]  }
0x522: {  	v50 =	vadd.s32 s21, v18;
	s7 =	sor.u32 $0x820, s8;
	[tilespmem:v45+s17+$0x0] =	vst.idx.msk $0xffff, v32;
	v42 =	vld [tilespmem:s24+$0x4000]  }
0x523: {  	v51 =	vadd.s32 s1, v18;
	s11 =	sor.u32 $0x820, s10;
	[tilespmem:v46+s17+$0x0] =	vst.idx.msk $0xffff, v36;
	v34 =	vld [tilespmem:s7+$0x4000]  }
0x524: {  	v52 =	vadd.s32 s15, v18;
	s12 =	sor.u32 $0xC60, s28;
	v32 =	vld [tilespmem:s11+$0x4000];
	[tilespmem:v48+s17+$0x0] =	vst.idx.msk $0xffff, v47  }
0x525: {  	v53 =	vadd.s32 s2, v30;
	v36 =	vld [tilespmem:s12+$0x4000];
	s13 =	rddreg [dreg:$0x1d]  }
0x526: {  	v55 =	vadd.s32 s3, v24;
	[tilespmem:v49+s17+$0x0] =	vst.idx.msk $0xffff, v37;
	v54 =	vld [tilespmem:s13+$0x4000]  }
0x527: {  	[tilespmem:v50+s17+$0x0] =	vst.idx.msk $0xffff, v42  }
0x528: {  	s14 =	sor.u32 $0x830, s6;
	[tilespmem:v51+s17+$0x0] =	vst.idx.msk $0xffff, v34  }
0x529: {  	v56 =	vadd.s32 s9, v19;
	s16 =	sor.u32 $0x830, s4;
	[tilespmem:v52+s17+$0x0] =	vst.idx.msk $0xffff, v32;
	v37 =	vld [tilespmem:s14+$0x4000]  }
0x52a: {  	v57 =	vadd.s32 s21, v19;
	s19 =	sor.u32 $0x830, s8;
	[tilespmem:v53+s17+$0x0] =	vst.idx.msk $0xffff, v36;
	v42 =	vld [tilespmem:s16+$0x4000]  }
0x52b: {  	v58 =	vadd.s32 s1, v19;
	s23 =	sor.u32 $0x830, s10;
	v34 =	vld [tilespmem:s19+$0x4000];
	[tilespmem:v55+s17+$0x0] =	vst.idx.msk $0xffff, v54  }
0x52c: {  	v59 =	vadd.s32 s15, v19;
	s24 =	sor.u32 $0xC70, s28;
	v32 =	vld [tilespmem:s23+$0x4000];
	s28 =	sld [smem:$0x7B7]  }
0x52d: {  	v60 =	vadd.s32 s2, v31;
	v36 =	vld [tilespmem:s24+$0x4000]  }
0x52e: {  	[tilespmem:v56+s17+$0x0] =	vst.idx.msk $0xffff, v37  }
0x52f: {  	s5 =	sor.u32 $0x840, s6;
	v62 =	vadd.s32 s31, v24;
	[tilespmem:v57+s17+$0x0] =	vst.idx.msk $0xffff, v42;
	v61 =	vld [tilespmem:s28+$0x4000]  }
0x530: {  	v63 =	vadd.s32 s9, v20;
	s7 =	sor.u32 $0x840, s4;
	[tilespmem:v58+s17+$0x0] =	vst.idx.msk $0xffff, v34;
	v37 =	vld [tilespmem:s5+$0x4000]  }
0x531: {  	v45 =	vadd.s32 s21, v20;
	s11 =	sor.u32 $0x840, s8;
	[tilespmem:v59+s17+$0x0] =	vst.idx.msk $0xffff, v32;
	v42 =	vld [tilespmem:s7+$0x4000]  }
0x532: {  	v46 =	vadd.s32 s1, v20;
	s12 =	sor.u32 $0x840, s10;
	[tilespmem:v60+s17+$0x0] =	vst.idx.msk $0xffff, v36;
	v34 =	vld [tilespmem:s11+$0x4000]  }
0x533: {  	v47 =	vadd.s32 s15, v20;
	v32 =	vld [tilespmem:s12+$0x4000];
	s13 =	rddreg [dreg:$0x1b]  }
0x534: {  	v49 =	vadd.s32 s0, v24;
	v48 =	vld [tilespmem:s13+$0x4000];
	[tilespmem:v62+s17+$0x0] =	vst.idx.msk $0xffff, v61  }
0x535: {  	s14 =	rddreg [dreg:$0x15];
	[tilespmem:v63+s17+$0x0] =	vst.idx.msk $0xffff, v37  }
0x536: {  	[tilespmem:v45+s17+$0x0] =	vst.idx.msk $0xffff, v42  }
0x537: {  	v51 =	vadd.s32 s3, v25;
	[tilespmem:v46+s17+$0x0] =	vst.idx.msk $0xffff, v34;
	v50 =	vld [tilespmem:s14+$0x4000]  }
0x538: {  	s16 =	sor.u32 $0x850, s6;
	[tilespmem:v47+s17+$0x0] =	vst.idx.msk $0xffff, v32  }
0x539: {  	v52 =	vadd.s32 s9, v21;
	s19 =	sor.u32 $0x850, s4;
	[tilespmem:v49+s17+$0x0] =	vst.idx.msk $0xffff, v48;
	v37 =	vld [tilespmem:s16+$0x4000]  }
0x53a: {  	v53 =	vadd.s32 s21, v21;
	s23 =	sor.u32 $0x850, s8;
	v42 =	vld [tilespmem:s19+$0x4000];
	s28 =	sld [smem:$0x7B8]  }
0x53b: {  	s24 =	sor.u32 $0x850, s10;
	v54 =	vadd.s32 s1, v21;
	v40 =	vld [tilespmem:s23+$0x4000]  }
0x53c: {  	v55 =	vadd.s32 s15, v21;
	v33 =	vld [tilespmem:s24+$0x4000];
	[tilespmem:v51+s17+$0x0] =	vst.idx.msk $0xffff, v50  }
0x53d: {  	v57 =	vadd.s32 s31, v25;
	v56 =	vld [tilespmem:s28+$0x4000];
	s5 =	rddreg [dreg:$0x17]  }
0x53e: {  	v59 =	vadd.s32 s0, v25;
	[tilespmem:v52+s17+$0x0] =	vst.idx.msk $0xffff, v37;
	v58 =	vld [tilespmem:s5+$0x4000]  }
0x53f: {  	[tilespmem:v53+s17+$0x0] =	vst.idx.msk $0xffff, v42  }
0x540: {  	[tilespmem:v54+s17+$0x0] =	vst.idx.msk $0xffff, v40  }
0x541: {  	s7 =	sor.u32 $0x860, s6;
	[tilespmem:v55+s17+$0x0] =	vst.idx.msk $0xffff, v33  }
0x542: {  	v60 =	vadd.s32 s9, v22;
	s11 =	sor.u32 $0x860, s4;
	v37 =	vld [tilespmem:s7+$0x4000];
	[tilespmem:v57+s17+$0x0] =	vst.idx.msk $0xffff, v56  }
0x543: {  	s12 =	sor.u32 $0x860, s8;
	v61 =	vadd.s32 s21, v22;
	v34 =	vld [tilespmem:s11+$0x4000];
	s14 =	rddreg [dreg:$0xe];
	[tilespmem:v59+s17+$0x0] =	vst.idx.msk $0xffff, v58  }
0x544: {  	s13 =	sor.u32 $0x860, s10;
	v62 =	vadd.s32 s1, v22;
	v40 =	vld [tilespmem:s12+$0x4000];
	s16 =	sld [smem:$0x7B9]  }
0x545: {  	v63 =	vadd.s32 s15, v22;
	v36 =	vld [tilespmem:s13+$0x4000]  }
0x546: {  	v46 =	vadd.s32 s3, v26;
	v45 =	vld [tilespmem:s14+$0x4000]  }
0x547: {  	v48 =	vadd.s32 s31, v26;
	[tilespmem:v60+s17+$0x0] =	vst.idx.msk $0xffff, v37;
	v47 =	vld [tilespmem:s16+$0x4000]  }
0x548: {  	s19 =	sor.u32 $0x870, s6;
	[tilespmem:v61+s17+$0x0] =	vst.idx.msk $0xffff, v34  }
0x549: {  	v49 =	vadd.s32 s9, v23;
	s23 =	sor.u32 $0x870, s4;
	[tilespmem:v62+s17+$0x0] =	vst.idx.msk $0xffff, v40;
	v37 =	vld [tilespmem:s19+$0x4000]  }
0x54a: {  	s24 =	sor.u32 $0x870, s8;
	v50 =	vadd.s32 s21, v23;
	[tilespmem:v63+s17+$0x0] =	vst.idx.msk $0xffff, v36;
	v32 =	vld [tilespmem:s23+$0x4000]  }
0x54b: {  	s28 =	sor.u32 $0x870, s10;
	v52 =	vadd.s32 s1, v23;
	v51 =	vld [tilespmem:s24+$0x4000];
	[tilespmem:v46+s17+$0x0] =	vst.idx.msk $0xffff, v45  }
0x54c: {  	v53 =	vadd.s32 s15, v23;
	v39 =	vld [tilespmem:s28+$0x4000];
	s5 =	rddreg [dreg:$0x10];
	[tilespmem:v48+s17+$0x0] =	vst.idx.msk $0xffff, v47  }
0x54d: {  	v55 =	vadd.s32 s0, v26;
	v54 =	vld [tilespmem:s5+$0x4000];
	s7 =	rddreg [dreg:$0xb]  }
0x54e: {  	v57 =	vadd.s32 s3, v27;
	[tilespmem:v49+s17+$0x0] =	vst.idx.msk $0xffff, v37;
	v56 =	vld [tilespmem:s7+$0x4000]  }
0x54f: {  	s11 =	sor.u32 $0xC00, s6;
	[tilespmem:v50+s17+$0x0] =	vst.idx.msk $0xffff, v32  }
0x550: {  	s12 =	sor.u32 $0xC00, s4;
	v58 =	vadd.s32 s9, v24;
	[tilespmem:v52+s17+$0x0] =	vst.idx.msk $0xffff, v51;
	v37 =	vld [tilespmem:s11+$0x4000]  }
0x551: {  	s13 =	sor.u32 $0xC00, s8;
	v59 =	vadd.s32 s21, v24;
	[tilespmem:v53+s17+$0x0] =	vst.idx.msk $0xffff, v39;
	v32 =	vld [tilespmem:s12+$0x4000]  }
0x552: {  	s14 =	sor.u32 $0xC00, s10;
	v60 =	vadd.s32 s1, v24;
	[tilespmem:v55+s17+$0x0] =	vst.idx.msk $0xffff, v54;
	v34 =	vld [tilespmem:s13+$0x4000]  }
0x553: {  	v61 =	vadd.s32 s15, v24;
	v39 =	vld [tilespmem:s14+$0x4000];
	s16 =	rddreg [dreg:$0x1e];
	[tilespmem:v57+s17+$0x0] =	vst.idx.msk $0xffff, v56  }
0x554: {  	v63 =	vadd.s32 s31, v27;
	v62 =	vld [tilespmem:s16+$0x4000];
	s19 =	rddreg [dreg:$0xc]  }
0x555: {  	s23 =	sor.u32 $0xC10, s6;
	v46 =	vadd.s32 s0, v27;
	[tilespmem:v58+s17+$0x0] =	vst.idx.msk $0xffff, v37;
	v45 =	vld [tilespmem:s19+$0x4000]  }
0x556: {  	s24 =	sor.u32 $0xC10, s4;
	v47 =	vadd.s32 s9, v25;
	[tilespmem:v59+s17+$0x0] =	vst.idx.msk $0xffff, v32;
	v37 =	vld [tilespmem:s23+$0x4000]  }
0x557: {  	s28 =	sor.u32 $0xC10, s8;
	v48 =	vadd.s32 s21, v25;
	[tilespmem:v60+s17+$0x0] =	vst.idx.msk $0xffff, v34;
	v32 =	vld [tilespmem:s24+$0x4000]  }
0x558: {  	s5 =	sor.u32 $0xC10, s10;
	v49 =	vadd.s32 s1, v25;
	[tilespmem:v61+s17+$0x0] =	vst.idx.msk $0xffff, v39;
	v34 =	vld [tilespmem:s28+$0x4000]  }
0x559: {  	v50 =	vadd.s32 s15, v25;
	[tilespmem:v63+s17+$0x0] =	vst.idx.msk $0xffff, v62;
	v39 =	vld [tilespmem:s5+$0x4000]  }
0x55a: {  	v52 =	vadd.s32 s3, v28;
	v51 =	vld [tilespmem:s29+$0x4000];
	[tilespmem:v46+s17+$0x0] =	vst.idx.msk $0xffff, v45  }
0x55b: {  	s7 =	rddreg [dreg:$0x11];
	[tilespmem:v47+s17+$0x0] =	vst.idx.msk $0xffff, v37  }
0x55c: {  	v54 =	vadd.s32 s31, v28;
	s11 =	sor.u32 $0xC20, s6;
	[tilespmem:v48+s17+$0x0] =	vst.idx.msk $0xffff, v32;
	v53 =	vld [tilespmem:s7+$0x4000]  }
0x55d: {  	v55 =	vadd.s32 s9, v26;
	s12 =	sor.u32 $0xC20, s4;
	[tilespmem:v49+s17+$0x0] =	vst.idx.msk $0xffff, v34;
	v37 =	vld [tilespmem:s11+$0x4000]  }
0x55e: {  	s13 =	sor.u32 $0xC20, s8;
	v56 =	vadd.s32 s21, v26;
	[tilespmem:v50+s17+$0x0] =	vst.idx.msk $0xffff, v39;
	v32 =	vld [tilespmem:s12+$0x4000]  }
0x55f: {  	s14 =	sor.u32 $0xC20, s10;
	v57 =	vadd.s32 s1, v26;
	[tilespmem:v52+s17+$0x0] =	vst.idx.msk $0xffff, v51;
	v34 =	vld [tilespmem:s13+$0x4000]  }
0x560: {  	v58 =	vadd.s32 s15, v26;
	v39 =	vld [tilespmem:s14+$0x4000];
	s16 =	rddreg [dreg:$0x5]  }
0x561: {  	v60 =	vadd.s32 s0, v28;
	v59 =	vld [tilespmem:s16+$0x4000];
	[tilespmem:v54+s17+$0x0] =	vst.idx.msk $0xffff, v53  }
0x562: {  	v62 =	vadd.s32 s3, v29;
	s19 =	sor.u32 $0xC30, s6;
	v61 =	vld [tilespmem:s25+$0x4000];
	[tilespmem:v55+s17+$0x0] =	vst.idx.msk $0xffff, v37  }
0x563: {  	v63 =	vadd.s32 s9, v27;
	s23 =	sor.u32 $0xC30, s4;
	[tilespmem:v56+s17+$0x0] =	vst.idx.msk $0xffff, v32;
	v37 =	vld [tilespmem:s19+$0x4000]  }
0x564: {  	s24 =	sor.u32 $0xC30, s8;
	v45 =	vadd.s32 s21, v27;
	[tilespmem:v57+s17+$0x0] =	vst.idx.msk $0xffff, v34;
	v32 =	vld [tilespmem:s23+$0x4000]  }
0x565: {  	v46 =	vadd.s32 s1, v27;
	s25 =	sor.u32 $0xC30, s10;
	[tilespmem:v58+s17+$0x0] =	vst.idx.msk $0xffff, v39;
	v34 =	vld [tilespmem:s24+$0x4000]  }
0x566: {  	v47 =	vadd.s32 s15, v27;
	v39 =	vld [tilespmem:s25+$0x4000];
	[tilespmem:v60+s17+$0x0] =	vst.idx.msk $0xffff, v59  }
0x567: {  	v51 =	vadd.s32 s0, v29;
	s28 =	rddreg [dreg:$0x8];
	[tilespmem:v62+s17+$0x0] =	vst.idx.msk $0xffff, v61;
	v50 =	vld [tilespmem:s26+$0x4000]  }
0x568: {  	v49 =	vadd.s32 s31, v29;
	v48 =	vld [tilespmem:s28+$0x4000];
	[tilespmem:v63+s17+$0x0] =	vst.idx.msk $0xffff, v37  }
0x569: {  	s29 =	sor.u32 $0xC40, s6;
	v57 =	vadd.s32 s3, v30;
	v56 =	vld [tilespmem:s20+$0x4000];
	[tilespmem:v45+s17+$0x0] =	vst.idx.msk $0xffff, v32  }
0x56a: {  	s5 =	sor.u32 $0xC40, s4;
	v52 =	vadd.s32 s9, v28;
	[tilespmem:v46+s17+$0x0] =	vst.idx.msk $0xffff, v34;
	v37 =	vld [tilespmem:s29+$0x4000]  }
0x56b: {  	s7 =	sor.u32 $0xC40, s8;
	v53 =	vadd.s32 s21, v28;
	[tilespmem:v47+s17+$0x0] =	vst.idx.msk $0xffff, v39;
	v32 =	vld [tilespmem:s5+$0x4000]  }
0x56c: {  	s11 =	sor.u32 $0xC40, s10;
	v54 =	vadd.s32 s1, v28;
	v34 =	vld [tilespmem:s7+$0x4000];
	[tilespmem:v51+s17+$0x0] =	vst.idx.msk $0xffff, v50  }
0x56d: {  	v55 =	vadd.s32 s15, v28;
	v39 =	vld [tilespmem:s11+$0x4000];
	[tilespmem:v49+s17+$0x0] =	vst.idx.msk $0xffff, v48  }
0x56e: {  	v46 =	vadd.s32 s0, v30;
	[tilespmem:v57+s17+$0x0] =	vst.idx.msk $0xffff, v56;
	v45 =	vld [tilespmem:s22+$0x4000]  }
0x56f: {  	s12 =	sor.u32 $0xC50, s6;
	v59 =	vadd.s32 s31, v30;
	v58 =	vld [tilespmem:s30+$0x4000];
	[tilespmem:v52+s17+$0x0] =	vst.idx.msk $0xffff, v37  }
0x570: {  	s13 =	sor.u32 $0xC50, s4;
	v60 =	vadd.s32 s9, v29;
	[tilespmem:v53+s17+$0x0] =	vst.idx.msk $0xffff, v32;
	v37 =	vld [tilespmem:s12+$0x4000]  }
0x571: {  	s14 =	sor.u32 $0xC50, s8;
	v61 =	vadd.s32 s21, v29;
	[tilespmem:v54+s17+$0x0] =	vst.idx.msk $0xffff, v34;
	v32 =	vld [tilespmem:s13+$0x4000]  }
0x572: {  	s16 =	sor.u32 $0xC50, s10;
	v62 =	vadd.s32 s1, v29;
	[tilespmem:v55+s17+$0x0] =	vst.idx.msk $0xffff, v39;
	v34 =	vld [tilespmem:s14+$0x4000]  }
0x573: {  	v63 =	vadd.s32 s15, v29;
	v39 =	vld [tilespmem:s16+$0x4000];
	[tilespmem:v46+s17+$0x0] =	vst.idx.msk $0xffff, v45  }
0x574: {  	v48 =	vadd.s32 s3, v31;
	v47 =	vld [tilespmem:s18+$0x4000];
	[tilespmem:v59+s17+$0x0] =	vst.idx.msk $0xffff, v58  }
0x575: {  	[tilespmem:v60+s17+$0x0] =	vst.idx.msk $0xffff, v37  }
0x576: {  	s19 =	sor.u32 $0xC60, s6;
	[tilespmem:v61+s17+$0x0] =	vst.idx.msk $0xffff, v32  }
0x577: {  	s20 =	sor.u32 $0xC60, s4;
	v49 =	vadd.s32 s9, v30;
	[tilespmem:v62+s17+$0x0] =	vst.idx.msk $0xffff, v34;
	v37 =	vld [tilespmem:s19+$0x4000]  }
0x578: {  	v50 =	vadd.s32 s21, v30;
	s22 =	sor.u32 $0xC60, s8;
	[tilespmem:v63+s17+$0x0] =	vst.idx.msk $0xffff, v39;
	v32 =	vld [tilespmem:s20+$0x4000]  }
0x579: {  	s23 =	sor.u32 $0xC60, s10;
	v51 =	vadd.s32 s1, v30;
	v34 =	vld [tilespmem:s22+$0x4000];
	s24 =	sld [smem:$0x7BA];
	[tilespmem:v48+s17+$0x0] =	vst.idx.msk $0xffff, v47  }
0x57a: {  	v52 =	vadd.s32 s15, v30;
	v39 =	vld [tilespmem:s23+$0x4000];
	s25 =	rddreg [dreg:$0x4]  }
0x57b: {  	v56 =	vadd.s32 s0, v31;
	v55 =	vld [tilespmem:s25+$0x4000]  }
0x57c: {  	s26 =	sor.u32 $0xC70, s6;
	v54 =	vadd.s32 s31, v31;
	v53 =	vld [tilespmem:s24+$0x4000];
	[tilespmem:v49+s17+$0x0] =	vst.idx.msk $0xffff, v37  }
0x57d: {  	s28 =	sor.u32 $0xC70, s4;
	v57 =	vadd.s32 s9, v31;
	[tilespmem:v50+s17+$0x0] =	vst.idx.msk $0xffff, v32;
	v37 =	vld [tilespmem:s26+$0x4000]  }
0x57e: {  	s29 =	sor.u32 $0xC70, s8;
	v58 =	vadd.s32 s21, v31;
	[tilespmem:v51+s17+$0x0] =	vst.idx.msk $0xffff, v34;
	v32 =	vld [tilespmem:s28+$0x4000]  }
0x57f: {  	s30 =	sor.u32 $0xC70, s10;
	v59 =	vadd.s32 s1, v31;
	[tilespmem:v52+s17+$0x0] =	vst.idx.msk $0xffff, v39;
	v34 =	vld [tilespmem:s29+$0x4000]  }
0x580: {  	v60 =	vadd.s32 s15, v31;
	v39 =	vld [tilespmem:s30+$0x4000];
	[tilespmem:v56+s17+$0x0] =	vst.idx.msk $0xffff, v55  }
0x581: {  	[tilespmem:v54+s17+$0x0] =	vst.idx.msk $0xffff, v53  }
0x582: {  	[tilespmem:v57+s17+$0x0] =	vst.idx.msk $0xffff, v37  }
0x583: {  	[tilespmem:v58+s17+$0x0] =	vst.idx.msk $0xffff, v32  }
0x584: {  	[tilespmem:v59+s17+$0x0] =	vst.idx.msk $0xffff, v34  }
0x585: {  	s31 =	simm.s32 $0xC084;
	[tilespmem:v60+s17+$0x0] =	vst.idx.msk $0xffff, v39  }
0x586: {  	v33 =	vld [tilespmem:s31+$0x63]  }
0x587: {  	v34 =	vld [tilespmem:s31+$0x73]  }
0x588: {  	v32 =	vld [tilespmem:s31+$0xFFFFFF8C]  }
0x589: {  	v35 =	vld [tilespmem:s31+$0xFFFFFF9D]  }
0x58a: {  	v36 =	vld [tilespmem:s31+$0xFFFFFFAD]  }
0x58b: {  	v37 =	vld [tilespmem:s31+$0xFFFFFFBE]  }
0x58c: {  	v38 =	vld [tilespmem:s31+$0xFFFFFFCE]  }
0x58d: {  	v39 =	vld [tilespmem:s31+$0xFFFFFFDF]  }
0x58e: {  	v40 =	vld [tilespmem:s31+$0xFFFFFFEF]  }
0x58f: {  	v41 =	vld [tilespmem:s31+$0x0]  }
0x590: {  	p1 =	por $0x1, $0x1;
	v42 =	vld [tilespmem:s31+$0x10]  }
.Ltmp6:
0x591: {  	s0 =	simm.s32 $0xA040;
	v34 =	vpack.i.f32.bf16 v34, v33;
	v33 =	vld [tilespmem:s31+$0x21];
	(pc) =	sbr.rel @!p1 .LBB2_10-.Ltmp6, $4  }
0x592: {  	v61 =	vpack.i.f32.bf16 v36, v35;
	v35 =	vld [tilespmem:s31+$0x31];
	[tilespmem:s0+$0x30] =	vst v34  }
0x593: {  	v62 =	vpack.i.f32.bf16 v38, v37;
	v36 =	vld [tilespmem:s31+$0x52];
	[tilespmem:s0+$0xFFFFFFD0] =	vst v61  }
0x594: {  	v63 =	vpack.i.f32.bf16 v40, v39;
	v34 =	vld [tilespmem:s31+$0x42];
	[tilespmem:s0+$0xFFFFFFE0] =	vst v62  }
0x595: {  	s2 =	simm.s32 $0xC18C;
	s1 =	simm.s32 $0x0;
	v37 =	vld [tilespmem:s31+$0xFFFFFF7C];
	v38 =	vpack.i.f32.bf16 v42, v41;
	[tilespmem:s0+$0xFFFFFFF0] =	vst v63  }
.LBB2_9:
0x596: {  	v39 =	vld [tilespmem:s2+$0x63];
	[tilespmem:s0+$0x0] =	vst v38  }
0x597: {  	s1 =	sadd.s32 $0x8, s1;
	v38 =	vld [tilespmem:s2+$0x73];
	v33 =	vpack.i.f32.bf16 v35, v33  }
0x598: {  	p1 =	slt.u32 s1, $0x1F8;
	v35 =	vld [tilespmem:s2+$0xFFFFFF8C];
	[tilespmem:s0+$0x10] =	vst v33  }
0x599: {  	v33 =	vld [tilespmem:s2+$0xFFFFFF9D];
	v34 =	vpack.i.f32.bf16 v36, v34  }
0x59a: {  	v36 =	vld [tilespmem:s2+$0xFFFFFFAD];
	v32 =	vpack.i.f32.bf16 v32, v37;
	[tilespmem:s0+$0x20] =	vst v34  }
0x59b: {  	v34 =	vld [tilespmem:s2+$0xFFFFFFBE];
	[tilespmem:s0+$0xFFFFFFC0] =	vst v32  }
0x59c: {  	s0 =	sadd.s32 $0x80, s0;
	v37 =	vld [tilespmem:s2+$0xFFFFFFCE];
	v39 =	vpack.i.f32.bf16 v38, v39  }
0x59d: {  	v38 =	vld [tilespmem:s2+$0xFFFFFFDF];
	[tilespmem:s0+$0x30] =	vst v39;
	v32 =	vmov v35  }
0x59e: {  	v39 =	vld [tilespmem:s2+$0xFFFFFFEF]  }
0x59f: {  	v33 =	vpack.i.f32.bf16 v36, v33;
	v40 =	vld [tilespmem:s2+$0x0]  }
0x5a0: {  	[tilespmem:s0+$0xFFFFFFD0] =	vst v33;
	v41 =	vld [tilespmem:s2+$0x10]  }
.Ltmp7:
0x5a1: {  	v34 =	vpack.i.f32.bf16 v37, v34;
	v33 =	vld [tilespmem:s2+$0x21];
	(pc) =	sbr.rel @p1 .LBB2_9-.Ltmp7, $4  }
0x5a2: {  	[tilespmem:s0+$0xFFFFFFE0] =	vst v34;
	v35 =	vld [tilespmem:s2+$0x31]  }
0x5a3: {  	v36 =	vpack.i.f32.bf16 v39, v38;
	v34 =	vld [tilespmem:s2+$0x42]  }
0x5a4: {  	[tilespmem:s0+$0xFFFFFFF0] =	vst v36;
	v36 =	vld [tilespmem:s2+$0x52]  }
0x5a5: {  	v37 =	vld [tilespmem:s2+$0xFFFFFF7C];
	v38 =	vpack.i.f32.bf16 v41, v40;
	s2 =	sadd.s32 $0x108, s2  }
.LBB2_10:
0x5a6: {  	_ =	sdelay $0x1  }
0x5a7: {  	[tilespmem:s0+$0x0] =	vst v38;
	v33 =	vpack.i.f32.bf16 v35, v33  }
0x5a8: {  	s1 =	sld [smem:$0x7AD];
	[tilespmem:s0+$0x10] =	vst v33;
	v63 =	vpack.i.f32.bf16 v36, v34  }
0x5a9: {  	v32 =	vpack.i.f32.bf16 v32, v37;
	[tilespmem:s0+$0x20] =	vst v63  }
0x5aa: {  	[tilespmem:s0+$0xFFFFFFC0] =	vst v32  }
0x5ab: {  	s0 =	sld [smem:$0x7F6]  }
0x5ac: {  	s1 =	sor.u32 $0x20, s1;
	s19 =	sld [smem:$0x7F3]  }
0x5ad: {  	s25 =	simm.s32 $0x0;
	s1 =	smin.u32 s1, $0x7A0  }
0x5ae: {  	s2 =	simm.s32 $0xA000;
	s1 =	sshll.u32 s1, $0xA;
	s26 =	sld [smem:$0x7FA]  }
0x5af: {  	s28 =	sld [smem:$0x7F4];
	s0 =	sadd.s32 s0, s1;
	s19 =	sadd.s32 $0x1, s19  }
0x5b0: {  	[hbm4b:s0+s25] =	stream.linear.scatter [tilespmem:s2], [sflag:$0x4], $0x2000, $0x38;
	[tilespmem:$0x10E00] =	vst v63  }
0x5b1: {  	p1 =	sne.s32 s19, $0x1F  }
.Ltmp8:
0x5b2: {  	s0 =	sadd.s32 s26, s28;
	(pc) =	sbr.rel @p1 .LBB2_2-.Ltmp8, $4  }
0x5b3: {  	s0 =	smin.u32 s0, $0x7A0  }
0x5b4: {  	s29 =	rddreg [dreg:$0x0];
	s30 =	simm.s32 $0x1000;
	s0 =	sshll.u32 s0, $0x9  }
0x5b5: {  	s31 =	simm.s32 $0x7A1400;
	s3 =	simm.s32 $0x4000;
	s0 =	sadd.s32 s29, s0  }
0x5b6: {  	[tilespmem:s3], [sflag:$0x2] =	stream.strided.gather [hbm4b:s0+s30], $0x4000, s31, s30, $0x38;
	[tilespmem:$0x10E00] =	vst v63  }
0x5b7: {  	s0 =	simm.s32 $0x1  }
0x5b8: {  	_ =	swait.ge [sflag:s0], $0x4000  }
0x5b9: {  	[sflag:s0] =	ssyncset.done $0x0  }
0x5ba: {  	s29 =	simm.s32 $0x2;
	[sflag:s0] =	ssyncadd.s32 $0xFFFFC000  }
0x5bb: {  	_ =	swait.ge [sflag:s29], $0x4000  }
0x5bc: {  	[sflag:s29] =	ssyncset.done $0x0  }
0x5bd: {  	s30 =	simm.s32 $0x3;
	[sflag:s29] =	ssyncadd.s32 $0xFFFFC000  }
0x5be: {  	_ =	swait.ge [sflag:s30], $0x2000  }
.Ltmp9:
0x5bf: {  	[sflag:s30] =	ssyncset.done $0x0;
	(pc) =	sbr.rel @p0 .LBB2_15-.Ltmp9, $4  }
0x5c0: {  	s31 =	simm.s32 $0x4;
	[sflag:s30] =	ssyncadd.s32 $0xFFFFE000  }
0x5c1: {  	_ =	swait.ge [sflag:s31], $0x2000  }
0x5c2: {  	[sflag:s31] =	ssyncset.done $0x0  }
0x5c3: {  	s1 =	sld [smem:$0x7F5];
	[sflag:s31] =	ssyncadd.s32 $0xFFFFE000  }
0x5c4: {  	s0 =	rddreg [dreg:$0x1]  }
0x5c5: {  	s1 =	simm.s32 $0x0;
	s2 =	simm.s32 $0x10200;
	s28 =	simm.s32 $0x5  }
0x5c6: {  	[tilespmem:s2], [sflag:$0x5] =	stream.linear.gather [hbm4b:s0+s1], $0x800, $0x38;
	[tilespmem:$0x10E00] =	vst v63  }
0x5c7: {  	_ =	swait.ge [sflag:s28], $0x800  }
0x5c8: {  	[sflag:s28] =	ssyncset.done $0x0  }
0x5c9: {  	s29 =	simm.s32 $0x40;
	s0 =	simm.s32 $0x10240;
	[sflag:s28] =	ssyncadd.s32 $0xFFFFF800  }
0x5ca: {  	s30 =	simm.s32 $0x20;
	s1 =	sor.u32 $0x50, s29;
	v36 =	vld [tilespmem:s0+$0x0]  }
0x5cb: {  	s3 =	simm.s32 $0x60;
	s2 =	sor.u32 $0x30, s30;
	v37 =	vld [tilespmem:s1+$0x10200]  }
0x5cc: {  	s31 =	sor.u32 $0x70, s3;
	v34 =	vld [tilespmem:s2+$0x10200]  }
0x5cd: {  	v32 =	vld [tilespmem:s31+$0x10200]  }
0x5ce: {  	v33 =	vld [tilespmem:s0+$0xFFFFFFD0]  }
0x5cf: {  	v35 =	vld [tilespmem:s0+$0xFFFFFFE0]  }
0x5d0: {  	s3 =	simm.s32 $0xE0;
	s1 =	simm.s32 $0x10A20;
	s2 =	simm.s32 $0x0;
	v37 =	vpack.i.f32.bf16 v37, v36;
	v36 =	vld [tilespmem:s0+$0x20]  }
.LBB2_13:
0x5d1: {  	s4 =	sadd.s32 $0xFFFFFFE0, s3;
	s2 =	sadd.s32 $0x4, s2;
	v38 =	vld [tilespmem:s0+$0xFFFFFFC0];
	[tilespmem:s1+$0x0] =	vst v37;
	s0 =	sadd.s32 $0x80, s0  }
0x5d2: {  	s5 =	sadd.s32 $0xFFFFFFC0, s3;
	v37 =	vld [tilespmem:s0+$0x0];
	s4 =	sor.u32 $0x50, s4;
	p1 =	slt.u32 s2, $0x3C  }
0x5d3: {  	s5 =	sor.u32 $0x30, s5;
	v39 =	vld [tilespmem:s4+$0x10200];
	s4 =	sor.u32 $0x70, s3  }
.Ltmp10:
0x5d4: {  	v35 =	vpack.i.f32.bf16 v34, v35;
	v34 =	vld [tilespmem:s5+$0x10200];
	(pc) =	sbr.rel @p1 .LBB2_13-.Ltmp10, $4  }
0x5d5: {  	[tilespmem:s1+$0xFFFFFFF0] =	vst v35;
	v35 =	vpack.i.f32.bf16 v32, v36;
	v32 =	vld [tilespmem:s4+$0x10200]  }
0x5d6: {  	v36 =	vpack.i.f32.bf16 v33, v38;
	v33 =	vld [tilespmem:s0+$0xFFFFFFD0];
	[tilespmem:s1+$0x10] =	vst v35  }
0x5d7: {  	v35 =	vld [tilespmem:s0+$0xFFFFFFE0];
	[tilespmem:s1+$0xFFFFFFE0] =	vst v36  }
0x5d8: {  	s3 =	sadd.s32 $0x80, s3;
	s1 =	sadd.s32 $0x40, s1;
	v37 =	vpack.i.f32.bf16 v39, v37;
	v36 =	vld [tilespmem:s0+$0x20]  }
0x5d9: {  	v38 =	vld [tilespmem:s0+$0xFFFFFFC0];
	_ =	sdelay $0x2  }
0x5da: {  	[tilespmem:s1+$0x0] =	vst v37;
	v34 =	vpack.i.f32.bf16 v34, v35  }
0x5db: {  	[tilespmem:s1+$0xFFFFFFF0] =	vst v34;
	v32 =	vpack.i.f32.bf16 v32, v36  }
0x5dc: {  	v33 =	vpack.i.f32.bf16 v33, v38;
	[tilespmem:s1+$0x10] =	vst v32  }
0x5dd: {  	[tilespmem:s1+$0xFFFFFFE0] =	vst v33  }
0x5de: {  	s1 =	sld [smem:$0x7FB]  }
0x5df: {  	s30 =	simm.s32 $0x0  }
.Ltmp11:
0x5e0: {  	s2 =	simm.s32 $0x10A00;
	s31 =	simm.s32 $0x5;
	(pc) =	sbr.rel .LBB2_15-.Ltmp11, $4  }
0x5e1: {  	[hbm4b:s1+s30] =	stream.linear.scatter [tilespmem:s2], [sflag:$0x5], $0x400, $0x38;
	[tilespmem:$0x10E00] =	vst v63  }
0x5e2: {  	_ =	swait.ge [sflag:s31], $0x400  }
0x5e3: {  	[sflag:s31] =	ssyncset.done $0x0  }
0x5e4: {  	s1 =	sld [smem:$0x7F5];
	[sflag:s31] =	ssyncadd.s32 $0xFFFFFC00  }
.LBB2_16:
0x5e5: {  	_ =	sfence.sel $0x180000  }
0x5e6: {  	[bflag:$0x0] =	sbarrier.arrive $0xFFFF  }
0x5e7: {  	_ =	strace $0x90000047  }
0x5e8: {  	s0 =	stileid.u32;
	[bflag:$0x2] =	sbarrier.arrive $0xFFFF  }
0x5e9: {  	p0 =	sne.s32 s0, $0x0;
	s0 =	rddreg [dreg:$0x3]  }
0x5ea: {  	s0 =	sadd.s32 @!p0 $0x100000, s0  }
0x5eb: {  	[sflag:s0] =	ssyncadd.tile.s32 @!p0 $0x1;
	_ =	shalt  }
.Lfunc_end2:
_tile_overlayer_lowered:
.L_overlay_start_2:
0x5ec: {  	(tag) =	ssettag $0x2  }
0x5ed: {  	s0 =	rddreg [dreg:$0x0];
	s2 =	stileid.u32  }
0x5ee: {  	s1 =	rddreg [dreg:$0x1];
	p0 =	sne.s32 s2, $0x0  }
0x5ef: {  	s3 =	rddreg [dreg:$0x2];
	[bflag:$0x3] =	sbarrier.arrive $0xFFFF;
	s2 =	simm.s32 @!p0 $0x1C05  }
0x5f0: {  	[timem:s3], [sflag:s2] =	dma.local @!p0 [hbm:s0], s1  }
0x5f1: {  	s0 =	simm.s32 @!p0 $0x5  }
0x5f2: {  	_ =	swait.ge @!p0 [sflag:s0], s1  }
0x5f3: {  	s1 =	ssub.s32 @!p0 $0x0, s1;
	[sflag:s0] =	ssyncset.done @!p0 $0x0  }
0x5f4: {  	[sflag:s0] =	ssyncadd.s32 @!p0 s1  }
0x5f5: {  	[bflag:$0x3] =	sbarrier.arrive $0xFFFF  }
0x5f6: {  	_ =	shalt  }

// kernel: kernel.8.cloned.1.call-start
scs
__scs_entry_jumppad:
0x0: {  	(pc) =	sbr.rel $0x88, $3  }
0x1: {  	(tag) =	ssettag $0x0;
	lr =	simm.s32 $0x1  }
0x2: {  	[smem:$0x3F9D] =	sst lr;
	_ =	strace $0xD0000000  }
0x3: {  	_ = 	snop  }
0x4: {  	_ = 	snop  }
0x5: {  	_ = 	snop  }
0x6: {  	_ = 	snop  }
0x7: {  	_ = 	snop  }
__scs_overlays_trampoline_lowered:
0x8: {  	[smem:$0x3FAC] =	sst s0  }
0x9: {  	[smem:$0x3FAD] =	sst s1  }
0xa: {  	[smem:$0x3FAE] =	sst s2  }
0xb: {  	[smem:$0x3FAF] =	sst s3  }
0xc: {  	[smem:$0x3FB0] =	sst s4  }
0xd: {  	[smem:$0x3FB1] =	sst s5  }
0xe: {  	[smem:$0x3FB2] =	sst s6  }
0xf: {  	[smem:$0x3FB3] =	sst s7  }
0x10: {  	[smem:$0x3FB4] =	sst s8  }
0x11: {  	[smem:$0x3FB5] =	sst s9;
	s0 =	simm.s32 @!p0 $0x0  }
0x12: {  	s1 =	sld [smem:$0x3F9B];
	s0 =	simm.s32 @p0 $0x1  }
0x13: {  	[smem:$0x3FB6] =	sst s0;
	s0 =	simm.s32 @!p1 $0x0  }
0x14: {  	s2 =	sld [smem:$0x3F9A];
	s0 =	simm.s32 @p1 $0x1  }
0x15: {  	[smem:$0x3FB7] =	sst s0;
	s0 =	simm.s32 @!p2 $0x0  }
0x16: {  	s3 =	sld [smem:$0x3FDB];
	s0 =	simm.s32 @p2 $0x1  }
0x17: {  	s4 =	simm.s32 $0x1BF5;
	[smem:$0x3FB9] =	sst s0  }
0x18: {  	s0 =	sld [smem:$0x3F9C];
	_ =	swait.ge [sflag:s4], $0x0  }
0x19: {  	s7 =	sld [smem:$0x3F9D]  }
0x1a: {  	s8 =	sadd.s32 $0xFFFFE003, lr  }
0x1b: {  	s9 =	sadd.s32 $0xFFFFFEF7, lr;
	s5 =	simm.s32 $0xFFFFFFFF;
	p2 =	slt.u32 s8, $0xFFFFF086  }
0x1c: {  	p1 =	slt.u32 s9, $0xF7A;
	s5 =	simm.s32 @!p2 $0x0  }
0x1d: {  	s5 =	simm.s32 @p1 $0x1;
	p0 =	seq.s32 s7, s2  }
0x1e: {  	s7 =	smul.u32 @!p0 $0xF7A, s2;
	p2 =	seq.s32 @!p0 s5, $0x0  }
0x1f: {  	s9 =	smul.u32 $0xF7A, s1;
	s8 =	simm.s32 @!p0 $0x1BF5;
	p2 =	por !p2, p0  }
0x20: {  	[sflag:s8] =	ssyncset.s32 @!p0 $0xFFFFF086;
	s6 =	sadd.s32 @!p0 s3, s7;
	s7 =	simm.s32 @!p0 $0x108  }
0x21: {  	s3 =	sadd.s32 s3, s9;
	s6 =	sadd.s32 @!p0 $0x88, s6;
	s7 =	simm.s32 @p2 $0x1082  }
0x22: {  	[simem:s7], [sflag:s8] =	dma.local @!p0 [hbm:s6], $0xF7A  }
0x23: {  	s9 =	sor.u32 $0xD0000000, s2;
	s6 =	simm.s32 $0x108;
	_ =	swait.ge @!p0 [sflag:s8], $0x0  }
0x24: {  	s3 =	sadd.s32 $0x88, s3;
	s6 =	simm.s32 @!p1 $0x1082;
	[sflag:s4] =	ssyncset.s32 $0xFFFFF086  }
0x25: {  	[simem:s6], [sflag:s4] =	dma.local [hbm:s3], $0xF7A  }
0x26: {  	[smem:$0x3F9D] =	sst s1;
	(tag) =	ssettag s2;
	_ =	strace s9  }
0x27: {  	s1 =	sld [smem:$0x3FAD]  }
0x28: {  	s2 =	sld [smem:$0x3FAE]  }
0x29: {  	s4 =	sld [smem:$0x3FB0]  }
0x2a: {  	p0 =	seq.s32 s5, $0x0;
	s5 =	sld [smem:$0x3FB1]  }
0x2b: {  	s6 =	sld [smem:$0x3FB2]  }
0x2c: {  	s7 =	sld [smem:$0x3FB3]  }
0x2d: {  	s3 =	simm.s32 $0x108;
	s8 =	sld [smem:$0x3FB4]  }
0x2e: {  	s3 =	simm.s32 @!p0 $0x1082;
	s9 =	sld [smem:$0x3FB5]  }
0x2f: {  	lr =	sadd.s32 s0, s3;
	s0 =	sld [smem:$0x3FAC]  }
0x30: {  	s3 =	sld [smem:$0x3FAF]  }
0x31: {  	[smem:$0x3FB8] =	sst s10  }
0x32: {  	s10 =	sld [smem:$0x3FB6];
	_ =	sdelay $0x3  }
0x33: {  	p0 =	seq.s32 s10, $0x1;
	s10 =	sld [smem:$0x3FB8];
	_ =	sdelay $0x3  }
0x34: {  	[smem:$0x3FB8] =	sst s10  }
0x35: {  	s10 =	sld [smem:$0x3FB7];
	_ =	sdelay $0x3  }
0x36: {  	p1 =	seq.s32 s10, $0x1;
	s10 =	sld [smem:$0x3FB8];
	_ =	sdelay $0x3  }
0x37: {  	[smem:$0x3FB8] =	sst s10  }
0x38: {  	s10 =	sld [smem:$0x3FB9]  }
0x39: {  	_ = 	snop;
	(pc) =	sbr.ind lr, $3  }
0x3a: {  	_ = 	snop  }
0x3b: {  	_ = 	snop  }
0x3c: {  	p2 =	seq.s32 s10, $0x1;
	s10 =	sld [smem:$0x3FB8]  }
0x3d: {  	_ =	shalt  }
0x3e: {  	_ =	shalt  }
0x3f: {  	_ =	shalt  }
0x40: {  	_ =	shalt  }
0x41: {  	_ =	shalt  }
0x42: {  	_ =	shalt  }
0x43: {  	_ =	shalt  }
0x44: {  	_ =	shalt  }
0x45: {  	_ =	shalt  }
0x46: {  	_ =	shalt  }
0x47: {  	_ =	shalt  }
0x48: {  	_ =	shalt  }
0x49: {  	_ =	shalt  }
0x4a: {  	_ =	shalt  }
0x4b: {  	_ =	shalt  }
0x4c: {  	_ =	shalt  }
0x4d: {  	_ =	shalt  }
0x4e: {  	_ =	shalt  }
0x4f: {  	_ =	shalt  }
0x50: {  	_ =	shalt  }
0x51: {  	_ =	shalt  }
0x52: {  	_ =	shalt  }
0x53: {  	_ =	shalt  }
0x54: {  	_ =	shalt  }
0x55: {  	_ =	shalt  }
0x56: {  	_ =	shalt  }
0x57: {  	_ =	shalt  }
0x58: {  	_ =	shalt  }
0x59: {  	_ =	shalt  }
0x5a: {  	_ =	shalt  }
0x5b: {  	_ =	shalt  }
0x5c: {  	_ =	shalt  }
0x5d: {  	_ =	shalt  }
0x5e: {  	_ =	shalt  }
0x5f: {  	_ =	shalt  }
0x60: {  	_ =	shalt  }
0x61: {  	_ =	shalt  }
0x62: {  	_ =	shalt  }
0x63: {  	_ =	shalt  }
0x64: {  	_ =	shalt  }
0x65: {  	_ =	shalt  }
0x66: {  	_ =	shalt  }
0x67: {  	_ =	shalt  }
0x68: {  	_ =	shalt  }
0x69: {  	_ =	shalt  }
0x6a: {  	_ =	shalt  }
0x6b: {  	_ =	shalt  }
0x6c: {  	_ =	shalt  }
0x6d: {  	_ =	shalt  }
0x6e: {  	_ =	shalt  }
0x6f: {  	_ =	shalt  }
0x70: {  	_ =	shalt  }
0x71: {  	_ =	shalt  }
0x72: {  	_ =	shalt  }
0x73: {  	_ =	shalt  }
0x74: {  	_ =	shalt  }
0x75: {  	_ =	shalt  }
0x76: {  	_ =	shalt  }
0x77: {  	_ =	shalt  }
0x78: {  	_ =	shalt  }
0x79: {  	_ =	shalt  }
0x7a: {  	_ =	shalt  }
0x7b: {  	_ =	shalt  }
0x7c: {  	_ =	shalt  }
0x7d: {  	_ =	shalt  }
0x7e: {  	_ =	shalt  }
0x7f: {  	_ =	shalt  }
0x80: {  	_ =	shalt  }
0x81: {  	_ =	shalt  }
0x82: {  	_ =	shalt  }
0x83: {  	_ =	shalt  }
0x84: {  	_ =	shalt  }
0x85: {  	_ =	shalt  }
0x86: {  	_ =	shalt  }
0x87: {  	_ =	shalt  }
.Lfunc_end0:
.L_simem_size_0:
called_computation.1_lowered:
.L_overlay_start_0:
0x88: {  	s2 =	sld [smem:$0x3FD9]  }
0x89: {  	s3 =	sld [smem:$0x3FFE];
	_ =	sdelay $0x1  }
0x8a: {  	s1 =	srdreg.scid  }
0x8b: {  	s0 =	sand.u32 $0x1, s1  }
0x8c: {  	s16 =	sshll.u32 s0, $0xA;
	s2 =	sadd.s32 s3, s2  }
0x8d: {  	s2 =	sadd.s32 s2, s16  }
0x8e: {  	[smem:$0x3FC4] =	sst s2  }
0x8f: {  	_ = 	snop  }
0x90: {  	(tm) =	ssettm $0x1  }
0x91: {  	s17 =	sld [smem:$0x3FFB];
	_ =	sdelay $0x3  }
0x92: {  	_ =	strace s17  }
0x93: {  	s2 =	sld [smem:$0x3FFC];
	_ =	sdelay $0x3  }
0x94: {  	_ =	strace s2  }
0x95: {  	s2 =	sld [smem:$0x3FFD];
	_ =	sdelay $0x3  }
0x96: {  	_ =	strace s2  }
0x97: {  	_ =	strace $0x8FFFFFFF  }
0x98: {  	s18 =	sld [smem:$0x3FDB];
	_ =	sdelay $0x1  }
0x99: {  	s19 =	simm.s32 $_scs_section_size  }
0x9a: {  	s4 =	simm.s32 $_size__tile_overlayer_lowered;
	s5 =	simm.s32 $_tile_overlayer_lowered  }
0x9b: {  	s22 =	simm.s32 $0x1BFF;
	s21 =	sshll.u32 s5, $0x1;
	s2 =	sadd.s32 s19, s18  }
0x9c: {  	s6 =	simm.s32 $0x0;
	s20 =	sshll.u32 s4, $0x1;
	s4 =	sadd.s32 s21, s2  }
0x9d: {  	[timem:s6], [sflag:s22] =	dma.local [hbm:s4], s20  }
0x9e: {  	_ =	swait.ge [sflag:s22], s20  }
0x9f: {  	s3 =	ssub.s32 $0x0, s20;
	[sflag:s22] =	ssyncset.done $0x0  }
0xa0: {  	[sflag:s22] =	ssyncadd.s32 s3;
	_ =	sdelay $0x1  }
0xa1: {  	s23 =	simm.s32 $0x1B8B  }
0xa2: {  	_ =	swait.ge [sflag:s23], $0x1  }
0xa3: {  	[sflag:s23] =	ssyncset.done $0x0  }
0xa4: {  	s25 =	simm.s32 $0x1B8E;
	s24 =	sld [smem:$0x3FFE];
	[sflag:s23] =	ssyncadd.s32 $0xFFFFFFFF  }
0xa5: {  	s26 =	simm.s32 $execute0_lowered;
	[smem:$0x3FD2] =	sst s25  }
0xa6: {  	s4 =	sshll.u32 s26, $0x1;
	_ =	strace $0x80000049;
	[dreg:$0x1] =	wrdreg $0xFFFFFFFF  }
0xa7: {  	s28 =	simm.s32 $_size_execute0_lowered;
	s2 =	sadd.s32 s2, s4;
	[dreg:$0x0] =	wrdreg $0x0  }
0xa8: {  	s4 =	sshll.u32 s28, $0x1;
	[dreg:$0x2] =	wrdreg s2  }
0xa9: {  	[dreg:$0x3] =	wrdreg s4  }
0xaa: {  	[dreg:$0x4] =	wrdreg $0xC0  }
0xab: {  	_ =	task [dreg:s6], $0x5FFFF  }
0xac: {  	[dreg:$0x1] =	wrdreg $0xFFFFFFFF  }
0xad: {  	[dreg:$0x0] =	wrdreg $0x60  }
0xae: {  	[dreg:$0x2] =	wrdreg s24  }
0xaf: {  	[dreg:$0x3] =	wrdreg $0x9  }
0xb0: {  	_ =	task.clear_ibuf [dreg:s6], $0x4FFFF;
	_ =	strace $0x90000049  }
0xb1: {  	s29 =	simm.s32 $0x9;
	_ =	strace $0x8000004B  }
0xb2: {  	_ =	swait.ge [sflag:s29], $0x1  }
0xb3: {  	[sflag:s29] =	ssyncadd.s32 $0xFFFFFFFF  }
0xb4: {  	_ =	strace $0x9000004B  }
0xb5: {  	_ =	sfence  }
0xb6: {  	s30 =	sld [smem:$0x0];
	_ =	sdelay $0x2  }
0xb7: {  	s31 =	sshll.u32 s1, $0xD;
	s1 =	sshrl.u32 s1, $0x2  }
0xb8: {  	s3 =	sand.u32 $0x4000, s31;
	s1 =	sadd.s32 s1, s30  }
0xb9: {  	s0 =	sor.u32 s3, s0;
	s1 =	sshll.u32 s1, $0x11  }
0xba: {  	s0 =	sor.u32 s1, s0  }
0xbb: {  	s0 =	sadd.s32 $0x8F2B, s0  }
0xbc: {  	[sflag:s0] =	ssyncadd.remote.s32 $0x1  }
0xbd: {  	_ =	sfence.sel $0xFFFF  }
0xbe: {  	[dreg:$0x0] =	wrdreg $0xFFFFFFFF;
	(pc) =	sbr.abs _section_cstart, $3  }
0xbf: {  	[dreg:$0x1] =	wrdreg $0xFFFFFFFF  }
0xc0: {  	_ =	task.clear_ibuf [dreg:s6], $0x2FFFF;
	_ =	strace $0x9FFFFFFF  }
0xc1: {  	(tm) =	ssettm $0x7FFFFFFF  }
tec
execute0_lowered:
.L_overlay_start_1:
0x0: {  	(tag) =	ssettag $0x1  }
0x1: {  	s1 =	srdreg.scid  }
0x2: {  	s0 =	stileid.u32;
	s4 =	rddreg [dreg:$0x0];
	s2 =	simm.s32 $0x0  }
0x3: {  	s10 =	simm.s32 $0x5;
	s11 =	simm.s32 $0x48;
	s12 =	simm.s32 $0x4000  }
0x4: {  	s13 =	simm.s32 $0x6400;
	s14 =	simm.s32 $0x7400;
	s15 =	simm.s32 $0x6C00  }
0x5: {  	s16 =	simm.s32 $0x7880;
	s17 =	simm.s32 $0x1;
	s18 =	simm.s32 $0x3  }
0x6: {  	s19 =	simm.s32 $0x2;
	s20 =	simm.s32 $0x4;
	s21 =	simm.s32 $0x7D00  }
0x7: {  	s3 =	sand.u32 $0x1, s1;
	s31 =	sshll.u32 s0, $0x1;
	s1 =	rddreg [dreg:$0x1]  }
0x8: {  	s22 =	simm.s32 $0x0;
	[smem:$0x7FF] =	sst s2;
	s5 =	sor.u32 s3, s31  }
0x9: {  	_ =	strace $0x8000004A;
	s7 =	ssub.s32 $0x2, s3;
	s6 =	smul.u32 $0xC80, s5  }
0xa: {  	s3 =	sadd.s32 $0xE00, s4;
	s5 =	sshll.u32 s5, $0x9;
	s8 =	sshrl.u32 s7, $0x1  }
0xb: {  	s9 =	sadd.s32 s5, s4;
	s7 =	ssub.s32 s7, s8;
	s6 =	sadd.s32 s6, s4  }
0xc: {  	s8 =	simm.s32 $0x80;
	s4 =	sadd.s32 $0x1E9400, s6;
	s5 =	sadd.s32 $0x1E9410, s6  }
0xd: {  	s7 =	smax.u32 s7, $0x1;
	s6 =	sadd.s32 $0x202400, s9;
	s9 =	simm.s32 $0xC8  }
.LBB2_1:
0xe: {  	[tilespmem:s2], [sflag:$0x5] =	stream.strided.gather [hbm4b:s4+s8], $0x4000, s9, s8, $0x38;
	[tilespmem:$0x8D00] =	vst v63  }
0xf: {  	_ =	swait.ge [sflag:s10], $0x4000  }
0x10: {  	[sflag:s10] =	ssyncset.done $0x0  }
0x11: {  	[sflag:s10] =	ssyncadd.s32 $0xFFFFC000  }
0x12: {  	[tilespmem:s12], [sflag:$0x5] =	stream.strided.gather [hbm4b:s5+s11], $0x2400, s9, s11, $0x38;
	[tilespmem:$0x8D00] =	vst v63  }
0x13: {  	_ =	swait.ge [sflag:s10], $0x2400  }
0x14: {  	[sflag:s10] =	ssyncset.done $0x0  }
0x15: {  	[sflag:s10] =	ssyncadd.s32 $0xFFFFDC00  }
0x16: {  	[tilespmem:s13], [sflag:$0x1] =	stream.indirect.gather [hbm4b:s3+s8], $0x10, s2, s8, $0xb8;
	[tilespmem:$0x8D00] =	vst v63  }
0x17: {  	s23 =	simm.s32 $0x0  }
0x18: {  	[tilespmem:s14], [sflag:$0x3] =	stream.indirect.gather [hbm4b:s3+s11], $0x10, s12, s11, $0xb8;
	[tilespmem:$0x8D00] =	vst v63  }
.LBB2_2:
0x19: {  	s24 =	sshllo.u32 s23, $0x1  }
0x1a: {  	s25 =	sshll.u32 s24, $0x7  }
0x1b: {  	s26 =	smul.u32 $0x120, s24;
	s25 =	sand.u32 $0x3FFFFF80, s25  }
0x1c: {  	[tilespmem:s15], [sflag:$0x2] =	stream.indirect.gather [hbm4b:s3+s8], $0x10, s25, s8, $0xb8;
	[tilespmem:$0x8D00] =	vst v63  }
0x1d: {  	s31 =	sshra.s32 s26, $0x2  }
0x1e: {  	s25 =	sadd.s32 $0x4000, s31  }
0x1f: {  	[tilespmem:s16], [sflag:$0x4] =	stream.indirect.gather [hbm4b:s3+s11], $0x10, s25, s11, $0xb8;
	[tilespmem:$0x8D00] =	vst v63  }
0x20: {  	_ =	swait.ge [sflag:s17], $0x800  }
0x21: {  	[sflag:s17] =	ssyncset.done $0x0  }
0x22: {  	[sflag:s17] =	ssyncadd.s32 $0xFFFFF800  }
0x23: {  	_ =	swait.ge [sflag:s18], $0x480  }
0x24: {  	[sflag:s18] =	ssyncset.done $0x0  }
0x25: {  	s28 =	simm.s32 $0x6440;
	[sflag:s18] =	ssyncadd.s32 $0xFFFFFB80  }
0x26: {  	v0 =	vld [tilespmem:s28+$0x0]  }
0x27: {  	v3 =	vld [tilespmem:s28+$0x10]  }
0x28: {  	v1 =	vld [tilespmem:s28+$0xFFFFFFC0]  }
0x29: {  	v6 =	vld [tilespmem:s28+$0xFFFFFFD0]  }
0x2a: {  	v7 =	vld [tilespmem:s28+$0xFFFFFFE0]  }
0x2b: {  	v11 =	vld [tilespmem:s28+$0xFFFFFFF0]  }
0x2c: {  	v12 =	vimm.bf16 $0.0e+00;
	v2 =	vld [tilespmem:s28+$0x20]  }
0x2d: {  	v15 =	vimm.bf16 $0.0e+00;
	v13 =	vimm.bf16 $0.0e+00;
	v14 =	vimm.bf16 $0.0e+00;
	s26 =	simm.s32 $0x0;
	s25 =	sshll.u32 s23, $0x1;
	v10 =	vld [tilespmem:s28+$0x30];
	s28 =	simm.s32 $0x64C0  }
.LBB2_3:
0x2e: {  	v4 =	vld [tilespmem:s28+$0x0]  }
0x2f: {  	v8 =	vadd.bf16 v1, v12;
	v9 =	vadd.bf16 v6, v15;
	s26 =	sadd.s32 $0x8, s26;
	v5 =	vld [tilespmem:s28+$0x10]  }
0x30: {  	v13 =	vadd.bf16 v7, v13;
	p0 =	slt.u32 s26, $0x78;
	v1 =	vld [tilespmem:s28+$0xFFFFFFC0];
	v11 =	vadd.bf16 v11, v14  }
.Ltmp0:
0x31: {  	v12 =	vadd.bf16 v0, v8;
	v15 =	vadd.bf16 v3, v9;
	v6 =	vld [tilespmem:s28+$0xFFFFFFD0];
	(pc) =	sbr.rel @p0 .LBB2_3-.Ltmp0, $4  }
0x32: {  	s29 =	simm.s32 $0x7440;
	v13 =	vadd.bf16 v2, v13;
	v7 =	vld [tilespmem:s28+$0xFFFFFFE0];
	v14 =	vadd.bf16 v10, v11  }
0x33: {  	v11 =	vld [tilespmem:s28+$0xFFFFFFF0];
	v0 =	vmov v4  }
0x34: {  	v2 =	vld [tilespmem:s28+$0x20];
	v3 =	vmov v5  }
0x35: {  	v10 =	vld [tilespmem:s28+$0x30];
	s28 =	sadd.s32 $0x80, s28  }
0x36: {  	v4 =	vld [tilespmem:s29+$0x0]  }
0x37: {  	v8 =	vld [tilespmem:s29+$0x10]  }
0x38: {  	v5 =	vld [tilespmem:s29+$0xFFFFFFC0]  }
0x39: {  	v9 =	vld [tilespmem:s29+$0xFFFFFFD0]  }
0x3a: {  	v12 =	vadd.bf16 v1, v12;
	v15 =	vadd.bf16 v6, v15;
	v1 =	vld [tilespmem:s29+$0xFFFFFFE0]  }
0x3b: {  	v6 =	vld [tilespmem:s29+$0xFFFFFFF0];
	v13 =	vadd.bf16 v7, v13;
	v11 =	vadd.bf16 v11, v14  }
0x3c: {  	v7 =	vadd.bf16 v0, v12;
	v3 =	vadd.bf16 v3, v15;
	v0 =	vld [tilespmem:s29+$0x20]  }
0x3d: {  	s26 =	simm.s32 $0x0;
	s28 =	simm.s32 $0x74C0;
	v2 =	vadd.bf16 v2, v13;
	v10 =	vadd.bf16 v10, v11;
	v11 =	vld [tilespmem:s29+$0x30]  }
.LBB2_5:
0x3e: {  	v12 =	vld [tilespmem:s28+$0x0]  }
0x3f: {  	v7 =	vadd.bf16 v5, v7;
	v3 =	vadd.bf16 v9, v3;
	s26 =	sadd.s32 $0x8, s26;
	v13 =	vld [tilespmem:s28+$0x10]  }
0x40: {  	v2 =	vadd.bf16 v1, v2;
	p0 =	slt.u32 s26, $0x40;
	v5 =	vld [tilespmem:s28+$0xFFFFFFC0];
	v6 =	vadd.bf16 v6, v10  }
.Ltmp1:
0x41: {  	v7 =	vadd.bf16 v4, v7;
	v3 =	vadd.bf16 v8, v3;
	v9 =	vld [tilespmem:s28+$0xFFFFFFD0];
	(pc) =	sbr.rel @p0 .LBB2_5-.Ltmp1, $4  }
0x42: {  	v2 =	vadd.bf16 v0, v2;
	v1 =	vld [tilespmem:s28+$0xFFFFFFE0];
	v10 =	vadd.bf16 v11, v6  }
0x43: {  	v6 =	vld [tilespmem:s28+$0xFFFFFFF0];
	v4 =	vmov v12  }
0x44: {  	v0 =	vld [tilespmem:s28+$0x20];
	v8 =	vmov v13  }
0x45: {  	v11 =	vld [tilespmem:s28+$0x30];
	s28 =	sadd.s32 $0x80, s28  }
0x46: {  	_ = 	snop  }
0x47: {  	v5 =	vadd.bf16 v5, v7;
	v3 =	vadd.bf16 v9, v3  }
0x48: {  	v1 =	vadd.bf16 v1, v2;
	v2 =	vadd.bf16 v6, v10  }
0x49: {  	v4 =	vadd.bf16 v4, v5;
	v3 =	vadd.bf16 v8, v3  }
0x4a: {  	v0 =	vadd.bf16 v0, v1;
	v1 =	vadd.bf16 v11, v2;
	_ =	sdelay $0x1  }
0x4b: {  	v2 =	vadd.bf16 v3, v4;
	v0 =	vadd.bf16 v1, v0;
	_ =	sdelay $0x1  }
0x4c: {  	p0 =	seq.s32 s23, $0x3F;
	v0 =	vadd.bf16 v0, v2  }
0x4d: {  	s26 =	sshll.u32 s23, $0x6;
	s25 =	sadd.s32 @!p0 $0x2, s25  }
0x4e: {  	s26 =	sand.u32 $0x3FFFFFC0, s26;
	s28 =	sshll.u32 @!p0 s25, $0x7;
	s25 =	smul.u32 @!p0 $0x120, s25;
	v1 =	vunpack.i.l.bf16.f32 v0  }
0x4f: {  	s29 =	simm.s32 @!p0 $0x6400;
	v0 =	vunpack.i.u.bf16.f32 v0;
	[tilespmem:s26+$0x7D00] =	vst v1  }
0x50: {  	s28 =	sand.u32 @!p0 $0x3FFFFF80, s28;
	s25 =	sshra.s32 @!p0 s25, $0x2;
	[tilespmem:s26+$0x7D10] =	vst v0;
	s26 =	simm.s32 @!p0 $0x80  }
0x51: {  	[tilespmem:s29], [sflag:$0x1] =	stream.indirect.gather @!p0 [hbm4b:s3+s26], $0x10, s28, s26, $0xb8;
	[tilespmem:$0x8D00] =	vst v63  }
0x52: {  	s25 =	sadd.s32 @!p0 $0x4000, s25;
	s26 =	simm.s32 @!p0 $0x48;
	s28 =	simm.s32 @!p0 $0x7400  }
0x53: {  	[tilespmem:s28], [sflag:$0x3] =	stream.indirect.gather @!p0 [hbm4b:s3+s26], $0x10, s25, s26, $0xb8;
	[tilespmem:$0x8D00] =	vst v63  }
0x54: {  	_ =	swait.ge [sflag:s19], $0x800  }
0x55: {  	[sflag:s19] =	ssyncset.done $0x0  }
0x56: {  	[sflag:s19] =	ssyncadd.s32 $0xFFFFF800  }
0x57: {  	_ =	swait.ge [sflag:s20], $0x480  }
0x58: {  	[sflag:s20] =	ssyncset.done $0x0  }
0x59: {  	s31 =	simm.s32 $0x6C40;
	[sflag:s20] =	ssyncadd.s32 $0xFFFFFB80  }
0x5a: {  	v0 =	vld [tilespmem:s31+$0x0]  }
0x5b: {  	v5 =	vld [tilespmem:s31+$0x10]  }
0x5c: {  	v1 =	vld [tilespmem:s31+$0xFFFFFFC0]  }
0x5d: {  	v6 =	vld [tilespmem:s31+$0xFFFFFFD0]  }
0x5e: {  	v7 =	vld [tilespmem:s31+$0xFFFFFFE0]  }
0x5f: {  	v11 =	vld [tilespmem:s31+$0xFFFFFFF0]  }
0x60: {  	v12 =	vimm.bf16 $0.0e+00;
	v3 =	vld [tilespmem:s31+$0x20]  }
0x61: {  	v15 =	vimm.bf16 $0.0e+00;
	v13 =	vimm.bf16 $0.0e+00;
	v14 =	vimm.bf16 $0.0e+00;
	s25 =	simm.s32 $0x0;
	s26 =	simm.s32 $0x6CC0;
	v10 =	vld [tilespmem:s31+$0x30]  }
.LBB2_7:
0x62: {  	v2 =	vld [tilespmem:s26+$0x0]  }
0x63: {  	v8 =	vadd.bf16 v1, v12;
	v9 =	vadd.bf16 v6, v15;
	s25 =	sadd.s32 $0x8, s25;
	v4 =	vld [tilespmem:s26+$0x10]  }
0x64: {  	v13 =	vadd.bf16 v7, v13;
	p0 =	slt.u32 s25, $0x78;
	v1 =	vld [tilespmem:s26+$0xFFFFFFC0];
	v11 =	vadd.bf16 v11, v14  }
.Ltmp2:
0x65: {  	v12 =	vadd.bf16 v0, v8;
	v15 =	vadd.bf16 v5, v9;
	v6 =	vld [tilespmem:s26+$0xFFFFFFD0];
	(pc) =	sbr.rel @p0 .LBB2_7-.Ltmp2, $4  }
0x66: {  	s28 =	simm.s32 $0x78C0;
	v13 =	vadd.bf16 v3, v13;
	v7 =	vld [tilespmem:s26+$0xFFFFFFE0];
	v14 =	vadd.bf16 v10, v11  }
0x67: {  	v11 =	vld [tilespmem:s26+$0xFFFFFFF0];
	v0 =	vmov v2  }
0x68: {  	v3 =	vld [tilespmem:s26+$0x20];
	v5 =	vmov v4  }
0x69: {  	v10 =	vld [tilespmem:s26+$0x30];
	s26 =	sadd.s32 $0x80, s26  }
0x6a: {  	v2 =	vld [tilespmem:s28+$0x0]  }
0x6b: {  	v8 =	vld [tilespmem:s28+$0x10]  }
0x6c: {  	v4 =	vld [tilespmem:s28+$0xFFFFFFC0]  }
0x6d: {  	v9 =	vld [tilespmem:s28+$0xFFFFFFD0]  }
0x6e: {  	v12 =	vadd.bf16 v1, v12;
	v15 =	vadd.bf16 v6, v15;
	v1 =	vld [tilespmem:s28+$0xFFFFFFE0]  }
0x6f: {  	v6 =	vld [tilespmem:s28+$0xFFFFFFF0];
	v13 =	vadd.bf16 v7, v13;
	v11 =	vadd.bf16 v11, v14  }
0x70: {  	v7 =	vadd.bf16 v0, v12;
	v5 =	vadd.bf16 v5, v15;
	v0 =	vld [tilespmem:s28+$0x20]  }
0x71: {  	s25 =	simm.s32 $0x0;
	s26 =	simm.s32 $0x7940;
	v3 =	vadd.bf16 v3, v13;
	v10 =	vadd.bf16 v10, v11;
	v11 =	vld [tilespmem:s28+$0x30]  }
.LBB2_9:
0x72: {  	v12 =	vld [tilespmem:s26+$0x0]  }
0x73: {  	v7 =	vadd.bf16 v4, v7;
	v5 =	vadd.bf16 v9, v5;
	s25 =	sadd.s32 $0x8, s25;
	v13 =	vld [tilespmem:s26+$0x10]  }
0x74: {  	v3 =	vadd.bf16 v1, v3;
	p0 =	slt.u32 s25, $0x40;
	v4 =	vld [tilespmem:s26+$0xFFFFFFC0];
	v6 =	vadd.bf16 v6, v10  }
.Ltmp3:
0x75: {  	v7 =	vadd.bf16 v2, v7;
	v5 =	vadd.bf16 v8, v5;
	v9 =	vld [tilespmem:s26+$0xFFFFFFD0];
	(pc) =	sbr.rel @p0 .LBB2_9-.Ltmp3, $4  }
0x76: {  	v3 =	vadd.bf16 v0, v3;
	v1 =	vld [tilespmem:s26+$0xFFFFFFE0];
	v10 =	vadd.bf16 v11, v6  }
0x77: {  	v6 =	vld [tilespmem:s26+$0xFFFFFFF0];
	v2 =	vmov v12  }
0x78: {  	v0 =	vld [tilespmem:s26+$0x20];
	v8 =	vmov v13  }
0x79: {  	v11 =	vld [tilespmem:s26+$0x30];
	s26 =	sadd.s32 $0x80, s26  }
0x7a: {  	_ = 	snop  }
0x7b: {  	v4 =	vadd.bf16 v4, v7;
	v5 =	vadd.bf16 v9, v5  }
0x7c: {  	v1 =	vadd.bf16 v1, v3;
	v60 =	vadd.bf16 v6, v10  }
0x7d: {  	v2 =	vadd.bf16 v2, v4;
	v61 =	vadd.bf16 v8, v5  }
0x7e: {  	v0 =	vadd.bf16 v0, v1;
	v62 =	vadd.bf16 v11, v60;
	_ =	sdelay $0x1  }
0x7f: {  	s23 =	sadd.s32 $0x1, s23;
	v2 =	vadd.bf16 v61, v2;
	v0 =	vadd.bf16 v62, v0  }
0x80: {  	p0 =	sne.s32 s23, $0x40  }
.Ltmp4:
0x81: {  	v0 =	vadd.bf16 v0, v2;
	(pc) =	sbr.rel @p0 .LBB2_2-.Ltmp4, $4  }
0x82: {  	s24 =	sshll.u32 s24, $0x5  }
0x83: {  	s24 =	sand.u32 $0x3FFFFFE0, s24;
	v63 =	vunpack.i.l.bf16.f32 v0  }
0x84: {  	v0 =	vunpack.i.u.bf16.f32 v0;
	[tilespmem:s24+$0x7D00] =	vst v63  }
0x85: {  	[tilespmem:s24+$0x7D10] =	vst v0  }
0x86: {  	s22 =	sadd.s32 $0x1, s22  }
0x87: {  	p0 =	sne.s32 s22, s7  }
.Ltmp5:
0x88: {  	_ = 	snop;
	(pc) =	sbr.rel @p0 .LBB2_1-.Ltmp5, $4  }
0x89: {  	[hbm4b:s6+s2] =	stream.linear.scatter [tilespmem:s21], [sflag:$0x5], $0x1000, $0x38;
	[tilespmem:$0x8D00] =	vst v63  }
0x8a: {  	_ =	swait.ge [sflag:s10], $0x1000  }
0x8b: {  	[sflag:s10] =	ssyncset.done $0x0  }
0x8c: {  	[sflag:s10] =	ssyncadd.s32 $0xFFFFF000  }
0x8d: {  	_ =	sfence.sel $0x180000  }
0x8e: {  	[bflag:$0x0] =	sbarrier.arrive $0xFFFF  }
0x8f: {  	p0 =	sne.s32 s0, $0x0;
	_ =	strace $0x9000004A  }
0x90: {  	s0 =	sadd.s32 @!p0 $0x100000, s1;
	[bflag:$0x2] =	sbarrier.arrive $0xFFFF  }
0x91: {  	[sflag:s0] =	ssyncadd.tile.s32 @!p0 $0x1;
	_ =	shalt  }
.Lfunc_end2:
_tile_overlayer_lowered:
.L_overlay_start_2:
0x92: {  	(tag) =	ssettag $0x2  }
0x93: {  	s0 =	rddreg [dreg:$0x0];
	s2 =	stileid.u32  }
0x94: {  	s1 =	rddreg [dreg:$0x1];
	p0 =	sne.s32 s2, $0x0  }
0x95: {  	s3 =	rddreg [dreg:$0x2];
	[bflag:$0x3] =	sbarrier.arrive $0xFFFF;
	s2 =	simm.s32 @!p0 $0x1C05  }
0x96: {  	[timem:s3], [sflag:s2] =	dma.local @!p0 [hbm:s0], s1  }
0x97: {  	s0 =	simm.s32 @!p0 $0x5  }
0x98: {  	_ =	swait.ge @!p0 [sflag:s0], s1  }
0x99: {  	s1 =	ssub.s32 @!p0 $0x0, s1;
	[sflag:s0] =	ssyncset.done @!p0 $0x0  }
0x9a: {  	[sflag:s0] =	ssyncadd.s32 @!p0 s1  }
0x9b: {  	[bflag:$0x3] =	sbarrier.arrive $0xFFFF  }
0x9c: {  	_ =	shalt  }

</sc_bundles>
